<compile_context>
chip_gen: v7x
topology: tpu7x:2x2x1
jax: 0.10.2.dev20260603
libtpu: 0.0.44.dev20260713+nightly
codegen_flags: <defaults>
</compile_context>

<pallas_src>
import functools

import jax
import jax.numpy as jnp
from jax import lax
from jax.experimental import pallas as pl
from jax.experimental.pallas import tpu as pltpu
from jax.experimental.pallas import tpu_sc as plsc

_NUM_FIELDS = 26
_VOCAB = 100000
_EMBED_DIM = 16
_NUM_DENSE = 13

_NUM_CORES = 2
_NUM_SUBCORES = 16
_NUM_WORKERS = _NUM_CORES * _NUM_SUBCORES

_ROWS = _NUM_FIELDS * _EMBED_DIM
_ROWS_PER_W = _ROWS // _NUM_WORKERS
_LANES = 16
_UNROLL = 4


@functools.partial(jax.jit, static_argnames=("batch",))
def _embed_cols(idx_t, tab2d, num_t, *, batch):
    half = batch // 2
    mesh = plsc.VectorSubcoreMesh(
        core_axis_name="c", subcore_axis_name="s")

    @functools.partial(
        pl.kernel,
        out_type=jax.ShapeDtypeStruct((_NUM_DENSE + _ROWS, batch),
                                      jnp.float32),
        mesh=mesh,
        compiler_params=pltpu.CompilerParams(
            use_tc_tiling_on_sc=False, needs_layout_passes=False),
        scratch_types=[
            pltpu.VMEM((_VOCAB,), jnp.float32),
            pltpu.VMEM((half,), jnp.int32),
            pltpu.VMEM((half,), jnp.float32),
            pltpu.SemaphoreType.DMA,
            pltpu.SemaphoreType.DMA,
            pltpu.SemaphoreType.DMA,
        ],
    )
    def k(idx_hbm, tab_hbm, num_hbm, out_hbm, trow, idxb, obuf,
          sem_t, sem_i, sem_o):
        wid = lax.axis_index("s") * _NUM_CORES + lax.axis_index("c")

        def gather_half(h, p):
            pltpu.async_copy(
                idx_hbm.at[p // _EMBED_DIM, pl.ds(h * half, half)],
                idxb, sem_i,
            ).wait()

            def body(k0, _):
                base = k0 * (_LANES * _UNROLL)
                for u in range(_UNROLL):
                    off = base + u * _LANES
                    iv = idxb[pl.ds(off, _LANES)]
                    vals = plsc.load_gather(trow, [iv])
                    obuf[pl.ds(off, _LANES)] = vals
                return 0

            lax.fori_loop(0, half // (_LANES * _UNROLL), body, 0)
            pltpu.async_copy(
                obuf,
                out_hbm.at[_NUM_DENSE + p, pl.ds(h * half, half)],
                sem_o,
            ).wait()

        for j in range(_ROWS_PER_W):
            p = wid * _ROWS_PER_W + j
            pltpu.async_copy(tab_hbm.at[p], trow, sem_t).wait()
            gather_half(0, p)
            gather_half(1, p)

        @pl.when(wid < _NUM_DENSE)
        def _():
            for h in range(2):
                pltpu.async_copy(
                    num_hbm.at[wid, pl.ds(h * half, half)], obuf, sem_i,
                ).wait()
                pltpu.async_copy(
                    obuf, out_hbm.at[wid, pl.ds(h * half, half)], sem_o,
                ).wait()

    return k(idx_t, tab2d, num_t)


def kernel(categorical, numerical, tables):
    batch = categorical.shape[0]
    idx_t = jnp.swapaxes(categorical.astype(jnp.int32), 0, 1)
    tab2d = jnp.swapaxes(tables, 1, 2).reshape(_ROWS, _VOCAB)
    num_t = jnp.swapaxes(numerical, 0, 1)
    out_t = _embed_cols(idx_t, tab2d, num_t, batch=batch)
    return jnp.swapaxes(out_t, 0, 1)

# --- scband reference (transcript-rebuilt; emitter-appended) ---
"""Pipeline reference for scband-tabular-embedding-74457553044370 (READ-ONLY COPY).

The authoritative reference and input builder live on the scoring server;
editing this copy changes nothing except your own understanding.
"""

import jax, jax.numpy as jnp
import numpy as np

NUM_FIELDS = 26
VOCAB = 100000
EMBED_DIM = 16
BATCH = 16384
NUM_DENSE = 13

def setup_inputs(seed: int = 0) -> dict:
    key = jax.random.key(seed)
    k1, k2, k3 = jax.random.split(key, 3)
    categorical = jax.random.randint(k1, (BATCH, NUM_FIELDS), 0, VOCAB, dtype=jnp.int64 if jax.config.jax_enable_x64 else jnp.int32)
    numerical = jax.random.normal(k2, (BATCH, NUM_DENSE), dtype=jnp.float32)
    # One embedding table per categorical field; all same vocab/dim so stack them.
    tables = jax.random.normal(k3, (NUM_FIELDS, VOCAB, EMBED_DIM), dtype=jnp.float32) * 0.05
    return {"categorical": categorical, "numerical": numerical, "tables": tables}

def reference(categorical, numerical, tables):
    # Per-field embedding lookup: tables[f][categorical[:, f]] -> [B, F, D]
    emb = jax.vmap(lambda t, idx: jnp.take(t, idx, axis=0), in_axes=(0, 1), out_axes=1)(tables, categorical)
    emb_flat = emb.reshape(emb.shape[0], NUM_FIELDS * EMBED_DIM)
    # Numerical features pass through untouched; concatenate with embeddings.
    return jnp.concatenate([numerical, emb_flat], axis=-1)

if __name__ == "__main__":
    import jax
    _d = setup_inputs()
    print(jax.jit(kernel)(*tuple(_d.values())))

</pallas_src>

<mosaic_0001>
#map = affine_map<(d0, d1) -> (0, 0)>
module attributes {stable_mosaic.version = 14 : i64} {
  func.func @k(%arg0: i32, %arg1: i32, %arg2: memref<26x16384xi32, #tpu.memory_space<hbm>>, %arg3: memref<416x100000xf32, #tpu.memory_space<hbm>>, %arg4: memref<13x16384xf32, #tpu.memory_space<hbm>>, %arg5: memref<429x16384xf32, #tpu.memory_space<hbm>>, %arg6: memref<100000xf32, #tpu.memory_space<vmem>>, %arg7: memref<8192xi32, #tpu.memory_space<vmem>>, %arg8: memref<8192xf32, #tpu.memory_space<vmem>>, %arg9: memref<!tpu.dma_semaphore, #tpu.memory_space<semaphore_mem>>, %arg10: memref<!tpu.dma_semaphore, #tpu.memory_space<semaphore_mem>>, %arg11: memref<!tpu.dma_semaphore, #tpu.memory_space<semaphore_mem>>) attributes {dimension_semantics = [#tpu.dimension_semantics<core_parallel>, #tpu.dimension_semantics<subcore_parallel>], iteration_bounds = array<i64: 2, 16>, scalar_prefetch = 0 : i64, scratch_operands = 6 : i64, tpu.core_type = #tpu.core_type<sc_vector_subcore>, window_params = [{transform_indices = #map}, {transform_indices = #map}, {transform_indices = #map}, {transform_indices = #map}]} {
    %mul3A = arith.constant 2 : i32
    %mul3A_0 = arith.muli %arg1, %mul3A : i32
    %add3A = arith.addi %mul3A_0, %arg0 : i32
    %mul3A_1 = arith.constant 13 : i32
    %mul3A_2 = arith.muli %add3A, %mul3A_1 : i32
    %add3A_3 = arith.constant 0 : i32
    %add3A_4 = arith.addi %mul3A_2, %add3A_3 : i32
    %dma_start3A = arith.constant 0 : i32
    %dma_start3A_5 = tpu.memref_slice %arg3[%add3A_4, %dma_start3A] : memref<416x100000xf32, #tpu.memory_space<hbm>> -> memref<1x100000xf32, #tpu.memory_space<hbm>>
    %dma_start3A_6 = tpu.memref_squeeze %dma_start3A_5 : memref<1x100000xf32, #tpu.memory_space<hbm>> -> memref<100000xf32, #tpu.memory_space<hbm>>
    %dma_start3A_7 = arith.constant 0 : i32
    %dma_start3A_8 = tpu.memref_slice %arg3[%add3A_4, %dma_start3A_7] : memref<416x100000xf32, #tpu.memory_space<hbm>> -> memref<1x100000xf32, #tpu.memory_space<hbm>>
    %dma_start3A_9 = tpu.memref_squeeze %dma_start3A_8 : memref<1x100000xf32, #tpu.memory_space<hbm>> -> memref<100000xf32, #tpu.memory_space<hbm>>
    tpu.enqueue_dma source(%dma_start3A_9 : memref<100000xf32, #tpu.memory_space<hbm>>) target(%arg6 : memref<100000xf32, #tpu.memory_space<vmem>>) target_semaphore(%arg9 : memref<!tpu.dma_semaphore, #tpu.memory_space<semaphore_mem>>)
    %dma_wait3A = arith.constant 0 : i32
    %dma_wait3A_10 = tpu.memref_slice %arg3[%add3A_4, %dma_wait3A] : memref<416x100000xf32, #tpu.memory_space<hbm>> -> memref<1x100000xf32, #tpu.memory_space<hbm>>
    %dma_wait3A_11 = tpu.memref_squeeze %dma_wait3A_10 : memref<1x100000xf32, #tpu.memory_space<hbm>> -> memref<100000xf32, #tpu.memory_space<hbm>>
    %dma_wait3A_12 = arith.constant 0 : i32
    %dma_wait3A_13 = tpu.memref_slice %arg3[%add3A_4, %dma_wait3A_12] : memref<416x100000xf32, #tpu.memory_space<hbm>> -> memref<1x100000xf32, #tpu.memory_space<hbm>>
    %dma_wait3A_14 = tpu.memref_squeeze %dma_wait3A_13 : memref<1x100000xf32, #tpu.memory_space<hbm>> -> memref<100000xf32, #tpu.memory_space<hbm>>
    tpu.wait_dma2 semaphore(%arg9 : memref<!tpu.dma_semaphore, #tpu.memory_space<semaphore_mem>>) src(%dma_wait3A_14 : memref<100000xf32, #tpu.memory_space<hbm>>) dst(%arg6 : memref<100000xf32, #tpu.memory_space<vmem>>)
    %jit3A = arith.constant 16 : i32
    %div3A = arith.divsi %add3A_4, %jit3A : i32
    %sign3A = arith.constant 0 : i32
    %sign3A_15 = arith.cmpi sgt, %add3A_4, %sign3A : i32
    %sign3A_16 = arith.extui %sign3A_15 : i1 to i32
    %sign3A_17 = arith.constant 0 : i32
    %sign3A_18 = arith.cmpi slt, %add3A_4, %sign3A_17 : i32
    %sign3A_19 = arith.extui %sign3A_18 : i1 to i32
    %sign3A_20 = arith.subi %sign3A_16, %sign3A_19 : i32
    %sign3A_21 = arith.constant 0 : i32
    %sign3A_22 = arith.cmpi sgt, %jit3A, %sign3A_21 : i32
    %sign3A_23 = arith.extui %sign3A_22 : i1 to i32
    %sign3A_24 = arith.constant 0 : i32
    %sign3A_25 = arith.cmpi slt, %jit3A, %sign3A_24 : i32
    %sign3A_26 = arith.extui %sign3A_25 : i1 to i32
    %sign3A_27 = arith.subi %sign3A_23, %sign3A_26 : i32
    %ne3A = arith.cmpi ne, %sign3A_20, %sign3A_27 : i32
    %rem3A = arith.remsi %add3A_4, %jit3A : i32
    %ne3A_28 = arith.constant 0 : i32
    %ne3A_29 = arith.cmpi ne, %rem3A, %ne3A_28 : i32
    %and3A = arith.andi %ne3A, %ne3A_29 : i1
    %sub3A = arith.constant 1 : i32
    %sub3A_30 = arith.subi %div3A, %sub3A : i32
    %select_n3A = arith.select %and3A, %sub3A_30, %div3A : i32
    %dma_start3A_31 = arith.constant 0 : i32
    %dma_start3A_32 = tpu.memref_slice %arg2[%select_n3A, %dma_start3A_31] : memref<26x16384xi32, #tpu.memory_space<hbm>> -> memref<1x8192xi32, #tpu.memory_space<hbm>>
    %dma_start3A_33 = tpu.memref_squeeze %dma_start3A_32 : memref<1x8192xi32, #tpu.memory_space<hbm>> -> memref<8192xi32, #tpu.memory_space<hbm>>
    %dma_start3A_34 = arith.constant 0 : i32
    %dma_start3A_35 = tpu.memref_slice %arg2[%select_n3A, %dma_start3A_34] : memref<26x16384xi32, #tpu.memory_space<hbm>> -> memref<1x8192xi32, #tpu.memory_space<hbm>>
    %dma_start3A_36 = tpu.memref_squeeze %dma_start3A_35 : memref<1x8192xi32, #tpu.memory_space<hbm>> -> memref<8192xi32, #tpu.memory_space<hbm>>
    tpu.enqueue_dma source(%dma_start3A_36 : memref<8192xi32, #tpu.memory_space<hbm>>) target(%arg7 : memref<8192xi32, #tpu.memory_space<vmem>>) target_semaphore(%arg10 : memref<!tpu.dma_semaphore, #tpu.memory_space<semaphore_mem>>)
    %dma_wait3A_37 = arith.constant 0 : i32
    %dma_wait3A_38 = tpu.memref_slice %arg2[%select_n3A, %dma_wait3A_37] : memref<26x16384xi32, #tpu.memory_space<hbm>> -> memref<1x8192xi32, #tpu.memory_space<hbm>>
    %dma_wait3A_39 = tpu.memref_squeeze %dma_wait3A_38 : memref<1x8192xi32, #tpu.memory_space<hbm>> -> memref<8192xi32, #tpu.memory_space<hbm>>
    %dma_wait3A_40 = arith.constant 0 : i32
    %dma_wait3A_41 = tpu.memref_slice %arg2[%select_n3A, %dma_wait3A_40] : memref<26x16384xi32, #tpu.memory_space<hbm>> -> memref<1x8192xi32, #tpu.memory_space<hbm>>
    %dma_wait3A_42 = tpu.memref_squeeze %dma_wait3A_41 : memref<1x8192xi32, #tpu.memory_space<hbm>> -> memref<8192xi32, #tpu.memory_space<hbm>>
    tpu.wait_dma2 semaphore(%arg10 : memref<!tpu.dma_semaphore, #tpu.memory_space<semaphore_mem>>) src(%dma_wait3A_42 : memref<8192xi32, #tpu.memory_space<hbm>>) dst(%arg7 : memref<8192xi32, #tpu.memory_space<vmem>>)
    %scan3A = arith.constant 0 : i32
    %scan3A_43 = arith.constant 0 : i32
    %scan3A_44 = arith.constant 128 : i32
    %scan3A_45 = arith.addi %scan3A_43, %scan3A_44 : i32
    %scan3A_46 = arith.constant 1 : i32
    %scan3A_47 = scf.for %scan3A_1682 = %scan3A_43 to %scan3A_45 step %scan3A_46 iter_args(%scan3A_1683 = %scan3A) -> (i32)  : i32 {
      %mul3A_1684 = arith.constant 64 : i32
      %mul3A_1685 = arith.muli %scan3A_1682, %mul3A_1684 : i32
      %add3A_1686 = arith.constant 0 : i32
      %add3A_1687 = arith.addi %mul3A_1685, %add3A_1686 : i32
      %get3A = arith.index_cast %add3A_1687 : i32 to index
      %get3A_1688 = tpu.vector_load %arg7[%get3A] {strides = array<i32>} : memref<8192xi32, #tpu.memory_space<vmem>>, vector<16xi32>,
      %gather3A = tpu.vector_load_idx %arg6[%get3A_1688] : memref<100000xf32, #tpu.memory_space<vmem>>[vector<16xi32>], vector<16xf32>,
      %swap3A = arith.index_cast %add3A_1687 : i32 to index
      %swap3A_1689 = tpu.vector_load %arg8[%swap3A] {strides = array<i32>} : memref<8192xf32, #tpu.memory_space<vmem>>, vector<16xf32>,
      tpu.vector_store %arg8[%swap3A], %gather3A {strides = array<i32>} : memref<8192xf32, #tpu.memory_space<vmem>>, vector<16xf32>,
      %add3A_1690 = arith.constant 16 : i32
      %add3A_1691 = arith.addi %mul3A_1685, %add3A_1690 : i32
      %get3A_1692 = arith.index_cast %add3A_1691 : i32 to index
      %get3A_1693 = tpu.vector_load %arg7[%get3A_1692] {strides = array<i32>} : memref<8192xi32, #tpu.memory_space<vmem>>, vector<16xi32>,
      %gather3A_1694 = tpu.vector_load_idx %arg6[%get3A_1693] : memref<100000xf32, #tpu.memory_space<vmem>>[vector<16xi32>], vector<16xf32>,
      %swap3A_1695 = arith.index_cast %add3A_1691 : i32 to index
      %swap3A_1696 = tpu.vector_load %arg8[%swap3A_1695] {strides = array<i32>} : memref<8192xf32, #tpu.memory_space<vmem>>, vector<16xf32>,
      tpu.vector_store %arg8[%swap3A_1695], %gather3A_1694 {strides = array<i32>} : memref<8192xf32, #tpu.memory_space<vmem>>, vector<16xf32>,
      %add3A_1697 = arith.constant 32 : i32
      %add3A_1698 = arith.addi %mul3A_1685, %add3A_1697 : i32
      %get3A_1699 = arith.index_cast %add3A_1698 : i32 to index
      %get3A_1700 = tpu.vector_load %arg7[%get3A_1699] {strides = array<i32>} : memref<8192xi32, #tpu.memory_space<vmem>>, vector<16xi32>,
      %gather3A_1701 = tpu.vector_load_idx %arg6[%get3A_1700] : memref<100000xf32, #tpu.memory_space<vmem>>[vector<16xi32>], vector<16xf32>,
      %swap3A_1702 = arith.index_cast %add3A_1698 : i32 to index
      %swap3A_1703 = tpu.vector_load %arg8[%swap3A_1702] {strides = array<i32>} : memref<8192xf32, #tpu.memory_space<vmem>>, vector<16xf32>,
      tpu.vector_store %arg8[%swap3A_1702], %gather3A_1701 {strides = array<i32>} : memref<8192xf32, #tpu.memory_space<vmem>>, vector<16xf32>,
      %add3A_1704 = arith.constant 48 : i32
      %add3A_1705 = arith.addi %mul3A_1685, %add3A_1704 : i32
      %get3A_1706 = arith.index_cast %add3A_1705 : i32 to index
      %get3A_1707 = tpu.vector_load %arg7[%get3A_1706] {strides = array<i32>} : memref<8192xi32, #tpu.memory_space<vmem>>, vector<16xi32>,
      %gather3A_1708 = tpu.vector_load_idx %arg6[%get3A_1707] : memref<100000xf32, #tpu.memory_space<vmem>>[vector<16xi32>], vector<16xf32>,
      %swap3A_1709 = arith.index_cast %add3A_1705 : i32 to index
      %swap3A_1710 = tpu.vector_load %arg8[%swap3A_1709] {strides = array<i32>} : memref<8192xf32, #tpu.memory_space<vmem>>, vector<16xf32>,
      tpu.vector_store %arg8[%swap3A_1709], %gather3A_1708 {strides = array<i32>} : memref<8192xf32, #tpu.memory_space<vmem>>, vector<16xf32>,
      %scan3A_1711 = arith.constant 0 : i32
      scf.yield %scan3A_1711 : i32
    }
    %scan3A_48 = arith.constant 128 : i32
    %add3A_49 = arith.constant 13 : i32
    %add3A_50 = arith.addi %add3A_49, %add3A_4 : i32
    %dma_start3A_51 = arith.constant 0 : i32
    %dma_start3A_52 = tpu.memref_slice %arg5[%add3A_50, %dma_start3A_51] : memref<429x16384xf32, #tpu.memory_space<hbm>> -> memref<1x8192xf32, #tpu.memory_space<hbm>>
    %dma_start3A_53 = tpu.memref_squeeze %dma_start3A_52 : memref<1x8192xf32, #tpu.memory_space<hbm>> -> memref<8192xf32, #tpu.memory_space<hbm>>
    %dma_start3A_54 = arith.constant 0 : i32
    %dma_start3A_55 = tpu.memref_slice %arg5[%add3A_50, %dma_start3A_54] : memref<429x16384xf32, #tpu.memory_space<hbm>> -> memref<1x8192xf32, #tpu.memory_space<hbm>>
    %dma_start3A_56 = tpu.memref_squeeze %dma_start3A_55 : memref<1x8192xf32, #tpu.memory_space<hbm>> -> memref<8192xf32, #tpu.memory_space<hbm>>
    tpu.enqueue_dma source(%arg8 : memref<8192xf32, #tpu.memory_space<vmem>>) target(%dma_start3A_56 : memref<8192xf32, #tpu.memory_space<hbm>>) target_semaphore(%arg11 : memref<!tpu.dma_semaphore, #tpu.memory_space<semaphore_mem>>)
    %dma_wait3A_57 = arith.constant 0 : i32
    %dma_wait3A_58 = tpu.memref_slice %arg5[%add3A_50, %dma_wait3A_57] : memref<429x16384xf32, #tpu.memory_space<hbm>> -> memref<1x8192xf32, #tpu.memory_space<hbm>>
    %dma_wait3A_59 = tpu.memref_squeeze %dma_wait3A_58 : memref<1x8192xf32, #tpu.memory_space<hbm>> -> memref<8192xf32, #tpu.memory_space<hbm>>
    %dma_wait3A_60 = arith.constant 0 : i32
    %dma_wait3A_61 = tpu.memref_slice %arg5[%add3A_50, %dma_wait3A_60] : memref<429x16384xf32, #tpu.memory_space<hbm>> -> memref<1x8192xf32, #tpu.memory_space<hbm>>
    %dma_wait3A_62 = tpu.memref_squeeze %dma_wait3A_61 : memref<1x8192xf32, #tpu.memory_space<hbm>> -> memref<8192xf32, #tpu.memory_space<hbm>>
    tpu.wait_dma2 semaphore(%arg11 : memref<!tpu.dma_semaphore, #tpu.memory_space<semaphore_mem>>) src(%arg8 : memref<8192xf32, #tpu.memory_space<vmem>>) dst(%dma_wait3A_62 : memref<8192xf32, #tpu.memory_space<hbm>>)
    %jit3A_63 = arith.constant 16 : i32
    %div3A_64 = arith.divsi %add3A_4, %jit3A_63 : i32
    %sign3A_65 = arith.constant 0 : i32
    %sign3A_66 = arith.cmpi sgt, %add3A_4, %sign3A_65 : i32
    %sign3A_67 = arith.extui %sign3A_66 : i1 to i32
    %sign3A_68 = arith.constant 0 : i32
    %sign3A_69 = arith.cmpi slt, %add3A_4, %sign3A_68 : i32
    %sign3A_70 = arith.extui %sign3A_69 : i1 to i32
    %sign3A_71 = arith.subi %sign3A_67, %sign3A_70 : i32
    %sign3A_72 = arith.constant 0 : i32
    %sign3A_73 = arith.cmpi sgt, %jit3A_63, %sign3A_72 : i32
    %sign3A_74 = arith.extui %sign3A_73 : i1 to i32
    %sign3A_75 = arith.constant 0 : i32
    %sign3A_76 = arith.cmpi slt, %jit3A_63, %sign3A_75 : i32
    %sign3A_77 = arith.extui %sign3A_76 : i1 to i32
    %sign3A_78 = arith.subi %sign3A_74, %sign3A_77 : i32
    %ne3A_79 = arith.cmpi ne, %sign3A_71, %sign3A_78 : i32
    %rem3A_80 = arith.remsi %add3A_4, %jit3A_63 : i32
    %ne3A_81 = arith.constant 0 : i32
    %ne3A_82 = arith.cmpi ne, %rem3A_80, %ne3A_81 : i32
    %and3A_83 = arith.andi %ne3A_79, %ne3A_82 : i1
    %sub3A_84 = arith.constant 1 : i32
    %sub3A_85 = arith.subi %div3A_64, %sub3A_84 : i32
    %select_n3A_86 = arith.select %and3A_83, %sub3A_85, %div3A_64 : i32
    %dma_start3A_87 = arith.constant 8192 : i32
    %dma_start3A_88 = tpu.memref_slice %arg2[%select_n3A_86, %dma_start3A_87] : memref<26x16384xi32, #tpu.memory_space<hbm>> -> memref<1x8192xi32, #tpu.memory_space<hbm>>
    %dma_start3A_89 = tpu.memref_squeeze %dma_start3A_88 : memref<1x8192xi32, #tpu.memory_space<hbm>> -> memref<8192xi32, #tpu.memory_space<hbm>>
    %dma_start3A_90 = arith.constant 8192 : i32
    %dma_start3A_91 = tpu.memref_slice %arg2[%select_n3A_86, %dma_start3A_90] : memref<26x16384xi32, #tpu.memory_space<hbm>> -> memref<1x8192xi32, #tpu.memory_space<hbm>>
    %dma_start3A_92 = tpu.memref_squeeze %dma_start3A_91 : memref<1x8192xi32, #tpu.memory_space<hbm>> -> memref<8192xi32, #tpu.memory_space<hbm>>
    tpu.enqueue_dma source(%dma_start3A_92 : memref<8192xi32, #tpu.memory_space<hbm>>) target(%arg7 : memref<8192xi32, #tpu.memory_space<vmem>>) target_semaphore(%arg10 : memref<!tpu.dma_semaphore, #tpu.memory_space<semaphore_mem>>)
    %dma_wait3A_93 = arith.constant 8192 : i32
    %dma_wait3A_94 = tpu.memref_slice %arg2[%select_n3A_86, %dma_wait3A_93] : memref<26x16384xi32, #tpu.memory_space<hbm>> -> memref<1x8192xi32, #tpu.memory_space<hbm>>
    %dma_wait3A_95 = tpu.memref_squeeze %dma_wait3A_94 : memref<1x8192xi32, #tpu.memory_space<hbm>> -> memref<8192xi32, #tpu.memory_space<hbm>>
    %dma_wait3A_96 = arith.constant 8192 : i32
    %dma_wait3A_97 = tpu.memref_slice %arg2[%select_n3A_86, %dma_wait3A_96] : memref<26x16384xi32, #tpu.memory_space<hbm>> -> memref<1x8192xi32, #tpu.memory_space<hbm>>
    %dma_wait3A_98 = tpu.memref_squeeze %dma_wait3A_97 : memref<1x8192xi32, #tpu.memory_space<hbm>> -> memref<8192xi32, #tpu.memory_space<hbm>>
    tpu.wait_dma2 semaphore(%arg10 : memref<!tpu.dma_semaphore, #tpu.memory_space<semaphore_mem>>) src(%dma_wait3A_98 : memref<8192xi32, #tpu.memory_space<hbm>>) dst(%arg7 : memref<8192xi32, #tpu.memory_space<vmem>>)
    %scan3A_99 = arith.constant 0 : i32
    %scan3A_100 = arith.constant 0 : i32
    %scan3A_101 = arith.constant 128 : i32
    %scan3A_102 = arith.addi %scan3A_100, %scan3A_101 : i32
    %scan3A_103 = arith.constant 1 : i32
    %scan3A_104 = scf.for %scan3A_1682 = %scan3A_100 to %scan3A_102 step %scan3A_103 iter_args(%scan3A_1683 = %scan3A_99) -> (i32)  : i32 {
      %mul3A_1684 = arith.constant 64 : i32
      %mul3A_1685 = arith.muli %scan3A_1682, %mul3A_1684 : i32
      %add3A_1686 = arith.constant 0 : i32
      %add3A_1687 = arith.addi %mul3A_1685, %add3A_1686 : i32
      %get3A = arith.index_cast %add3A_1687 : i32 to index
      %get3A_1688 = tpu.vector_load %arg7[%get3A] {strides = array<i32>} : memref<8192xi32, #tpu.memory_space<vmem>>, vector<16xi32>,
      %gather3A = tpu.vector_load_idx %arg6[%get3A_1688] : memref<100000xf32, #tpu.memory_space<vmem>>[vector<16xi32>], vector<16xf32>,
      %swap3A = arith.index_cast %add3A_1687 : i32 to index
      %swap3A_1689 = tpu.vector_load %arg8[%swap3A] {strides = array<i32>} : memref<8192xf32, #tpu.memory_space<vmem>>, vector<16xf32>,
      tpu.vector_store %arg8[%swap3A], %gather3A {strides = array<i32>} : memref<8192xf32, #tpu.memory_space<vmem>>, vector<16xf32>,
      %add3A_1690 = arith.constant 16 : i32
      %add3A_1691 = arith.addi %mul3A_1685, %add3A_1690 : i32
      %get3A_1692 = arith.index_cast %add3A_1691 : i32 to index
      %get3A_1693 = tpu.vector_load %arg7[%get3A_1692] {strides = array<i32>} : memref<8192xi32, #tpu.memory_space<vmem>>, vector<16xi32>,
      %gather3A_1694 = tpu.vector_load_idx %arg6[%get3A_1693] : memref<100000xf32, #tpu.memory_space<vmem>>[vector<16xi32>], vector<16xf32>,
      %swap3A_1695 = arith.index_cast %add3A_1691 : i32 to index
      %swap3A_1696 = tpu.vector_load %arg8[%swap3A_1695] {strides = array<i32>} : memref<8192xf32, #tpu.memory_space<vmem>>, vector<16xf32>,
      tpu.vector_store %arg8[%swap3A_1695], %gather3A_1694 {strides = array<i32>} : memref<8192xf32, #tpu.memory_space<vmem>>, vector<16xf32>,
      %add3A_1697 = arith.constant 32 : i32
      %add3A_1698 = arith.addi %mul3A_1685, %add3A_1697 : i32
      %get3A_1699 = arith.index_cast %add3A_1698 : i32 to index
      %get3A_1700 = tpu.vector_load %arg7[%get3A_1699] {strides = array<i32>} : memref<8192xi32, #tpu.memory_space<vmem>>, vector<16xi32>,
      %gather3A_1701 = tpu.vector_load_idx %arg6[%get3A_1700] : memref<100000xf32, #tpu.memory_space<vmem>>[vector<16xi32>], vector<16xf32>,
      %swap3A_1702 = arith.index_cast %add3A_1698 : i32 to index
      %swap3A_1703 = tpu.vector_load %arg8[%swap3A_1702] {strides = array<i32>} : memref<8192xf32, #tpu.memory_space<vmem>>, vector<16xf32>,
      tpu.vector_store %arg8[%swap3A_1702], %gather3A_1701 {strides = array<i32>} : memref<8192xf32, #tpu.memory_space<vmem>>, vector<16xf32>,
      %add3A_1704 = arith.constant 48 : i32
      %add3A_1705 = arith.addi %mul3A_1685, %add3A_1704 : i32
      %get3A_1706 = arith.index_cast %add3A_1705 : i32 to index
      %get3A_1707 = tpu.vector_load %arg7[%get3A_1706] {strides = array<i32>} : memref<8192xi32, #tpu.memory_space<vmem>>, vector<16xi32>,
      %gather3A_1708 = tpu.vector_load_idx %arg6[%get3A_1707] : memref<100000xf32, #tpu.memory_space<vmem>>[vector<16xi32>], vector<16xf32>,
      %swap3A_1709 = arith.index_cast %add3A_1705 : i32 to index
      %swap3A_1710 = tpu.vector_load %arg8[%swap3A_1709] {strides = array<i32>} : memref<8192xf32, #tpu.memory_space<vmem>>, vector<16xf32>,
      tpu.vector_store %arg8[%swap3A_1709], %gather3A_1708 {strides = array<i32>} : memref<8192xf32, #tpu.memory_space<vmem>>, vector<16xf32>,
      %scan3A_1711 = arith.constant 0 : i32
      scf.yield %scan3A_1711 : i32
    }
    %scan3A_105 = arith.constant 128 : i32
    %add3A_106 = arith.constant 13 : i32
    %add3A_107 = arith.addi %add3A_106, %add3A_4 : i32
    %dma_start3A_108 = arith.constant 8192 : i32
    %dma_start3A_109 = tpu.memref_slice %arg5[%add3A_107, %dma_start3A_108] : memref<429x16384xf32, #tpu.memory_space<hbm>> -> memref<1x8192xf32, #tpu.memory_space<hbm>>
    %dma_start3A_110 = tpu.memref_squeeze %dma_start3A_109 : memref<1x8192xf32, #tpu.memory_space<hbm>> -> memref<8192xf32, #tpu.memory_space<hbm>>
    %dma_start3A_111 = arith.constant 8192 : i32
    %dma_start3A_112 = tpu.memref_slice %arg5[%add3A_107, %dma_start3A_111] : memref<429x16384xf32, #tpu.memory_space<hbm>> -> memref<1x8192xf32, #tpu.memory_space<hbm>>
    %dma_start3A_113 = tpu.memref_squeeze %dma_start3A_112 : memref<1x8192xf32, #tpu.memory_space<hbm>> -> memref<8192xf32, #tpu.memory_space<hbm>>
    tpu.enqueue_dma source(%arg8 : memref<8192xf32, #tpu.memory_space<vmem>>) target(%dma_start3A_113 : memref<8192xf32, #tpu.memory_space<hbm>>) target_semaphore(%arg11 : memref<!tpu.dma_semaphore, #tpu.memory_space<semaphore_mem>>)
    %dma_wait3A_114 = arith.constant 8192 : i32
    %dma_wait3A_115 = tpu.memref_slice %arg5[%add3A_107, %dma_wait3A_114] : memref<429x16384xf32, #tpu.memory_space<hbm>> -> memref<1x8192xf32, #tpu.memory_space<hbm>>
    %dma_wait3A_116 = tpu.memref_squeeze %dma_wait3A_115 : memref<1x8192xf32, #tpu.memory_space<hbm>> -> memref<8192xf32, #tpu.memory_space<hbm>>
    %dma_wait3A_117 = arith.constant 8192 : i32
    %dma_wait3A_118 = tpu.memref_slice %arg5[%add3A_107, %dma_wait3A_117] : memref<429x16384xf32, #tpu.memory_space<hbm>> -> memref<1x8192xf32, #tpu.memory_space<hbm>>
    %dma_wait3A_119 = tpu.memref_squeeze %dma_wait3A_118 : memref<1x8192xf32, #tpu.memory_space<hbm>> -> memref<8192xf32, #tpu.memory_space<hbm>>
    tpu.wait_dma2 semaphore(%arg11 : memref<!tpu.dma_semaphore, #tpu.memory_space<semaphore_mem>>) src(%arg8 : memref<8192xf32, #tpu.memory_space<vmem>>) dst(%dma_wait3A_119 : memref<8192xf32, #tpu.memory_space<hbm>>)
    %mul3A_120 = arith.constant 13 : i32
    %mul3A_121 = arith.muli %add3A, %mul3A_120 : i32
    %add3A_122 = arith.constant 1 : i32
    %add3A_123 = arith.addi %mul3A_121, %add3A_122 : i32
    %dma_start3A_124 = arith.constant 0 : i32
    %dma_start3A_125 = tpu.memref_slice %arg3[%add3A_123, %dma_start3A_124] : memref<416x100000xf32, #tpu.memory_space<hbm>> -> memref<1x100000xf32, #tpu.memory_space<hbm>>
    %dma_start3A_126 = tpu.memref_squeeze %dma_start3A_125 : memref<1x100000xf32, #tpu.memory_space<hbm>> -> memref<100000xf32, #tpu.memory_space<hbm>>
    %dma_start3A_127 = arith.constant 0 : i32
    %dma_start3A_128 = tpu.memref_slice %arg3[%add3A_123, %dma_start3A_127] : memref<416x100000xf32, #tpu.memory_space<hbm>> -> memref<1x100000xf32, #tpu.memory_space<hbm>>
    %dma_start3A_129 = tpu.memref_squeeze %dma_start3A_128 : memref<1x100000xf32, #tpu.memory_space<hbm>> -> memref<100000xf32, #tpu.memory_space<hbm>>
    tpu.enqueue_dma source(%dma_start3A_129 : memref<100000xf32, #tpu.memory_space<hbm>>) target(%arg6 : memref<100000xf32, #tpu.memory_space<vmem>>) target_semaphore(%arg9 : memref<!tpu.dma_semaphore, #tpu.memory_space<semaphore_mem>>)
    %dma_wait3A_130 = arith.constant 0 : i32
    %dma_wait3A_131 = tpu.memref_slice %arg3[%add3A_123, %dma_wait3A_130] : memref<416x100000xf32, #tpu.memory_space<hbm>> -> memref<1x100000xf32, #tpu.memory_space<hbm>>
    %dma_wait3A_132 = tpu.memref_squeeze %dma_wait3A_131 : memref<1x100000xf32, #tpu.memory_space<hbm>> -> memref<100000xf32, #tpu.memory_space<hbm>>
    %dma_wait3A_133 = arith.constant 0 : i32
    %dma_wait3A_134 = tpu.memref_slice %arg3[%add3A_123, %dma_wait3A_133] : memref<416x100000xf32, #tpu.memory_space<hbm>> -> memref<1x100000xf32, #tpu.memory_space<hbm>>
    %dma_wait3A_135 = tpu.memref_squeeze %dma_wait3A_134 : memref<1x100000xf32, #tpu.memory_space<hbm>> -> memref<100000xf32, #tpu.memory_space<hbm>>
    tpu.wait_dma2 semaphore(%arg9 : memref<!tpu.dma_semaphore, #tpu.memory_space<semaphore_mem>>) src(%dma_wait3A_135 : memref<100000xf32, #tpu.memory_space<hbm>>) dst(%arg6 : memref<100000xf32, #tpu.memory_space<vmem>>)
    %jit3A_136 = arith.constant 16 : i32
    %div3A_137 = arith.divsi %add3A_123, %jit3A_136 : i32
    %sign3A_138 = arith.constant 0 : i32
    %sign3A_139 = arith.cmpi sgt, %add3A_123, %sign3A_138 : i32
    %sign3A_140 = arith.extui %sign3A_139 : i1 to i32
    %sign3A_141 = arith.constant 0 : i32
    %sign3A_142 = arith.cmpi slt, %add3A_123, %sign3A_141 : i32
    %sign3A_143 = arith.extui %sign3A_142 : i1 to i32
    %sign3A_144 = arith.subi %sign3A_140, %sign3A_143 : i32
    %sign3A_145 = arith.constant 0 : i32
    %sign3A_146 = arith.cmpi sgt, %jit3A_136, %sign3A_145 : i32
    %sign3A_147 = arith.extui %sign3A_146 : i1 to i32
    %sign3A_148 = arith.constant 0 : i32
    %sign3A_149 = arith.cmpi slt, %jit3A_136, %sign3A_148 : i32
    %sign3A_150 = arith.extui %sign3A_149 : i1 to i32
    %sign3A_151 = arith.subi %sign3A_147, %sign3A_150 : i32
    %ne3A_152 = arith.cmpi ne, %sign3A_144, %sign3A_151 : i32
    %rem3A_153 = arith.remsi %add3A_123, %jit3A_136 : i32
    %ne3A_154 = arith.constant 0 : i32
    %ne3A_155 = arith.cmpi ne, %rem3A_153, %ne3A_154 : i32
    %and3A_156 = arith.andi %ne3A_152, %ne3A_155 : i1
    %sub3A_157 = arith.constant 1 : i32
    %sub3A_158 = arith.subi %div3A_137, %sub3A_157 : i32
    %select_n3A_159 = arith.select %and3A_156, %sub3A_158, %div3A_137 : i32
    %dma_start3A_160 = arith.constant 0 : i32
    %dma_start3A_161 = tpu.memref_slice %arg2[%select_n3A_159, %dma_start3A_160] : memref<26x16384xi32, #tpu.memory_space<hbm>> -> memref<1x8192xi32, #tpu.memory_space<hbm>>
    %dma_start3A_162 = tpu.memref_squeeze %dma_start3A_161 : memref<1x8192xi32, #tpu.memory_space<hbm>> -> memref<8192xi32, #tpu.memory_space<hbm>>
    %dma_start3A_163 = arith.constant 0 : i32
    %dma_start3A_164 = tpu.memref_slice %arg2[%select_n3A_159, %dma_start3A_163] : memref<26x16384xi32, #tpu.memory_space<hbm>> -> memref<1x8192xi32, #tpu.memory_space<hbm>>
    %dma_start3A_165 = tpu.memref_squeeze %dma_start3A_164 : memref<1x8192xi32, #tpu.memory_space<hbm>> -> memref<8192xi32, #tpu.memory_space<hbm>>
    tpu.enqueue_dma source(%dma_start3A_165 : memref<8192xi32, #tpu.memory_space<hbm>>) target(%arg7 : memref<8192xi32, #tpu.memory_space<vmem>>) target_semaphore(%arg10 : memref<!tpu.dma_semaphore, #tpu.memory_space<semaphore_mem>>)
    %dma_wait3A_166 = arith.constant 0 : i32
    %dma_wait3A_167 = tpu.memref_slice %arg2[%select_n3A_159, %dma_wait3A_166] : memref<26x16384xi32, #tpu.memory_space<hbm>> -> memref<1x8192xi32, #tpu.memory_space<hbm>>
    %dma_wait3A_168 = tpu.memref_squeeze %dma_wait3A_167 : memref<1x8192xi32, #tpu.memory_space<hbm>> -> memref<8192xi32, #tpu.memory_space<hbm>>
    %dma_wait3A_169 = arith.constant 0 : i32
    %dma_wait3A_170 = tpu.memref_slice %arg2[%select_n3A_159, %dma_wait3A_169] : memref<26x16384xi32, #tpu.memory_space<hbm>> -> memref<1x8192xi32, #tpu.memory_space<hbm>>
    %dma_wait3A_171 = tpu.memref_squeeze %dma_wait3A_170 : memref<1x8192xi32, #tpu.memory_space<hbm>> -> memref<8192xi32, #tpu.memory_space<hbm>>
    tpu.wait_dma2 semaphore(%arg10 : memref<!tpu.dma_semaphore, #tpu.memory_space<semaphore_mem>>) src(%dma_wait3A_171 : memref<8192xi32, #tpu.memory_space<hbm>>) dst(%arg7 : memref<8192xi32, #tpu.memory_space<vmem>>)
    %scan3A_172 = arith.constant 0 : i32
    %scan3A_173 = arith.constant 0 : i32
    %scan3A_174 = arith.constant 128 : i32
    %scan3A_175 = arith.addi %scan3A_173, %scan3A_174 : i32
    %scan3A_176 = arith.constant 1 : i32
    %scan3A_177 = scf.for %scan3A_1682 = %scan3A_173 to %scan3A_175 step %scan3A_176 iter_args(%scan3A_1683 = %scan3A_172) -> (i32)  : i32 {
      %mul3A_1684 = arith.constant 64 : i32
      %mul3A_1685 = arith.muli %scan3A_1682, %mul3A_1684 : i32
      %add3A_1686 = arith.constant 0 : i32
      %add3A_1687 = arith.addi %mul3A_1685, %add3A_1686 : i32
      %get3A = arith.index_cast %add3A_1687 : i32 to index
      %get3A_1688 = tpu.vector_load %arg7[%get3A] {strides = array<i32>} : memref<8192xi32, #tpu.memory_space<vmem>>, vector<16xi32>,
      %gather3A = tpu.vector_load_idx %arg6[%get3A_1688] : memref<100000xf32, #tpu.memory_space<vmem>>[vector<16xi32>], vector<16xf32>,
      %swap3A = arith.index_cast %add3A_1687 : i32 to index
      %swap3A_1689 = tpu.vector_load %arg8[%swap3A] {strides = array<i32>} : memref<8192xf32, #tpu.memory_space<vmem>>, vector<16xf32>,
      tpu.vector_store %arg8[%swap3A], %gather3A {strides = array<i32>} : memref<8192xf32, #tpu.memory_space<vmem>>, vector<16xf32>,
      %add3A_1690 = arith.constant 16 : i32
      %add3A_1691 = arith.addi %mul3A_1685, %add3A_1690 : i32
      %get3A_1692 = arith.index_cast %add3A_1691 : i32 to index
      %get3A_1693 = tpu.vector_load %arg7[%get3A_1692] {strides = array<i32>} : memref<8192xi32, #tpu.memory_space<vmem>>, vector<16xi32>,
      %gather3A_1694 = tpu.vector_load_idx %arg6[%get3A_1693] : memref<100000xf32, #tpu.memory_space<vmem>>[vector<16xi32>], vector<16xf32>,
      %swap3A_1695 = arith.index_cast %add3A_1691 : i32 to index
      %swap3A_1696 = tpu.vector_load %arg8[%swap3A_1695] {strides = array<i32>} : memref<8192xf32, #tpu.memory_space<vmem>>, vector<16xf32>,
      tpu.vector_store %arg8[%swap3A_1695], %gather3A_1694 {strides = array<i32>} : memref<8192xf32, #tpu.memory_space<vmem>>, vector<16xf32>,
      %add3A_1697 = arith.constant 32 : i32
      %add3A_1698 = arith.addi %mul3A_1685, %add3A_1697 : i32
      %get3A_1699 = arith.index_cast %add3A_1698 : i32 to index
      %get3A_1700 = tpu.vector_load %arg7[%get3A_1699] {strides = array<i32>} : memref<8192xi32, #tpu.memory_space<vmem>>, vector<16xi32>,
      %gather3A_1701 = tpu.vector_load_idx %arg6[%get3A_1700] : memref<100000xf32, #tpu.memory_space<vmem>>[vector<16xi32>], vector<16xf32>,
      %swap3A_1702 = arith.index_cast %add3A_1698 : i32 to index
      %swap3A_1703 = tpu.vector_load %arg8[%swap3A_1702] {strides = array<i32>} : memref<8192xf32, #tpu.memory_space<vmem>>, vector<16xf32>,
      tpu.vector_store %arg8[%swap3A_1702], %gather3A_1701 {strides = array<i32>} : memref<8192xf32, #tpu.memory_space<vmem>>, vector<16xf32>,
      %add3A_1704 = arith.constant 48 : i32
      %add3A_1705 = arith.addi %mul3A_1685, %add3A_1704 : i32
      %get3A_1706 = arith.index_cast %add3A_1705 : i32 to index
      %get3A_1707 = tpu.vector_load %arg7[%get3A_1706] {strides = array<i32>} : memref<8192xi32, #tpu.memory_space<vmem>>, vector<16xi32>,
      %gather3A_1708 = tpu.vector_load_idx %arg6[%get3A_1707] : memref<100000xf32, #tpu.memory_space<vmem>>[vector<16xi32>], vector<16xf32>,
      %swap3A_1709 = arith.index_cast %add3A_1705 : i32 to index
      %swap3A_1710 = tpu.vector_load %arg8[%swap3A_1709] {strides = array<i32>} : memref<8192xf32, #tpu.memory_space<vmem>>, vector<16xf32>,
      tpu.vector_store %arg8[%swap3A_1709], %gather3A_1708 {strides = array<i32>} : memref<8192xf32, #tpu.memory_space<vmem>>, vector<16xf32>,
      %scan3A_1711 = arith.constant 0 : i32
      scf.yield %scan3A_1711 : i32
    }
    %scan3A_178 = arith.constant 128 : i32
    %add3A_179 = arith.constant 13 : i32
    %add3A_180 = arith.addi %add3A_179, %add3A_123 : i32
    %dma_start3A_181 = arith.constant 0 : i32
    %dma_start3A_182 = tpu.memref_slice %arg5[%add3A_180, %dma_start3A_181] : memref<429x16384xf32, #tpu.memory_space<hbm>> -> memref<1x8192xf32, #tpu.memory_space<hbm>>
    %dma_start3A_183 = tpu.memref_squeeze %dma_start3A_182 : memref<1x8192xf32, #tpu.memory_space<hbm>> -> memref<8192xf32, #tpu.memory_space<hbm>>
    %dma_start3A_184 = arith.constant 0 : i32
    %dma_start3A_185 = tpu.memref_slice %arg5[%add3A_180, %dma_start3A_184] : memref<429x16384xf32, #tpu.memory_space<hbm>> -> memref<1x8192xf32, #tpu.memory_space<hbm>>
    %dma_start3A_186 = tpu.memref_squeeze %dma_start3A_185 : memref<1x8192xf32, #tpu.memory_space<hbm>> -> memref<8192xf32, #tpu.memory_space<hbm>>
    tpu.enqueue_dma source(%arg8 : memref<8192xf32, #tpu.memory_space<vmem>>) target(%dma_start3A_186 : memref<8192xf32, #tpu.memory_space<hbm>>) target_semaphore(%arg11 : memref<!tpu.dma_semaphore, #tpu.memory_space<semaphore_mem>>)
    %dma_wait3A_187 = arith.constant 0 : i32
    %dma_wait3A_188 = tpu.memref_slice %arg5[%add3A_180, %dma_wait3A_187] : memref<429x16384xf32, #tpu.memory_space<hbm>> -> memref<1x8192xf32, #tpu.memory_space<hbm>>
    %dma_wait3A_189 = tpu.memref_squeeze %dma_wait3A_188 : memref<1x8192xf32, #tpu.memory_space<hbm>> -> memref<8192xf32, #tpu.memory_space<hbm>>
    %dma_wait3A_190 = arith.constant 0 : i32
    %dma_wait3A_191 = tpu.memref_slice %arg5[%add3A_180, %dma_wait3A_190] : memref<429x16384xf32, #tpu.memory_space<hbm>> -> memref<1x8192xf32, #tpu.memory_space<hbm>>
    %dma_wait3A_192 = tpu.memref_squeeze %dma_wait3A_191 : memref<1x8192xf32, #tpu.memory_space<hbm>> -> memref<8192xf32, #tpu.memory_space<hbm>>
    tpu.wait_dma2 semaphore(%arg11 : memref<!tpu.dma_semaphore, #tpu.memory_space<semaphore_mem>>) src(%arg8 : memref<8192xf32, #tpu.memory_space<vmem>>) dst(%dma_wait3A_192 : memref<8192xf32, #tpu.memory_space<hbm>>)
    %jit3A_193 = arith.constant 16 : i32
    %div3A_194 = arith.divsi %add3A_123, %jit3A_193 : i32
    %sign3A_195 = arith.constant 0 : i32
    %sign3A_196 = arith.cmpi sgt, %add3A_123, %sign3A_195 : i32
    %sign3A_197 = arith.extui %sign3A_196 : i1 to i32
    %sign3A_198 = arith.constant 0 : i32
    %sign3A_199 = arith.cmpi slt, %add3A_123, %sign3A_198 : i32
    %sign3A_200 = arith.extui %sign3A_199 : i1 to i32
    %sign3A_201 = arith.subi %sign3A_197, %sign3A_200 : i32
    %sign3A_202 = arith.constant 0 : i32
    %sign3A_203 = arith.cmpi sgt, %jit3A_193, %sign3A_202 : i32
    %sign3A_204 = arith.extui %sign3A_203 : i1 to i32
    %sign3A_205 = arith.constant 0 : i32
    %sign3A_206 = arith.cmpi slt, %jit3A_193, %sign3A_205 : i32
    %sign3A_207 = arith.extui %sign3A_206 : i1 to i32
    %sign3A_208 = arith.subi %sign3A_204, %sign3A_207 : i32
    %ne3A_209 = arith.cmpi ne, %sign3A_201, %sign3A_208 : i32
    %rem3A_210 = arith.remsi %add3A_123, %jit3A_193 : i32
    %ne3A_211 = arith.constant 0 : i32
    %ne3A_212 = arith.cmpi ne, %rem3A_210, %ne3A_211 : i32
    %and3A_213 = arith.andi %ne3A_209, %ne3A_212 : i1
    %sub3A_214 = arith.constant 1 : i32
    %sub3A_215 = arith.subi %div3A_194, %sub3A_214 : i32
    %select_n3A_216 = arith.select %and3A_213, %sub3A_215, %div3A_194 : i32
    %dma_start3A_217 = arith.constant 8192 : i32
    %dma_start3A_218 = tpu.memref_slice %arg2[%select_n3A_216, %dma_start3A_217] : memref<26x16384xi32, #tpu.memory_space<hbm>> -> memref<1x8192xi32, #tpu.memory_space<hbm>>
    %dma_start3A_219 = tpu.memref_squeeze %dma_start3A_218 : memref<1x8192xi32, #tpu.memory_space<hbm>> -> memref<8192xi32, #tpu.memory_space<hbm>>
    %dma_start3A_220 = arith.constant 8192 : i32
    %dma_start3A_221 = tpu.memref_slice %arg2[%select_n3A_216, %dma_start3A_220] : memref<26x16384xi32, #tpu.memory_space<hbm>> -> memref<1x8192xi32, #tpu.memory_space<hbm>>
    %dma_start3A_222 = tpu.memref_squeeze %dma_start3A_221 : memref<1x8192xi32, #tpu.memory_space<hbm>> -> memref<8192xi32, #tpu.memory_space<hbm>>
    tpu.enqueue_dma source(%dma_start3A_222 : memref<8192xi32, #tpu.memory_space<hbm>>) target(%arg7 : memref<8192xi32, #tpu.memory_space<vmem>>) target_semaphore(%arg10 : memref<!tpu.dma_semaphore, #tpu.memory_space<semaphore_mem>>)
    %dma_wait3A_223 = arith.constant 8192 : i32
    %dma_wait3A_224 = tpu.memref_slice %arg2[%select_n3A_216, %dma_wait3A_223] : memref<26x16384xi32, #tpu.memory_space<hbm>> -> memref<1x8192xi32, #tpu.memory_space<hbm>>
    %dma_wait3A_225 = tpu.memref_squeeze %dma_wait3A_224 : memref<1x8192xi32, #tpu.memory_space<hbm>> -> memref<8192xi32, #tpu.memory_space<hbm>>
    %dma_wait3A_226 = arith.constant 8192 : i32
    %dma_wait3A_227 = tpu.memref_slice %arg2[%select_n3A_216, %dma_wait3A_226] : memref<26x16384xi32, #tpu.memory_space<hbm>> -> memref<1x8192xi32, #tpu.memory_space<hbm>>
    %dma_wait3A_228 = tpu.memref_squeeze %dma_wait3A_227 : memref<1x8192xi32, #tpu.memory_space<hbm>> -> memref<8192xi32, #tpu.memory_space<hbm>>
    tpu.wait_dma2 semaphore(%arg10 : memref<!tpu.dma_semaphore, #tpu.memory_space<semaphore_mem>>) src(%dma_wait3A_228 : memref<8192xi32, #tpu.memory_space<hbm>>) dst(%arg7 : memref<8192xi32, #tpu.memory_space<vmem>>)
    %scan3A_229 = arith.constant 0 : i32
    %scan3A_230 = arith.constant 0 : i32
    %scan3A_231 = arith.constant 128 : i32
    %scan3A_232 = arith.addi %scan3A_230, %scan3A_231 : i32
    %scan3A_233 = arith.constant 1 : i32
    %scan3A_234 = scf.for %scan3A_1682 = %scan3A_230 to %scan3A_232 step %scan3A_233 iter_args(%scan3A_1683 = %scan3A_229) -> (i32)  : i32 {
      %mul3A_1684 = arith.constant 64 : i32
      %mul3A_1685 = arith.muli %scan3A_1682, %mul3A_1684 : i32
      %add3A_1686 = arith.constant 0 : i32
      %add3A_1687 = arith.addi %mul3A_1685, %add3A_1686 : i32
      %get3A = arith.index_cast %add3A_1687 : i32 to index
      %get3A_1688 = tpu.vector_load %arg7[%get3A] {strides = array<i32>} : memref<8192xi32, #tpu.memory_space<vmem>>, vector<16xi32>,
      %gather3A = tpu.vector_load_idx %arg6[%get3A_1688] : memref<100000xf32, #tpu.memory_space<vmem>>[vector<16xi32>], vector<16xf32>,
      %swap3A = arith.index_cast %add3A_1687 : i32 to index
      %swap3A_1689 = tpu.vector_load %arg8[%swap3A] {strides = array<i32>} : memref<8192xf32, #tpu.memory_space<vmem>>, vector<16xf32>,
      tpu.vector_store %arg8[%swap3A], %gather3A {strides = array<i32>} : memref<8192xf32, #tpu.memory_space<vmem>>, vector<16xf32>,
      %add3A_1690 = arith.constant 16 : i32
      %add3A_1691 = arith.addi %mul3A_1685, %add3A_1690 : i32
      %get3A_1692 = arith.index_cast %add3A_1691 : i32 to index
      %get3A_1693 = tpu.vector_load %arg7[%get3A_1692] {strides = array<i32>} : memref<8192xi32, #tpu.memory_space<vmem>>, vector<16xi32>,
      %gather3A_1694 = tpu.vector_load_idx %arg6[%get3A_1693] : memref<100000xf32, #tpu.memory_space<vmem>>[vector<16xi32>], vector<16xf32>,
      %swap3A_1695 = arith.index_cast %add3A_1691 : i32 to index
      %swap3A_1696 = tpu.vector_load %arg8[%swap3A_1695] {strides = array<i32>} : memref<8192xf32, #tpu.memory_space<vmem>>, vector<16xf32>,
      tpu.vector_store %arg8[%swap3A_1695], %gather3A_1694 {strides = array<i32>} : memref<8192xf32, #tpu.memory_space<vmem>>, vector<16xf32>,
      %add3A_1697 = arith.constant 32 : i32
      %add3A_1698 = arith.addi %mul3A_1685, %add3A_1697 : i32
      %get3A_1699 = arith.index_cast %add3A_1698 : i32 to index
      %get3A_1700 = tpu.vector_load %arg7[%get3A_1699] {strides = array<i32>} : memref<8192xi32, #tpu.memory_space<vmem>>, vector<16xi32>,
      %gather3A_1701 = tpu.vector_load_idx %arg6[%get3A_1700] : memref<100000xf32, #tpu.memory_space<vmem>>[vector<16xi32>], vector<16xf32>,
      %swap3A_1702 = arith.index_cast %add3A_1698 : i32 to index
      %swap3A_1703 = tpu.vector_load %arg8[%swap3A_1702] {strides = array<i32>} : memref<8192xf32, #tpu.memory_space<vmem>>, vector<16xf32>,
      tpu.vector_store %arg8[%swap3A_1702], %gather3A_1701 {strides = array<i32>} : memref<8192xf32, #tpu.memory_space<vmem>>, vector<16xf32>,
      %add3A_1704 = arith.constant 48 : i32
      %add3A_1705 = arith.addi %mul3A_1685, %add3A_1704 : i32
      %get3A_1706 = arith.index_cast %add3A_1705 : i32 to index
      %get3A_1707 = tpu.vector_load %arg7[%get3A_1706] {strides = array<i32>} : memref<8192xi32, #tpu.memory_space<vmem>>, vector<16xi32>,
      %gather3A_1708 = tpu.vector_load_idx %arg6[%get3A_1707] : memref<100000xf32, #tpu.memory_space<vmem>>[vector<16xi32>], vector<16xf32>,
      %swap3A_1709 = arith.index_cast %add3A_1705 : i32 to index
      %swap3A_1710 = tpu.vector_load %arg8[%swap3A_1709] {strides = array<i32>} : memref<8192xf32, #tpu.memory_space<vmem>>, vector<16xf32>,
      tpu.vector_store %arg8[%swap3A_1709], %gather3A_1708 {strides = array<i32>} : memref<8192xf32, #tpu.memory_space<vmem>>, vector<16xf32>,
      %scan3A_1711 = arith.constant 0 : i32
      scf.yield %scan3A_1711 : i32
    }
    %scan3A_235 = arith.constant 128 : i32
    %add3A_236 = arith.constant 13 : i32
    %add3A_237 = arith.addi %add3A_236, %add3A_123 : i32
    %dma_start3A_238 = arith.constant 8192 : i32
    %dma_start3A_239 = tpu.memref_slice %arg5[%add3A_237, %dma_start3A_238] : memref<429x16384xf32, #tpu.memory_space<hbm>> -> memref<1x8192xf32, #tpu.memory_space<hbm>>
    %dma_start3A_240 = tpu.memref_squeeze %dma_start3A_239 : memref<1x8192xf32, #tpu.memory_space<hbm>> -> memref<8192xf32, #tpu.memory_space<hbm>>
    %dma_start3A_241 = arith.constant 8192 : i32
    %dma_start3A_242 = tpu.memref_slice %arg5[%add3A_237, %dma_start3A_241] : memref<429x16384xf32, #tpu.memory_space<hbm>> -> memref<1x8192xf32, #tpu.memory_space<hbm>>
    %dma_start3A_243 = tpu.memref_squeeze %dma_start3A_242 : memref<1x8192xf32, #tpu.memory_space<hbm>> -> memref<8192xf32, #tpu.memory_space<hbm>>
    tpu.enqueue_dma source(%arg8 : memref<8192xf32, #tpu.memory_space<vmem>>) target(%dma_start3A_243 : memref<8192xf32, #tpu.memory_space<hbm>>) target_semaphore(%arg11 : memref<!tpu.dma_semaphore, #tpu.memory_space<semaphore_mem>>)
    %dma_wait3A_244 = arith.constant 8192 : i32
    %dma_wait3A_245 = tpu.memref_slice %arg5[%add3A_237, %dma_wait3A_244] : memref<429x16384xf32, #tpu.memory_space<hbm>> -> memref<1x8192xf32, #tpu.memory_space<hbm>>
    %dma_wait3A_246 = tpu.memref_squeeze %dma_wait3A_245 : memref<1x8192xf32, #tpu.memory_space<hbm>> -> memref<8192xf32, #tpu.memory_space<hbm>>
    %dma_wait3A_247 = arith.constant 8192 : i32
    %dma_wait3A_248 = tpu.memref_slice %arg5[%add3A_237, %dma_wait3A_247] : memref<429x16384xf32, #tpu.memory_space<hbm>> -> memref<1x8192xf32, #tpu.memory_space<hbm>>
    %dma_wait3A_249 = tpu.memref_squeeze %dma_wait3A_248 : memref<1x8192xf32, #tpu.memory_space<hbm>> -> memref<8192xf32, #tpu.memory_space<hbm>>
    tpu.wait_dma2 semaphore(%arg11 : memref<!tpu.dma_semaphore, #tpu.memory_space<semaphore_mem>>) src(%arg8 : memref<8192xf32, #tpu.memory_space<vmem>>) dst(%dma_wait3A_249 : memref<8192xf32, #tpu.memory_space<hbm>>)
    %mul3A_250 = arith.constant 13 : i32
    %mul3A_251 = arith.muli %add3A, %mul3A_250 : i32
    %add3A_252 = arith.constant 2 : i32
    %add3A_253 = arith.addi %mul3A_251, %add3A_252 : i32
    %dma_start3A_254 = arith.constant 0 : i32
    %dma_start3A_255 = tpu.memref_slice %arg3[%add3A_253, %dma_start3A_254] : memref<416x100000xf32, #tpu.memory_space<hbm>> -> memref<1x100000xf32, #tpu.memory_space<hbm>>
    %dma_start3A_256 = tpu.memref_squeeze %dma_start3A_255 : memref<1x100000xf32, #tpu.memory_space<hbm>> -> memref<100000xf32, #tpu.memory_space<hbm>>
    %dma_start3A_257 = arith.constant 0 : i32
    %dma_start3A_258 = tpu.memref_slice %arg3[%add3A_253, %dma_start3A_257] : memref<416x100000xf32, #tpu.memory_space<hbm>> -> memref<1x100000xf32, #tpu.memory_space<hbm>>
    %dma_start3A_259 = tpu.memref_squeeze %dma_start3A_258 : memref<1x100000xf32, #tpu.memory_space<hbm>> -> memref<100000xf32, #tpu.memory_space<hbm>>
    tpu.enqueue_dma source(%dma_start3A_259 : memref<100000xf32, #tpu.memory_space<hbm>>) target(%arg6 : memref<100000xf32, #tpu.memory_space<vmem>>) target_semaphore(%arg9 : memref<!tpu.dma_semaphore, #tpu.memory_space<semaphore_mem>>)
    %dma_wait3A_260 = arith.constant 0 : i32
    %dma_wait3A_261 = tpu.memref_slice %arg3[%add3A_253, %dma_wait3A_260] : memref<416x100000xf32, #tpu.memory_space<hbm>> -> memref<1x100000xf32, #tpu.memory_space<hbm>>
    %dma_wait3A_262 = tpu.memref_squeeze %dma_wait3A_261 : memref<1x100000xf32, #tpu.memory_space<hbm>> -> memref<100000xf32, #tpu.memory_space<hbm>>
    %dma_wait3A_263 = arith.constant 0 : i32
    %dma_wait3A_264 = tpu.memref_slice %arg3[%add3A_253, %dma_wait3A_263] : memref<416x100000xf32, #tpu.memory_space<hbm>> -> memref<1x100000xf32, #tpu.memory_space<hbm>>
    %dma_wait3A_265 = tpu.memref_squeeze %dma_wait3A_264 : memref<1x100000xf32, #tpu.memory_space<hbm>> -> memref<100000xf32, #tpu.memory_space<hbm>>
    tpu.wait_dma2 semaphore(%arg9 : memref<!tpu.dma_semaphore, #tpu.memory_space<semaphore_mem>>) src(%dma_wait3A_265 : memref<100000xf32, #tpu.memory_space<hbm>>) dst(%arg6 : memref<100000xf32, #tpu.memory_space<vmem>>)
    %jit3A_266 = arith.constant 16 : i32
    %div3A_267 = arith.divsi %add3A_253, %jit3A_266 : i32
    %sign3A_268 = arith.constant 0 : i32
    %sign3A_269 = arith.cmpi sgt, %add3A_253, %sign3A_268 : i32
    %sign3A_270 = arith.extui %sign3A_269 : i1 to i32
    %sign3A_271 = arith.constant 0 : i32
    %sign3A_272 = arith.cmpi slt, %add3A_253, %sign3A_271 : i32
    %sign3A_273 = arith.extui %sign3A_272 : i1 to i32
    %sign3A_274 = arith.subi %sign3A_270, %sign3A_273 : i32
    %sign3A_275 = arith.constant 0 : i32
    %sign3A_276 = arith.cmpi sgt, %jit3A_266, %sign3A_275 : i32
    %sign3A_277 = arith.extui %sign3A_276 : i1 to i32
    %sign3A_278 = arith.constant 0 : i32
    %sign3A_279 = arith.cmpi slt, %jit3A_266, %sign3A_278 : i32
    %sign3A_280 = arith.extui %sign3A_279 : i1 to i32
    %sign3A_281 = arith.subi %sign3A_277, %sign3A_280 : i32
    %ne3A_282 = arith.cmpi ne, %sign3A_274, %sign3A_281 : i32
    %rem3A_283 = arith.remsi %add3A_253, %jit3A_266 : i32
    %ne3A_284 = arith.constant 0 : i32
    %ne3A_285 = arith.cmpi ne, %rem3A_283, %ne3A_284 : i32
    %and3A_286 = arith.andi %ne3A_282, %ne3A_285 : i1
    %sub3A_287 = arith.constant 1 : i32
    %sub3A_288 = arith.subi %div3A_267, %sub3A_287 : i32
    %select_n3A_289 = arith.select %and3A_286, %sub3A_288, %div3A_267 : i32
    %dma_start3A_290 = arith.constant 0 : i32
    %dma_start3A_291 = tpu.memref_slice %arg2[%select_n3A_289, %dma_start3A_290] : memref<26x16384xi32, #tpu.memory_space<hbm>> -> memref<1x8192xi32, #tpu.memory_space<hbm>>
    %dma_start3A_292 = tpu.memref_squeeze %dma_start3A_291 : memref<1x8192xi32, #tpu.memory_space<hbm>> -> memref<8192xi32, #tpu.memory_space<hbm>>
    %dma_start3A_293 = arith.constant 0 : i32
    %dma_start3A_294 = tpu.memref_slice %arg2[%select_n3A_289, %dma_start3A_293] : memref<26x16384xi32, #tpu.memory_space<hbm>> -> memref<1x8192xi32, #tpu.memory_space<hbm>>
    %dma_start3A_295 = tpu.memref_squeeze %dma_start3A_294 : memref<1x8192xi32, #tpu.memory_space<hbm>> -> memref<8192xi32, #tpu.memory_space<hbm>>
    tpu.enqueue_dma source(%dma_start3A_295 : memref<8192xi32, #tpu.memory_space<hbm>>) target(%arg7 : memref<8192xi32, #tpu.memory_space<vmem>>) target_semaphore(%arg10 : memref<!tpu.dma_semaphore, #tpu.memory_space<semaphore_mem>>)
    %dma_wait3A_296 = arith.constant 0 : i32
    %dma_wait3A_297 = tpu.memref_slice %arg2[%select_n3A_289, %dma_wait3A_296] : memref<26x16384xi32, #tpu.memory_space<hbm>> -> memref<1x8192xi32, #tpu.memory_space<hbm>>
    %dma_wait3A_298 = tpu.memref_squeeze %dma_wait3A_297 : memref<1x8192xi32, #tpu.memory_space<hbm>> -> memref<8192xi32, #tpu.memory_space<hbm>>
    %dma_wait3A_299 = arith.constant 0 : i32
    %dma_wait3A_300 = tpu.memref_slice %arg2[%select_n3A_289, %dma_wait3A_299] : memref<26x16384xi32, #tpu.memory_space<hbm>> -> memref<1x8192xi32, #tpu.memory_space<hbm>>
    %dma_wait3A_301 = tpu.memref_squeeze %dma_wait3A_300 : memref<1x8192xi32, #tpu.memory_space<hbm>> -> memref<8192xi32, #tpu.memory_space<hbm>>
    tpu.wait_dma2 semaphore(%arg10 : memref<!tpu.dma_semaphore, #tpu.memory_space<semaphore_mem>>) src(%dma_wait3A_301 : memref<8192xi32, #tpu.memory_space<hbm>>) dst(%arg7 : memref<8192xi32, #tpu.memory_space<vmem>>)
    %scan3A_302 = arith.constant 0 : i32
    %scan3A_303 = arith.constant 0 : i32
    %scan3A_304 = arith.constant 128 : i32
    %scan3A_305 = arith.addi %scan3A_303, %scan3A_304 : i32
    %scan3A_306 = arith.constant 1 : i32
    %scan3A_307 = scf.for %scan3A_1682 = %scan3A_303 to %scan3A_305 step %scan3A_306 iter_args(%scan3A_1683 = %scan3A_302) -> (i32)  : i32 {
      %mul3A_1684 = arith.constant 64 : i32
      %mul3A_1685 = arith.muli %scan3A_1682, %mul3A_1684 : i32
      %add3A_1686 = arith.constant 0 : i32
      %add3A_1687 = arith.addi %mul3A_1685, %add3A_1686 : i32
      %get3A = arith.index_cast %add3A_1687 : i32 to index
      %get3A_1688 = tpu.vector_load %arg7[%get3A] {strides = array<i32>} : memref<8192xi32, #tpu.memory_space<vmem>>, vector<16xi32>,
      %gather3A = tpu.vector_load_idx %arg6[%get3A_1688] : memref<100000xf32, #tpu.memory_space<vmem>>[vector<16xi32>], vector<16xf32>,
      %swap3A = arith.index_cast %add3A_1687 : i32 to index
      %swap3A_1689 = tpu.vector_load %arg8[%swap3A] {strides = array<i32>} : memref<8192xf32, #tpu.memory_space<vmem>>, vector<16xf32>,
      tpu.vector_store %arg8[%swap3A], %gather3A {strides = array<i32>} : memref<8192xf32, #tpu.memory_space<vmem>>, vector<16xf32>,
      %add3A_1690 = arith.constant 16 : i32
      %add3A_1691 = arith.addi %mul3A_1685, %add3A_1690 : i32
      %get3A_1692 = arith.index_cast %add3A_1691 : i32 to index
      %get3A_1693 = tpu.vector_load %arg7[%get3A_1692] {strides = array<i32>} : memref<8192xi32, #tpu.memory_space<vmem>>, vector<16xi32>,
      %gather3A_1694 = tpu.vector_load_idx %arg6[%get3A_1693] : memref<100000xf32, #tpu.memory_space<vmem>>[vector<16xi32>], vector<16xf32>,
      %swap3A_1695 = arith.index_cast %add3A_1691 : i32 to index
      %swap3A_1696 = tpu.vector_load %arg8[%swap3A_1695] {strides = array<i32>} : memref<8192xf32, #tpu.memory_space<vmem>>, vector<16xf32>,
      tpu.vector_store %arg8[%swap3A_1695], %gather3A_1694 {strides = array<i32>} : memref<8192xf32, #tpu.memory_space<vmem>>, vector<16xf32>,
      %add3A_1697 = arith.constant 32 : i32
      %add3A_1698 = arith.addi %mul3A_1685, %add3A_1697 : i32
      %get3A_1699 = arith.index_cast %add3A_1698 : i32 to index
      %get3A_1700 = tpu.vector_load %arg7[%get3A_1699] {strides = array<i32>} : memref<8192xi32, #tpu.memory_space<vmem>>, vector<16xi32>,
      %gather3A_1701 = tpu.vector_load_idx %arg6[%get3A_1700] : memref<100000xf32, #tpu.memory_space<vmem>>[vector<16xi32>], vector<16xf32>,
      %swap3A_1702 = arith.index_cast %add3A_1698 : i32 to index
      %swap3A_1703 = tpu.vector_load %arg8[%swap3A_1702] {strides = array<i32>} : memref<8192xf32, #tpu.memory_space<vmem>>, vector<16xf32>,
      tpu.vector_store %arg8[%swap3A_1702], %gather3A_1701 {strides = array<i32>} : memref<8192xf32, #tpu.memory_space<vmem>>, vector<16xf32>,
      %add3A_1704 = arith.constant 48 : i32
      %add3A_1705 = arith.addi %mul3A_1685, %add3A_1704 : i32
      %get3A_1706 = arith.index_cast %add3A_1705 : i32 to index
      %get3A_1707 = tpu.vector_load %arg7[%get3A_1706] {strides = array<i32>} : memref<8192xi32, #tpu.memory_space<vmem>>, vector<16xi32>,
      %gather3A_1708 = tpu.vector_load_idx %arg6[%get3A_1707] : memref<100000xf32, #tpu.memory_space<vmem>>[vector<16xi32>], vector<16xf32>,
      %swap3A_1709 = arith.index_cast %add3A_1705 : i32 to index
      %swap3A_1710 = tpu.vector_load %arg8[%swap3A_1709] {strides = array<i32>} : memref<8192xf32, #tpu.memory_space<vmem>>, vector<16xf32>,
      tpu.vector_store %arg8[%swap3A_1709], %gather3A_1708 {strides = array<i32>} : memref<8192xf32, #tpu.memory_space<vmem>>, vector<16xf32>,
      %scan3A_1711 = arith.constant 0 : i32
      scf.yield %scan3A_1711 : i32
    }
    %scan3A_308 = arith.constant 128 : i32
    %add3A_309 = arith.constant 13 : i32
    %add3A_310 = arith.addi %add3A_309, %add3A_253 : i32
    %dma_start3A_311 = arith.constant 0 : i32
    %dma_start3A_312 = tpu.memref_slice %arg5[%add3A_310, %dma_start3A_311] : memref<429x16384xf32, #tpu.memory_space<hbm>> -> memref<1x8192xf32, #tpu.memory_space<hbm>>
    %dma_start3A_313 = tpu.memref_squeeze %dma_start3A_312 : memref<1x8192xf32, #tpu.memory_space<hbm>> -> memref<8192xf32, #tpu.memory_space<hbm>>
    %dma_start3A_314 = arith.constant 0 : i32
    %dma_start3A_315 = tpu.memref_slice %arg5[%add3A_310, %dma_start3A_314] : memref<429x16384xf32, #tpu.memory_space<hbm>> -> memref<1x8192xf32, #tpu.memory_space<hbm>>
    %dma_start3A_316 = tpu.memref_squeeze %dma_start3A_315 : memref<1x8192xf32, #tpu.memory_space<hbm>> -> memref<8192xf32, #tpu.memory_space<hbm>>
    tpu.enqueue_dma source(%arg8 : memref<8192xf32, #tpu.memory_space<vmem>>) target(%dma_start3A_316 : memref<8192xf32, #tpu.memory_space<hbm>>) target_semaphore(%arg11 : memref<!tpu.dma_semaphore, #tpu.memory_space<semaphore_mem>>)
    %dma_wait3A_317 = arith.constant 0 : i32
    %dma_wait3A_318 = tpu.memref_slice %arg5[%add3A_310, %dma_wait3A_317] : memref<429x16384xf32, #tpu.memory_space<hbm>> -> memref<1x8192xf32, #tpu.memory_space<hbm>>
    %dma_wait3A_319 = tpu.memref_squeeze %dma_wait3A_318 : memref<1x8192xf32, #tpu.memory_space<hbm>> -> memref<8192xf32, #tpu.memory_space<hbm>>
    %dma_wait3A_320 = arith.constant 0 : i32
    %dma_wait3A_321 = tpu.memref_slice %arg5[%add3A_310, %dma_wait3A_320] : memref<429x16384xf32, #tpu.memory_space<hbm>> -> memref<1x8192xf32, #tpu.memory_space<hbm>>
    %dma_wait3A_322 = tpu.memref_squeeze %dma_wait3A_321 : memref<1x8192xf32, #tpu.memory_space<hbm>> -> memref<8192xf32, #tpu.memory_space<hbm>>
    tpu.wait_dma2 semaphore(%arg11 : memref<!tpu.dma_semaphore, #tpu.memory_space<semaphore_mem>>) src(%arg8 : memref<8192xf32, #tpu.memory_space<vmem>>) dst(%dma_wait3A_322 : memref<8192xf32, #tpu.memory_space<hbm>>)
    %jit3A_323 = arith.constant 16 : i32
    %div3A_324 = arith.divsi %add3A_253, %jit3A_323 : i32
    %sign3A_325 = arith.constant 0 : i32
    %sign3A_326 = arith.cmpi sgt, %add3A_253, %sign3A_325 : i32
    %sign3A_327 = arith.extui %sign3A_326 : i1 to i32
    %sign3A_328 = arith.constant 0 : i32
    %sign3A_329 = arith.cmpi slt, %add3A_253, %sign3A_328 : i32
    %sign3A_330 = arith.extui %sign3A_329 : i1 to i32
    %sign3A_331 = arith.subi %sign3A_327, %sign3A_330 : i32
    %sign3A_332 = arith.constant 0 : i32
    %sign3A_333 = arith.cmpi sgt, %jit3A_323, %sign3A_332 : i32
    %sign3A_334 = arith.extui %sign3A_333 : i1 to i32
    %sign3A_335 = arith.constant 0 : i32
    %sign3A_336 = arith.cmpi slt, %jit3A_323, %sign3A_335 : i32
    %sign3A_337 = arith.extui %sign3A_336 : i1 to i32
    %sign3A_338 = arith.subi %sign3A_334, %sign3A_337 : i32
    %ne3A_339 = arith.cmpi ne, %sign3A_331, %sign3A_338 : i32
    %rem3A_340 = arith.remsi %add3A_253, %jit3A_323 : i32
    %ne3A_341 = arith.constant 0 : i32
    %ne3A_342 = arith.cmpi ne, %rem3A_340, %ne3A_341 : i32
    %and3A_343 = arith.andi %ne3A_339, %ne3A_342 : i1
    %sub3A_344 = arith.constant 1 : i32
    %sub3A_345 = arith.subi %div3A_324, %sub3A_344 : i32
    %select_n3A_346 = arith.select %and3A_343, %sub3A_345, %div3A_324 : i32
    %dma_start3A_347 = arith.constant 8192 : i32
    %dma_start3A_348 = tpu.memref_slice %arg2[%select_n3A_346, %dma_start3A_347] : memref<26x16384xi32, #tpu.memory_space<hbm>> -> memref<1x8192xi32, #tpu.memory_space<hbm>>
    %dma_start3A_349 = tpu.memref_squeeze %dma_start3A_348 : memref<1x8192xi32, #tpu.memory_space<hbm>> -> memref<8192xi32, #tpu.memory_space<hbm>>
    %dma_start3A_350 = arith.constant 8192 : i32
    %dma_start3A_351 = tpu.memref_slice %arg2[%select_n3A_346, %dma_start3A_350] : memref<26x16384xi32, #tpu.memory_space<hbm>> -> memref<1x8192xi32, #tpu.memory_space<hbm>>
    %dma_start3A_352 = tpu.memref_squeeze %dma_start3A_351 : memref<1x8192xi32, #tpu.memory_space<hbm>> -> memref<8192xi32, #tpu.memory_space<hbm>>
    tpu.enqueue_dma source(%dma_start3A_352 : memref<8192xi32, #tpu.memory_space<hbm>>) target(%arg7 : memref<8192xi32, #tpu.memory_space<vmem>>) target_semaphore(%arg10 : memref<!tpu.dma_semaphore, #tpu.memory_space<semaphore_mem>>)
    %dma_wait3A_353 = arith.constant 8192 : i32
    %dma_wait3A_354 = tpu.memref_slice %arg2[%select_n3A_346, %dma_wait3A_353] : memref<26x16384xi32, #tpu.memory_space<hbm>> -> memref<1x8192xi32, #tpu.memory_space<hbm>>
    %dma_wait3A_355 = tpu.memref_squeeze %dma_wait3A_354 : memref<1x8192xi32, #tpu.memory_space<hbm>> -> memref<8192xi32, #tpu.memory_space<hbm>>
    %dma_wait3A_356 = arith.constant 8192 : i32
    %dma_wait3A_357 = tpu.memref_slice %arg2[%select_n3A_346, %dma_wait3A_356] : memref<26x16384xi32, #tpu.memory_space<hbm>> -> memref<1x8192xi32, #tpu.memory_space<hbm>>
    %dma_wait3A_358 = tpu.memref_squeeze %dma_wait3A_357 : memref<1x8192xi32, #tpu.memory_space<hbm>> -> memref<8192xi32, #tpu.memory_space<hbm>>
    tpu.wait_dma2 semaphore(%arg10 : memref<!tpu.dma_semaphore, #tpu.memory_space<semaphore_mem>>) src(%dma_wait3A_358 : memref<8192xi32, #tpu.memory_space<hbm>>) dst(%arg7 : memref<8192xi32, #tpu.memory_space<vmem>>)
    %scan3A_359 = arith.constant 0 : i32
    %scan3A_360 = arith.constant 0 : i32
    %scan3A_361 = arith.constant 128 : i32
    %scan3A_362 = arith.addi %scan3A_360, %scan3A_361 : i32
    %scan3A_363 = arith.constant 1 : i32
    %scan3A_364 = scf.for %scan3A_1682 = %scan3A_360 to %scan3A_362 step %scan3A_363 iter_args(%scan3A_1683 = %scan3A_359) -> (i32)  : i32 {
      %mul3A_1684 = arith.constant 64 : i32
      %mul3A_1685 = arith.muli %scan3A_1682, %mul3A_1684 : i32
      %add3A_1686 = arith.constant 0 : i32
      %add3A_1687 = arith.addi %mul3A_1685, %add3A_1686 : i32
      %get3A = arith.index_cast %add3A_1687 : i32 to index
      %get3A_1688 = tpu.vector_load %arg7[%get3A] {strides = array<i32>} : memref<8192xi32, #tpu.memory_space<vmem>>, vector<16xi32>,
      %gather3A = tpu.vector_load_idx %arg6[%get3A_1688] : memref<100000xf32, #tpu.memory_space<vmem>>[vector<16xi32>], vector<16xf32>,
      %swap3A = arith.index_cast %add3A_1687 : i32 to index
      %swap3A_1689 = tpu.vector_load %arg8[%swap3A] {strides = array<i32>} : memref<8192xf32, #tpu.memory_space<vmem>>, vector<16xf32>,
      tpu.vector_store %arg8[%swap3A], %gather3A {strides = array<i32>} : memref<8192xf32, #tpu.memory_space<vmem>>, vector<16xf32>,
      %add3A_1690 = arith.constant 16 : i32
      %add3A_1691 = arith.addi %mul3A_1685, %add3A_1690 : i32
      %get3A_1692 = arith.index_cast %add3A_1691 : i32 to index
      %get3A_1693 = tpu.vector_load %arg7[%get3A_1692] {strides = array<i32>} : memref<8192xi32, #tpu.memory_space<vmem>>, vector<16xi32>,
      %gather3A_1694 = tpu.vector_load_idx %arg6[%get3A_1693] : memref<100000xf32, #tpu.memory_space<vmem>>[vector<16xi32>], vector<16xf32>,
      %swap3A_1695 = arith.index_cast %add3A_1691 : i32 to index
      %swap3A_1696 = tpu.vector_load %arg8[%swap3A_1695] {strides = array<i32>} : memref<8192xf32, #tpu.memory_space<vmem>>, vector<16xf32>,
      tpu.vector_store %arg8[%swap3A_1695], %gather3A_1694 {strides = array<i32>} : memref<8192xf32, #tpu.memory_space<vmem>>, vector<16xf32>,
      %add3A_1697 = arith.constant 32 : i32
      %add3A_1698 = arith.addi %mul3A_1685, %add3A_1697 : i32
      %get3A_1699 = arith.index_cast %add3A_1698 : i32 to index
      %get3A_1700 = tpu.vector_load %arg7[%get3A_1699] {strides = array<i32>} : memref<8192xi32, #tpu.memory_space<vmem>>, vector<16xi32>,
      %gather3A_1701 = tpu.vector_load_idx %arg6[%get3A_1700] : memref<100000xf32, #tpu.memory_space<vmem>>[vector<16xi32>], vector<16xf32>,
      %swap3A_1702 = arith.index_cast %add3A_1698 : i32 to index
      %swap3A_1703 = tpu.vector_load %arg8[%swap3A_1702] {strides = array<i32>} : memref<8192xf32, #tpu.memory_space<vmem>>, vector<16xf32>,
      tpu.vector_store %arg8[%swap3A_1702], %gather3A_1701 {strides = array<i32>} : memref<8192xf32, #tpu.memory_space<vmem>>, vector<16xf32>,
      %add3A_1704 = arith.constant 48 : i32
      %add3A_1705 = arith.addi %mul3A_1685, %add3A_1704 : i32
      %get3A_1706 = arith.index_cast %add3A_1705 : i32 to index
      %get3A_1707 = tpu.vector_load %arg7[%get3A_1706] {strides = array<i32>} : memref<8192xi32, #tpu.memory_space<vmem>>, vector<16xi32>,
      %gather3A_1708 = tpu.vector_load_idx %arg6[%get3A_1707] : memref<100000xf32, #tpu.memory_space<vmem>>[vector<16xi32>], vector<16xf32>,
      %swap3A_1709 = arith.index_cast %add3A_1705 : i32 to index
      %swap3A_1710 = tpu.vector_load %arg8[%swap3A_1709] {strides = array<i32>} : memref<8192xf32, #tpu.memory_space<vmem>>, vector<16xf32>,
      tpu.vector_store %arg8[%swap3A_1709], %gather3A_1708 {strides = array<i32>} : memref<8192xf32, #tpu.memory_space<vmem>>, vector<16xf32>,
      %scan3A_1711 = arith.constant 0 : i32
      scf.yield %scan3A_1711 : i32
    }
    %scan3A_365 = arith.constant 128 : i32
    %add3A_366 = arith.constant 13 : i32
    %add3A_367 = arith.addi %add3A_366, %add3A_253 : i32
    %dma_start3A_368 = arith.constant 8192 : i32
    %dma_start3A_369 = tpu.memref_slice %arg5[%add3A_367, %dma_start3A_368] : memref<429x16384xf32, #tpu.memory_space<hbm>> -> memref<1x8192xf32, #tpu.memory_space<hbm>>
    %dma_start3A_370 = tpu.memref_squeeze %dma_start3A_369 : memref<1x8192xf32, #tpu.memory_space<hbm>> -> memref<8192xf32, #tpu.memory_space<hbm>>
    %dma_start3A_371 = arith.constant 8192 : i32
    %dma_start3A_372 = tpu.memref_slice %arg5[%add3A_367, %dma_start3A_371] : memref<429x16384xf32, #tpu.memory_space<hbm>> -> memref<1x8192xf32, #tpu.memory_space<hbm>>
    %dma_start3A_373 = tpu.memref_squeeze %dma_start3A_372 : memref<1x8192xf32, #tpu.memory_space<hbm>> -> memref<8192xf32, #tpu.memory_space<hbm>>
    tpu.enqueue_dma source(%arg8 : memref<8192xf32, #tpu.memory_space<vmem>>) target(%dma_start3A_373 : memref<8192xf32, #tpu.memory_space<hbm>>) target_semaphore(%arg11 : memref<!tpu.dma_semaphore, #tpu.memory_space<semaphore_mem>>)
    %dma_wait3A_374 = arith.constant 8192 : i32
    %dma_wait3A_375 = tpu.memref_slice %arg5[%add3A_367, %dma_wait3A_374] : memref<429x16384xf32, #tpu.memory_space<hbm>> -> memref<1x8192xf32, #tpu.memory_space<hbm>>
    %dma_wait3A_376 = tpu.memref_squeeze %dma_wait3A_375 : memref<1x8192xf32, #tpu.memory_space<hbm>> -> memref<8192xf32, #tpu.memory_space<hbm>>
    %dma_wait3A_377 = arith.constant 8192 : i32
    %dma_wait3A_378 = tpu.memref_slice %arg5[%add3A_367, %dma_wait3A_377] : memref<429x16384xf32, #tpu.memory_space<hbm>> -> memref<1x8192xf32, #tpu.memory_space<hbm>>
    %dma_wait3A_379 = tpu.memref_squeeze %dma_wait3A_378 : memref<1x8192xf32, #tpu.memory_space<hbm>> -> memref<8192xf32, #tpu.memory_space<hbm>>
    tpu.wait_dma2 semaphore(%arg11 : memref<!tpu.dma_semaphore, #tpu.memory_space<semaphore_mem>>) src(%arg8 : memref<8192xf32, #tpu.memory_space<vmem>>) dst(%dma_wait3A_379 : memref<8192xf32, #tpu.memory_space<hbm>>)
    %mul3A_380 = arith.constant 13 : i32
    %mul3A_381 = arith.muli %add3A, %mul3A_380 : i32
    %add3A_382 = arith.constant 3 : i32
    %add3A_383 = arith.addi %mul3A_381, %add3A_382 : i32
    %dma_start3A_384 = arith.constant 0 : i32
    %dma_start3A_385 = tpu.memref_slice %arg3[%add3A_383, %dma_start3A_384] : memref<416x100000xf32, #tpu.memory_space<hbm>> -> memref<1x100000xf32, #tpu.memory_space<hbm>>
    %dma_start3A_386 = tpu.memref_squeeze %dma_start3A_385 : memref<1x100000xf32, #tpu.memory_space<hbm>> -> memref<100000xf32, #tpu.memory_space<hbm>>
    %dma_start3A_387 = arith.constant 0 : i32
    %dma_start3A_388 = tpu.memref_slice %arg3[%add3A_383, %dma_start3A_387] : memref<416x100000xf32, #tpu.memory_space<hbm>> -> memref<1x100000xf32, #tpu.memory_space<hbm>>
    %dma_start3A_389 = tpu.memref_squeeze %dma_start3A_388 : memref<1x100000xf32, #tpu.memory_space<hbm>> -> memref<100000xf32, #tpu.memory_space<hbm>>
    tpu.enqueue_dma source(%dma_start3A_389 : memref<100000xf32, #tpu.memory_space<hbm>>) target(%arg6 : memref<100000xf32, #tpu.memory_space<vmem>>) target_semaphore(%arg9 : memref<!tpu.dma_semaphore, #tpu.memory_space<semaphore_mem>>)
    %dma_wait3A_390 = arith.constant 0 : i32
    %dma_wait3A_391 = tpu.memref_slice %arg3[%add3A_383, %dma_wait3A_390] : memref<416x100000xf32, #tpu.memory_space<hbm>> -> memref<1x100000xf32, #tpu.memory_space<hbm>>
    %dma_wait3A_392 = tpu.memref_squeeze %dma_wait3A_391 : memref<1x100000xf32, #tpu.memory_space<hbm>> -> memref<100000xf32, #tpu.memory_space<hbm>>
    %dma_wait3A_393 = arith.constant 0 : i32
    %dma_wait3A_394 = tpu.memref_slice %arg3[%add3A_383, %dma_wait3A_393] : memref<416x100000xf32, #tpu.memory_space<hbm>> -> memref<1x100000xf32, #tpu.memory_space<hbm>>
    %dma_wait3A_395 = tpu.memref_squeeze %dma_wait3A_394 : memref<1x100000xf32, #tpu.memory_space<hbm>> -> memref<100000xf32, #tpu.memory_space<hbm>>
    tpu.wait_dma2 semaphore(%arg9 : memref<!tpu.dma_semaphore, #tpu.memory_space<semaphore_mem>>) src(%dma_wait3A_395 : memref<100000xf32, #tpu.memory_space<hbm>>) dst(%arg6 : memref<100000xf32, #tpu.memory_space<vmem>>)
    %jit3A_396 = arith.constant 16 : i32
    %div3A_397 = arith.divsi %add3A_383, %jit3A_396 : i32
    %sign3A_398 = arith.constant 0 : i32
    %sign3A_399 = arith.cmpi sgt, %add3A_383, %sign3A_398 : i32
    %sign3A_400 = arith.extui %sign3A_399 : i1 to i32
    %sign3A_401 = arith.constant 0 : i32
    %sign3A_402 = arith.cmpi slt, %add3A_383, %sign3A_401 : i32
    %sign3A_403 = arith.extui %sign3A_402 : i1 to i32
    %sign3A_404 = arith.subi %sign3A_400, %sign3A_403 : i32
    %sign3A_405 = arith.constant 0 : i32
    %sign3A_406 = arith.cmpi sgt, %jit3A_396, %sign3A_405 : i32
    %sign3A_407 = arith.extui %sign3A_406 : i1 to i32
    %sign3A_408 = arith.constant 0 : i32
    %sign3A_409 = arith.cmpi slt, %jit3A_396, %sign3A_408 : i32
    %sign3A_410 = arith.extui %sign3A_409 : i1 to i32
    %sign3A_411 = arith.subi %sign3A_407, %sign3A_410 : i32
    %ne3A_412 = arith.cmpi ne, %sign3A_404, %sign3A_411 : i32
    %rem3A_413 = arith.remsi %add3A_383, %jit3A_396 : i32
    %ne3A_414 = arith.constant 0 : i32
    %ne3A_415 = arith.cmpi ne, %rem3A_413, %ne3A_414 : i32
    %and3A_416 = arith.andi %ne3A_412, %ne3A_415 : i1
    %sub3A_417 = arith.constant 1 : i32
    %sub3A_418 = arith.subi %div3A_397, %sub3A_417 : i32
    %select_n3A_419 = arith.select %and3A_416, %sub3A_418, %div3A_397 : i32
    %dma_start3A_420 = arith.constant 0 : i32
    %dma_start3A_421 = tpu.memref_slice %arg2[%select_n3A_419, %dma_start3A_420] : memref<26x16384xi32, #tpu.memory_space<hbm>> -> memref<1x8192xi32, #tpu.memory_space<hbm>>
    %dma_start3A_422 = tpu.memref_squeeze %dma_start3A_421 : memref<1x8192xi32, #tpu.memory_space<hbm>> -> memref<8192xi32, #tpu.memory_space<hbm>>
    %dma_start3A_423 = arith.constant 0 : i32
    %dma_start3A_424 = tpu.memref_slice %arg2[%select_n3A_419, %dma_start3A_423] : memref<26x16384xi32, #tpu.memory_space<hbm>> -> memref<1x8192xi32, #tpu.memory_space<hbm>>
    %dma_start3A_425 = tpu.memref_squeeze %dma_start3A_424 : memref<1x8192xi32, #tpu.memory_space<hbm>> -> memref<8192xi32, #tpu.memory_space<hbm>>
    tpu.enqueue_dma source(%dma_start3A_425 : memref<8192xi32, #tpu.memory_space<hbm>>) target(%arg7 : memref<8192xi32, #tpu.memory_space<vmem>>) target_semaphore(%arg10 : memref<!tpu.dma_semaphore, #tpu.memory_space<semaphore_mem>>)
    %dma_wait3A_426 = arith.constant 0 : i32
    %dma_wait3A_427 = tpu.memref_slice %arg2[%select_n3A_419, %dma_wait3A_426] : memref<26x16384xi32, #tpu.memory_space<hbm>> -> memref<1x8192xi32, #tpu.memory_space<hbm>>
    %dma_wait3A_428 = tpu.memref_squeeze %dma_wait3A_427 : memref<1x8192xi32, #tpu.memory_space<hbm>> -> memref<8192xi32, #tpu.memory_space<hbm>>
    %dma_wait3A_429 = arith.constant 0 : i32
    %dma_wait3A_430 = tpu.memref_slice %arg2[%select_n3A_419, %dma_wait3A_429] : memref<26x16384xi32, #tpu.memory_space<hbm>> -> memref<1x8192xi32, #tpu.memory_space<hbm>>
    %dma_wait3A_431 = tpu.memref_squeeze %dma_wait3A_430 : memref<1x8192xi32, #tpu.memory_space<hbm>> -> memref<8192xi32, #tpu.memory_space<hbm>>
    tpu.wait_dma2 semaphore(%arg10 : memref<!tpu.dma_semaphore, #tpu.memory_space<semaphore_mem>>) src(%dma_wait3A_431 : memref<8192xi32, #tpu.memory_space<hbm>>) dst(%arg7 : memref<8192xi32, #tpu.memory_space<vmem>>)
    %scan3A_432 = arith.constant 0 : i32
    %scan3A_433 = arith.constant 0 : i32
    %scan3A_434 = arith.constant 128 : i32
    %scan3A_435 = arith.addi %scan3A_433, %scan3A_434 : i32
    %scan3A_436 = arith.constant 1 : i32
    %scan3A_437 = scf.for %scan3A_1682 = %scan3A_433 to %scan3A_435 step %scan3A_436 iter_args(%scan3A_1683 = %scan3A_432) -> (i32)  : i32 {
      %mul3A_1684 = arith.constant 64 : i32
      %mul3A_1685 = arith.muli %scan3A_1682, %mul3A_1684 : i32
      %add3A_1686 = arith.constant 0 : i32
      %add3A_1687 = arith.addi %mul3A_1685, %add3A_1686 : i32
      %get3A = arith.index_cast %add3A_1687 : i32 to index
      %get3A_1688 = tpu.vector_load %arg7[%get3A] {strides = array<i32>} : memref<8192xi32, #tpu.memory_space<vmem>>, vector<16xi32>,
      %gather3A = tpu.vector_load_idx %arg6[%get3A_1688] : memref<100000xf32, #tpu.memory_space<vmem>>[vector<16xi32>], vector<16xf32>,
      %swap3A = arith.index_cast %add3A_1687 : i32 to index
      %swap3A_1689 = tpu.vector_load %arg8[%swap3A] {strides = array<i32>} : memref<8192xf32, #tpu.memory_space<vmem>>, vector<16xf32>,
      tpu.vector_store %arg8[%swap3A], %gather3A {strides = array<i32>} : memref<8192xf32, #tpu.memory_space<vmem>>, vector<16xf32>,
      %add3A_1690 = arith.constant 16 : i32
      %add3A_1691 = arith.addi %mul3A_1685, %add3A_1690 : i32
      %get3A_1692 = arith.index_cast %add3A_1691 : i32 to index
      %get3A_1693 = tpu.vector_load %arg7[%get3A_1692] {strides = array<i32>} : memref<8192xi32, #tpu.memory_space<vmem>>, vector<16xi32>,
      %gather3A_1694 = tpu.vector_load_idx %arg6[%get3A_1693] : memref<100000xf32, #tpu.memory_space<vmem>>[vector<16xi32>], vector<16xf32>,
      %swap3A_1695 = arith.index_cast %add3A_1691 : i32 to index
      %swap3A_1696 = tpu.vector_load %arg8[%swap3A_1695] {strides = array<i32>} : memref<8192xf32, #tpu.memory_space<vmem>>, vector<16xf32>,
      tpu.vector_store %arg8[%swap3A_1695], %gather3A_1694 {strides = array<i32>} : memref<8192xf32, #tpu.memory_space<vmem>>, vector<16xf32>,
      %add3A_1697 = arith.constant 32 : i32
      %add3A_1698 = arith.addi %mul3A_1685, %add3A_1697 : i32
      %get3A_1699 = arith.index_cast %add3A_1698 : i32 to index
      %get3A_1700 = tpu.vector_load %arg7[%get3A_1699] {strides = array<i32>} : memref<8192xi32, #tpu.memory_space<vmem>>, vector<16xi32>,
      %gather3A_1701 = tpu.vector_load_idx %arg6[%get3A_1700] : memref<100000xf32, #tpu.memory_space<vmem>>[vector<16xi32>], vector<16xf32>,
      %swap3A_1702 = arith.index_cast %add3A_1698 : i32 to index
      %swap3A_1703 = tpu.vector_load %arg8[%swap3A_1702] {strides = array<i32>} : memref<8192xf32, #tpu.memory_space<vmem>>, vector<16xf32>,
      tpu.vector_store %arg8[%swap3A_1702], %gather3A_1701 {strides = array<i32>} : memref<8192xf32, #tpu.memory_space<vmem>>, vector<16xf32>,
      %add3A_1704 = arith.constant 48 : i32
      %add3A_1705 = arith.addi %mul3A_1685, %add3A_1704 : i32
      %get3A_1706 = arith.index_cast %add3A_1705 : i32 to index
      %get3A_1707 = tpu.vector_load %arg7[%get3A_1706] {strides = array<i32>} : memref<8192xi32, #tpu.memory_space<vmem>>, vector<16xi32>,
      %gather3A_1708 = tpu.vector_load_idx %arg6[%get3A_1707] : memref<100000xf32, #tpu.memory_space<vmem>>[vector<16xi32>], vector<16xf32>,
      %swap3A_1709 = arith.index_cast %add3A_1705 : i32 to index
      %swap3A_1710 = tpu.vector_load %arg8[%swap3A_1709] {strides = array<i32>} : memref<8192xf32, #tpu.memory_space<vmem>>, vector<16xf32>,
      tpu.vector_store %arg8[%swap3A_1709], %gather3A_1708 {strides = array<i32>} : memref<8192xf32, #tpu.memory_space<vmem>>, vector<16xf32>,
      %scan3A_1711 = arith.constant 0 : i32
      scf.yield %scan3A_1711 : i32
    }
    %scan3A_438 = arith.constant 128 : i32
    %add3A_439 = arith.constant 13 : i32
    %add3A_440 = arith.addi %add3A_439, %add3A_383 : i32
    %dma_start3A_441 = arith.constant 0 : i32
    %dma_start3A_442 = tpu.memref_slice %arg5[%add3A_440, %dma_start3A_441] : memref<429x16384xf32, #tpu.memory_space<hbm>> -> memref<1x8192xf32, #tpu.memory_space<hbm>>
    %dma_start3A_443 = tpu.memref_squeeze %dma_start3A_442 : memref<1x8192xf32, #tpu.memory_space<hbm>> -> memref<8192xf32, #tpu.memory_space<hbm>>
    %dma_start3A_444 = arith.constant 0 : i32
    %dma_start3A_445 = tpu.memref_slice %arg5[%add3A_440, %dma_start3A_444] : memref<429x16384xf32, #tpu.memory_space<hbm>> -> memref<1x8192xf32, #tpu.memory_space<hbm>>
    %dma_start3A_446 = tpu.memref_squeeze %dma_start3A_445 : memref<1x8192xf32, #tpu.memory_space<hbm>> -> memref<8192xf32, #tpu.memory_space<hbm>>
    tpu.enqueue_dma source(%arg8 : memref<8192xf32, #tpu.memory_space<vmem>>) target(%dma_start3A_446 : memref<8192xf32, #tpu.memory_space<hbm>>) target_semaphore(%arg11 : memref<!tpu.dma_semaphore, #tpu.memory_space<semaphore_mem>>)
    %dma_wait3A_447 = arith.constant 0 : i32
    %dma_wait3A_448 = tpu.memref_slice %arg5[%add3A_440, %dma_wait3A_447] : memref<429x16384xf32, #tpu.memory_space<hbm>> -> memref<1x8192xf32, #tpu.memory_space<hbm>>
    %dma_wait3A_449 = tpu.memref_squeeze %dma_wait3A_448 : memref<1x8192xf32, #tpu.memory_space<hbm>> -> memref<8192xf32, #tpu.memory_space<hbm>>
    %dma_wait3A_450 = arith.constant 0 : i32
    %dma_wait3A_451 = tpu.memref_slice %arg5[%add3A_440, %dma_wait3A_450] : memref<429x16384xf32, #tpu.memory_space<hbm>> -> memref<1x8192xf32, #tpu.memory_space<hbm>>
    %dma_wait3A_452 = tpu.memref_squeeze %dma_wait3A_451 : memref<1x8192xf32, #tpu.memory_space<hbm>> -> memref<8192xf32, #tpu.memory_space<hbm>>
    tpu.wait_dma2 semaphore(%arg11 : memref<!tpu.dma_semaphore, #tpu.memory_space<semaphore_mem>>) src(%arg8 : memref<8192xf32, #tpu.memory_space<vmem>>) dst(%dma_wait3A_452 : memref<8192xf32, #tpu.memory_space<hbm>>)
    %jit3A_453 = arith.constant 16 : i32
    %div3A_454 = arith.divsi %add3A_383, %jit3A_453 : i32
    %sign3A_455 = arith.constant 0 : i32
    %sign3A_456 = arith.cmpi sgt, %add3A_383, %sign3A_455 : i32
    %sign3A_457 = arith.extui %sign3A_456 : i1 to i32
    %sign3A_458 = arith.constant 0 : i32
    %sign3A_459 = arith.cmpi slt, %add3A_383, %sign3A_458 : i32
    %sign3A_460 = arith.extui %sign3A_459 : i1 to i32
    %sign3A_461 = arith.subi %sign3A_457, %sign3A_460 : i32
    %sign3A_462 = arith.constant 0 : i32
    %sign3A_463 = arith.cmpi sgt, %jit3A_453, %sign3A_462 : i32
    %sign3A_464 = arith.extui %sign3A_463 : i1 to i32
    %sign3A_465 = arith.constant 0 : i32
    %sign3A_466 = arith.cmpi slt, %jit3A_453, %sign3A_465 : i32
    %sign3A_467 = arith.extui %sign3A_466 : i1 to i32
    %sign3A_468 = arith.subi %sign3A_464, %sign3A_467 : i32
    %ne3A_469 = arith.cmpi ne, %sign3A_461, %sign3A_468 : i32
    %rem3A_470 = arith.remsi %add3A_383, %jit3A_453 : i32
    %ne3A_471 = arith.constant 0 : i32
    %ne3A_472 = arith.cmpi ne, %rem3A_470, %ne3A_471 : i32
    %and3A_473 = arith.andi %ne3A_469, %ne3A_472 : i1
    %sub3A_474 = arith.constant 1 : i32
    %sub3A_475 = arith.subi %div3A_454, %sub3A_474 : i32
    %select_n3A_476 = arith.select %and3A_473, %sub3A_475, %div3A_454 : i32
    %dma_start3A_477 = arith.constant 8192 : i32
    %dma_start3A_478 = tpu.memref_slice %arg2[%select_n3A_476, %dma_start3A_477] : memref<26x16384xi32, #tpu.memory_space<hbm>> -> memref<1x8192xi32, #tpu.memory_space<hbm>>
    %dma_start3A_479 = tpu.memref_squeeze %dma_start3A_478 : memref<1x8192xi32, #tpu.memory_space<hbm>> -> memref<8192xi32, #tpu.memory_space<hbm>>
    %dma_start3A_480 = arith.constant 8192 : i32
    %dma_start3A_481 = tpu.memref_slice %arg2[%select_n3A_476, %dma_start3A_480] : memref<26x16384xi32, #tpu.memory_space<hbm>> -> memref<1x8192xi32, #tpu.memory_space<hbm>>
    %dma_start3A_482 = tpu.memref_squeeze %dma_start3A_481 : memref<1x8192xi32, #tpu.memory_space<hbm>> -> memref<8192xi32, #tpu.memory_space<hbm>>
    tpu.enqueue_dma source(%dma_start3A_482 : memref<8192xi32, #tpu.memory_space<hbm>>) target(%arg7 : memref<8192xi32, #tpu.memory_space<vmem>>) target_semaphore(%arg10 : memref<!tpu.dma_semaphore, #tpu.memory_space<semaphore_mem>>)
    %dma_wait3A_483 = arith.constant 8192 : i32
    %dma_wait3A_484 = tpu.memref_slice %arg2[%select_n3A_476, %dma_wait3A_483] : memref<26x16384xi32, #tpu.memory_space<hbm>> -> memref<1x8192xi32, #tpu.memory_space<hbm>>
    %dma_wait3A_485 = tpu.memref_squeeze %dma_wait3A_484 : memref<1x8192xi32, #tpu.memory_space<hbm>> -> memref<8192xi32, #tpu.memory_space<hbm>>
    %dma_wait3A_486 = arith.constant 8192 : i32
    %dma_wait3A_487 = tpu.memref_slice %arg2[%select_n3A_476, %dma_wait3A_486] : memref<26x16384xi32, #tpu.memory_space<hbm>> -> memref<1x8192xi32, #tpu.memory_space<hbm>>
    %dma_wait3A_488 = tpu.memref_squeeze %dma_wait3A_487 : memref<1x8192xi32, #tpu.memory_space<hbm>> -> memref<8192xi32, #tpu.memory_space<hbm>>
    tpu.wait_dma2 semaphore(%arg10 : memref<!tpu.dma_semaphore, #tpu.memory_space<semaphore_mem>>) src(%dma_wait3A_488 : memref<8192xi32, #tpu.memory_space<hbm>>) dst(%arg7 : memref<8192xi32, #tpu.memory_space<vmem>>)
    %scan3A_489 = arith.constant 0 : i32
    %scan3A_490 = arith.constant 0 : i32
    %scan3A_491 = arith.constant 128 : i32
    %scan3A_492 = arith.addi %scan3A_490, %scan3A_491 : i32
    %scan3A_493 = arith.constant 1 : i32
    %scan3A_494 = scf.for %scan3A_1682 = %scan3A_490 to %scan3A_492 step %scan3A_493 iter_args(%scan3A_1683 = %scan3A_489) -> (i32)  : i32 {
      %mul3A_1684 = arith.constant 64 : i32
      %mul3A_1685 = arith.muli %scan3A_1682, %mul3A_1684 : i32
      %add3A_1686 = arith.constant 0 : i32
      %add3A_1687 = arith.addi %mul3A_1685, %add3A_1686 : i32
      %get3A = arith.index_cast %add3A_1687 : i32 to index
      %get3A_1688 = tpu.vector_load %arg7[%get3A] {strides = array<i32>} : memref<8192xi32, #tpu.memory_space<vmem>>, vector<16xi32>,
      %gather3A = tpu.vector_load_idx %arg6[%get3A_1688] : memref<100000xf32, #tpu.memory_space<vmem>>[vector<16xi32>], vector<16xf32>,
      %swap3A = arith.index_cast %add3A_1687 : i32 to index
      %swap3A_1689 = tpu.vector_load %arg8[%swap3A] {strides = array<i32>} : memref<8192xf32, #tpu.memory_space<vmem>>, vector<16xf32>,
      tpu.vector_store %arg8[%swap3A], %gather3A {strides = array<i32>} : memref<8192xf32, #tpu.memory_space<vmem>>, vector<16xf32>,
      %add3A_1690 = arith.constant 16 : i32
      %add3A_1691 = arith.addi %mul3A_1685, %add3A_1690 : i32
      %get3A_1692 = arith.index_cast %add3A_1691 : i32 to index
      %get3A_1693 = tpu.vector_load %arg7[%get3A_1692] {strides = array<i32>} : memref<8192xi32, #tpu.memory_space<vmem>>, vector<16xi32>,
      %gather3A_1694 = tpu.vector_load_idx %arg6[%get3A_1693] : memref<100000xf32, #tpu.memory_space<vmem>>[vector<16xi32>], vector<16xf32>,
      %swap3A_1695 = arith.index_cast %add3A_1691 : i32 to index
      %swap3A_1696 = tpu.vector_load %arg8[%swap3A_1695] {strides = array<i32>} : memref<8192xf32, #tpu.memory_space<vmem>>, vector<16xf32>,
      tpu.vector_store %arg8[%swap3A_1695], %gather3A_1694 {strides = array<i32>} : memref<8192xf32, #tpu.memory_space<vmem>>, vector<16xf32>,
      %add3A_1697 = arith.constant 32 : i32
      %add3A_1698 = arith.addi %mul3A_1685, %add3A_1697 : i32
      %get3A_1699 = arith.index_cast %add3A_1698 : i32 to index
      %get3A_1700 = tpu.vector_load %arg7[%get3A_1699] {strides = array<i32>} : memref<8192xi32, #tpu.memory_space<vmem>>, vector<16xi32>,
      %gather3A_1701 = tpu.vector_load_idx %arg6[%get3A_1700] : memref<100000xf32, #tpu.memory_space<vmem>>[vector<16xi32>], vector<16xf32>,
      %swap3A_1702 = arith.index_cast %add3A_1698 : i32 to index
      %swap3A_1703 = tpu.vector_load %arg8[%swap3A_1702] {strides = array<i32>} : memref<8192xf32, #tpu.memory_space<vmem>>, vector<16xf32>,
      tpu.vector_store %arg8[%swap3A_1702], %gather3A_1701 {strides = array<i32>} : memref<8192xf32, #tpu.memory_space<vmem>>, vector<16xf32>,
      %add3A_1704 = arith.constant 48 : i32
      %add3A_1705 = arith.addi %mul3A_1685, %add3A_1704 : i32
      %get3A_1706 = arith.index_cast %add3A_1705 : i32 to index
      %get3A_1707 = tpu.vector_load %arg7[%get3A_1706] {strides = array<i32>} : memref<8192xi32, #tpu.memory_space<vmem>>, vector<16xi32>,
      %gather3A_1708 = tpu.vector_load_idx %arg6[%get3A_1707] : memref<100000xf32, #tpu.memory_space<vmem>>[vector<16xi32>], vector<16xf32>,
      %swap3A_1709 = arith.index_cast %add3A_1705 : i32 to index
      %swap3A_1710 = tpu.vector_load %arg8[%swap3A_1709] {strides = array<i32>} : memref<8192xf32, #tpu.memory_space<vmem>>, vector<16xf32>,
      tpu.vector_store %arg8[%swap3A_1709], %gather3A_1708 {strides = array<i32>} : memref<8192xf32, #tpu.memory_space<vmem>>, vector<16xf32>,
      %scan3A_1711 = arith.constant 0 : i32
      scf.yield %scan3A_1711 : i32
    }
    %scan3A_495 = arith.constant 128 : i32
    %add3A_496 = arith.constant 13 : i32
    %add3A_497 = arith.addi %add3A_496, %add3A_383 : i32
    %dma_start3A_498 = arith.constant 8192 : i32
    %dma_start3A_499 = tpu.memref_slice %arg5[%add3A_497, %dma_start3A_498] : memref<429x16384xf32, #tpu.memory_space<hbm>> -> memref<1x8192xf32, #tpu.memory_space<hbm>>
    %dma_start3A_500 = tpu.memref_squeeze %dma_start3A_499 : memref<1x8192xf32, #tpu.memory_space<hbm>> -> memref<8192xf32, #tpu.memory_space<hbm>>
    %dma_start3A_501 = arith.constant 8192 : i32
    %dma_start3A_502 = tpu.memref_slice %arg5[%add3A_497, %dma_start3A_501] : memref<429x16384xf32, #tpu.memory_space<hbm>> -> memref<1x8192xf32, #tpu.memory_space<hbm>>
    %dma_start3A_503 = tpu.memref_squeeze %dma_start3A_502 : memref<1x8192xf32, #tpu.memory_space<hbm>> -> memref<8192xf32, #tpu.memory_space<hbm>>
    tpu.enqueue_dma source(%arg8 : memref<8192xf32, #tpu.memory_space<vmem>>) target(%dma_start3A_503 : memref<8192xf32, #tpu.memory_space<hbm>>) target_semaphore(%arg11 : memref<!tpu.dma_semaphore, #tpu.memory_space<semaphore_mem>>)
    %dma_wait3A_504 = arith.constant 8192 : i32
    %dma_wait3A_505 = tpu.memref_slice %arg5[%add3A_497, %dma_wait3A_504] : memref<429x16384xf32, #tpu.memory_space<hbm>> -> memref<1x8192xf32, #tpu.memory_space<hbm>>
    %dma_wait3A_506 = tpu.memref_squeeze %dma_wait3A_505 : memref<1x8192xf32, #tpu.memory_space<hbm>> -> memref<8192xf32, #tpu.memory_space<hbm>>
    %dma_wait3A_507 = arith.constant 8192 : i32
    %dma_wait3A_508 = tpu.memref_slice %arg5[%add3A_497, %dma_wait3A_507] : memref<429x16384xf32, #tpu.memory_space<hbm>> -> memref<1x8192xf32, #tpu.memory_space<hbm>>
    %dma_wait3A_509 = tpu.memref_squeeze %dma_wait3A_508 : memref<1x8192xf32, #tpu.memory_space<hbm>> -> memref<8192xf32, #tpu.memory_space<hbm>>
    tpu.wait_dma2 semaphore(%arg11 : memref<!tpu.dma_semaphore, #tpu.memory_space<semaphore_mem>>) src(%arg8 : memref<8192xf32, #tpu.memory_space<vmem>>) dst(%dma_wait3A_509 : memref<8192xf32, #tpu.memory_space<hbm>>)
    %mul3A_510 = arith.constant 13 : i32
    %mul3A_511 = arith.muli %add3A, %mul3A_510 : i32
    %add3A_512 = arith.constant 4 : i32
    %add3A_513 = arith.addi %mul3A_511, %add3A_512 : i32
    %dma_start3A_514 = arith.constant 0 : i32
    %dma_start3A_515 = tpu.memref_slice %arg3[%add3A_513, %dma_start3A_514] : memref<416x100000xf32, #tpu.memory_space<hbm>> -> memref<1x100000xf32, #tpu.memory_space<hbm>>
    %dma_start3A_516 = tpu.memref_squeeze %dma_start3A_515 : memref<1x100000xf32, #tpu.memory_space<hbm>> -> memref<100000xf32, #tpu.memory_space<hbm>>
    %dma_start3A_517 = arith.constant 0 : i32
    %dma_start3A_518 = tpu.memref_slice %arg3[%add3A_513, %dma_start3A_517] : memref<416x100000xf32, #tpu.memory_space<hbm>> -> memref<1x100000xf32, #tpu.memory_space<hbm>>
    %dma_start3A_519 = tpu.memref_squeeze %dma_start3A_518 : memref<1x100000xf32, #tpu.memory_space<hbm>> -> memref<100000xf32, #tpu.memory_space<hbm>>
    tpu.enqueue_dma source(%dma_start3A_519 : memref<100000xf32, #tpu.memory_space<hbm>>) target(%arg6 : memref<100000xf32, #tpu.memory_space<vmem>>) target_semaphore(%arg9 : memref<!tpu.dma_semaphore, #tpu.memory_space<semaphore_mem>>)
    %dma_wait3A_520 = arith.constant 0 : i32
    %dma_wait3A_521 = tpu.memref_slice %arg3[%add3A_513, %dma_wait3A_520] : memref<416x100000xf32, #tpu.memory_space<hbm>> -> memref<1x100000xf32, #tpu.memory_space<hbm>>
    %dma_wait3A_522 = tpu.memref_squeeze %dma_wait3A_521 : memref<1x100000xf32, #tpu.memory_space<hbm>> -> memref<100000xf32, #tpu.memory_space<hbm>>
    %dma_wait3A_523 = arith.constant 0 : i32
    %dma_wait3A_524 = tpu.memref_slice %arg3[%add3A_513, %dma_wait3A_523] : memref<416x100000xf32, #tpu.memory_space<hbm>> -> memref<1x100000xf32, #tpu.memory_space<hbm>>
    %dma_wait3A_525 = tpu.memref_squeeze %dma_wait3A_524 : memref<1x100000xf32, #tpu.memory_space<hbm>> -> memref<100000xf32, #tpu.memory_space<hbm>>
    tpu.wait_dma2 semaphore(%arg9 : memref<!tpu.dma_semaphore, #tpu.memory_space<semaphore_mem>>) src(%dma_wait3A_525 : memref<100000xf32, #tpu.memory_space<hbm>>) dst(%arg6 : memref<100000xf32, #tpu.memory_space<vmem>>)
    %jit3A_526 = arith.constant 16 : i32
    %div3A_527 = arith.divsi %add3A_513, %jit3A_526 : i32
    %sign3A_528 = arith.constant 0 : i32
    %sign3A_529 = arith.cmpi sgt, %add3A_513, %sign3A_528 : i32
    %sign3A_530 = arith.extui %sign3A_529 : i1 to i32
    %sign3A_531 = arith.constant 0 : i32
    %sign3A_532 = arith.cmpi slt, %add3A_513, %sign3A_531 : i32
    %sign3A_533 = arith.extui %sign3A_532 : i1 to i32
    %sign3A_534 = arith.subi %sign3A_530, %sign3A_533 : i32
    %sign3A_535 = arith.constant 0 : i32
    %sign3A_536 = arith.cmpi sgt, %jit3A_526, %sign3A_535 : i32
    %sign3A_537 = arith.extui %sign3A_536 : i1 to i32
    %sign3A_538 = arith.constant 0 : i32
    %sign3A_539 = arith.cmpi slt, %jit3A_526, %sign3A_538 : i32
    %sign3A_540 = arith.extui %sign3A_539 : i1 to i32
    %sign3A_541 = arith.subi %sign3A_537, %sign3A_540 : i32
    %ne3A_542 = arith.cmpi ne, %sign3A_534, %sign3A_541 : i32
    %rem3A_543 = arith.remsi %add3A_513, %jit3A_526 : i32
    %ne3A_544 = arith.constant 0 : i32
    %ne3A_545 = arith.cmpi ne, %rem3A_543, %ne3A_544 : i32
    %and3A_546 = arith.andi %ne3A_542, %ne3A_545 : i1
    %sub3A_547 = arith.constant 1 : i32
    %sub3A_548 = arith.subi %div3A_527, %sub3A_547 : i32
    %select_n3A_549 = arith.select %and3A_546, %sub3A_548, %div3A_527 : i32
    %dma_start3A_550 = arith.constant 0 : i32
    %dma_start3A_551 = tpu.memref_slice %arg2[%select_n3A_549, %dma_start3A_550] : memref<26x16384xi32, #tpu.memory_space<hbm>> -> memref<1x8192xi32, #tpu.memory_space<hbm>>
    %dma_start3A_552 = tpu.memref_squeeze %dma_start3A_551 : memref<1x8192xi32, #tpu.memory_space<hbm>> -> memref<8192xi32, #tpu.memory_space<hbm>>
    %dma_start3A_553 = arith.constant 0 : i32
    %dma_start3A_554 = tpu.memref_slice %arg2[%select_n3A_549, %dma_start3A_553] : memref<26x16384xi32, #tpu.memory_space<hbm>> -> memref<1x8192xi32, #tpu.memory_space<hbm>>
    %dma_start3A_555 = tpu.memref_squeeze %dma_start3A_554 : memref<1x8192xi32, #tpu.memory_space<hbm>> -> memref<8192xi32, #tpu.memory_space<hbm>>
    tpu.enqueue_dma source(%dma_start3A_555 : memref<8192xi32, #tpu.memory_space<hbm>>) target(%arg7 : memref<8192xi32, #tpu.memory_space<vmem>>) target_semaphore(%arg10 : memref<!tpu.dma_semaphore, #tpu.memory_space<semaphore_mem>>)
    %dma_wait3A_556 = arith.constant 0 : i32
    %dma_wait3A_557 = tpu.memref_slice %arg2[%select_n3A_549, %dma_wait3A_556] : memref<26x16384xi32, #tpu.memory_space<hbm>> -> memref<1x8192xi32, #tpu.memory_space<hbm>>
    %dma_wait3A_558 = tpu.memref_squeeze %dma_wait3A_557 : memref<1x8192xi32, #tpu.memory_space<hbm>> -> memref<8192xi32, #tpu.memory_space<hbm>>
    %dma_wait3A_559 = arith.constant 0 : i32
    %dma_wait3A_560 = tpu.memref_slice %arg2[%select_n3A_549, %dma_wait3A_559] : memref<26x16384xi32, #tpu.memory_space<hbm>> -> memref<1x8192xi32, #tpu.memory_space<hbm>>
    %dma_wait3A_561 = tpu.memref_squeeze %dma_wait3A_560 : memref<1x8192xi32, #tpu.memory_space<hbm>> -> memref<8192xi32, #tpu.memory_space<hbm>>
    tpu.wait_dma2 semaphore(%arg10 : memref<!tpu.dma_semaphore, #tpu.memory_space<semaphore_mem>>) src(%dma_wait3A_561 : memref<8192xi32, #tpu.memory_space<hbm>>) dst(%arg7 : memref<8192xi32, #tpu.memory_space<vmem>>)
    %scan3A_562 = arith.constant 0 : i32
    %scan3A_563 = arith.constant 0 : i32
    %scan3A_564 = arith.constant 128 : i32
    %scan3A_565 = arith.addi %scan3A_563, %scan3A_564 : i32
    %scan3A_566 = arith.constant 1 : i32
    %scan3A_567 = scf.for %scan3A_1682 = %scan3A_563 to %scan3A_565 step %scan3A_566 iter_args(%scan3A_1683 = %scan3A_562) -> (i32)  : i32 {
      %mul3A_1684 = arith.constant 64 : i32
      %mul3A_1685 = arith.muli %scan3A_1682, %mul3A_1684 : i32
      %add3A_1686 = arith.constant 0 : i32
      %add3A_1687 = arith.addi %mul3A_1685, %add3A_1686 : i32
      %get3A = arith.index_cast %add3A_1687 : i32 to index
      %get3A_1688 = tpu.vector_load %arg7[%get3A] {strides = array<i32>} : memref<8192xi32, #tpu.memory_space<vmem>>, vector<16xi32>,
      %gather3A = tpu.vector_load_idx %arg6[%get3A_1688] : memref<100000xf32, #tpu.memory_space<vmem>>[vector<16xi32>], vector<16xf32>,
      %swap3A = arith.index_cast %add3A_1687 : i32 to index
      %swap3A_1689 = tpu.vector_load %arg8[%swap3A] {strides = array<i32>} : memref<8192xf32, #tpu.memory_space<vmem>>, vector<16xf32>,
      tpu.vector_store %arg8[%swap3A], %gather3A {strides = array<i32>} : memref<8192xf32, #tpu.memory_space<vmem>>, vector<16xf32>,
      %add3A_1690 = arith.constant 16 : i32
      %add3A_1691 = arith.addi %mul3A_1685, %add3A_1690 : i32
      %get3A_1692 = arith.index_cast %add3A_1691 : i32 to index
      %get3A_1693 = tpu.vector_load %arg7[%get3A_1692] {strides = array<i32>} : memref<8192xi32, #tpu.memory_space<vmem>>, vector<16xi32>,
      %gather3A_1694 = tpu.vector_load_idx %arg6[%get3A_1693] : memref<100000xf32, #tpu.memory_space<vmem>>[vector<16xi32>], vector<16xf32>,
      %swap3A_1695 = arith.index_cast %add3A_1691 : i32 to index
      %swap3A_1696 = tpu.vector_load %arg8[%swap3A_1695] {strides = array<i32>} : memref<8192xf32, #tpu.memory_space<vmem>>, vector<16xf32>,
      tpu.vector_store %arg8[%swap3A_1695], %gather3A_1694 {strides = array<i32>} : memref<8192xf32, #tpu.memory_space<vmem>>, vector<16xf32>,
      %add3A_1697 = arith.constant 32 : i32
      %add3A_1698 = arith.addi %mul3A_1685, %add3A_1697 : i32
      %get3A_1699 = arith.index_cast %add3A_1698 : i32 to index
      %get3A_1700 = tpu.vector_load %arg7[%get3A_1699] {strides = array<i32>} : memref<8192xi32, #tpu.memory_space<vmem>>, vector<16xi32>,
      %gather3A_1701 = tpu.vector_load_idx %arg6[%get3A_1700] : memref<100000xf32, #tpu.memory_space<vmem>>[vector<16xi32>], vector<16xf32>,
      %swap3A_1702 = arith.index_cast %add3A_1698 : i32 to index
      %swap3A_1703 = tpu.vector_load %arg8[%swap3A_1702] {strides = array<i32>} : memref<8192xf32, #tpu.memory_space<vmem>>, vector<16xf32>,
      tpu.vector_store %arg8[%swap3A_1702], %gather3A_1701 {strides = array<i32>} : memref<8192xf32, #tpu.memory_space<vmem>>, vector<16xf32>,
      %add3A_1704 = arith.constant 48 : i32
      %add3A_1705 = arith.addi %mul3A_1685, %add3A_1704 : i32
      %get3A_1706 = arith.index_cast %add3A_1705 : i32 to index
      %get3A_1707 = tpu.vector_load %arg7[%get3A_1706] {strides = array<i32>} : memref<8192xi32, #tpu.memory_space<vmem>>, vector<16xi32>,
      %gather3A_1708 = tpu.vector_load_idx %arg6[%get3A_1707] : memref<100000xf32, #tpu.memory_space<vmem>>[vector<16xi32>], vector<16xf32>,
      %swap3A_1709 = arith.index_cast %add3A_1705 : i32 to index
      %swap3A_1710 = tpu.vector_load %arg8[%swap3A_1709] {strides = array<i32>} : memref<8192xf32, #tpu.memory_space<vmem>>, vector<16xf32>,
      tpu.vector_store %arg8[%swap3A_1709], %gather3A_1708 {strides = array<i32>} : memref<8192xf32, #tpu.memory_space<vmem>>, vector<16xf32>,
      %scan3A_1711 = arith.constant 0 : i32
      scf.yield %scan3A_1711 : i32
    }
    %scan3A_568 = arith.constant 128 : i32
    %add3A_569 = arith.constant 13 : i32
    %add3A_570 = arith.addi %add3A_569, %add3A_513 : i32
    %dma_start3A_571 = arith.constant 0 : i32
    %dma_start3A_572 = tpu.memref_slice %arg5[%add3A_570, %dma_start3A_571] : memref<429x16384xf32, #tpu.memory_space<hbm>> -> memref<1x8192xf32, #tpu.memory_space<hbm>>
    %dma_start3A_573 = tpu.memref_squeeze %dma_start3A_572 : memref<1x8192xf32, #tpu.memory_space<hbm>> -> memref<8192xf32, #tpu.memory_space<hbm>>
    %dma_start3A_574 = arith.constant 0 : i32
    %dma_start3A_575 = tpu.memref_slice %arg5[%add3A_570, %dma_start3A_574] : memref<429x16384xf32, #tpu.memory_space<hbm>> -> memref<1x8192xf32, #tpu.memory_space<hbm>>
    %dma_start3A_576 = tpu.memref_squeeze %dma_start3A_575 : memref<1x8192xf32, #tpu.memory_space<hbm>> -> memref<8192xf32, #tpu.memory_space<hbm>>
    tpu.enqueue_dma source(%arg8 : memref<8192xf32, #tpu.memory_space<vmem>>) target(%dma_start3A_576 : memref<8192xf32, #tpu.memory_space<hbm>>) target_semaphore(%arg11 : memref<!tpu.dma_semaphore, #tpu.memory_space<semaphore_mem>>)
    %dma_wait3A_577 = arith.constant 0 : i32
    %dma_wait3A_578 = tpu.memref_slice %arg5[%add3A_570, %dma_wait3A_577] : memref<429x16384xf32, #tpu.memory_space<hbm>> -> memref<1x8192xf32, #tpu.memory_space<hbm>>
    %dma_wait3A_579 = tpu.memref_squeeze %dma_wait3A_578 : memref<1x8192xf32, #tpu.memory_space<hbm>> -> memref<8192xf32, #tpu.memory_space<hbm>>
    %dma_wait3A_580 = arith.constant 0 : i32
    %dma_wait3A_581 = tpu.memref_slice %arg5[%add3A_570, %dma_wait3A_580] : memref<429x16384xf32, #tpu.memory_space<hbm>> -> memref<1x8192xf32, #tpu.memory_space<hbm>>
    %dma_wait3A_582 = tpu.memref_squeeze %dma_wait3A_581 : memref<1x8192xf32, #tpu.memory_space<hbm>> -> memref<8192xf32, #tpu.memory_space<hbm>>
    tpu.wait_dma2 semaphore(%arg11 : memref<!tpu.dma_semaphore, #tpu.memory_space<semaphore_mem>>) src(%arg8 : memref<8192xf32, #tpu.memory_space<vmem>>) dst(%dma_wait3A_582 : memref<8192xf32, #tpu.memory_space<hbm>>)
    %jit3A_583 = arith.constant 16 : i32
    %div3A_584 = arith.divsi %add3A_513, %jit3A_583 : i32
    %sign3A_585 = arith.constant 0 : i32
    %sign3A_586 = arith.cmpi sgt, %add3A_513, %sign3A_585 : i32
    %sign3A_587 = arith.extui %sign3A_586 : i1 to i32
    %sign3A_588 = arith.constant 0 : i32
    %sign3A_589 = arith.cmpi slt, %add3A_513, %sign3A_588 : i32
    %sign3A_590 = arith.extui %sign3A_589 : i1 to i32
    %sign3A_591 = arith.subi %sign3A_587, %sign3A_590 : i32
    %sign3A_592 = arith.constant 0 : i32
    %sign3A_593 = arith.cmpi sgt, %jit3A_583, %sign3A_592 : i32
    %sign3A_594 = arith.extui %sign3A_593 : i1 to i32
    %sign3A_595 = arith.constant 0 : i32
    %sign3A_596 = arith.cmpi slt, %jit3A_583, %sign3A_595 : i32
    %sign3A_597 = arith.extui %sign3A_596 : i1 to i32
    %sign3A_598 = arith.subi %sign3A_594, %sign3A_597 : i32
    %ne3A_599 = arith.cmpi ne, %sign3A_591, %sign3A_598 : i32
    %rem3A_600 = arith.remsi %add3A_513, %jit3A_583 : i32
    %ne3A_601 = arith.constant 0 : i32
    %ne3A_602 = arith.cmpi ne, %rem3A_600, %ne3A_601 : i32
    %and3A_603 = arith.andi %ne3A_599, %ne3A_602 : i1
    %sub3A_604 = arith.constant 1 : i32
    %sub3A_605 = arith.subi %div3A_584, %sub3A_604 : i32
    %select_n3A_606 = arith.select %and3A_603, %sub3A_605, %div3A_584 : i32
    %dma_start3A_607 = arith.constant 8192 : i32
    %dma_start3A_608 = tpu.memref_slice %arg2[%select_n3A_606, %dma_start3A_607] : memref<26x16384xi32, #tpu.memory_space<hbm>> -> memref<1x8192xi32, #tpu.memory_space<hbm>>
    %dma_start3A_609 = tpu.memref_squeeze %dma_start3A_608 : memref<1x8192xi32, #tpu.memory_space<hbm>> -> memref<8192xi32, #tpu.memory_space<hbm>>
    %dma_start3A_610 = arith.constant 8192 : i32
    %dma_start3A_611 = tpu.memref_slice %arg2[%select_n3A_606, %dma_start3A_610] : memref<26x16384xi32, #tpu.memory_space<hbm>> -> memref<1x8192xi32, #tpu.memory_space<hbm>>
    %dma_start3A_612 = tpu.memref_squeeze %dma_start3A_611 : memref<1x8192xi32, #tpu.memory_space<hbm>> -> memref<8192xi32, #tpu.memory_space<hbm>>
    tpu.enqueue_dma source(%dma_start3A_612 : memref<8192xi32, #tpu.memory_space<hbm>>) target(%arg7 : memref<8192xi32, #tpu.memory_space<vmem>>) target_semaphore(%arg10 : memref<!tpu.dma_semaphore, #tpu.memory_space<semaphore_mem>>)
    %dma_wait3A_613 = arith.constant 8192 : i32
    %dma_wait3A_614 = tpu.memref_slice %arg2[%select_n3A_606, %dma_wait3A_613] : memref<26x16384xi32, #tpu.memory_space<hbm>> -> memref<1x8192xi32, #tpu.memory_space<hbm>>
    %dma_wait3A_615 = tpu.memref_squeeze %dma_wait3A_614 : memref<1x8192xi32, #tpu.memory_space<hbm>> -> memref<8192xi32, #tpu.memory_space<hbm>>
    %dma_wait3A_616 = arith.constant 8192 : i32
    %dma_wait3A_617 = tpu.memref_slice %arg2[%select_n3A_606, %dma_wait3A_616] : memref<26x16384xi32, #tpu.memory_space<hbm>> -> memref<1x8192xi32, #tpu.memory_space<hbm>>
    %dma_wait3A_618 = tpu.memref_squeeze %dma_wait3A_617 : memref<1x8192xi32, #tpu.memory_space<hbm>> -> memref<8192xi32, #tpu.memory_space<hbm>>
    tpu.wait_dma2 semaphore(%arg10 : memref<!tpu.dma_semaphore, #tpu.memory_space<semaphore_mem>>) src(%dma_wait3A_618 : memref<8192xi32, #tpu.memory_space<hbm>>) dst(%arg7 : memref<8192xi32, #tpu.memory_space<vmem>>)
    %scan3A_619 = arith.constant 0 : i32
    %scan3A_620 = arith.constant 0 : i32
    %scan3A_621 = arith.constant 128 : i32
    %scan3A_622 = arith.addi %scan3A_620, %scan3A_621 : i32
    %scan3A_623 = arith.constant 1 : i32
    %scan3A_624 = scf.for %scan3A_1682 = %scan3A_620 to %scan3A_622 step %scan3A_623 iter_args(%scan3A_1683 = %scan3A_619) -> (i32)  : i32 {
      %mul3A_1684 = arith.constant 64 : i32
      %mul3A_1685 = arith.muli %scan3A_1682, %mul3A_1684 : i32
      %add3A_1686 = arith.constant 0 : i32
      %add3A_1687 = arith.addi %mul3A_1685, %add3A_1686 : i32
      %get3A = arith.index_cast %add3A_1687 : i32 to index
      %get3A_1688 = tpu.vector_load %arg7[%get3A] {strides = array<i32>} : memref<8192xi32, #tpu.memory_space<vmem>>, vector<16xi32>,
      %gather3A = tpu.vector_load_idx %arg6[%get3A_1688] : memref<100000xf32, #tpu.memory_space<vmem>>[vector<16xi32>], vector<16xf32>,
      %swap3A = arith.index_cast %add3A_1687 : i32 to index
      %swap3A_1689 = tpu.vector_load %arg8[%swap3A] {strides = array<i32>} : memref<8192xf32, #tpu.memory_space<vmem>>, vector<16xf32>,
      tpu.vector_store %arg8[%swap3A], %gather3A {strides = array<i32>} : memref<8192xf32, #tpu.memory_space<vmem>>, vector<16xf32>,
      %add3A_1690 = arith.constant 16 : i32
      %add3A_1691 = arith.addi %mul3A_1685, %add3A_1690 : i32
      %get3A_1692 = arith.index_cast %add3A_1691 : i32 to index
      %get3A_1693 = tpu.vector_load %arg7[%get3A_1692] {strides = array<i32>} : memref<8192xi32, #tpu.memory_space<vmem>>, vector<16xi32>,
      %gather3A_1694 = tpu.vector_load_idx %arg6[%get3A_1693] : memref<100000xf32, #tpu.memory_space<vmem>>[vector<16xi32>], vector<16xf32>,
      %swap3A_1695 = arith.index_cast %add3A_1691 : i32 to index
      %swap3A_1696 = tpu.vector_load %arg8[%swap3A_1695] {strides = array<i32>} : memref<8192xf32, #tpu.memory_space<vmem>>, vector<16xf32>,
      tpu.vector_store %arg8[%swap3A_1695], %gather3A_1694 {strides = array<i32>} : memref<8192xf32, #tpu.memory_space<vmem>>, vector<16xf32>,
      %add3A_1697 = arith.constant 32 : i32
      %add3A_1698 = arith.addi %mul3A_1685, %add3A_1697 : i32
      %get3A_1699 = arith.index_cast %add3A_1698 : i32 to index
      %get3A_1700 = tpu.vector_load %arg7[%get3A_1699] {strides = array<i32>} : memref<8192xi32, #tpu.memory_space<vmem>>, vector<16xi32>,
      %gather3A_1701 = tpu.vector_load_idx %arg6[%get3A_1700] : memref<100000xf32, #tpu.memory_space<vmem>>[vector<16xi32>], vector<16xf32>,
      %swap3A_1702 = arith.index_cast %add3A_1698 : i32 to index
      %swap3A_1703 = tpu.vector_load %arg8[%swap3A_1702] {strides = array<i32>} : memref<8192xf32, #tpu.memory_space<vmem>>, vector<16xf32>,
      tpu.vector_store %arg8[%swap3A_1702], %gather3A_1701 {strides = array<i32>} : memref<8192xf32, #tpu.memory_space<vmem>>, vector<16xf32>,
      %add3A_1704 = arith.constant 48 : i32
      %add3A_1705 = arith.addi %mul3A_1685, %add3A_1704 : i32
      %get3A_1706 = arith.index_cast %add3A_1705 : i32 to index
      %get3A_1707 = tpu.vector_load %arg7[%get3A_1706] {strides = array<i32>} : memref<8192xi32, #tpu.memory_space<vmem>>, vector<16xi32>,
      %gather3A_1708 = tpu.vector_load_idx %arg6[%get3A_1707] : memref<100000xf32, #tpu.memory_space<vmem>>[vector<16xi32>], vector<16xf32>,
      %swap3A_1709 = arith.index_cast %add3A_1705 : i32 to index
      %swap3A_1710 = tpu.vector_load %arg8[%swap3A_1709] {strides = array<i32>} : memref<8192xf32, #tpu.memory_space<vmem>>, vector<16xf32>,
      tpu.vector_store %arg8[%swap3A_1709], %gather3A_1708 {strides = array<i32>} : memref<8192xf32, #tpu.memory_space<vmem>>, vector<16xf32>,
      %scan3A_1711 = arith.constant 0 : i32
      scf.yield %scan3A_1711 : i32
    }
    %scan3A_625 = arith.constant 128 : i32
    %add3A_626 = arith.constant 13 : i32
    %add3A_627 = arith.addi %add3A_626, %add3A_513 : i32
    %dma_start3A_628 = arith.constant 8192 : i32
    %dma_start3A_629 = tpu.memref_slice %arg5[%add3A_627, %dma_start3A_628] : memref<429x16384xf32, #tpu.memory_space<hbm>> -> memref<1x8192xf32, #tpu.memory_space<hbm>>
    %dma_start3A_630 = tpu.memref_squeeze %dma_start3A_629 : memref<1x8192xf32, #tpu.memory_space<hbm>> -> memref<8192xf32, #tpu.memory_space<hbm>>
    %dma_start3A_631 = arith.constant 8192 : i32
    %dma_start3A_632 = tpu.memref_slice %arg5[%add3A_627, %dma_start3A_631] : memref<429x16384xf32, #tpu.memory_space<hbm>> -> memref<1x8192xf32, #tpu.memory_space<hbm>>
    %dma_start3A_633 = tpu.memref_squeeze %dma_start3A_632 : memref<1x8192xf32, #tpu.memory_space<hbm>> -> memref<8192xf32, #tpu.memory_space<hbm>>
    tpu.enqueue_dma source(%arg8 : memref<8192xf32, #tpu.memory_space<vmem>>) target(%dma_start3A_633 : memref<8192xf32, #tpu.memory_space<hbm>>) target_semaphore(%arg11 : memref<!tpu.dma_semaphore, #tpu.memory_space<semaphore_mem>>)
    %dma_wait3A_634 = arith.constant 8192 : i32
    %dma_wait3A_635 = tpu.memref_slice %arg5[%add3A_627, %dma_wait3A_634] : memref<429x16384xf32, #tpu.memory_space<hbm>> -> memref<1x8192xf32, #tpu.memory_space<hbm>>
    %dma_wait3A_636 = tpu.memref_squeeze %dma_wait3A_635 : memref<1x8192xf32, #tpu.memory_space<hbm>> -> memref<8192xf32, #tpu.memory_space<hbm>>
    %dma_wait3A_637 = arith.constant 8192 : i32
    %dma_wait3A_638 = tpu.memref_slice %arg5[%add3A_627, %dma_wait3A_637] : memref<429x16384xf32, #tpu.memory_space<hbm>> -> memref<1x8192xf32, #tpu.memory_space<hbm>>
    %dma_wait3A_639 = tpu.memref_squeeze %dma_wait3A_638 : memref<1x8192xf32, #tpu.memory_space<hbm>> -> memref<8192xf32, #tpu.memory_space<hbm>>
    tpu.wait_dma2 semaphore(%arg11 : memref<!tpu.dma_semaphore, #tpu.memory_space<semaphore_mem>>) src(%arg8 : memref<8192xf32, #tpu.memory_space<vmem>>) dst(%dma_wait3A_639 : memref<8192xf32, #tpu.memory_space<hbm>>)
    %mul3A_640 = arith.constant 13 : i32
    %mul3A_641 = arith.muli %add3A, %mul3A_640 : i32
    %add3A_642 = arith.constant 5 : i32
    %add3A_643 = arith.addi %mul3A_641, %add3A_642 : i32
    %dma_start3A_644 = arith.constant 0 : i32
    %dma_start3A_645 = tpu.memref_slice %arg3[%add3A_643, %dma_start3A_644] : memref<416x100000xf32, #tpu.memory_space<hbm>> -> memref<1x100000xf32, #tpu.memory_space<hbm>>
    %dma_start3A_646 = tpu.memref_squeeze %dma_start3A_645 : memref<1x100000xf32, #tpu.memory_space<hbm>> -> memref<100000xf32, #tpu.memory_space<hbm>>
    %dma_start3A_647 = arith.constant 0 : i32
    %dma_start3A_648 = tpu.memref_slice %arg3[%add3A_643, %dma_start3A_647] : memref<416x100000xf32, #tpu.memory_space<hbm>> -> memref<1x100000xf32, #tpu.memory_space<hbm>>
    %dma_start3A_649 = tpu.memref_squeeze %dma_start3A_648 : memref<1x100000xf32, #tpu.memory_space<hbm>> -> memref<100000xf32, #tpu.memory_space<hbm>>
    tpu.enqueue_dma source(%dma_start3A_649 : memref<100000xf32, #tpu.memory_space<hbm>>) target(%arg6 : memref<100000xf32, #tpu.memory_space<vmem>>) target_semaphore(%arg9 : memref<!tpu.dma_semaphore, #tpu.memory_space<semaphore_mem>>)
    %dma_wait3A_650 = arith.constant 0 : i32
    %dma_wait3A_651 = tpu.memref_slice %arg3[%add3A_643, %dma_wait3A_650] : memref<416x100000xf32, #tpu.memory_space<hbm>> -> memref<1x100000xf32, #tpu.memory_space<hbm>>
    %dma_wait3A_652 = tpu.memref_squeeze %dma_wait3A_651 : memref<1x100000xf32, #tpu.memory_space<hbm>> -> memref<100000xf32, #tpu.memory_space<hbm>>
    %dma_wait3A_653 = arith.constant 0 : i32
    %dma_wait3A_654 = tpu.memref_slice %arg3[%add3A_643, %dma_wait3A_653] : memref<416x100000xf32, #tpu.memory_space<hbm>> -> memref<1x100000xf32, #tpu.memory_space<hbm>>
    %dma_wait3A_655 = tpu.memref_squeeze %dma_wait3A_654 : memref<1x100000xf32, #tpu.memory_space<hbm>> -> memref<100000xf32, #tpu.memory_space<hbm>>
    tpu.wait_dma2 semaphore(%arg9 : memref<!tpu.dma_semaphore, #tpu.memory_space<semaphore_mem>>) src(%dma_wait3A_655 : memref<100000xf32, #tpu.memory_space<hbm>>) dst(%arg6 : memref<100000xf32, #tpu.memory_space<vmem>>)
    %jit3A_656 = arith.constant 16 : i32
    %div3A_657 = arith.divsi %add3A_643, %jit3A_656 : i32
    %sign3A_658 = arith.constant 0 : i32
    %sign3A_659 = arith.cmpi sgt, %add3A_643, %sign3A_658 : i32
    %sign3A_660 = arith.extui %sign3A_659 : i1 to i32
    %sign3A_661 = arith.constant 0 : i32
    %sign3A_662 = arith.cmpi slt, %add3A_643, %sign3A_661 : i32
    %sign3A_663 = arith.extui %sign3A_662 : i1 to i32
    %sign3A_664 = arith.subi %sign3A_660, %sign3A_663 : i32
    %sign3A_665 = arith.constant 0 : i32
    %sign3A_666 = arith.cmpi sgt, %jit3A_656, %sign3A_665 : i32
    %sign3A_667 = arith.extui %sign3A_666 : i1 to i32
    %sign3A_668 = arith.constant 0 : i32
    %sign3A_669 = arith.cmpi slt, %jit3A_656, %sign3A_668 : i32
    %sign3A_670 = arith.extui %sign3A_669 : i1 to i32
    %sign3A_671 = arith.subi %sign3A_667, %sign3A_670 : i32
    %ne3A_672 = arith.cmpi ne, %sign3A_664, %sign3A_671 : i32
    %rem3A_673 = arith.remsi %add3A_643, %jit3A_656 : i32
    %ne3A_674 = arith.constant 0 : i32
    %ne3A_675 = arith.cmpi ne, %rem3A_673, %ne3A_674 : i32
    %and3A_676 = arith.andi %ne3A_672, %ne3A_675 : i1
    %sub3A_677 = arith.constant 1 : i32
    %sub3A_678 = arith.subi %div3A_657, %sub3A_677 : i32
    %select_n3A_679 = arith.select %and3A_676, %sub3A_678, %div3A_657 : i32
    %dma_start3A_680 = arith.constant 0 : i32
    %dma_start3A_681 = tpu.memref_slice %arg2[%select_n3A_679, %dma_start3A_680] : memref<26x16384xi32, #tpu.memory_space<hbm>> -> memref<1x8192xi32, #tpu.memory_space<hbm>>
    %dma_start3A_682 = tpu.memref_squeeze %dma_start3A_681 : memref<1x8192xi32, #tpu.memory_space<hbm>> -> memref<8192xi32, #tpu.memory_space<hbm>>
    %dma_start3A_683 = arith.constant 0 : i32
    %dma_start3A_684 = tpu.memref_slice %arg2[%select_n3A_679, %dma_start3A_683] : memref<26x16384xi32, #tpu.memory_space<hbm>> -> memref<1x8192xi32, #tpu.memory_space<hbm>>
    %dma_start3A_685 = tpu.memref_squeeze %dma_start3A_684 : memref<1x8192xi32, #tpu.memory_space<hbm>> -> memref<8192xi32, #tpu.memory_space<hbm>>
    tpu.enqueue_dma source(%dma_start3A_685 : memref<8192xi32, #tpu.memory_space<hbm>>) target(%arg7 : memref<8192xi32, #tpu.memory_space<vmem>>) target_semaphore(%arg10 : memref<!tpu.dma_semaphore, #tpu.memory_space<semaphore_mem>>)
    %dma_wait3A_686 = arith.constant 0 : i32
    %dma_wait3A_687 = tpu.memref_slice %arg2[%select_n3A_679, %dma_wait3A_686] : memref<26x16384xi32, #tpu.memory_space<hbm>> -> memref<1x8192xi32, #tpu.memory_space<hbm>>
    %dma_wait3A_688 = tpu.memref_squeeze %dma_wait3A_687 : memref<1x8192xi32, #tpu.memory_space<hbm>> -> memref<8192xi32, #tpu.memory_space<hbm>>
    %dma_wait3A_689 = arith.constant 0 : i32
    %dma_wait3A_690 = tpu.memref_slice %arg2[%select_n3A_679, %dma_wait3A_689] : memref<26x16384xi32, #tpu.memory_space<hbm>> -> memref<1x8192xi32, #tpu.memory_space<hbm>>
    %dma_wait3A_691 = tpu.memref_squeeze %dma_wait3A_690 : memref<1x8192xi32, #tpu.memory_space<hbm>> -> memref<8192xi32, #tpu.memory_space<hbm>>
    tpu.wait_dma2 semaphore(%arg10 : memref<!tpu.dma_semaphore, #tpu.memory_space<semaphore_mem>>) src(%dma_wait3A_691 : memref<8192xi32, #tpu.memory_space<hbm>>) dst(%arg7 : memref<8192xi32, #tpu.memory_space<vmem>>)
    %scan3A_692 = arith.constant 0 : i32
    %scan3A_693 = arith.constant 0 : i32
    %scan3A_694 = arith.constant 128 : i32
    %scan3A_695 = arith.addi %scan3A_693, %scan3A_694 : i32
    %scan3A_696 = arith.constant 1 : i32
    %scan3A_697 = scf.for %scan3A_1682 = %scan3A_693 to %scan3A_695 step %scan3A_696 iter_args(%scan3A_1683 = %scan3A_692) -> (i32)  : i32 {
      %mul3A_1684 = arith.constant 64 : i32
      %mul3A_1685 = arith.muli %scan3A_1682, %mul3A_1684 : i32
      %add3A_1686 = arith.constant 0 : i32
      %add3A_1687 = arith.addi %mul3A_1685, %add3A_1686 : i32
      %get3A = arith.index_cast %add3A_1687 : i32 to index
      %get3A_1688 = tpu.vector_load %arg7[%get3A] {strides = array<i32>} : memref<8192xi32, #tpu.memory_space<vmem>>, vector<16xi32>,
      %gather3A = tpu.vector_load_idx %arg6[%get3A_1688] : memref<100000xf32, #tpu.memory_space<vmem>>[vector<16xi32>], vector<16xf32>,
      %swap3A = arith.index_cast %add3A_1687 : i32 to index
      %swap3A_1689 = tpu.vector_load %arg8[%swap3A] {strides = array<i32>} : memref<8192xf32, #tpu.memory_space<vmem>>, vector<16xf32>,
      tpu.vector_store %arg8[%swap3A], %gather3A {strides = array<i32>} : memref<8192xf32, #tpu.memory_space<vmem>>, vector<16xf32>,
      %add3A_1690 = arith.constant 16 : i32
      %add3A_1691 = arith.addi %mul3A_1685, %add3A_1690 : i32
      %get3A_1692 = arith.index_cast %add3A_1691 : i32 to index
      %get3A_1693 = tpu.vector_load %arg7[%get3A_1692] {strides = array<i32>} : memref<8192xi32, #tpu.memory_space<vmem>>, vector<16xi32>,
      %gather3A_1694 = tpu.vector_load_idx %arg6[%get3A_1693] : memref<100000xf32, #tpu.memory_space<vmem>>[vector<16xi32>], vector<16xf32>,
      %swap3A_1695 = arith.index_cast %add3A_1691 : i32 to index
      %swap3A_1696 = tpu.vector_load %arg8[%swap3A_1695] {strides = array<i32>} : memref<8192xf32, #tpu.memory_space<vmem>>, vector<16xf32>,
      tpu.vector_store %arg8[%swap3A_1695], %gather3A_1694 {strides = array<i32>} : memref<8192xf32, #tpu.memory_space<vmem>>, vector<16xf32>,
      %add3A_1697 = arith.constant 32 : i32
      %add3A_1698 = arith.addi %mul3A_1685, %add3A_1697 : i32
      %get3A_1699 = arith.index_cast %add3A_1698 : i32 to index
      %get3A_1700 = tpu.vector_load %arg7[%get3A_1699] {strides = array<i32>} : memref<8192xi32, #tpu.memory_space<vmem>>, vector<16xi32>,
      %gather3A_1701 = tpu.vector_load_idx %arg6[%get3A_1700] : memref<100000xf32, #tpu.memory_space<vmem>>[vector<16xi32>], vector<16xf32>,
      %swap3A_1702 = arith.index_cast %add3A_1698 : i32 to index
      %swap3A_1703 = tpu.vector_load %arg8[%swap3A_1702] {strides = array<i32>} : memref<8192xf32, #tpu.memory_space<vmem>>, vector<16xf32>,
      tpu.vector_store %arg8[%swap3A_1702], %gather3A_1701 {strides = array<i32>} : memref<8192xf32, #tpu.memory_space<vmem>>, vector<16xf32>,
      %add3A_1704 = arith.constant 48 : i32
      %add3A_1705 = arith.addi %mul3A_1685, %add3A_1704 : i32
      %get3A_1706 = arith.index_cast %add3A_1705 : i32 to index
      %get3A_1707 = tpu.vector_load %arg7[%get3A_1706] {strides = array<i32>} : memref<8192xi32, #tpu.memory_space<vmem>>, vector<16xi32>,
      %gather3A_1708 = tpu.vector_load_idx %arg6[%get3A_1707] : memref<100000xf32, #tpu.memory_space<vmem>>[vector<16xi32>], vector<16xf32>,
      %swap3A_1709 = arith.index_cast %add3A_1705 : i32 to index
      %swap3A_1710 = tpu.vector_load %arg8[%swap3A_1709] {strides = array<i32>} : memref<8192xf32, #tpu.memory_space<vmem>>, vector<16xf32>,
      tpu.vector_store %arg8[%swap3A_1709], %gather3A_1708 {strides = array<i32>} : memref<8192xf32, #tpu.memory_space<vmem>>, vector<16xf32>,
      %scan3A_1711 = arith.constant 0 : i32
      scf.yield %scan3A_1711 : i32
    }
    %scan3A_698 = arith.constant 128 : i32
    %add3A_699 = arith.constant 13 : i32
    %add3A_700 = arith.addi %add3A_699, %add3A_643 : i32
    %dma_start3A_701 = arith.constant 0 : i32
    %dma_start3A_702 = tpu.memref_slice %arg5[%add3A_700, %dma_start3A_701] : memref<429x16384xf32, #tpu.memory_space<hbm>> -> memref<1x8192xf32, #tpu.memory_space<hbm>>
    %dma_start3A_703 = tpu.memref_squeeze %dma_start3A_702 : memref<1x8192xf32, #tpu.memory_space<hbm>> -> memref<8192xf32, #tpu.memory_space<hbm>>
    %dma_start3A_704 = arith.constant 0 : i32
    %dma_start3A_705 = tpu.memref_slice %arg5[%add3A_700, %dma_start3A_704] : memref<429x16384xf32, #tpu.memory_space<hbm>> -> memref<1x8192xf32, #tpu.memory_space<hbm>>
    %dma_start3A_706 = tpu.memref_squeeze %dma_start3A_705 : memref<1x8192xf32, #tpu.memory_space<hbm>> -> memref<8192xf32, #tpu.memory_space<hbm>>
    tpu.enqueue_dma source(%arg8 : memref<8192xf32, #tpu.memory_space<vmem>>) target(%dma_start3A_706 : memref<8192xf32, #tpu.memory_space<hbm>>) target_semaphore(%arg11 : memref<!tpu.dma_semaphore, #tpu.memory_space<semaphore_mem>>)
    %dma_wait3A_707 = arith.constant 0 : i32
    %dma_wait3A_708 = tpu.memref_slice %arg5[%add3A_700, %dma_wait3A_707] : memref<429x16384xf32, #tpu.memory_space<hbm>> -> memref<1x8192xf32, #tpu.memory_space<hbm>>
    %dma_wait3A_709 = tpu.memref_squeeze %dma_wait3A_708 : memref<1x8192xf32, #tpu.memory_space<hbm>> -> memref<8192xf32, #tpu.memory_space<hbm>>
    %dma_wait3A_710 = arith.constant 0 : i32
    %dma_wait3A_711 = tpu.memref_slice %arg5[%add3A_700, %dma_wait3A_710] : memref<429x16384xf32, #tpu.memory_space<hbm>> -> memref<1x8192xf32, #tpu.memory_space<hbm>>
    %dma_wait3A_712 = tpu.memref_squeeze %dma_wait3A_711 : memref<1x8192xf32, #tpu.memory_space<hbm>> -> memref<8192xf32, #tpu.memory_space<hbm>>
    tpu.wait_dma2 semaphore(%arg11 : memref<!tpu.dma_semaphore, #tpu.memory_space<semaphore_mem>>) src(%arg8 : memref<8192xf32, #tpu.memory_space<vmem>>) dst(%dma_wait3A_712 : memref<8192xf32, #tpu.memory_space<hbm>>)
    %jit3A_713 = arith.constant 16 : i32
    %div3A_714 = arith.divsi %add3A_643, %jit3A_713 : i32
    %sign3A_715 = arith.constant 0 : i32
    %sign3A_716 = arith.cmpi sgt, %add3A_643, %sign3A_715 : i32
    %sign3A_717 = arith.extui %sign3A_716 : i1 to i32
    %sign3A_718 = arith.constant 0 : i32
    %sign3A_719 = arith.cmpi slt, %add3A_643, %sign3A_718 : i32
    %sign3A_720 = arith.extui %sign3A_719 : i1 to i32
    %sign3A_721 = arith.subi %sign3A_717, %sign3A_720 : i32
    %sign3A_722 = arith.constant 0 : i32
    %sign3A_723 = arith.cmpi sgt, %jit3A_713, %sign3A_722 : i32
    %sign3A_724 = arith.extui %sign3A_723 : i1 to i32
    %sign3A_725 = arith.constant 0 : i32
    %sign3A_726 = arith.cmpi slt, %jit3A_713, %sign3A_725 : i32
    %sign3A_727 = arith.extui %sign3A_726 : i1 to i32
    %sign3A_728 = arith.subi %sign3A_724, %sign3A_727 : i32
    %ne3A_729 = arith.cmpi ne, %sign3A_721, %sign3A_728 : i32
    %rem3A_730 = arith.remsi %add3A_643, %jit3A_713 : i32
    %ne3A_731 = arith.constant 0 : i32
    %ne3A_732 = arith.cmpi ne, %rem3A_730, %ne3A_731 : i32
    %and3A_733 = arith.andi %ne3A_729, %ne3A_732 : i1
    %sub3A_734 = arith.constant 1 : i32
    %sub3A_735 = arith.subi %div3A_714, %sub3A_734 : i32
    %select_n3A_736 = arith.select %and3A_733, %sub3A_735, %div3A_714 : i32
    %dma_start3A_737 = arith.constant 8192 : i32
    %dma_start3A_738 = tpu.memref_slice %arg2[%select_n3A_736, %dma_start3A_737] : memref<26x16384xi32, #tpu.memory_space<hbm>> -> memref<1x8192xi32, #tpu.memory_space<hbm>>
    %dma_start3A_739 = tpu.memref_squeeze %dma_start3A_738 : memref<1x8192xi32, #tpu.memory_space<hbm>> -> memref<8192xi32, #tpu.memory_space<hbm>>
    %dma_start3A_740 = arith.constant 8192 : i32
    %dma_start3A_741 = tpu.memref_slice %arg2[%select_n3A_736, %dma_start3A_740] : memref<26x16384xi32, #tpu.memory_space<hbm>> -> memref<1x8192xi32, #tpu.memory_space<hbm>>
    %dma_start3A_742 = tpu.memref_squeeze %dma_start3A_741 : memref<1x8192xi32, #tpu.memory_space<hbm>> -> memref<8192xi32, #tpu.memory_space<hbm>>
    tpu.enqueue_dma source(%dma_start3A_742 : memref<8192xi32, #tpu.memory_space<hbm>>) target(%arg7 : memref<8192xi32, #tpu.memory_space<vmem>>) target_semaphore(%arg10 : memref<!tpu.dma_semaphore, #tpu.memory_space<semaphore_mem>>)
    %dma_wait3A_743 = arith.constant 8192 : i32
    %dma_wait3A_744 = tpu.memref_slice %arg2[%select_n3A_736, %dma_wait3A_743] : memref<26x16384xi32, #tpu.memory_space<hbm>> -> memref<1x8192xi32, #tpu.memory_space<hbm>>
    %dma_wait3A_745 = tpu.memref_squeeze %dma_wait3A_744 : memref<1x8192xi32, #tpu.memory_space<hbm>> -> memref<8192xi32, #tpu.memory_space<hbm>>
    %dma_wait3A_746 = arith.constant 8192 : i32
    %dma_wait3A_747 = tpu.memref_slice %arg2[%select_n3A_736, %dma_wait3A_746] : memref<26x16384xi32, #tpu.memory_space<hbm>> -> memref<1x8192xi32, #tpu.memory_space<hbm>>
    %dma_wait3A_748 = tpu.memref_squeeze %dma_wait3A_747 : memref<1x8192xi32, #tpu.memory_space<hbm>> -> memref<8192xi32, #tpu.memory_space<hbm>>
    tpu.wait_dma2 semaphore(%arg10 : memref<!tpu.dma_semaphore, #tpu.memory_space<semaphore_mem>>) src(%dma_wait3A_748 : memref<8192xi32, #tpu.memory_space<hbm>>) dst(%arg7 : memref<8192xi32, #tpu.memory_space<vmem>>)
    %scan3A_749 = arith.constant 0 : i32
    %scan3A_750 = arith.constant 0 : i32
    %scan3A_751 = arith.constant 128 : i32
    %scan3A_752 = arith.addi %scan3A_750, %scan3A_751 : i32
    %scan3A_753 = arith.constant 1 : i32
    %scan3A_754 = scf.for %scan3A_1682 = %scan3A_750 to %scan3A_752 step %scan3A_753 iter_args(%scan3A_1683 = %scan3A_749) -> (i32)  : i32 {
      %mul3A_1684 = arith.constant 64 : i32
      %mul3A_1685 = arith.muli %scan3A_1682, %mul3A_1684 : i32
      %add3A_1686 = arith.constant 0 : i32
      %add3A_1687 = arith.addi %mul3A_1685, %add3A_1686 : i32
      %get3A = arith.index_cast %add3A_1687 : i32 to index
      %get3A_1688 = tpu.vector_load %arg7[%get3A] {strides = array<i32>} : memref<8192xi32, #tpu.memory_space<vmem>>, vector<16xi32>,
      %gather3A = tpu.vector_load_idx %arg6[%get3A_1688] : memref<100000xf32, #tpu.memory_space<vmem>>[vector<16xi32>], vector<16xf32>,
      %swap3A = arith.index_cast %add3A_1687 : i32 to index
      %swap3A_1689 = tpu.vector_load %arg8[%swap3A] {strides = array<i32>} : memref<8192xf32, #tpu.memory_space<vmem>>, vector<16xf32>,
      tpu.vector_store %arg8[%swap3A], %gather3A {strides = array<i32>} : memref<8192xf32, #tpu.memory_space<vmem>>, vector<16xf32>,
      %add3A_1690 = arith.constant 16 : i32
      %add3A_1691 = arith.addi %mul3A_1685, %add3A_1690 : i32
      %get3A_1692 = arith.index_cast %add3A_1691 : i32 to index
      %get3A_1693 = tpu.vector_load %arg7[%get3A_1692] {strides = array<i32>} : memref<8192xi32, #tpu.memory_space<vmem>>, vector<16xi32>,
      %gather3A_1694 = tpu.vector_load_idx %arg6[%get3A_1693] : memref<100000xf32, #tpu.memory_space<vmem>>[vector<16xi32>], vector<16xf32>,
      %swap3A_1695 = arith.index_cast %add3A_1691 : i32 to index
      %swap3A_1696 = tpu.vector_load %arg8[%swap3A_1695] {strides = array<i32>} : memref<8192xf32, #tpu.memory_space<vmem>>, vector<16xf32>,
      tpu.vector_store %arg8[%swap3A_1695], %gather3A_1694 {strides = array<i32>} : memref<8192xf32, #tpu.memory_space<vmem>>, vector<16xf32>,
      %add3A_1697 = arith.constant 32 : i32
      %add3A_1698 = arith.addi %mul3A_1685, %add3A_1697 : i32
      %get3A_1699 = arith.index_cast %add3A_1698 : i32 to index
      %get3A_1700 = tpu.vector_load %arg7[%get3A_1699] {strides = array<i32>} : memref<8192xi32, #tpu.memory_space<vmem>>, vector<16xi32>,
      %gather3A_1701 = tpu.vector_load_idx %arg6[%get3A_1700] : memref<100000xf32, #tpu.memory_space<vmem>>[vector<16xi32>], vector<16xf32>,
      %swap3A_1702 = arith.index_cast %add3A_1698 : i32 to index
      %swap3A_1703 = tpu.vector_load %arg8[%swap3A_1702] {strides = array<i32>} : memref<8192xf32, #tpu.memory_space<vmem>>, vector<16xf32>,
      tpu.vector_store %arg8[%swap3A_1702], %gather3A_1701 {strides = array<i32>} : memref<8192xf32, #tpu.memory_space<vmem>>, vector<16xf32>,
      %add3A_1704 = arith.constant 48 : i32
      %add3A_1705 = arith.addi %mul3A_1685, %add3A_1704 : i32
      %get3A_1706 = arith.index_cast %add3A_1705 : i32 to index
      %get3A_1707 = tpu.vector_load %arg7[%get3A_1706] {strides = array<i32>} : memref<8192xi32, #tpu.memory_space<vmem>>, vector<16xi32>,
      %gather3A_1708 = tpu.vector_load_idx %arg6[%get3A_1707] : memref<100000xf32, #tpu.memory_space<vmem>>[vector<16xi32>], vector<16xf32>,
      %swap3A_1709 = arith.index_cast %add3A_1705 : i32 to index
      %swap3A_1710 = tpu.vector_load %arg8[%swap3A_1709] {strides = array<i32>} : memref<8192xf32, #tpu.memory_space<vmem>>, vector<16xf32>,
      tpu.vector_store %arg8[%swap3A_1709], %gather3A_1708 {strides = array<i32>} : memref<8192xf32, #tpu.memory_space<vmem>>, vector<16xf32>,
      %scan3A_1711 = arith.constant 0 : i32
      scf.yield %scan3A_1711 : i32
    }
    %scan3A_755 = arith.constant 128 : i32
    %add3A_756 = arith.constant 13 : i32
    %add3A_757 = arith.addi %add3A_756, %add3A_643 : i32
    %dma_start3A_758 = arith.constant 8192 : i32
    %dma_start3A_759 = tpu.memref_slice %arg5[%add3A_757, %dma_start3A_758] : memref<429x16384xf32, #tpu.memory_space<hbm>> -> memref<1x8192xf32, #tpu.memory_space<hbm>>
    %dma_start3A_760 = tpu.memref_squeeze %dma_start3A_759 : memref<1x8192xf32, #tpu.memory_space<hbm>> -> memref<8192xf32, #tpu.memory_space<hbm>>
    %dma_start3A_761 = arith.constant 8192 : i32
    %dma_start3A_762 = tpu.memref_slice %arg5[%add3A_757, %dma_start3A_761] : memref<429x16384xf32, #tpu.memory_space<hbm>> -> memref<1x8192xf32, #tpu.memory_space<hbm>>
    %dma_start3A_763 = tpu.memref_squeeze %dma_start3A_762 : memref<1x8192xf32, #tpu.memory_space<hbm>> -> memref<8192xf32, #tpu.memory_space<hbm>>
    tpu.enqueue_dma source(%arg8 : memref<8192xf32, #tpu.memory_space<vmem>>) target(%dma_start3A_763 : memref<8192xf32, #tpu.memory_space<hbm>>) target_semaphore(%arg11 : memref<!tpu.dma_semaphore, #tpu.memory_space<semaphore_mem>>)
    %dma_wait3A_764 = arith.constant 8192 : i32
    %dma_wait3A_765 = tpu.memref_slice %arg5[%add3A_757, %dma_wait3A_764] : memref<429x16384xf32, #tpu.memory_space<hbm>> -> memref<1x8192xf32, #tpu.memory_space<hbm>>
    %dma_wait3A_766 = tpu.memref_squeeze %dma_wait3A_765 : memref<1x8192xf32, #tpu.memory_space<hbm>> -> memref<8192xf32, #tpu.memory_space<hbm>>
    %dma_wait3A_767 = arith.constant 8192 : i32
    %dma_wait3A_768 = tpu.memref_slice %arg5[%add3A_757, %dma_wait3A_767] : memref<429x16384xf32, #tpu.memory_space<hbm>> -> memref<1x8192xf32, #tpu.memory_space<hbm>>
    %dma_wait3A_769 = tpu.memref_squeeze %dma_wait3A_768 : memref<1x8192xf32, #tpu.memory_space<hbm>> -> memref<8192xf32, #tpu.memory_space<hbm>>
    tpu.wait_dma2 semaphore(%arg11 : memref<!tpu.dma_semaphore, #tpu.memory_space<semaphore_mem>>) src(%arg8 : memref<8192xf32, #tpu.memory_space<vmem>>) dst(%dma_wait3A_769 : memref<8192xf32, #tpu.memory_space<hbm>>)
    %mul3A_770 = arith.constant 13 : i32
    %mul3A_771 = arith.muli %add3A, %mul3A_770 : i32
    %add3A_772 = arith.constant 6 : i32
    %add3A_773 = arith.addi %mul3A_771, %add3A_772 : i32
    %dma_start3A_774 = arith.constant 0 : i32
    %dma_start3A_775 = tpu.memref_slice %arg3[%add3A_773, %dma_start3A_774] : memref<416x100000xf32, #tpu.memory_space<hbm>> -> memref<1x100000xf32, #tpu.memory_space<hbm>>
    %dma_start3A_776 = tpu.memref_squeeze %dma_start3A_775 : memref<1x100000xf32, #tpu.memory_space<hbm>> -> memref<100000xf32, #tpu.memory_space<hbm>>
    %dma_start3A_777 = arith.constant 0 : i32
    %dma_start3A_778 = tpu.memref_slice %arg3[%add3A_773, %dma_start3A_777] : memref<416x100000xf32, #tpu.memory_space<hbm>> -> memref<1x100000xf32, #tpu.memory_space<hbm>>
    %dma_start3A_779 = tpu.memref_squeeze %dma_start3A_778 : memref<1x100000xf32, #tpu.memory_space<hbm>> -> memref<100000xf32, #tpu.memory_space<hbm>>
    tpu.enqueue_dma source(%dma_start3A_779 : memref<100000xf32, #tpu.memory_space<hbm>>) target(%arg6 : memref<100000xf32, #tpu.memory_space<vmem>>) target_semaphore(%arg9 : memref<!tpu.dma_semaphore, #tpu.memory_space<semaphore_mem>>)
    %dma_wait3A_780 = arith.constant 0 : i32
    %dma_wait3A_781 = tpu.memref_slice %arg3[%add3A_773, %dma_wait3A_780] : memref<416x100000xf32, #tpu.memory_space<hbm>> -> memref<1x100000xf32, #tpu.memory_space<hbm>>
    %dma_wait3A_782 = tpu.memref_squeeze %dma_wait3A_781 : memref<1x100000xf32, #tpu.memory_space<hbm>> -> memref<100000xf32, #tpu.memory_space<hbm>>
    %dma_wait3A_783 = arith.constant 0 : i32
    %dma_wait3A_784 = tpu.memref_slice %arg3[%add3A_773, %dma_wait3A_783] : memref<416x100000xf32, #tpu.memory_space<hbm>> -> memref<1x100000xf32, #tpu.memory_space<hbm>>
    %dma_wait3A_785 = tpu.memref_squeeze %dma_wait3A_784 : memref<1x100000xf32, #tpu.memory_space<hbm>> -> memref<100000xf32, #tpu.memory_space<hbm>>
    tpu.wait_dma2 semaphore(%arg9 : memref<!tpu.dma_semaphore, #tpu.memory_space<semaphore_mem>>) src(%dma_wait3A_785 : memref<100000xf32, #tpu.memory_space<hbm>>) dst(%arg6 : memref<100000xf32, #tpu.memory_space<vmem>>)
    %jit3A_786 = arith.constant 16 : i32
    %div3A_787 = arith.divsi %add3A_773, %jit3A_786 : i32
    %sign3A_788 = arith.constant 0 : i32
    %sign3A_789 = arith.cmpi sgt, %add3A_773, %sign3A_788 : i32
    %sign3A_790 = arith.extui %sign3A_789 : i1 to i32
    %sign3A_791 = arith.constant 0 : i32
    %sign3A_792 = arith.cmpi slt, %add3A_773, %sign3A_791 : i32
    %sign3A_793 = arith.extui %sign3A_792 : i1 to i32
    %sign3A_794 = arith.subi %sign3A_790, %sign3A_793 : i32
    %sign3A_795 = arith.constant 0 : i32
    %sign3A_796 = arith.cmpi sgt, %jit3A_786, %sign3A_795 : i32
    %sign3A_797 = arith.extui %sign3A_796 : i1 to i32
    %sign3A_798 = arith.constant 0 : i32
    %sign3A_799 = arith.cmpi slt, %jit3A_786, %sign3A_798 : i32
    %sign3A_800 = arith.extui %sign3A_799 : i1 to i32
    %sign3A_801 = arith.subi %sign3A_797, %sign3A_800 : i32
    %ne3A_802 = arith.cmpi ne, %sign3A_794, %sign3A_801 : i32
    %rem3A_803 = arith.remsi %add3A_773, %jit3A_786 : i32
    %ne3A_804 = arith.constant 0 : i32
    %ne3A_805 = arith.cmpi ne, %rem3A_803, %ne3A_804 : i32
    %and3A_806 = arith.andi %ne3A_802, %ne3A_805 : i1
    %sub3A_807 = arith.constant 1 : i32
    %sub3A_808 = arith.subi %div3A_787, %sub3A_807 : i32
    %select_n3A_809 = arith.select %and3A_806, %sub3A_808, %div3A_787 : i32
    %dma_start3A_810 = arith.constant 0 : i32
    %dma_start3A_811 = tpu.memref_slice %arg2[%select_n3A_809, %dma_start3A_810] : memref<26x16384xi32, #tpu.memory_space<hbm>> -> memref<1x8192xi32, #tpu.memory_space<hbm>>
    %dma_start3A_812 = tpu.memref_squeeze %dma_start3A_811 : memref<1x8192xi32, #tpu.memory_space<hbm>> -> memref<8192xi32, #tpu.memory_space<hbm>>
    %dma_start3A_813 = arith.constant 0 : i32
    %dma_start3A_814 = tpu.memref_slice %arg2[%select_n3A_809, %dma_start3A_813] : memref<26x16384xi32, #tpu.memory_space<hbm>> -> memref<1x8192xi32, #tpu.memory_space<hbm>>
    %dma_start3A_815 = tpu.memref_squeeze %dma_start3A_814 : memref<1x8192xi32, #tpu.memory_space<hbm>> -> memref<8192xi32, #tpu.memory_space<hbm>>
    tpu.enqueue_dma source(%dma_start3A_815 : memref<8192xi32, #tpu.memory_space<hbm>>) target(%arg7 : memref<8192xi32, #tpu.memory_space<vmem>>) target_semaphore(%arg10 : memref<!tpu.dma_semaphore, #tpu.memory_space<semaphore_mem>>)
    %dma_wait3A_816 = arith.constant 0 : i32
    %dma_wait3A_817 = tpu.memref_slice %arg2[%select_n3A_809, %dma_wait3A_816] : memref<26x16384xi32, #tpu.memory_space<hbm>> -> memref<1x8192xi32, #tpu.memory_space<hbm>>
    %dma_wait3A_818 = tpu.memref_squeeze %dma_wait3A_817 : memref<1x8192xi32, #tpu.memory_space<hbm>> -> memref<8192xi32, #tpu.memory_space<hbm>>
    %dma_wait3A_819 = arith.constant 0 : i32
    %dma_wait3A_820 = tpu.memref_slice %arg2[%select_n3A_809, %dma_wait3A_819] : memref<26x16384xi32, #tpu.memory_space<hbm>> -> memref<1x8192xi32, #tpu.memory_space<hbm>>
    %dma_wait3A_821 = tpu.memref_squeeze %dma_wait3A_820 : memref<1x8192xi32, #tpu.memory_space<hbm>> -> memref<8192xi32, #tpu.memory_space<hbm>>
    tpu.wait_dma2 semaphore(%arg10 : memref<!tpu.dma_semaphore, #tpu.memory_space<semaphore_mem>>) src(%dma_wait3A_821 : memref<8192xi32, #tpu.memory_space<hbm>>) dst(%arg7 : memref<8192xi32, #tpu.memory_space<vmem>>)
    %scan3A_822 = arith.constant 0 : i32
    %scan3A_823 = arith.constant 0 : i32
    %scan3A_824 = arith.constant 128 : i32
    %scan3A_825 = arith.addi %scan3A_823, %scan3A_824 : i32
    %scan3A_826 = arith.constant 1 : i32
    %scan3A_827 = scf.for %scan3A_1682 = %scan3A_823 to %scan3A_825 step %scan3A_826 iter_args(%scan3A_1683 = %scan3A_822) -> (i32)  : i32 {
      %mul3A_1684 = arith.constant 64 : i32
      %mul3A_1685 = arith.muli %scan3A_1682, %mul3A_1684 : i32
      %add3A_1686 = arith.constant 0 : i32
      %add3A_1687 = arith.addi %mul3A_1685, %add3A_1686 : i32
      %get3A = arith.index_cast %add3A_1687 : i32 to index
      %get3A_1688 = tpu.vector_load %arg7[%get3A] {strides = array<i32>} : memref<8192xi32, #tpu.memory_space<vmem>>, vector<16xi32>,
      %gather3A = tpu.vector_load_idx %arg6[%get3A_1688] : memref<100000xf32, #tpu.memory_space<vmem>>[vector<16xi32>], vector<16xf32>,
      %swap3A = arith.index_cast %add3A_1687 : i32 to index
      %swap3A_1689 = tpu.vector_load %arg8[%swap3A] {strides = array<i32>} : memref<8192xf32, #tpu.memory_space<vmem>>, vector<16xf32>,
      tpu.vector_store %arg8[%swap3A], %gather3A {strides = array<i32>} : memref<8192xf32, #tpu.memory_space<vmem>>, vector<16xf32>,
      %add3A_1690 = arith.constant 16 : i32
      %add3A_1691 = arith.addi %mul3A_1685, %add3A_1690 : i32
      %get3A_1692 = arith.index_cast %add3A_1691 : i32 to index
      %get3A_1693 = tpu.vector_load %arg7[%get3A_1692] {strides = array<i32>} : memref<8192xi32, #tpu.memory_space<vmem>>, vector<16xi32>,
      %gather3A_1694 = tpu.vector_load_idx %arg6[%get3A_1693] : memref<100000xf32, #tpu.memory_space<vmem>>[vector<16xi32>], vector<16xf32>,
      %swap3A_1695 = arith.index_cast %add3A_1691 : i32 to index
      %swap3A_1696 = tpu.vector_load %arg8[%swap3A_1695] {strides = array<i32>} : memref<8192xf32, #tpu.memory_space<vmem>>, vector<16xf32>,
      tpu.vector_store %arg8[%swap3A_1695], %gather3A_1694 {strides = array<i32>} : memref<8192xf32, #tpu.memory_space<vmem>>, vector<16xf32>,
      %add3A_1697 = arith.constant 32 : i32
      %add3A_1698 = arith.addi %mul3A_1685, %add3A_1697 : i32
      %get3A_1699 = arith.index_cast %add3A_1698 : i32 to index
      %get3A_1700 = tpu.vector_load %arg7[%get3A_1699] {strides = array<i32>} : memref<8192xi32, #tpu.memory_space<vmem>>, vector<16xi32>,
      %gather3A_1701 = tpu.vector_load_idx %arg6[%get3A_1700] : memref<100000xf32, #tpu.memory_space<vmem>>[vector<16xi32>], vector<16xf32>,
      %swap3A_1702 = arith.index_cast %add3A_1698 : i32 to index
      %swap3A_1703 = tpu.vector_load %arg8[%swap3A_1702] {strides = array<i32>} : memref<8192xf32, #tpu.memory_space<vmem>>, vector<16xf32>,
      tpu.vector_store %arg8[%swap3A_1702], %gather3A_1701 {strides = array<i32>} : memref<8192xf32, #tpu.memory_space<vmem>>, vector<16xf32>,
      %add3A_1704 = arith.constant 48 : i32
      %add3A_1705 = arith.addi %mul3A_1685, %add3A_1704 : i32
      %get3A_1706 = arith.index_cast %add3A_1705 : i32 to index
      %get3A_1707 = tpu.vector_load %arg7[%get3A_1706] {strides = array<i32>} : memref<8192xi32, #tpu.memory_space<vmem>>, vector<16xi32>,
      %gather3A_1708 = tpu.vector_load_idx %arg6[%get3A_1707] : memref<100000xf32, #tpu.memory_space<vmem>>[vector<16xi32>], vector<16xf32>,
      %swap3A_1709 = arith.index_cast %add3A_1705 : i32 to index
      %swap3A_1710 = tpu.vector_load %arg8[%swap3A_1709] {strides = array<i32>} : memref<8192xf32, #tpu.memory_space<vmem>>, vector<16xf32>,
      tpu.vector_store %arg8[%swap3A_1709], %gather3A_1708 {strides = array<i32>} : memref<8192xf32, #tpu.memory_space<vmem>>, vector<16xf32>,
      %scan3A_1711 = arith.constant 0 : i32
      scf.yield %scan3A_1711 : i32
    }
    %scan3A_828 = arith.constant 128 : i32
    %add3A_829 = arith.constant 13 : i32
    %add3A_830 = arith.addi %add3A_829, %add3A_773 : i32
    %dma_start3A_831 = arith.constant 0 : i32
    %dma_start3A_832 = tpu.memref_slice %arg5[%add3A_830, %dma_start3A_831] : memref<429x16384xf32, #tpu.memory_space<hbm>> -> memref<1x8192xf32, #tpu.memory_space<hbm>>
    %dma_start3A_833 = tpu.memref_squeeze %dma_start3A_832 : memref<1x8192xf32, #tpu.memory_space<hbm>> -> memref<8192xf32, #tpu.memory_space<hbm>>
    %dma_start3A_834 = arith.constant 0 : i32
    %dma_start3A_835 = tpu.memref_slice %arg5[%add3A_830, %dma_start3A_834] : memref<429x16384xf32, #tpu.memory_space<hbm>> -> memref<1x8192xf32, #tpu.memory_space<hbm>>
    %dma_start3A_836 = tpu.memref_squeeze %dma_start3A_835 : memref<1x8192xf32, #tpu.memory_space<hbm>> -> memref<8192xf32, #tpu.memory_space<hbm>>
    tpu.enqueue_dma source(%arg8 : memref<8192xf32, #tpu.memory_space<vmem>>) target(%dma_start3A_836 : memref<8192xf32, #tpu.memory_space<hbm>>) target_semaphore(%arg11 : memref<!tpu.dma_semaphore, #tpu.memory_space<semaphore_mem>>)
    %dma_wait3A_837 = arith.constant 0 : i32
    %dma_wait3A_838 = tpu.memref_slice %arg5[%add3A_830, %dma_wait3A_837] : memref<429x16384xf32, #tpu.memory_space<hbm>> -> memref<1x8192xf32, #tpu.memory_space<hbm>>
    %dma_wait3A_839 = tpu.memref_squeeze %dma_wait3A_838 : memref<1x8192xf32, #tpu.memory_space<hbm>> -> memref<8192xf32, #tpu.memory_space<hbm>>
    %dma_wait3A_840 = arith.constant 0 : i32
    %dma_wait3A_841 = tpu.memref_slice %arg5[%add3A_830, %dma_wait3A_840] : memref<429x16384xf32, #tpu.memory_space<hbm>> -> memref<1x8192xf32, #tpu.memory_space<hbm>>
    %dma_wait3A_842 = tpu.memref_squeeze %dma_wait3A_841 : memref<1x8192xf32, #tpu.memory_space<hbm>> -> memref<8192xf32, #tpu.memory_space<hbm>>
    tpu.wait_dma2 semaphore(%arg11 : memref<!tpu.dma_semaphore, #tpu.memory_space<semaphore_mem>>) src(%arg8 : memref<8192xf32, #tpu.memory_space<vmem>>) dst(%dma_wait3A_842 : memref<8192xf32, #tpu.memory_space<hbm>>)
    %jit3A_843 = arith.constant 16 : i32
    %div3A_844 = arith.divsi %add3A_773, %jit3A_843 : i32
    %sign3A_845 = arith.constant 0 : i32
    %sign3A_846 = arith.cmpi sgt, %add3A_773, %sign3A_845 : i32
    %sign3A_847 = arith.extui %sign3A_846 : i1 to i32
    %sign3A_848 = arith.constant 0 : i32
    %sign3A_849 = arith.cmpi slt, %add3A_773, %sign3A_848 : i32
    %sign3A_850 = arith.extui %sign3A_849 : i1 to i32
    %sign3A_851 = arith.subi %sign3A_847, %sign3A_850 : i32
    %sign3A_852 = arith.constant 0 : i32
    %sign3A_853 = arith.cmpi sgt, %jit3A_843, %sign3A_852 : i32
    %sign3A_854 = arith.extui %sign3A_853 : i1 to i32
    %sign3A_855 = arith.constant 0 : i32
    %sign3A_856 = arith.cmpi slt, %jit3A_843, %sign3A_855 : i32
    %sign3A_857 = arith.extui %sign3A_856 : i1 to i32
    %sign3A_858 = arith.subi %sign3A_854, %sign3A_857 : i32
    %ne3A_859 = arith.cmpi ne, %sign3A_851, %sign3A_858 : i32
    %rem3A_860 = arith.remsi %add3A_773, %jit3A_843 : i32
    %ne3A_861 = arith.constant 0 : i32
    %ne3A_862 = arith.cmpi ne, %rem3A_860, %ne3A_861 : i32
    %and3A_863 = arith.andi %ne3A_859, %ne3A_862 : i1
    %sub3A_864 = arith.constant 1 : i32
    %sub3A_865 = arith.subi %div3A_844, %sub3A_864 : i32
    %select_n3A_866 = arith.select %and3A_863, %sub3A_865, %div3A_844 : i32
    %dma_start3A_867 = arith.constant 8192 : i32
    %dma_start3A_868 = tpu.memref_slice %arg2[%select_n3A_866, %dma_start3A_867] : memref<26x16384xi32, #tpu.memory_space<hbm>> -> memref<1x8192xi32, #tpu.memory_space<hbm>>
    %dma_start3A_869 = tpu.memref_squeeze %dma_start3A_868 : memref<1x8192xi32, #tpu.memory_space<hbm>> -> memref<8192xi32, #tpu.memory_space<hbm>>
    %dma_start3A_870 = arith.constant 8192 : i32
    %dma_start3A_871 = tpu.memref_slice %arg2[%select_n3A_866, %dma_start3A_870] : memref<26x16384xi32, #tpu.memory_space<hbm>> -> memref<1x8192xi32, #tpu.memory_space<hbm>>
    %dma_start3A_872 = tpu.memref_squeeze %dma_start3A_871 : memref<1x8192xi32, #tpu.memory_space<hbm>> -> memref<8192xi32, #tpu.memory_space<hbm>>
    tpu.enqueue_dma source(%dma_start3A_872 : memref<8192xi32, #tpu.memory_space<hbm>>) target(%arg7 : memref<8192xi32, #tpu.memory_space<vmem>>) target_semaphore(%arg10 : memref<!tpu.dma_semaphore, #tpu.memory_space<semaphore_mem>>)
    %dma_wait3A_873 = arith.constant 8192 : i32
    %dma_wait3A_874 = tpu.memref_slice %arg2[%select_n3A_866, %dma_wait3A_873] : memref<26x16384xi32, #tpu.memory_space<hbm>> -> memref<1x8192xi32, #tpu.memory_space<hbm>>
    %dma_wait3A_875 = tpu.memref_squeeze %dma_wait3A_874 : memref<1x8192xi32, #tpu.memory_space<hbm>> -> memref<8192xi32, #tpu.memory_space<hbm>>
    %dma_wait3A_876 = arith.constant 8192 : i32
    %dma_wait3A_877 = tpu.memref_slice %arg2[%select_n3A_866, %dma_wait3A_876] : memref<26x16384xi32, #tpu.memory_space<hbm>> -> memref<1x8192xi32, #tpu.memory_space<hbm>>
    %dma_wait3A_878 = tpu.memref_squeeze %dma_wait3A_877 : memref<1x8192xi32, #tpu.memory_space<hbm>> -> memref<8192xi32, #tpu.memory_space<hbm>>
    tpu.wait_dma2 semaphore(%arg10 : memref<!tpu.dma_semaphore, #tpu.memory_space<semaphore_mem>>) src(%dma_wait3A_878 : memref<8192xi32, #tpu.memory_space<hbm>>) dst(%arg7 : memref<8192xi32, #tpu.memory_space<vmem>>)
    %scan3A_879 = arith.constant 0 : i32
    %scan3A_880 = arith.constant 0 : i32
    %scan3A_881 = arith.constant 128 : i32
    %scan3A_882 = arith.addi %scan3A_880, %scan3A_881 : i32
    %scan3A_883 = arith.constant 1 : i32
    %scan3A_884 = scf.for %scan3A_1682 = %scan3A_880 to %scan3A_882 step %scan3A_883 iter_args(%scan3A_1683 = %scan3A_879) -> (i32)  : i32 {
      %mul3A_1684 = arith.constant 64 : i32
      %mul3A_1685 = arith.muli %scan3A_1682, %mul3A_1684 : i32
      %add3A_1686 = arith.constant 0 : i32
      %add3A_1687 = arith.addi %mul3A_1685, %add3A_1686 : i32
      %get3A = arith.index_cast %add3A_1687 : i32 to index
      %get3A_1688 = tpu.vector_load %arg7[%get3A] {strides = array<i32>} : memref<8192xi32, #tpu.memory_space<vmem>>, vector<16xi32>,
      %gather3A = tpu.vector_load_idx %arg6[%get3A_1688] : memref<100000xf32, #tpu.memory_space<vmem>>[vector<16xi32>], vector<16xf32>,
      %swap3A = arith.index_cast %add3A_1687 : i32 to index
      %swap3A_1689 = tpu.vector_load %arg8[%swap3A] {strides = array<i32>} : memref<8192xf32, #tpu.memory_space<vmem>>, vector<16xf32>,
      tpu.vector_store %arg8[%swap3A], %gather3A {strides = array<i32>} : memref<8192xf32, #tpu.memory_space<vmem>>, vector<16xf32>,
      %add3A_1690 = arith.constant 16 : i32
      %add3A_1691 = arith.addi %mul3A_1685, %add3A_1690 : i32
      %get3A_1692 = arith.index_cast %add3A_1691 : i32 to index
      %get3A_1693 = tpu.vector_load %arg7[%get3A_1692] {strides = array<i32>} : memref<8192xi32, #tpu.memory_space<vmem>>, vector<16xi32>,
      %gather3A_1694 = tpu.vector_load_idx %arg6[%get3A_1693] : memref<100000xf32, #tpu.memory_space<vmem>>[vector<16xi32>], vector<16xf32>,
      %swap3A_1695 = arith.index_cast %add3A_1691 : i32 to index
      %swap3A_1696 = tpu.vector_load %arg8[%swap3A_1695] {strides = array<i32>} : memref<8192xf32, #tpu.memory_space<vmem>>, vector<16xf32>,
      tpu.vector_store %arg8[%swap3A_1695], %gather3A_1694 {strides = array<i32>} : memref<8192xf32, #tpu.memory_space<vmem>>, vector<16xf32>,
      %add3A_1697 = arith.constant 32 : i32
      %add3A_1698 = arith.addi %mul3A_1685, %add3A_1697 : i32
      %get3A_1699 = arith.index_cast %add3A_1698 : i32 to index
      %get3A_1700 = tpu.vector_load %arg7[%get3A_1699] {strides = array<i32>} : memref<8192xi32, #tpu.memory_space<vmem>>, vector<16xi32>,
      %gather3A_1701 = tpu.vector_load_idx %arg6[%get3A_1700] : memref<100000xf32, #tpu.memory_space<vmem>>[vector<16xi32>], vector<16xf32>,
      %swap3A_1702 = arith.index_cast %add3A_1698 : i32 to index
      %swap3A_1703 = tpu.vector_load %arg8[%swap3A_1702] {strides = array<i32>} : memref<8192xf32, #tpu.memory_space<vmem>>, vector<16xf32>,
      tpu.vector_store %arg8[%swap3A_1702], %gather3A_1701 {strides = array<i32>} : memref<8192xf32, #tpu.memory_space<vmem>>, vector<16xf32>,
      %add3A_1704 = arith.constant 48 : i32
      %add3A_1705 = arith.addi %mul3A_1685, %add3A_1704 : i32
      %get3A_1706 = arith.index_cast %add3A_1705 : i32 to index
      %get3A_1707 = tpu.vector_load %arg7[%get3A_1706] {strides = array<i32>} : memref<8192xi32, #tpu.memory_space<vmem>>, vector<16xi32>,
      %gather3A_1708 = tpu.vector_load_idx %arg6[%get3A_1707] : memref<100000xf32, #tpu.memory_space<vmem>>[vector<16xi32>], vector<16xf32>,
      %swap3A_1709 = arith.index_cast %add3A_1705 : i32 to index
      %swap3A_1710 = tpu.vector_load %arg8[%swap3A_1709] {strides = array<i32>} : memref<8192xf32, #tpu.memory_space<vmem>>, vector<16xf32>,
      tpu.vector_store %arg8[%swap3A_1709], %gather3A_1708 {strides = array<i32>} : memref<8192xf32, #tpu.memory_space<vmem>>, vector<16xf32>,
      %scan3A_1711 = arith.constant 0 : i32
      scf.yield %scan3A_1711 : i32
    }
    %scan3A_885 = arith.constant 128 : i32
    %add3A_886 = arith.constant 13 : i32
    %add3A_887 = arith.addi %add3A_886, %add3A_773 : i32
    %dma_start3A_888 = arith.constant 8192 : i32
    %dma_start3A_889 = tpu.memref_slice %arg5[%add3A_887, %dma_start3A_888] : memref<429x16384xf32, #tpu.memory_space<hbm>> -> memref<1x8192xf32, #tpu.memory_space<hbm>>
    %dma_start3A_890 = tpu.memref_squeeze %dma_start3A_889 : memref<1x8192xf32, #tpu.memory_space<hbm>> -> memref<8192xf32, #tpu.memory_space<hbm>>
    %dma_start3A_891 = arith.constant 8192 : i32
    %dma_start3A_892 = tpu.memref_slice %arg5[%add3A_887, %dma_start3A_891] : memref<429x16384xf32, #tpu.memory_space<hbm>> -> memref<1x8192xf32, #tpu.memory_space<hbm>>
    %dma_start3A_893 = tpu.memref_squeeze %dma_start3A_892 : memref<1x8192xf32, #tpu.memory_space<hbm>> -> memref<8192xf32, #tpu.memory_space<hbm>>
    tpu.enqueue_dma source(%arg8 : memref<8192xf32, #tpu.memory_space<vmem>>) target(%dma_start3A_893 : memref<8192xf32, #tpu.memory_space<hbm>>) target_semaphore(%arg11 : memref<!tpu.dma_semaphore, #tpu.memory_space<semaphore_mem>>)
    %dma_wait3A_894 = arith.constant 8192 : i32
    %dma_wait3A_895 = tpu.memref_slice %arg5[%add3A_887, %dma_wait3A_894] : memref<429x16384xf32, #tpu.memory_space<hbm>> -> memref<1x8192xf32, #tpu.memory_space<hbm>>
    %dma_wait3A_896 = tpu.memref_squeeze %dma_wait3A_895 : memref<1x8192xf32, #tpu.memory_space<hbm>> -> memref<8192xf32, #tpu.memory_space<hbm>>
    %dma_wait3A_897 = arith.constant 8192 : i32
    %dma_wait3A_898 = tpu.memref_slice %arg5[%add3A_887, %dma_wait3A_897] : memref<429x16384xf32, #tpu.memory_space<hbm>> -> memref<1x8192xf32, #tpu.memory_space<hbm>>
    %dma_wait3A_899 = tpu.memref_squeeze %dma_wait3A_898 : memref<1x8192xf32, #tpu.memory_space<hbm>> -> memref<8192xf32, #tpu.memory_space<hbm>>
    tpu.wait_dma2 semaphore(%arg11 : memref<!tpu.dma_semaphore, #tpu.memory_space<semaphore_mem>>) src(%arg8 : memref<8192xf32, #tpu.memory_space<vmem>>) dst(%dma_wait3A_899 : memref<8192xf32, #tpu.memory_space<hbm>>)
    %mul3A_900 = arith.constant 13 : i32
    %mul3A_901 = arith.muli %add3A, %mul3A_900 : i32
    %add3A_902 = arith.constant 7 : i32
    %add3A_903 = arith.addi %mul3A_901, %add3A_902 : i32
    %dma_start3A_904 = arith.constant 0 : i32
    %dma_start3A_905 = tpu.memref_slice %arg3[%add3A_903, %dma_start3A_904] : memref<416x100000xf32, #tpu.memory_space<hbm>> -> memref<1x100000xf32, #tpu.memory_space<hbm>>
    %dma_start3A_906 = tpu.memref_squeeze %dma_start3A_905 : memref<1x100000xf32, #tpu.memory_space<hbm>> -> memref<100000xf32, #tpu.memory_space<hbm>>
    %dma_start3A_907 = arith.constant 0 : i32
    %dma_start3A_908 = tpu.memref_slice %arg3[%add3A_903, %dma_start3A_907] : memref<416x100000xf32, #tpu.memory_space<hbm>> -> memref<1x100000xf32, #tpu.memory_space<hbm>>
    %dma_start3A_909 = tpu.memref_squeeze %dma_start3A_908 : memref<1x100000xf32, #tpu.memory_space<hbm>> -> memref<100000xf32, #tpu.memory_space<hbm>>
    tpu.enqueue_dma source(%dma_start3A_909 : memref<100000xf32, #tpu.memory_space<hbm>>) target(%arg6 : memref<100000xf32, #tpu.memory_space<vmem>>) target_semaphore(%arg9 : memref<!tpu.dma_semaphore, #tpu.memory_space<semaphore_mem>>)
    %dma_wait3A_910 = arith.constant 0 : i32
    %dma_wait3A_911 = tpu.memref_slice %arg3[%add3A_903, %dma_wait3A_910] : memref<416x100000xf32, #tpu.memory_space<hbm>> -> memref<1x100000xf32, #tpu.memory_space<hbm>>
    %dma_wait3A_912 = tpu.memref_squeeze %dma_wait3A_911 : memref<1x100000xf32, #tpu.memory_space<hbm>> -> memref<100000xf32, #tpu.memory_space<hbm>>
    %dma_wait3A_913 = arith.constant 0 : i32
    %dma_wait3A_914 = tpu.memref_slice %arg3[%add3A_903, %dma_wait3A_913] : memref<416x100000xf32, #tpu.memory_space<hbm>> -> memref<1x100000xf32, #tpu.memory_space<hbm>>
    %dma_wait3A_915 = tpu.memref_squeeze %dma_wait3A_914 : memref<1x100000xf32, #tpu.memory_space<hbm>> -> memref<100000xf32, #tpu.memory_space<hbm>>
    tpu.wait_dma2 semaphore(%arg9 : memref<!tpu.dma_semaphore, #tpu.memory_space<semaphore_mem>>) src(%dma_wait3A_915 : memref<100000xf32, #tpu.memory_space<hbm>>) dst(%arg6 : memref<100000xf32, #tpu.memory_space<vmem>>)
    %jit3A_916 = arith.constant 16 : i32
    %div3A_917 = arith.divsi %add3A_903, %jit3A_916 : i32
    %sign3A_918 = arith.constant 0 : i32
    %sign3A_919 = arith.cmpi sgt, %add3A_903, %sign3A_918 : i32
    %sign3A_920 = arith.extui %sign3A_919 : i1 to i32
    %sign3A_921 = arith.constant 0 : i32
    %sign3A_922 = arith.cmpi slt, %add3A_903, %sign3A_921 : i32
    %sign3A_923 = arith.extui %sign3A_922 : i1 to i32
    %sign3A_924 = arith.subi %sign3A_920, %sign3A_923 : i32
    %sign3A_925 = arith.constant 0 : i32
    %sign3A_926 = arith.cmpi sgt, %jit3A_916, %sign3A_925 : i32
    %sign3A_927 = arith.extui %sign3A_926 : i1 to i32
    %sign3A_928 = arith.constant 0 : i32
    %sign3A_929 = arith.cmpi slt, %jit3A_916, %sign3A_928 : i32
    %sign3A_930 = arith.extui %sign3A_929 : i1 to i32
    %sign3A_931 = arith.subi %sign3A_927, %sign3A_930 : i32
    %ne3A_932 = arith.cmpi ne, %sign3A_924, %sign3A_931 : i32
    %rem3A_933 = arith.remsi %add3A_903, %jit3A_916 : i32
    %ne3A_934 = arith.constant 0 : i32
    %ne3A_935 = arith.cmpi ne, %rem3A_933, %ne3A_934 : i32
    %and3A_936 = arith.andi %ne3A_932, %ne3A_935 : i1
    %sub3A_937 = arith.constant 1 : i32
    %sub3A_938 = arith.subi %div3A_917, %sub3A_937 : i32
    %select_n3A_939 = arith.select %and3A_936, %sub3A_938, %div3A_917 : i32
    %dma_start3A_940 = arith.constant 0 : i32
    %dma_start3A_941 = tpu.memref_slice %arg2[%select_n3A_939, %dma_start3A_940] : memref<26x16384xi32, #tpu.memory_space<hbm>> -> memref<1x8192xi32, #tpu.memory_space<hbm>>
    %dma_start3A_942 = tpu.memref_squeeze %dma_start3A_941 : memref<1x8192xi32, #tpu.memory_space<hbm>> -> memref<8192xi32, #tpu.memory_space<hbm>>
    %dma_start3A_943 = arith.constant 0 : i32
    %dma_start3A_944 = tpu.memref_slice %arg2[%select_n3A_939, %dma_start3A_943] : memref<26x16384xi32, #tpu.memory_space<hbm>> -> memref<1x8192xi32, #tpu.memory_space<hbm>>
    %dma_start3A_945 = tpu.memref_squeeze %dma_start3A_944 : memref<1x8192xi32, #tpu.memory_space<hbm>> -> memref<8192xi32, #tpu.memory_space<hbm>>
    tpu.enqueue_dma source(%dma_start3A_945 : memref<8192xi32, #tpu.memory_space<hbm>>) target(%arg7 : memref<8192xi32, #tpu.memory_space<vmem>>) target_semaphore(%arg10 : memref<!tpu.dma_semaphore, #tpu.memory_space<semaphore_mem>>)
    %dma_wait3A_946 = arith.constant 0 : i32
    %dma_wait3A_947 = tpu.memref_slice %arg2[%select_n3A_939, %dma_wait3A_946] : memref<26x16384xi32, #tpu.memory_space<hbm>> -> memref<1x8192xi32, #tpu.memory_space<hbm>>
    %dma_wait3A_948 = tpu.memref_squeeze %dma_wait3A_947 : memref<1x8192xi32, #tpu.memory_space<hbm>> -> memref<8192xi32, #tpu.memory_space<hbm>>
    %dma_wait3A_949 = arith.constant 0 : i32
    %dma_wait3A_950 = tpu.memref_slice %arg2[%select_n3A_939, %dma_wait3A_949] : memref<26x16384xi32, #tpu.memory_space<hbm>> -> memref<1x8192xi32, #tpu.memory_space<hbm>>
    %dma_wait3A_951 = tpu.memref_squeeze %dma_wait3A_950 : memref<1x8192xi32, #tpu.memory_space<hbm>> -> memref<8192xi32, #tpu.memory_space<hbm>>
    tpu.wait_dma2 semaphore(%arg10 : memref<!tpu.dma_semaphore, #tpu.memory_space<semaphore_mem>>) src(%dma_wait3A_951 : memref<8192xi32, #tpu.memory_space<hbm>>) dst(%arg7 : memref<8192xi32, #tpu.memory_space<vmem>>)
    %scan3A_952 = arith.constant 0 : i32
    %scan3A_953 = arith.constant 0 : i32
    %scan3A_954 = arith.constant 128 : i32
    %scan3A_955 = arith.addi %scan3A_953, %scan3A_954 : i32
    %scan3A_956 = arith.constant 1 : i32
    %scan3A_957 = scf.for %scan3A_1682 = %scan3A_953 to %scan3A_955 step %scan3A_956 iter_args(%scan3A_1683 = %scan3A_952) -> (i32)  : i32 {
      %mul3A_1684 = arith.constant 64 : i32
      %mul3A_1685 = arith.muli %scan3A_1682, %mul3A_1684 : i32
      %add3A_1686 = arith.constant 0 : i32
      %add3A_1687 = arith.addi %mul3A_1685, %add3A_1686 : i32
      %get3A = arith.index_cast %add3A_1687 : i32 to index
      %get3A_1688 = tpu.vector_load %arg7[%get3A] {strides = array<i32>} : memref<8192xi32, #tpu.memory_space<vmem>>, vector<16xi32>,
      %gather3A = tpu.vector_load_idx %arg6[%get3A_1688] : memref<100000xf32, #tpu.memory_space<vmem>>[vector<16xi32>], vector<16xf32>,
      %swap3A = arith.index_cast %add3A_1687 : i32 to index
      %swap3A_1689 = tpu.vector_load %arg8[%swap3A] {strides = array<i32>} : memref<8192xf32, #tpu.memory_space<vmem>>, vector<16xf32>,
      tpu.vector_store %arg8[%swap3A], %gather3A {strides = array<i32>} : memref<8192xf32, #tpu.memory_space<vmem>>, vector<16xf32>,
      %add3A_1690 = arith.constant 16 : i32
      %add3A_1691 = arith.addi %mul3A_1685, %add3A_1690 : i32
      %get3A_1692 = arith.index_cast %add3A_1691 : i32 to index
      %get3A_1693 = tpu.vector_load %arg7[%get3A_1692] {strides = array<i32>} : memref<8192xi32, #tpu.memory_space<vmem>>, vector<16xi32>,
      %gather3A_1694 = tpu.vector_load_idx %arg6[%get3A_1693] : memref<100000xf32, #tpu.memory_space<vmem>>[vector<16xi32>], vector<16xf32>,
      %swap3A_1695 = arith.index_cast %add3A_1691 : i32 to index
      %swap3A_1696 = tpu.vector_load %arg8[%swap3A_1695] {strides = array<i32>} : memref<8192xf32, #tpu.memory_space<vmem>>, vector<16xf32>,
      tpu.vector_store %arg8[%swap3A_1695], %gather3A_1694 {strides = array<i32>} : memref<8192xf32, #tpu.memory_space<vmem>>, vector<16xf32>,
      %add3A_1697 = arith.constant 32 : i32
      %add3A_1698 = arith.addi %mul3A_1685, %add3A_1697 : i32
      %get3A_1699 = arith.index_cast %add3A_1698 : i32 to index
      %get3A_1700 = tpu.vector_load %arg7[%get3A_1699] {strides = array<i32>} : memref<8192xi32, #tpu.memory_space<vmem>>, vector<16xi32>,
      %gather3A_1701 = tpu.vector_load_idx %arg6[%get3A_1700] : memref<100000xf32, #tpu.memory_space<vmem>>[vector<16xi32>], vector<16xf32>,
      %swap3A_1702 = arith.index_cast %add3A_1698 : i32 to index
      %swap3A_1703 = tpu.vector_load %arg8[%swap3A_1702] {strides = array<i32>} : memref<8192xf32, #tpu.memory_space<vmem>>, vector<16xf32>,
      tpu.vector_store %arg8[%swap3A_1702], %gather3A_1701 {strides = array<i32>} : memref<8192xf32, #tpu.memory_space<vmem>>, vector<16xf32>,
      %add3A_1704 = arith.constant 48 : i32
      %add3A_1705 = arith.addi %mul3A_1685, %add3A_1704 : i32
      %get3A_1706 = arith.index_cast %add3A_1705 : i32 to index
      %get3A_1707 = tpu.vector_load %arg7[%get3A_1706] {strides = array<i32>} : memref<8192xi32, #tpu.memory_space<vmem>>, vector<16xi32>,
      %gather3A_1708 = tpu.vector_load_idx %arg6[%get3A_1707] : memref<100000xf32, #tpu.memory_space<vmem>>[vector<16xi32>], vector<16xf32>,
      %swap3A_1709 = arith.index_cast %add3A_1705 : i32 to index
      %swap3A_1710 = tpu.vector_load %arg8[%swap3A_1709] {strides = array<i32>} : memref<8192xf32, #tpu.memory_space<vmem>>, vector<16xf32>,
      tpu.vector_store %arg8[%swap3A_1709], %gather3A_1708 {strides = array<i32>} : memref<8192xf32, #tpu.memory_space<vmem>>, vector<16xf32>,
      %scan3A_1711 = arith.constant 0 : i32
      scf.yield %scan3A_1711 : i32
    }
    %scan3A_958 = arith.constant 128 : i32
    %add3A_959 = arith.constant 13 : i32
    %add3A_960 = arith.addi %add3A_959, %add3A_903 : i32
    %dma_start3A_961 = arith.constant 0 : i32
    %dma_start3A_962 = tpu.memref_slice %arg5[%add3A_960, %dma_start3A_961] : memref<429x16384xf32, #tpu.memory_space<hbm>> -> memref<1x8192xf32, #tpu.memory_space<hbm>>
    %dma_start3A_963 = tpu.memref_squeeze %dma_start3A_962 : memref<1x8192xf32, #tpu.memory_space<hbm>> -> memref<8192xf32, #tpu.memory_space<hbm>>
    %dma_start3A_964 = arith.constant 0 : i32
    %dma_start3A_965 = tpu.memref_slice %arg5[%add3A_960, %dma_start3A_964] : memref<429x16384xf32, #tpu.memory_space<hbm>> -> memref<1x8192xf32, #tpu.memory_space<hbm>>
    %dma_start3A_966 = tpu.memref_squeeze %dma_start3A_965 : memref<1x8192xf32, #tpu.memory_space<hbm>> -> memref<8192xf32, #tpu.memory_space<hbm>>
    tpu.enqueue_dma source(%arg8 : memref<8192xf32, #tpu.memory_space<vmem>>) target(%dma_start3A_966 : memref<8192xf32, #tpu.memory_space<hbm>>) target_semaphore(%arg11 : memref<!tpu.dma_semaphore, #tpu.memory_space<semaphore_mem>>)
    %dma_wait3A_967 = arith.constant 0 : i32
    %dma_wait3A_968 = tpu.memref_slice %arg5[%add3A_960, %dma_wait3A_967] : memref<429x16384xf32, #tpu.memory_space<hbm>> -> memref<1x8192xf32, #tpu.memory_space<hbm>>
    %dma_wait3A_969 = tpu.memref_squeeze %dma_wait3A_968 : memref<1x8192xf32, #tpu.memory_space<hbm>> -> memref<8192xf32, #tpu.memory_space<hbm>>
    %dma_wait3A_970 = arith.constant 0 : i32
    %dma_wait3A_971 = tpu.memref_slice %arg5[%add3A_960, %dma_wait3A_970] : memref<429x16384xf32, #tpu.memory_space<hbm>> -> memref<1x8192xf32, #tpu.memory_space<hbm>>
    %dma_wait3A_972 = tpu.memref_squeeze %dma_wait3A_971 : memref<1x8192xf32, #tpu.memory_space<hbm>> -> memref<8192xf32, #tpu.memory_space<hbm>>
    tpu.wait_dma2 semaphore(%arg11 : memref<!tpu.dma_semaphore, #tpu.memory_space<semaphore_mem>>) src(%arg8 : memref<8192xf32, #tpu.memory_space<vmem>>) dst(%dma_wait3A_972 : memref<8192xf32, #tpu.memory_space<hbm>>)
    %jit3A_973 = arith.constant 16 : i32
    %div3A_974 = arith.divsi %add3A_903, %jit3A_973 : i32
    %sign3A_975 = arith.constant 0 : i32
    %sign3A_976 = arith.cmpi sgt, %add3A_903, %sign3A_975 : i32
    %sign3A_977 = arith.extui %sign3A_976 : i1 to i32
    %sign3A_978 = arith.constant 0 : i32
    %sign3A_979 = arith.cmpi slt, %add3A_903, %sign3A_978 : i32
    %sign3A_980 = arith.extui %sign3A_979 : i1 to i32
    %sign3A_981 = arith.subi %sign3A_977, %sign3A_980 : i32
    %sign3A_982 = arith.constant 0 : i32
    %sign3A_983 = arith.cmpi sgt, %jit3A_973, %sign3A_982 : i32
    %sign3A_984 = arith.extui %sign3A_983 : i1 to i32
    %sign3A_985 = arith.constant 0 : i32
    %sign3A_986 = arith.cmpi slt, %jit3A_973, %sign3A_985 : i32
    %sign3A_987 = arith.extui %sign3A_986 : i1 to i32
    %sign3A_988 = arith.subi %sign3A_984, %sign3A_987 : i32
    %ne3A_989 = arith.cmpi ne, %sign3A_981, %sign3A_988 : i32
    %rem3A_990 = arith.remsi %add3A_903, %jit3A_973 : i32
    %ne3A_991 = arith.constant 0 : i32
    %ne3A_992 = arith.cmpi ne, %rem3A_990, %ne3A_991 : i32
    %and3A_993 = arith.andi %ne3A_989, %ne3A_992 : i1
    %sub3A_994 = arith.constant 1 : i32
    %sub3A_995 = arith.subi %div3A_974, %sub3A_994 : i32
    %select_n3A_996 = arith.select %and3A_993, %sub3A_995, %div3A_974 : i32
    %dma_start3A_997 = arith.constant 8192 : i32
    %dma_start3A_998 = tpu.memref_slice %arg2[%select_n3A_996, %dma_start3A_997] : memref<26x16384xi32, #tpu.memory_space<hbm>> -> memref<1x8192xi32, #tpu.memory_space<hbm>>
    %dma_start3A_999 = tpu.memref_squeeze %dma_start3A_998 : memref<1x8192xi32, #tpu.memory_space<hbm>> -> memref<8192xi32, #tpu.memory_space<hbm>>
    %dma_start3A_1000 = arith.constant 8192 : i32
    %dma_start3A_1001 = tpu.memref_slice %arg2[%select_n3A_996, %dma_start3A_1000] : memref<26x16384xi32, #tpu.memory_space<hbm>> -> memref<1x8192xi32, #tpu.memory_space<hbm>>
    %dma_start3A_1002 = tpu.memref_squeeze %dma_start3A_1001 : memref<1x8192xi32, #tpu.memory_space<hbm>> -> memref<8192xi32, #tpu.memory_space<hbm>>
    tpu.enqueue_dma source(%dma_start3A_1002 : memref<8192xi32, #tpu.memory_space<hbm>>) target(%arg7 : memref<8192xi32, #tpu.memory_space<vmem>>) target_semaphore(%arg10 : memref<!tpu.dma_semaphore, #tpu.memory_space<semaphore_mem>>)
    %dma_wait3A_1003 = arith.constant 8192 : i32
    %dma_wait3A_1004 = tpu.memref_slice %arg2[%select_n3A_996, %dma_wait3A_1003] : memref<26x16384xi32, #tpu.memory_space<hbm>> -> memref<1x8192xi32, #tpu.memory_space<hbm>>
    %dma_wait3A_1005 = tpu.memref_squeeze %dma_wait3A_1004 : memref<1x8192xi32, #tpu.memory_space<hbm>> -> memref<8192xi32, #tpu.memory_space<hbm>>
    %dma_wait3A_1006 = arith.constant 8192 : i32
    %dma_wait3A_1007 = tpu.memref_slice %arg2[%select_n3A_996, %dma_wait3A_1006] : memref<26x16384xi32, #tpu.memory_space<hbm>> -> memref<1x8192xi32, #tpu.memory_space<hbm>>
    %dma_wait3A_1008 = tpu.memref_squeeze %dma_wait3A_1007 : memref<1x8192xi32, #tpu.memory_space<hbm>> -> memref<8192xi32, #tpu.memory_space<hbm>>
    tpu.wait_dma2 semaphore(%arg10 : memref<!tpu.dma_semaphore, #tpu.memory_space<semaphore_mem>>) src(%dma_wait3A_1008 : memref<8192xi32, #tpu.memory_space<hbm>>) dst(%arg7 : memref<8192xi32, #tpu.memory_space<vmem>>)
    %scan3A_1009 = arith.constant 0 : i32
    %scan3A_1010 = arith.constant 0 : i32
    %scan3A_1011 = arith.constant 128 : i32
    %scan3A_1012 = arith.addi %scan3A_1010, %scan3A_1011 : i32
    %scan3A_1013 = arith.constant 1 : i32
    %scan3A_1014 = scf.for %scan3A_1682 = %scan3A_1010 to %scan3A_1012 step %scan3A_1013 iter_args(%scan3A_1683 = %scan3A_1009) -> (i32)  : i32 {
      %mul3A_1684 = arith.constant 64 : i32
      %mul3A_1685 = arith.muli %scan3A_1682, %mul3A_1684 : i32
      %add3A_1686 = arith.constant 0 : i32
      %add3A_1687 = arith.addi %mul3A_1685, %add3A_1686 : i32
      %get3A = arith.index_cast %add3A_1687 : i32 to index
      %get3A_1688 = tpu.vector_load %arg7[%get3A] {strides = array<i32>} : memref<8192xi32, #tpu.memory_space<vmem>>, vector<16xi32>,
      %gather3A = tpu.vector_load_idx %arg6[%get3A_1688] : memref<100000xf32, #tpu.memory_space<vmem>>[vector<16xi32>], vector<16xf32>,
      %swap3A = arith.index_cast %add3A_1687 : i32 to index
      %swap3A_1689 = tpu.vector_load %arg8[%swap3A] {strides = array<i32>} : memref<8192xf32, #tpu.memory_space<vmem>>, vector<16xf32>,
      tpu.vector_store %arg8[%swap3A], %gather3A {strides = array<i32>} : memref<8192xf32, #tpu.memory_space<vmem>>, vector<16xf32>,
      %add3A_1690 = arith.constant 16 : i32
      %add3A_1691 = arith.addi %mul3A_1685, %add3A_1690 : i32
      %get3A_1692 = arith.index_cast %add3A_1691 : i32 to index
      %get3A_1693 = tpu.vector_load %arg7[%get3A_1692] {strides = array<i32>} : memref<8192xi32, #tpu.memory_space<vmem>>, vector<16xi32>,
      %gather3A_1694 = tpu.vector_load_idx %arg6[%get3A_1693] : memref<100000xf32, #tpu.memory_space<vmem>>[vector<16xi32>], vector<16xf32>,
      %swap3A_1695 = arith.index_cast %add3A_1691 : i32 to index
      %swap3A_1696 = tpu.vector_load %arg8[%swap3A_1695] {strides = array<i32>} : memref<8192xf32, #tpu.memory_space<vmem>>, vector<16xf32>,
      tpu.vector_store %arg8[%swap3A_1695], %gather3A_1694 {strides = array<i32>} : memref<8192xf32, #tpu.memory_space<vmem>>, vector<16xf32>,
      %add3A_1697 = arith.constant 32 : i32
      %add3A_1698 = arith.addi %mul3A_1685, %add3A_1697 : i32
      %get3A_1699 = arith.index_cast %add3A_1698 : i32 to index
      %get3A_1700 = tpu.vector_load %arg7[%get3A_1699] {strides = array<i32>} : memref<8192xi32, #tpu.memory_space<vmem>>, vector<16xi32>,
      %gather3A_1701 = tpu.vector_load_idx %arg6[%get3A_1700] : memref<100000xf32, #tpu.memory_space<vmem>>[vector<16xi32>], vector<16xf32>,
      %swap3A_1702 = arith.index_cast %add3A_1698 : i32 to index
      %swap3A_1703 = tpu.vector_load %arg8[%swap3A_1702] {strides = array<i32>} : memref<8192xf32, #tpu.memory_space<vmem>>, vector<16xf32>,
      tpu.vector_store %arg8[%swap3A_1702], %gather3A_1701 {strides = array<i32>} : memref<8192xf32, #tpu.memory_space<vmem>>, vector<16xf32>,
      %add3A_1704 = arith.constant 48 : i32
      %add3A_1705 = arith.addi %mul3A_1685, %add3A_1704 : i32
      %get3A_1706 = arith.index_cast %add3A_1705 : i32 to index
      %get3A_1707 = tpu.vector_load %arg7[%get3A_1706] {strides = array<i32>} : memref<8192xi32, #tpu.memory_space<vmem>>, vector<16xi32>,
      %gather3A_1708 = tpu.vector_load_idx %arg6[%get3A_1707] : memref<100000xf32, #tpu.memory_space<vmem>>[vector<16xi32>], vector<16xf32>,
      %swap3A_1709 = arith.index_cast %add3A_1705 : i32 to index
      %swap3A_1710 = tpu.vector_load %arg8[%swap3A_1709] {strides = array<i32>} : memref<8192xf32, #tpu.memory_space<vmem>>, vector<16xf32>,
      tpu.vector_store %arg8[%swap3A_1709], %gather3A_1708 {strides = array<i32>} : memref<8192xf32, #tpu.memory_space<vmem>>, vector<16xf32>,
      %scan3A_1711 = arith.constant 0 : i32
      scf.yield %scan3A_1711 : i32
    }
    %scan3A_1015 = arith.constant 128 : i32
    %add3A_1016 = arith.constant 13 : i32
    %add3A_1017 = arith.addi %add3A_1016, %add3A_903 : i32
    %dma_start3A_1018 = arith.constant 8192 : i32
    %dma_start3A_1019 = tpu.memref_slice %arg5[%add3A_1017, %dma_start3A_1018] : memref<429x16384xf32, #tpu.memory_space<hbm>> -> memref<1x8192xf32, #tpu.memory_space<hbm>>
    %dma_start3A_1020 = tpu.memref_squeeze %dma_start3A_1019 : memref<1x8192xf32, #tpu.memory_space<hbm>> -> memref<8192xf32, #tpu.memory_space<hbm>>
    %dma_start3A_1021 = arith.constant 8192 : i32
    %dma_start3A_1022 = tpu.memref_slice %arg5[%add3A_1017, %dma_start3A_1021] : memref<429x16384xf32, #tpu.memory_space<hbm>> -> memref<1x8192xf32, #tpu.memory_space<hbm>>
    %dma_start3A_1023 = tpu.memref_squeeze %dma_start3A_1022 : memref<1x8192xf32, #tpu.memory_space<hbm>> -> memref<8192xf32, #tpu.memory_space<hbm>>
    tpu.enqueue_dma source(%arg8 : memref<8192xf32, #tpu.memory_space<vmem>>) target(%dma_start3A_1023 : memref<8192xf32, #tpu.memory_space<hbm>>) target_semaphore(%arg11 : memref<!tpu.dma_semaphore, #tpu.memory_space<semaphore_mem>>)
    %dma_wait3A_1024 = arith.constant 8192 : i32
    %dma_wait3A_1025 = tpu.memref_slice %arg5[%add3A_1017, %dma_wait3A_1024] : memref<429x16384xf32, #tpu.memory_space<hbm>> -> memref<1x8192xf32, #tpu.memory_space<hbm>>
    %dma_wait3A_1026 = tpu.memref_squeeze %dma_wait3A_1025 : memref<1x8192xf32, #tpu.memory_space<hbm>> -> memref<8192xf32, #tpu.memory_space<hbm>>
    %dma_wait3A_1027 = arith.constant 8192 : i32
    %dma_wait3A_1028 = tpu.memref_slice %arg5[%add3A_1017, %dma_wait3A_1027] : memref<429x16384xf32, #tpu.memory_space<hbm>> -> memref<1x8192xf32, #tpu.memory_space<hbm>>
    %dma_wait3A_1029 = tpu.memref_squeeze %dma_wait3A_1028 : memref<1x8192xf32, #tpu.memory_space<hbm>> -> memref<8192xf32, #tpu.memory_space<hbm>>
    tpu.wait_dma2 semaphore(%arg11 : memref<!tpu.dma_semaphore, #tpu.memory_space<semaphore_mem>>) src(%arg8 : memref<8192xf32, #tpu.memory_space<vmem>>) dst(%dma_wait3A_1029 : memref<8192xf32, #tpu.memory_space<hbm>>)
    %mul3A_1030 = arith.constant 13 : i32
    %mul3A_1031 = arith.muli %add3A, %mul3A_1030 : i32
    %add3A_1032 = arith.constant 8 : i32
    %add3A_1033 = arith.addi %mul3A_1031, %add3A_1032 : i32
    %dma_start3A_1034 = arith.constant 0 : i32
    %dma_start3A_1035 = tpu.memref_slice %arg3[%add3A_1033, %dma_start3A_1034] : memref<416x100000xf32, #tpu.memory_space<hbm>> -> memref<1x100000xf32, #tpu.memory_space<hbm>>
    %dma_start3A_1036 = tpu.memref_squeeze %dma_start3A_1035 : memref<1x100000xf32, #tpu.memory_space<hbm>> -> memref<100000xf32, #tpu.memory_space<hbm>>
    %dma_start3A_1037 = arith.constant 0 : i32
    %dma_start3A_1038 = tpu.memref_slice %arg3[%add3A_1033, %dma_start3A_1037] : memref<416x100000xf32, #tpu.memory_space<hbm>> -> memref<1x100000xf32, #tpu.memory_space<hbm>>
    %dma_start3A_1039 = tpu.memref_squeeze %dma_start3A_1038 : memref<1x100000xf32, #tpu.memory_space<hbm>> -> memref<100000xf32, #tpu.memory_space<hbm>>
    tpu.enqueue_dma source(%dma_start3A_1039 : memref<100000xf32, #tpu.memory_space<hbm>>) target(%arg6 : memref<100000xf32, #tpu.memory_space<vmem>>) target_semaphore(%arg9 : memref<!tpu.dma_semaphore, #tpu.memory_space<semaphore_mem>>)
    %dma_wait3A_1040 = arith.constant 0 : i32
    %dma_wait3A_1041 = tpu.memref_slice %arg3[%add3A_1033, %dma_wait3A_1040] : memref<416x100000xf32, #tpu.memory_space<hbm>> -> memref<1x100000xf32, #tpu.memory_space<hbm>>
    %dma_wait3A_1042 = tpu.memref_squeeze %dma_wait3A_1041 : memref<1x100000xf32, #tpu.memory_space<hbm>> -> memref<100000xf32, #tpu.memory_space<hbm>>
    %dma_wait3A_1043 = arith.constant 0 : i32
    %dma_wait3A_1044 = tpu.memref_slice %arg3[%add3A_1033, %dma_wait3A_1043] : memref<416x100000xf32, #tpu.memory_space<hbm>> -> memref<1x100000xf32, #tpu.memory_space<hbm>>
    %dma_wait3A_1045 = tpu.memref_squeeze %dma_wait3A_1044 : memref<1x100000xf32, #tpu.memory_space<hbm>> -> memref<100000xf32, #tpu.memory_space<hbm>>
    tpu.wait_dma2 semaphore(%arg9 : memref<!tpu.dma_semaphore, #tpu.memory_space<semaphore_mem>>) src(%dma_wait3A_1045 : memref<100000xf32, #tpu.memory_space<hbm>>) dst(%arg6 : memref<100000xf32, #tpu.memory_space<vmem>>)
    %jit3A_1046 = arith.constant 16 : i32
    %div3A_1047 = arith.divsi %add3A_1033, %jit3A_1046 : i32
    %sign3A_1048 = arith.constant 0 : i32
    %sign3A_1049 = arith.cmpi sgt, %add3A_1033, %sign3A_1048 : i32
    %sign3A_1050 = arith.extui %sign3A_1049 : i1 to i32
    %sign3A_1051 = arith.constant 0 : i32
    %sign3A_1052 = arith.cmpi slt, %add3A_1033, %sign3A_1051 : i32
    %sign3A_1053 = arith.extui %sign3A_1052 : i1 to i32
    %sign3A_1054 = arith.subi %sign3A_1050, %sign3A_1053 : i32
    %sign3A_1055 = arith.constant 0 : i32
    %sign3A_1056 = arith.cmpi sgt, %jit3A_1046, %sign3A_1055 : i32
    %sign3A_1057 = arith.extui %sign3A_1056 : i1 to i32
    %sign3A_1058 = arith.constant 0 : i32
    %sign3A_1059 = arith.cmpi slt, %jit3A_1046, %sign3A_1058 : i32
    %sign3A_1060 = arith.extui %sign3A_1059 : i1 to i32
    %sign3A_1061 = arith.subi %sign3A_1057, %sign3A_1060 : i32
    %ne3A_1062 = arith.cmpi ne, %sign3A_1054, %sign3A_1061 : i32
    %rem3A_1063 = arith.remsi %add3A_1033, %jit3A_1046 : i32
    %ne3A_1064 = arith.constant 0 : i32
    %ne3A_1065 = arith.cmpi ne, %rem3A_1063, %ne3A_1064 : i32
    %and3A_1066 = arith.andi %ne3A_1062, %ne3A_1065 : i1
    %sub3A_1067 = arith.constant 1 : i32
    %sub3A_1068 = arith.subi %div3A_1047, %sub3A_1067 : i32
    %select_n3A_1069 = arith.select %and3A_1066, %sub3A_1068, %div3A_1047 : i32
    %dma_start3A_1070 = arith.constant 0 : i32
    %dma_start3A_1071 = tpu.memref_slice %arg2[%select_n3A_1069, %dma_start3A_1070] : memref<26x16384xi32, #tpu.memory_space<hbm>> -> memref<1x8192xi32, #tpu.memory_space<hbm>>
    %dma_start3A_1072 = tpu.memref_squeeze %dma_start3A_1071 : memref<1x8192xi32, #tpu.memory_space<hbm>> -> memref<8192xi32, #tpu.memory_space<hbm>>
    %dma_start3A_1073 = arith.constant 0 : i32
    %dma_start3A_1074 = tpu.memref_slice %arg2[%select_n3A_1069, %dma_start3A_1073] : memref<26x16384xi32, #tpu.memory_space<hbm>> -> memref<1x8192xi32, #tpu.memory_space<hbm>>
    %dma_start3A_1075 = tpu.memref_squeeze %dma_start3A_1074 : memref<1x8192xi32, #tpu.memory_space<hbm>> -> memref<8192xi32, #tpu.memory_space<hbm>>
    tpu.enqueue_dma source(%dma_start3A_1075 : memref<8192xi32, #tpu.memory_space<hbm>>) target(%arg7 : memref<8192xi32, #tpu.memory_space<vmem>>) target_semaphore(%arg10 : memref<!tpu.dma_semaphore, #tpu.memory_space<semaphore_mem>>)
    %dma_wait3A_1076 = arith.constant 0 : i32
    %dma_wait3A_1077 = tpu.memref_slice %arg2[%select_n3A_1069, %dma_wait3A_1076] : memref<26x16384xi32, #tpu.memory_space<hbm>> -> memref<1x8192xi32, #tpu.memory_space<hbm>>
    %dma_wait3A_1078 = tpu.memref_squeeze %dma_wait3A_1077 : memref<1x8192xi32, #tpu.memory_space<hbm>> -> memref<8192xi32, #tpu.memory_space<hbm>>
    %dma_wait3A_1079 = arith.constant 0 : i32
    %dma_wait3A_1080 = tpu.memref_slice %arg2[%select_n3A_1069, %dma_wait3A_1079] : memref<26x16384xi32, #tpu.memory_space<hbm>> -> memref<1x8192xi32, #tpu.memory_space<hbm>>
    %dma_wait3A_1081 = tpu.memref_squeeze %dma_wait3A_1080 : memref<1x8192xi32, #tpu.memory_space<hbm>> -> memref<8192xi32, #tpu.memory_space<hbm>>
    tpu.wait_dma2 semaphore(%arg10 : memref<!tpu.dma_semaphore, #tpu.memory_space<semaphore_mem>>) src(%dma_wait3A_1081 : memref<8192xi32, #tpu.memory_space<hbm>>) dst(%arg7 : memref<8192xi32, #tpu.memory_space<vmem>>)
    %scan3A_1082 = arith.constant 0 : i32
    %scan3A_1083 = arith.constant 0 : i32
    %scan3A_1084 = arith.constant 128 : i32
    %scan3A_1085 = arith.addi %scan3A_1083, %scan3A_1084 : i32
    %scan3A_1086 = arith.constant 1 : i32
    %scan3A_1087 = scf.for %scan3A_1682 = %scan3A_1083 to %scan3A_1085 step %scan3A_1086 iter_args(%scan3A_1683 = %scan3A_1082) -> (i32)  : i32 {
      %mul3A_1684 = arith.constant 64 : i32
      %mul3A_1685 = arith.muli %scan3A_1682, %mul3A_1684 : i32
      %add3A_1686 = arith.constant 0 : i32
      %add3A_1687 = arith.addi %mul3A_1685, %add3A_1686 : i32
      %get3A = arith.index_cast %add3A_1687 : i32 to index
      %get3A_1688 = tpu.vector_load %arg7[%get3A] {strides = array<i32>} : memref<8192xi32, #tpu.memory_space<vmem>>, vector<16xi32>,
      %gather3A = tpu.vector_load_idx %arg6[%get3A_1688] : memref<100000xf32, #tpu.memory_space<vmem>>[vector<16xi32>], vector<16xf32>,
      %swap3A = arith.index_cast %add3A_1687 : i32 to index
      %swap3A_1689 = tpu.vector_load %arg8[%swap3A] {strides = array<i32>} : memref<8192xf32, #tpu.memory_space<vmem>>, vector<16xf32>,
      tpu.vector_store %arg8[%swap3A], %gather3A {strides = array<i32>} : memref<8192xf32, #tpu.memory_space<vmem>>, vector<16xf32>,
      %add3A_1690 = arith.constant 16 : i32
      %add3A_1691 = arith.addi %mul3A_1685, %add3A_1690 : i32
      %get3A_1692 = arith.index_cast %add3A_1691 : i32 to index
      %get3A_1693 = tpu.vector_load %arg7[%get3A_1692] {strides = array<i32>} : memref<8192xi32, #tpu.memory_space<vmem>>, vector<16xi32>,
      %gather3A_1694 = tpu.vector_load_idx %arg6[%get3A_1693] : memref<100000xf32, #tpu.memory_space<vmem>>[vector<16xi32>], vector<16xf32>,
      %swap3A_1695 = arith.index_cast %add3A_1691 : i32 to index
      %swap3A_1696 = tpu.vector_load %arg8[%swap3A_1695] {strides = array<i32>} : memref<8192xf32, #tpu.memory_space<vmem>>, vector<16xf32>,
      tpu.vector_store %arg8[%swap3A_1695], %gather3A_1694 {strides = array<i32>} : memref<8192xf32, #tpu.memory_space<vmem>>, vector<16xf32>,
      %add3A_1697 = arith.constant 32 : i32
      %add3A_1698 = arith.addi %mul3A_1685, %add3A_1697 : i32
      %get3A_1699 = arith.index_cast %add3A_1698 : i32 to index
      %get3A_1700 = tpu.vector_load %arg7[%get3A_1699] {strides = array<i32>} : memref<8192xi32, #tpu.memory_space<vmem>>, vector<16xi32>,
      %gather3A_1701 = tpu.vector_load_idx %arg6[%get3A_1700] : memref<100000xf32, #tpu.memory_space<vmem>>[vector<16xi32>], vector<16xf32>,
      %swap3A_1702 = arith.index_cast %add3A_1698 : i32 to index
      %swap3A_1703 = tpu.vector_load %arg8[%swap3A_1702] {strides = array<i32>} : memref<8192xf32, #tpu.memory_space<vmem>>, vector<16xf32>,
      tpu.vector_store %arg8[%swap3A_1702], %gather3A_1701 {strides = array<i32>} : memref<8192xf32, #tpu.memory_space<vmem>>, vector<16xf32>,
      %add3A_1704 = arith.constant 48 : i32
      %add3A_1705 = arith.addi %mul3A_1685, %add3A_1704 : i32
      %get3A_1706 = arith.index_cast %add3A_1705 : i32 to index
      %get3A_1707 = tpu.vector_load %arg7[%get3A_1706] {strides = array<i32>} : memref<8192xi32, #tpu.memory_space<vmem>>, vector<16xi32>,
      %gather3A_1708 = tpu.vector_load_idx %arg6[%get3A_1707] : memref<100000xf32, #tpu.memory_space<vmem>>[vector<16xi32>], vector<16xf32>,
      %swap3A_1709 = arith.index_cast %add3A_1705 : i32 to index
      %swap3A_1710 = tpu.vector_load %arg8[%swap3A_1709] {strides = array<i32>} : memref<8192xf32, #tpu.memory_space<vmem>>, vector<16xf32>,
      tpu.vector_store %arg8[%swap3A_1709], %gather3A_1708 {strides = array<i32>} : memref<8192xf32, #tpu.memory_space<vmem>>, vector<16xf32>,
      %scan3A_1711 = arith.constant 0 : i32
      scf.yield %scan3A_1711 : i32
    }
    %scan3A_1088 = arith.constant 128 : i32
    %add3A_1089 = arith.constant 13 : i32
    %add3A_1090 = arith.addi %add3A_1089, %add3A_1033 : i32
    %dma_start3A_1091 = arith.constant 0 : i32
    %dma_start3A_1092 = tpu.memref_slice %arg5[%add3A_1090, %dma_start3A_1091] : memref<429x16384xf32, #tpu.memory_space<hbm>> -> memref<1x8192xf32, #tpu.memory_space<hbm>>
    %dma_start3A_1093 = tpu.memref_squeeze %dma_start3A_1092 : memref<1x8192xf32, #tpu.memory_space<hbm>> -> memref<8192xf32, #tpu.memory_space<hbm>>
    %dma_start3A_1094 = arith.constant 0 : i32
    %dma_start3A_1095 = tpu.memref_slice %arg5[%add3A_1090, %dma_start3A_1094] : memref<429x16384xf32, #tpu.memory_space<hbm>> -> memref<1x8192xf32, #tpu.memory_space<hbm>>
    %dma_start3A_1096 = tpu.memref_squeeze %dma_start3A_1095 : memref<1x8192xf32, #tpu.memory_space<hbm>> -> memref<8192xf32, #tpu.memory_space<hbm>>
    tpu.enqueue_dma source(%arg8 : memref<8192xf32, #tpu.memory_space<vmem>>) target(%dma_start3A_1096 : memref<8192xf32, #tpu.memory_space<hbm>>) target_semaphore(%arg11 : memref<!tpu.dma_semaphore, #tpu.memory_space<semaphore_mem>>)
    %dma_wait3A_1097 = arith.constant 0 : i32
    %dma_wait3A_1098 = tpu.memref_slice %arg5[%add3A_1090, %dma_wait3A_1097] : memref<429x16384xf32, #tpu.memory_space<hbm>> -> memref<1x8192xf32, #tpu.memory_space<hbm>>
    %dma_wait3A_1099 = tpu.memref_squeeze %dma_wait3A_1098 : memref<1x8192xf32, #tpu.memory_space<hbm>> -> memref<8192xf32, #tpu.memory_space<hbm>>
    %dma_wait3A_1100 = arith.constant 0 : i32
    %dma_wait3A_1101 = tpu.memref_slice %arg5[%add3A_1090, %dma_wait3A_1100] : memref<429x16384xf32, #tpu.memory_space<hbm>> -> memref<1x8192xf32, #tpu.memory_space<hbm>>
    %dma_wait3A_1102 = tpu.memref_squeeze %dma_wait3A_1101 : memref<1x8192xf32, #tpu.memory_space<hbm>> -> memref<8192xf32, #tpu.memory_space<hbm>>
    tpu.wait_dma2 semaphore(%arg11 : memref<!tpu.dma_semaphore, #tpu.memory_space<semaphore_mem>>) src(%arg8 : memref<8192xf32, #tpu.memory_space<vmem>>) dst(%dma_wait3A_1102 : memref<8192xf32, #tpu.memory_space<hbm>>)
    %jit3A_1103 = arith.constant 16 : i32
    %div3A_1104 = arith.divsi %add3A_1033, %jit3A_1103 : i32
    %sign3A_1105 = arith.constant 0 : i32
    %sign3A_1106 = arith.cmpi sgt, %add3A_1033, %sign3A_1105 : i32
    %sign3A_1107 = arith.extui %sign3A_1106 : i1 to i32
    %sign3A_1108 = arith.constant 0 : i32
    %sign3A_1109 = arith.cmpi slt, %add3A_1033, %sign3A_1108 : i32
    %sign3A_1110 = arith.extui %sign3A_1109 : i1 to i32
    %sign3A_1111 = arith.subi %sign3A_1107, %sign3A_1110 : i32
    %sign3A_1112 = arith.constant 0 : i32
    %sign3A_1113 = arith.cmpi sgt, %jit3A_1103, %sign3A_1112 : i32
    %sign3A_1114 = arith.extui %sign3A_1113 : i1 to i32
    %sign3A_1115 = arith.constant 0 : i32
    %sign3A_1116 = arith.cmpi slt, %jit3A_1103, %sign3A_1115 : i32
    %sign3A_1117 = arith.extui %sign3A_1116 : i1 to i32
    %sign3A_1118 = arith.subi %sign3A_1114, %sign3A_1117 : i32
    %ne3A_1119 = arith.cmpi ne, %sign3A_1111, %sign3A_1118 : i32
    %rem3A_1120 = arith.remsi %add3A_1033, %jit3A_1103 : i32
    %ne3A_1121 = arith.constant 0 : i32
    %ne3A_1122 = arith.cmpi ne, %rem3A_1120, %ne3A_1121 : i32
    %and3A_1123 = arith.andi %ne3A_1119, %ne3A_1122 : i1
    %sub3A_1124 = arith.constant 1 : i32
    %sub3A_1125 = arith.subi %div3A_1104, %sub3A_1124 : i32
    %select_n3A_1126 = arith.select %and3A_1123, %sub3A_1125, %div3A_1104 : i32
    %dma_start3A_1127 = arith.constant 8192 : i32
    %dma_start3A_1128 = tpu.memref_slice %arg2[%select_n3A_1126, %dma_start3A_1127] : memref<26x16384xi32, #tpu.memory_space<hbm>> -> memref<1x8192xi32, #tpu.memory_space<hbm>>
    %dma_start3A_1129 = tpu.memref_squeeze %dma_start3A_1128 : memref<1x8192xi32, #tpu.memory_space<hbm>> -> memref<8192xi32, #tpu.memory_space<hbm>>
    %dma_start3A_1130 = arith.constant 8192 : i32
    %dma_start3A_1131 = tpu.memref_slice %arg2[%select_n3A_1126, %dma_start3A_1130] : memref<26x16384xi32, #tpu.memory_space<hbm>> -> memref<1x8192xi32, #tpu.memory_space<hbm>>
    %dma_start3A_1132 = tpu.memref_squeeze %dma_start3A_1131 : memref<1x8192xi32, #tpu.memory_space<hbm>> -> memref<8192xi32, #tpu.memory_space<hbm>>
    tpu.enqueue_dma source(%dma_start3A_1132 : memref<8192xi32, #tpu.memory_space<hbm>>) target(%arg7 : memref<8192xi32, #tpu.memory_space<vmem>>) target_semaphore(%arg10 : memref<!tpu.dma_semaphore, #tpu.memory_space<semaphore_mem>>)
    %dma_wait3A_1133 = arith.constant 8192 : i32
    %dma_wait3A_1134 = tpu.memref_slice %arg2[%select_n3A_1126, %dma_wait3A_1133] : memref<26x16384xi32, #tpu.memory_space<hbm>> -> memref<1x8192xi32, #tpu.memory_space<hbm>>
    %dma_wait3A_1135 = tpu.memref_squeeze %dma_wait3A_1134 : memref<1x8192xi32, #tpu.memory_space<hbm>> -> memref<8192xi32, #tpu.memory_space<hbm>>
    %dma_wait3A_1136 = arith.constant 8192 : i32
    %dma_wait3A_1137 = tpu.memref_slice %arg2[%select_n3A_1126, %dma_wait3A_1136] : memref<26x16384xi32, #tpu.memory_space<hbm>> -> memref<1x8192xi32, #tpu.memory_space<hbm>>
    %dma_wait3A_1138 = tpu.memref_squeeze %dma_wait3A_1137 : memref<1x8192xi32, #tpu.memory_space<hbm>> -> memref<8192xi32, #tpu.memory_space<hbm>>
    tpu.wait_dma2 semaphore(%arg10 : memref<!tpu.dma_semaphore, #tpu.memory_space<semaphore_mem>>) src(%dma_wait3A_1138 : memref<8192xi32, #tpu.memory_space<hbm>>) dst(%arg7 : memref<8192xi32, #tpu.memory_space<vmem>>)
    %scan3A_1139 = arith.constant 0 : i32
    %scan3A_1140 = arith.constant 0 : i32
    %scan3A_1141 = arith.constant 128 : i32
    %scan3A_1142 = arith.addi %scan3A_1140, %scan3A_1141 : i32
    %scan3A_1143 = arith.constant 1 : i32
    %scan3A_1144 = scf.for %scan3A_1682 = %scan3A_1140 to %scan3A_1142 step %scan3A_1143 iter_args(%scan3A_1683 = %scan3A_1139) -> (i32)  : i32 {
      %mul3A_1684 = arith.constant 64 : i32
      %mul3A_1685 = arith.muli %scan3A_1682, %mul3A_1684 : i32
      %add3A_1686 = arith.constant 0 : i32
      %add3A_1687 = arith.addi %mul3A_1685, %add3A_1686 : i32
      %get3A = arith.index_cast %add3A_1687 : i32 to index
      %get3A_1688 = tpu.vector_load %arg7[%get3A] {strides = array<i32>} : memref<8192xi32, #tpu.memory_space<vmem>>, vector<16xi32>,
      %gather3A = tpu.vector_load_idx %arg6[%get3A_1688] : memref<100000xf32, #tpu.memory_space<vmem>>[vector<16xi32>], vector<16xf32>,
      %swap3A = arith.index_cast %add3A_1687 : i32 to index
      %swap3A_1689 = tpu.vector_load %arg8[%swap3A] {strides = array<i32>} : memref<8192xf32, #tpu.memory_space<vmem>>, vector<16xf32>,
      tpu.vector_store %arg8[%swap3A], %gather3A {strides = array<i32>} : memref<8192xf32, #tpu.memory_space<vmem>>, vector<16xf32>,
      %add3A_1690 = arith.constant 16 : i32
      %add3A_1691 = arith.addi %mul3A_1685, %add3A_1690 : i32
      %get3A_1692 = arith.index_cast %add3A_1691 : i32 to index
      %get3A_1693 = tpu.vector_load %arg7[%get3A_1692] {strides = array<i32>} : memref<8192xi32, #tpu.memory_space<vmem>>, vector<16xi32>,
      %gather3A_1694 = tpu.vector_load_idx %arg6[%get3A_1693] : memref<100000xf32, #tpu.memory_space<vmem>>[vector<16xi32>], vector<16xf32>,
      %swap3A_1695 = arith.index_cast %add3A_1691 : i32 to index
      %swap3A_1696 = tpu.vector_load %arg8[%swap3A_1695] {strides = array<i32>} : memref<8192xf32, #tpu.memory_space<vmem>>, vector<16xf32>,
      tpu.vector_store %arg8[%swap3A_1695], %gather3A_1694 {strides = array<i32>} : memref<8192xf32, #tpu.memory_space<vmem>>, vector<16xf32>,
      %add3A_1697 = arith.constant 32 : i32
      %add3A_1698 = arith.addi %mul3A_1685, %add3A_1697 : i32
      %get3A_1699 = arith.index_cast %add3A_1698 : i32 to index
      %get3A_1700 = tpu.vector_load %arg7[%get3A_1699] {strides = array<i32>} : memref<8192xi32, #tpu.memory_space<vmem>>, vector<16xi32>,
      %gather3A_1701 = tpu.vector_load_idx %arg6[%get3A_1700] : memref<100000xf32, #tpu.memory_space<vmem>>[vector<16xi32>], vector<16xf32>,
      %swap3A_1702 = arith.index_cast %add3A_1698 : i32 to index
      %swap3A_1703 = tpu.vector_load %arg8[%swap3A_1702] {strides = array<i32>} : memref<8192xf32, #tpu.memory_space<vmem>>, vector<16xf32>,
      tpu.vector_store %arg8[%swap3A_1702], %gather3A_1701 {strides = array<i32>} : memref<8192xf32, #tpu.memory_space<vmem>>, vector<16xf32>,
      %add3A_1704 = arith.constant 48 : i32
      %add3A_1705 = arith.addi %mul3A_1685, %add3A_1704 : i32
      %get3A_1706 = arith.index_cast %add3A_1705 : i32 to index
      %get3A_1707 = tpu.vector_load %arg7[%get3A_1706] {strides = array<i32>} : memref<8192xi32, #tpu.memory_space<vmem>>, vector<16xi32>,
      %gather3A_1708 = tpu.vector_load_idx %arg6[%get3A_1707] : memref<100000xf32, #tpu.memory_space<vmem>>[vector<16xi32>], vector<16xf32>,
      %swap3A_1709 = arith.index_cast %add3A_1705 : i32 to index
      %swap3A_1710 = tpu.vector_load %arg8[%swap3A_1709] {strides = array<i32>} : memref<8192xf32, #tpu.memory_space<vmem>>, vector<16xf32>,
      tpu.vector_store %arg8[%swap3A_1709], %gather3A_1708 {strides = array<i32>} : memref<8192xf32, #tpu.memory_space<vmem>>, vector<16xf32>,
      %scan3A_1711 = arith.constant 0 : i32
      scf.yield %scan3A_1711 : i32
    }
    %scan3A_1145 = arith.constant 128 : i32
    %add3A_1146 = arith.constant 13 : i32
    %add3A_1147 = arith.addi %add3A_1146, %add3A_1033 : i32
    %dma_start3A_1148 = arith.constant 8192 : i32
    %dma_start3A_1149 = tpu.memref_slice %arg5[%add3A_1147, %dma_start3A_1148] : memref<429x16384xf32, #tpu.memory_space<hbm>> -> memref<1x8192xf32, #tpu.memory_space<hbm>>
    %dma_start3A_1150 = tpu.memref_squeeze %dma_start3A_1149 : memref<1x8192xf32, #tpu.memory_space<hbm>> -> memref<8192xf32, #tpu.memory_space<hbm>>
    %dma_start3A_1151 = arith.constant 8192 : i32
    %dma_start3A_1152 = tpu.memref_slice %arg5[%add3A_1147, %dma_start3A_1151] : memref<429x16384xf32, #tpu.memory_space<hbm>> -> memref<1x8192xf32, #tpu.memory_space<hbm>>
    %dma_start3A_1153 = tpu.memref_squeeze %dma_start3A_1152 : memref<1x8192xf32, #tpu.memory_space<hbm>> -> memref<8192xf32, #tpu.memory_space<hbm>>
    tpu.enqueue_dma source(%arg8 : memref<8192xf32, #tpu.memory_space<vmem>>) target(%dma_start3A_1153 : memref<8192xf32, #tpu.memory_space<hbm>>) target_semaphore(%arg11 : memref<!tpu.dma_semaphore, #tpu.memory_space<semaphore_mem>>)
    %dma_wait3A_1154 = arith.constant 8192 : i32
    %dma_wait3A_1155 = tpu.memref_slice %arg5[%add3A_1147, %dma_wait3A_1154] : memref<429x16384xf32, #tpu.memory_space<hbm>> -> memref<1x8192xf32, #tpu.memory_space<hbm>>
    %dma_wait3A_1156 = tpu.memref_squeeze %dma_wait3A_1155 : memref<1x8192xf32, #tpu.memory_space<hbm>> -> memref<8192xf32, #tpu.memory_space<hbm>>
    %dma_wait3A_1157 = arith.constant 8192 : i32
    %dma_wait3A_1158 = tpu.memref_slice %arg5[%add3A_1147, %dma_wait3A_1157] : memref<429x16384xf32, #tpu.memory_space<hbm>> -> memref<1x8192xf32, #tpu.memory_space<hbm>>
    %dma_wait3A_1159 = tpu.memref_squeeze %dma_wait3A_1158 : memref<1x8192xf32, #tpu.memory_space<hbm>> -> memref<8192xf32, #tpu.memory_space<hbm>>
    tpu.wait_dma2 semaphore(%arg11 : memref<!tpu.dma_semaphore, #tpu.memory_space<semaphore_mem>>) src(%arg8 : memref<8192xf32, #tpu.memory_space<vmem>>) dst(%dma_wait3A_1159 : memref<8192xf32, #tpu.memory_space<hbm>>)
    %mul3A_1160 = arith.constant 13 : i32
    %mul3A_1161 = arith.muli %add3A, %mul3A_1160 : i32
    %add3A_1162 = arith.constant 9 : i32
    %add3A_1163 = arith.addi %mul3A_1161, %add3A_1162 : i32
    %dma_start3A_1164 = arith.constant 0 : i32
    %dma_start3A_1165 = tpu.memref_slice %arg3[%add3A_1163, %dma_start3A_1164] : memref<416x100000xf32, #tpu.memory_space<hbm>> -> memref<1x100000xf32, #tpu.memory_space<hbm>>
    %dma_start3A_1166 = tpu.memref_squeeze %dma_start3A_1165 : memref<1x100000xf32, #tpu.memory_space<hbm>> -> memref<100000xf32, #tpu.memory_space<hbm>>
    %dma_start3A_1167 = arith.constant 0 : i32
    %dma_start3A_1168 = tpu.memref_slice %arg3[%add3A_1163, %dma_start3A_1167] : memref<416x100000xf32, #tpu.memory_space<hbm>> -> memref<1x100000xf32, #tpu.memory_space<hbm>>
    %dma_start3A_1169 = tpu.memref_squeeze %dma_start3A_1168 : memref<1x100000xf32, #tpu.memory_space<hbm>> -> memref<100000xf32, #tpu.memory_space<hbm>>
    tpu.enqueue_dma source(%dma_start3A_1169 : memref<100000xf32, #tpu.memory_space<hbm>>) target(%arg6 : memref<100000xf32, #tpu.memory_space<vmem>>) target_semaphore(%arg9 : memref<!tpu.dma_semaphore, #tpu.memory_space<semaphore_mem>>)
    %dma_wait3A_1170 = arith.constant 0 : i32
    %dma_wait3A_1171 = tpu.memref_slice %arg3[%add3A_1163, %dma_wait3A_1170] : memref<416x100000xf32, #tpu.memory_space<hbm>> -> memref<1x100000xf32, #tpu.memory_space<hbm>>
    %dma_wait3A_1172 = tpu.memref_squeeze %dma_wait3A_1171 : memref<1x100000xf32, #tpu.memory_space<hbm>> -> memref<100000xf32, #tpu.memory_space<hbm>>
    %dma_wait3A_1173 = arith.constant 0 : i32
    %dma_wait3A_1174 = tpu.memref_slice %arg3[%add3A_1163, %dma_wait3A_1173] : memref<416x100000xf32, #tpu.memory_space<hbm>> -> memref<1x100000xf32, #tpu.memory_space<hbm>>
    %dma_wait3A_1175 = tpu.memref_squeeze %dma_wait3A_1174 : memref<1x100000xf32, #tpu.memory_space<hbm>> -> memref<100000xf32, #tpu.memory_space<hbm>>
    tpu.wait_dma2 semaphore(%arg9 : memref<!tpu.dma_semaphore, #tpu.memory_space<semaphore_mem>>) src(%dma_wait3A_1175 : memref<100000xf32, #tpu.memory_space<hbm>>) dst(%arg6 : memref<100000xf32, #tpu.memory_space<vmem>>)
    %jit3A_1176 = arith.constant 16 : i32
    %div3A_1177 = arith.divsi %add3A_1163, %jit3A_1176 : i32
    %sign3A_1178 = arith.constant 0 : i32
    %sign3A_1179 = arith.cmpi sgt, %add3A_1163, %sign3A_1178 : i32
    %sign3A_1180 = arith.extui %sign3A_1179 : i1 to i32
    %sign3A_1181 = arith.constant 0 : i32
    %sign3A_1182 = arith.cmpi slt, %add3A_1163, %sign3A_1181 : i32
    %sign3A_1183 = arith.extui %sign3A_1182 : i1 to i32
    %sign3A_1184 = arith.subi %sign3A_1180, %sign3A_1183 : i32
    %sign3A_1185 = arith.constant 0 : i32
    %sign3A_1186 = arith.cmpi sgt, %jit3A_1176, %sign3A_1185 : i32
    %sign3A_1187 = arith.extui %sign3A_1186 : i1 to i32
    %sign3A_1188 = arith.constant 0 : i32
    %sign3A_1189 = arith.cmpi slt, %jit3A_1176, %sign3A_1188 : i32
    %sign3A_1190 = arith.extui %sign3A_1189 : i1 to i32
    %sign3A_1191 = arith.subi %sign3A_1187, %sign3A_1190 : i32
    %ne3A_1192 = arith.cmpi ne, %sign3A_1184, %sign3A_1191 : i32
    %rem3A_1193 = arith.remsi %add3A_1163, %jit3A_1176 : i32
    %ne3A_1194 = arith.constant 0 : i32
    %ne3A_1195 = arith.cmpi ne, %rem3A_1193, %ne3A_1194 : i32
    %and3A_1196 = arith.andi %ne3A_1192, %ne3A_1195 : i1
    %sub3A_1197 = arith.constant 1 : i32
    %sub3A_1198 = arith.subi %div3A_1177, %sub3A_1197 : i32
    %select_n3A_1199 = arith.select %and3A_1196, %sub3A_1198, %div3A_1177 : i32
    %dma_start3A_1200 = arith.constant 0 : i32
    %dma_start3A_1201 = tpu.memref_slice %arg2[%select_n3A_1199, %dma_start3A_1200] : memref<26x16384xi32, #tpu.memory_space<hbm>> -> memref<1x8192xi32, #tpu.memory_space<hbm>>
    %dma_start3A_1202 = tpu.memref_squeeze %dma_start3A_1201 : memref<1x8192xi32, #tpu.memory_space<hbm>> -> memref<8192xi32, #tpu.memory_space<hbm>>
    %dma_start3A_1203 = arith.constant 0 : i32
    %dma_start3A_1204 = tpu.memref_slice %arg2[%select_n3A_1199, %dma_start3A_1203] : memref<26x16384xi32, #tpu.memory_space<hbm>> -> memref<1x8192xi32, #tpu.memory_space<hbm>>
    %dma_start3A_1205 = tpu.memref_squeeze %dma_start3A_1204 : memref<1x8192xi32, #tpu.memory_space<hbm>> -> memref<8192xi32, #tpu.memory_space<hbm>>
    tpu.enqueue_dma source(%dma_start3A_1205 : memref<8192xi32, #tpu.memory_space<hbm>>) target(%arg7 : memref<8192xi32, #tpu.memory_space<vmem>>) target_semaphore(%arg10 : memref<!tpu.dma_semaphore, #tpu.memory_space<semaphore_mem>>)
    %dma_wait3A_1206 = arith.constant 0 : i32
    %dma_wait3A_1207 = tpu.memref_slice %arg2[%select_n3A_1199, %dma_wait3A_1206] : memref<26x16384xi32, #tpu.memory_space<hbm>> -> memref<1x8192xi32, #tpu.memory_space<hbm>>
    %dma_wait3A_1208 = tpu.memref_squeeze %dma_wait3A_1207 : memref<1x8192xi32, #tpu.memory_space<hbm>> -> memref<8192xi32, #tpu.memory_space<hbm>>
    %dma_wait3A_1209 = arith.constant 0 : i32
    %dma_wait3A_1210 = tpu.memref_slice %arg2[%select_n3A_1199, %dma_wait3A_1209] : memref<26x16384xi32, #tpu.memory_space<hbm>> -> memref<1x8192xi32, #tpu.memory_space<hbm>>
    %dma_wait3A_1211 = tpu.memref_squeeze %dma_wait3A_1210 : memref<1x8192xi32, #tpu.memory_space<hbm>> -> memref<8192xi32, #tpu.memory_space<hbm>>
    tpu.wait_dma2 semaphore(%arg10 : memref<!tpu.dma_semaphore, #tpu.memory_space<semaphore_mem>>) src(%dma_wait3A_1211 : memref<8192xi32, #tpu.memory_space<hbm>>) dst(%arg7 : memref<8192xi32, #tpu.memory_space<vmem>>)
    %scan3A_1212 = arith.constant 0 : i32
    %scan3A_1213 = arith.constant 0 : i32
    %scan3A_1214 = arith.constant 128 : i32
    %scan3A_1215 = arith.addi %scan3A_1213, %scan3A_1214 : i32
    %scan3A_1216 = arith.constant 1 : i32
    %scan3A_1217 = scf.for %scan3A_1682 = %scan3A_1213 to %scan3A_1215 step %scan3A_1216 iter_args(%scan3A_1683 = %scan3A_1212) -> (i32)  : i32 {
      %mul3A_1684 = arith.constant 64 : i32
      %mul3A_1685 = arith.muli %scan3A_1682, %mul3A_1684 : i32
      %add3A_1686 = arith.constant 0 : i32
      %add3A_1687 = arith.addi %mul3A_1685, %add3A_1686 : i32
      %get3A = arith.index_cast %add3A_1687 : i32 to index
      %get3A_1688 = tpu.vector_load %arg7[%get3A] {strides = array<i32>} : memref<8192xi32, #tpu.memory_space<vmem>>, vector<16xi32>,
      %gather3A = tpu.vector_load_idx %arg6[%get3A_1688] : memref<100000xf32, #tpu.memory_space<vmem>>[vector<16xi32>], vector<16xf32>,
      %swap3A = arith.index_cast %add3A_1687 : i32 to index
      %swap3A_1689 = tpu.vector_load %arg8[%swap3A] {strides = array<i32>} : memref<8192xf32, #tpu.memory_space<vmem>>, vector<16xf32>,
      tpu.vector_store %arg8[%swap3A], %gather3A {strides = array<i32>} : memref<8192xf32, #tpu.memory_space<vmem>>, vector<16xf32>,
      %add3A_1690 = arith.constant 16 : i32
      %add3A_1691 = arith.addi %mul3A_1685, %add3A_1690 : i32
      %get3A_1692 = arith.index_cast %add3A_1691 : i32 to index
      %get3A_1693 = tpu.vector_load %arg7[%get3A_1692] {strides = array<i32>} : memref<8192xi32, #tpu.memory_space<vmem>>, vector<16xi32>,
      %gather3A_1694 = tpu.vector_load_idx %arg6[%get3A_1693] : memref<100000xf32, #tpu.memory_space<vmem>>[vector<16xi32>], vector<16xf32>,
      %swap3A_1695 = arith.index_cast %add3A_1691 : i32 to index
      %swap3A_1696 = tpu.vector_load %arg8[%swap3A_1695] {strides = array<i32>} : memref<8192xf32, #tpu.memory_space<vmem>>, vector<16xf32>,
      tpu.vector_store %arg8[%swap3A_1695], %gather3A_1694 {strides = array<i32>} : memref<8192xf32, #tpu.memory_space<vmem>>, vector<16xf32>,
      %add3A_1697 = arith.constant 32 : i32
      %add3A_1698 = arith.addi %mul3A_1685, %add3A_1697 : i32
      %get3A_1699 = arith.index_cast %add3A_1698 : i32 to index
      %get3A_1700 = tpu.vector_load %arg7[%get3A_1699] {strides = array<i32>} : memref<8192xi32, #tpu.memory_space<vmem>>, vector<16xi32>,
      %gather3A_1701 = tpu.vector_load_idx %arg6[%get3A_1700] : memref<100000xf32, #tpu.memory_space<vmem>>[vector<16xi32>], vector<16xf32>,
      %swap3A_1702 = arith.index_cast %add3A_1698 : i32 to index
      %swap3A_1703 = tpu.vector_load %arg8[%swap3A_1702] {strides = array<i32>} : memref<8192xf32, #tpu.memory_space<vmem>>, vector<16xf32>,
      tpu.vector_store %arg8[%swap3A_1702], %gather3A_1701 {strides = array<i32>} : memref<8192xf32, #tpu.memory_space<vmem>>, vector<16xf32>,
      %add3A_1704 = arith.constant 48 : i32
      %add3A_1705 = arith.addi %mul3A_1685, %add3A_1704 : i32
      %get3A_1706 = arith.index_cast %add3A_1705 : i32 to index
      %get3A_1707 = tpu.vector_load %arg7[%get3A_1706] {strides = array<i32>} : memref<8192xi32, #tpu.memory_space<vmem>>, vector<16xi32>,
      %gather3A_1708 = tpu.vector_load_idx %arg6[%get3A_1707] : memref<100000xf32, #tpu.memory_space<vmem>>[vector<16xi32>], vector<16xf32>,
      %swap3A_1709 = arith.index_cast %add3A_1705 : i32 to index
      %swap3A_1710 = tpu.vector_load %arg8[%swap3A_1709] {strides = array<i32>} : memref<8192xf32, #tpu.memory_space<vmem>>, vector<16xf32>,
      tpu.vector_store %arg8[%swap3A_1709], %gather3A_1708 {strides = array<i32>} : memref<8192xf32, #tpu.memory_space<vmem>>, vector<16xf32>,
      %scan3A_1711 = arith.constant 0 : i32
      scf.yield %scan3A_1711 : i32
    }
    %scan3A_1218 = arith.constant 128 : i32
    %add3A_1219 = arith.constant 13 : i32
    %add3A_1220 = arith.addi %add3A_1219, %add3A_1163 : i32
    %dma_start3A_1221 = arith.constant 0 : i32
    %dma_start3A_1222 = tpu.memref_slice %arg5[%add3A_1220, %dma_start3A_1221] : memref<429x16384xf32, #tpu.memory_space<hbm>> -> memref<1x8192xf32, #tpu.memory_space<hbm>>
    %dma_start3A_1223 = tpu.memref_squeeze %dma_start3A_1222 : memref<1x8192xf32, #tpu.memory_space<hbm>> -> memref<8192xf32, #tpu.memory_space<hbm>>
    %dma_start3A_1224 = arith.constant 0 : i32
    %dma_start3A_1225 = tpu.memref_slice %arg5[%add3A_1220, %dma_start3A_1224] : memref<429x16384xf32, #tpu.memory_space<hbm>> -> memref<1x8192xf32, #tpu.memory_space<hbm>>
    %dma_start3A_1226 = tpu.memref_squeeze %dma_start3A_1225 : memref<1x8192xf32, #tpu.memory_space<hbm>> -> memref<8192xf32, #tpu.memory_space<hbm>>
    tpu.enqueue_dma source(%arg8 : memref<8192xf32, #tpu.memory_space<vmem>>) target(%dma_start3A_1226 : memref<8192xf32, #tpu.memory_space<hbm>>) target_semaphore(%arg11 : memref<!tpu.dma_semaphore, #tpu.memory_space<semaphore_mem>>)
    %dma_wait3A_1227 = arith.constant 0 : i32
    %dma_wait3A_1228 = tpu.memref_slice %arg5[%add3A_1220, %dma_wait3A_1227] : memref<429x16384xf32, #tpu.memory_space<hbm>> -> memref<1x8192xf32, #tpu.memory_space<hbm>>
    %dma_wait3A_1229 = tpu.memref_squeeze %dma_wait3A_1228 : memref<1x8192xf32, #tpu.memory_space<hbm>> -> memref<8192xf32, #tpu.memory_space<hbm>>
    %dma_wait3A_1230 = arith.constant 0 : i32
    %dma_wait3A_1231 = tpu.memref_slice %arg5[%add3A_1220, %dma_wait3A_1230] : memref<429x16384xf32, #tpu.memory_space<hbm>> -> memref<1x8192xf32, #tpu.memory_space<hbm>>
    %dma_wait3A_1232 = tpu.memref_squeeze %dma_wait3A_1231 : memref<1x8192xf32, #tpu.memory_space<hbm>> -> memref<8192xf32, #tpu.memory_space<hbm>>
    tpu.wait_dma2 semaphore(%arg11 : memref<!tpu.dma_semaphore, #tpu.memory_space<semaphore_mem>>) src(%arg8 : memref<8192xf32, #tpu.memory_space<vmem>>) dst(%dma_wait3A_1232 : memref<8192xf32, #tpu.memory_space<hbm>>)
    %jit3A_1233 = arith.constant 16 : i32
    %div3A_1234 = arith.divsi %add3A_1163, %jit3A_1233 : i32
    %sign3A_1235 = arith.constant 0 : i32
    %sign3A_1236 = arith.cmpi sgt, %add3A_1163, %sign3A_1235 : i32
    %sign3A_1237 = arith.extui %sign3A_1236 : i1 to i32
    %sign3A_1238 = arith.constant 0 : i32
    %sign3A_1239 = arith.cmpi slt, %add3A_1163, %sign3A_1238 : i32
    %sign3A_1240 = arith.extui %sign3A_1239 : i1 to i32
    %sign3A_1241 = arith.subi %sign3A_1237, %sign3A_1240 : i32
    %sign3A_1242 = arith.constant 0 : i32
    %sign3A_1243 = arith.cmpi sgt, %jit3A_1233, %sign3A_1242 : i32
    %sign3A_1244 = arith.extui %sign3A_1243 : i1 to i32
    %sign3A_1245 = arith.constant 0 : i32
    %sign3A_1246 = arith.cmpi slt, %jit3A_1233, %sign3A_1245 : i32
    %sign3A_1247 = arith.extui %sign3A_1246 : i1 to i32
    %sign3A_1248 = arith.subi %sign3A_1244, %sign3A_1247 : i32
    %ne3A_1249 = arith.cmpi ne, %sign3A_1241, %sign3A_1248 : i32
    %rem3A_1250 = arith.remsi %add3A_1163, %jit3A_1233 : i32
    %ne3A_1251 = arith.constant 0 : i32
    %ne3A_1252 = arith.cmpi ne, %rem3A_1250, %ne3A_1251 : i32
    %and3A_1253 = arith.andi %ne3A_1249, %ne3A_1252 : i1
    %sub3A_1254 = arith.constant 1 : i32
    %sub3A_1255 = arith.subi %div3A_1234, %sub3A_1254 : i32
    %select_n3A_1256 = arith.select %and3A_1253, %sub3A_1255, %div3A_1234 : i32
    %dma_start3A_1257 = arith.constant 8192 : i32
    %dma_start3A_1258 = tpu.memref_slice %arg2[%select_n3A_1256, %dma_start3A_1257] : memref<26x16384xi32, #tpu.memory_space<hbm>> -> memref<1x8192xi32, #tpu.memory_space<hbm>>
    %dma_start3A_1259 = tpu.memref_squeeze %dma_start3A_1258 : memref<1x8192xi32, #tpu.memory_space<hbm>> -> memref<8192xi32, #tpu.memory_space<hbm>>
    %dma_start3A_1260 = arith.constant 8192 : i32
    %dma_start3A_1261 = tpu.memref_slice %arg2[%select_n3A_1256, %dma_start3A_1260] : memref<26x16384xi32, #tpu.memory_space<hbm>> -> memref<1x8192xi32, #tpu.memory_space<hbm>>
    %dma_start3A_1262 = tpu.memref_squeeze %dma_start3A_1261 : memref<1x8192xi32, #tpu.memory_space<hbm>> -> memref<8192xi32, #tpu.memory_space<hbm>>
    tpu.enqueue_dma source(%dma_start3A_1262 : memref<8192xi32, #tpu.memory_space<hbm>>) target(%arg7 : memref<8192xi32, #tpu.memory_space<vmem>>) target_semaphore(%arg10 : memref<!tpu.dma_semaphore, #tpu.memory_space<semaphore_mem>>)
    %dma_wait3A_1263 = arith.constant 8192 : i32
    %dma_wait3A_1264 = tpu.memref_slice %arg2[%select_n3A_1256, %dma_wait3A_1263] : memref<26x16384xi32, #tpu.memory_space<hbm>> -> memref<1x8192xi32, #tpu.memory_space<hbm>>
    %dma_wait3A_1265 = tpu.memref_squeeze %dma_wait3A_1264 : memref<1x8192xi32, #tpu.memory_space<hbm>> -> memref<8192xi32, #tpu.memory_space<hbm>>
    %dma_wait3A_1266 = arith.constant 8192 : i32
    %dma_wait3A_1267 = tpu.memref_slice %arg2[%select_n3A_1256, %dma_wait3A_1266] : memref<26x16384xi32, #tpu.memory_space<hbm>> -> memref<1x8192xi32, #tpu.memory_space<hbm>>
    %dma_wait3A_1268 = tpu.memref_squeeze %dma_wait3A_1267 : memref<1x8192xi32, #tpu.memory_space<hbm>> -> memref<8192xi32, #tpu.memory_space<hbm>>
    tpu.wait_dma2 semaphore(%arg10 : memref<!tpu.dma_semaphore, #tpu.memory_space<semaphore_mem>>) src(%dma_wait3A_1268 : memref<8192xi32, #tpu.memory_space<hbm>>) dst(%arg7 : memref<8192xi32, #tpu.memory_space<vmem>>)
    %scan3A_1269 = arith.constant 0 : i32
    %scan3A_1270 = arith.constant 0 : i32
    %scan3A_1271 = arith.constant 128 : i32
    %scan3A_1272 = arith.addi %scan3A_1270, %scan3A_1271 : i32
    %scan3A_1273 = arith.constant 1 : i32
    %scan3A_1274 = scf.for %scan3A_1682 = %scan3A_1270 to %scan3A_1272 step %scan3A_1273 iter_args(%scan3A_1683 = %scan3A_1269) -> (i32)  : i32 {
      %mul3A_1684 = arith.constant 64 : i32
      %mul3A_1685 = arith.muli %scan3A_1682, %mul3A_1684 : i32
      %add3A_1686 = arith.constant 0 : i32
      %add3A_1687 = arith.addi %mul3A_1685, %add3A_1686 : i32
      %get3A = arith.index_cast %add3A_1687 : i32 to index
      %get3A_1688 = tpu.vector_load %arg7[%get3A] {strides = array<i32>} : memref<8192xi32, #tpu.memory_space<vmem>>, vector<16xi32>,
      %gather3A = tpu.vector_load_idx %arg6[%get3A_1688] : memref<100000xf32, #tpu.memory_space<vmem>>[vector<16xi32>], vector<16xf32>,
      %swap3A = arith.index_cast %add3A_1687 : i32 to index
      %swap3A_1689 = tpu.vector_load %arg8[%swap3A] {strides = array<i32>} : memref<8192xf32, #tpu.memory_space<vmem>>, vector<16xf32>,
      tpu.vector_store %arg8[%swap3A], %gather3A {strides = array<i32>} : memref<8192xf32, #tpu.memory_space<vmem>>, vector<16xf32>,
      %add3A_1690 = arith.constant 16 : i32
      %add3A_1691 = arith.addi %mul3A_1685, %add3A_1690 : i32
      %get3A_1692 = arith.index_cast %add3A_1691 : i32 to index
      %get3A_1693 = tpu.vector_load %arg7[%get3A_1692] {strides = array<i32>} : memref<8192xi32, #tpu.memory_space<vmem>>, vector<16xi32>,
      %gather3A_1694 = tpu.vector_load_idx %arg6[%get3A_1693] : memref<100000xf32, #tpu.memory_space<vmem>>[vector<16xi32>], vector<16xf32>,
      %swap3A_1695 = arith.index_cast %add3A_1691 : i32 to index
      %swap3A_1696 = tpu.vector_load %arg8[%swap3A_1695] {strides = array<i32>} : memref<8192xf32, #tpu.memory_space<vmem>>, vector<16xf32>,
      tpu.vector_store %arg8[%swap3A_1695], %gather3A_1694 {strides = array<i32>} : memref<8192xf32, #tpu.memory_space<vmem>>, vector<16xf32>,
      %add3A_1697 = arith.constant 32 : i32
      %add3A_1698 = arith.addi %mul3A_1685, %add3A_1697 : i32
      %get3A_1699 = arith.index_cast %add3A_1698 : i32 to index
      %get3A_1700 = tpu.vector_load %arg7[%get3A_1699] {strides = array<i32>} : memref<8192xi32, #tpu.memory_space<vmem>>, vector<16xi32>,
      %gather3A_1701 = tpu.vector_load_idx %arg6[%get3A_1700] : memref<100000xf32, #tpu.memory_space<vmem>>[vector<16xi32>], vector<16xf32>,
      %swap3A_1702 = arith.index_cast %add3A_1698 : i32 to index
      %swap3A_1703 = tpu.vector_load %arg8[%swap3A_1702] {strides = array<i32>} : memref<8192xf32, #tpu.memory_space<vmem>>, vector<16xf32>,
      tpu.vector_store %arg8[%swap3A_1702], %gather3A_1701 {strides = array<i32>} : memref<8192xf32, #tpu.memory_space<vmem>>, vector<16xf32>,
      %add3A_1704 = arith.constant 48 : i32
      %add3A_1705 = arith.addi %mul3A_1685, %add3A_1704 : i32
      %get3A_1706 = arith.index_cast %add3A_1705 : i32 to index
      %get3A_1707 = tpu.vector_load %arg7[%get3A_1706] {strides = array<i32>} : memref<8192xi32, #tpu.memory_space<vmem>>, vector<16xi32>,
      %gather3A_1708 = tpu.vector_load_idx %arg6[%get3A_1707] : memref<100000xf32, #tpu.memory_space<vmem>>[vector<16xi32>], vector<16xf32>,
      %swap3A_1709 = arith.index_cast %add3A_1705 : i32 to index
      %swap3A_1710 = tpu.vector_load %arg8[%swap3A_1709] {strides = array<i32>} : memref<8192xf32, #tpu.memory_space<vmem>>, vector<16xf32>,
      tpu.vector_store %arg8[%swap3A_1709], %gather3A_1708 {strides = array<i32>} : memref<8192xf32, #tpu.memory_space<vmem>>, vector<16xf32>,
      %scan3A_1711 = arith.constant 0 : i32
      scf.yield %scan3A_1711 : i32
    }
    %scan3A_1275 = arith.constant 128 : i32
    %add3A_1276 = arith.constant 13 : i32
    %add3A_1277 = arith.addi %add3A_1276, %add3A_1163 : i32
    %dma_start3A_1278 = arith.constant 8192 : i32
    %dma_start3A_1279 = tpu.memref_slice %arg5[%add3A_1277, %dma_start3A_1278] : memref<429x16384xf32, #tpu.memory_space<hbm>> -> memref<1x8192xf32, #tpu.memory_space<hbm>>
    %dma_start3A_1280 = tpu.memref_squeeze %dma_start3A_1279 : memref<1x8192xf32, #tpu.memory_space<hbm>> -> memref<8192xf32, #tpu.memory_space<hbm>>
    %dma_start3A_1281 = arith.constant 8192 : i32
    %dma_start3A_1282 = tpu.memref_slice %arg5[%add3A_1277, %dma_start3A_1281] : memref<429x16384xf32, #tpu.memory_space<hbm>> -> memref<1x8192xf32, #tpu.memory_space<hbm>>
    %dma_start3A_1283 = tpu.memref_squeeze %dma_start3A_1282 : memref<1x8192xf32, #tpu.memory_space<hbm>> -> memref<8192xf32, #tpu.memory_space<hbm>>
    tpu.enqueue_dma source(%arg8 : memref<8192xf32, #tpu.memory_space<vmem>>) target(%dma_start3A_1283 : memref<8192xf32, #tpu.memory_space<hbm>>) target_semaphore(%arg11 : memref<!tpu.dma_semaphore, #tpu.memory_space<semaphore_mem>>)
    %dma_wait3A_1284 = arith.constant 8192 : i32
    %dma_wait3A_1285 = tpu.memref_slice %arg5[%add3A_1277, %dma_wait3A_1284] : memref<429x16384xf32, #tpu.memory_space<hbm>> -> memref<1x8192xf32, #tpu.memory_space<hbm>>
    %dma_wait3A_1286 = tpu.memref_squeeze %dma_wait3A_1285 : memref<1x8192xf32, #tpu.memory_space<hbm>> -> memref<8192xf32, #tpu.memory_space<hbm>>
    %dma_wait3A_1287 = arith.constant 8192 : i32
    %dma_wait3A_1288 = tpu.memref_slice %arg5[%add3A_1277, %dma_wait3A_1287] : memref<429x16384xf32, #tpu.memory_space<hbm>> -> memref<1x8192xf32, #tpu.memory_space<hbm>>
    %dma_wait3A_1289 = tpu.memref_squeeze %dma_wait3A_1288 : memref<1x8192xf32, #tpu.memory_space<hbm>> -> memref<8192xf32, #tpu.memory_space<hbm>>
    tpu.wait_dma2 semaphore(%arg11 : memref<!tpu.dma_semaphore, #tpu.memory_space<semaphore_mem>>) src(%arg8 : memref<8192xf32, #tpu.memory_space<vmem>>) dst(%dma_wait3A_1289 : memref<8192xf32, #tpu.memory_space<hbm>>)
    %mul3A_1290 = arith.constant 13 : i32
    %mul3A_1291 = arith.muli %add3A, %mul3A_1290 : i32
    %add3A_1292 = arith.constant 10 : i32
    %add3A_1293 = arith.addi %mul3A_1291, %add3A_1292 : i32
    %dma_start3A_1294 = arith.constant 0 : i32
    %dma_start3A_1295 = tpu.memref_slice %arg3[%add3A_1293, %dma_start3A_1294] : memref<416x100000xf32, #tpu.memory_space<hbm>> -> memref<1x100000xf32, #tpu.memory_space<hbm>>
    %dma_start3A_1296 = tpu.memref_squeeze %dma_start3A_1295 : memref<1x100000xf32, #tpu.memory_space<hbm>> -> memref<100000xf32, #tpu.memory_space<hbm>>
    %dma_start3A_1297 = arith.constant 0 : i32
    %dma_start3A_1298 = tpu.memref_slice %arg3[%add3A_1293, %dma_start3A_1297] : memref<416x100000xf32, #tpu.memory_space<hbm>> -> memref<1x100000xf32, #tpu.memory_space<hbm>>
    %dma_start3A_1299 = tpu.memref_squeeze %dma_start3A_1298 : memref<1x100000xf32, #tpu.memory_space<hbm>> -> memref<100000xf32, #tpu.memory_space<hbm>>
    tpu.enqueue_dma source(%dma_start3A_1299 : memref<100000xf32, #tpu.memory_space<hbm>>) target(%arg6 : memref<100000xf32, #tpu.memory_space<vmem>>) target_semaphore(%arg9 : memref<!tpu.dma_semaphore, #tpu.memory_space<semaphore_mem>>)
    %dma_wait3A_1300 = arith.constant 0 : i32
    %dma_wait3A_1301 = tpu.memref_slice %arg3[%add3A_1293, %dma_wait3A_1300] : memref<416x100000xf32, #tpu.memory_space<hbm>> -> memref<1x100000xf32, #tpu.memory_space<hbm>>
    %dma_wait3A_1302 = tpu.memref_squeeze %dma_wait3A_1301 : memref<1x100000xf32, #tpu.memory_space<hbm>> -> memref<100000xf32, #tpu.memory_space<hbm>>
    %dma_wait3A_1303 = arith.constant 0 : i32
    %dma_wait3A_1304 = tpu.memref_slice %arg3[%add3A_1293, %dma_wait3A_1303] : memref<416x100000xf32, #tpu.memory_space<hbm>> -> memref<1x100000xf32, #tpu.memory_space<hbm>>
    %dma_wait3A_1305 = tpu.memref_squeeze %dma_wait3A_1304 : memref<1x100000xf32, #tpu.memory_space<hbm>> -> memref<100000xf32, #tpu.memory_space<hbm>>
    tpu.wait_dma2 semaphore(%arg9 : memref<!tpu.dma_semaphore, #tpu.memory_space<semaphore_mem>>) src(%dma_wait3A_1305 : memref<100000xf32, #tpu.memory_space<hbm>>) dst(%arg6 : memref<100000xf32, #tpu.memory_space<vmem>>)
    %jit3A_1306 = arith.constant 16 : i32
    %div3A_1307 = arith.divsi %add3A_1293, %jit3A_1306 : i32
    %sign3A_1308 = arith.constant 0 : i32
    %sign3A_1309 = arith.cmpi sgt, %add3A_1293, %sign3A_1308 : i32
    %sign3A_1310 = arith.extui %sign3A_1309 : i1 to i32
    %sign3A_1311 = arith.constant 0 : i32
    %sign3A_1312 = arith.cmpi slt, %add3A_1293, %sign3A_1311 : i32
    %sign3A_1313 = arith.extui %sign3A_1312 : i1 to i32
    %sign3A_1314 = arith.subi %sign3A_1310, %sign3A_1313 : i32
    %sign3A_1315 = arith.constant 0 : i32
    %sign3A_1316 = arith.cmpi sgt, %jit3A_1306, %sign3A_1315 : i32
    %sign3A_1317 = arith.extui %sign3A_1316 : i1 to i32
    %sign3A_1318 = arith.constant 0 : i32
    %sign3A_1319 = arith.cmpi slt, %jit3A_1306, %sign3A_1318 : i32
    %sign3A_1320 = arith.extui %sign3A_1319 : i1 to i32
    %sign3A_1321 = arith.subi %sign3A_1317, %sign3A_1320 : i32
    %ne3A_1322 = arith.cmpi ne, %sign3A_1314, %sign3A_1321 : i32
    %rem3A_1323 = arith.remsi %add3A_1293, %jit3A_1306 : i32
    %ne3A_1324 = arith.constant 0 : i32
    %ne3A_1325 = arith.cmpi ne, %rem3A_1323, %ne3A_1324 : i32
    %and3A_1326 = arith.andi %ne3A_1322, %ne3A_1325 : i1
    %sub3A_1327 = arith.constant 1 : i32
    %sub3A_1328 = arith.subi %div3A_1307, %sub3A_1327 : i32
    %select_n3A_1329 = arith.select %and3A_1326, %sub3A_1328, %div3A_1307 : i32
    %dma_start3A_1330 = arith.constant 0 : i32
    %dma_start3A_1331 = tpu.memref_slice %arg2[%select_n3A_1329, %dma_start3A_1330] : memref<26x16384xi32, #tpu.memory_space<hbm>> -> memref<1x8192xi32, #tpu.memory_space<hbm>>
    %dma_start3A_1332 = tpu.memref_squeeze %dma_start3A_1331 : memref<1x8192xi32, #tpu.memory_space<hbm>> -> memref<8192xi32, #tpu.memory_space<hbm>>
    %dma_start3A_1333 = arith.constant 0 : i32
    %dma_start3A_1334 = tpu.memref_slice %arg2[%select_n3A_1329, %dma_start3A_1333] : memref<26x16384xi32, #tpu.memory_space<hbm>> -> memref<1x8192xi32, #tpu.memory_space<hbm>>
    %dma_start3A_1335 = tpu.memref_squeeze %dma_start3A_1334 : memref<1x8192xi32, #tpu.memory_space<hbm>> -> memref<8192xi32, #tpu.memory_space<hbm>>
    tpu.enqueue_dma source(%dma_start3A_1335 : memref<8192xi32, #tpu.memory_space<hbm>>) target(%arg7 : memref<8192xi32, #tpu.memory_space<vmem>>) target_semaphore(%arg10 : memref<!tpu.dma_semaphore, #tpu.memory_space<semaphore_mem>>)
    %dma_wait3A_1336 = arith.constant 0 : i32
    %dma_wait3A_1337 = tpu.memref_slice %arg2[%select_n3A_1329, %dma_wait3A_1336] : memref<26x16384xi32, #tpu.memory_space<hbm>> -> memref<1x8192xi32, #tpu.memory_space<hbm>>
    %dma_wait3A_1338 = tpu.memref_squeeze %dma_wait3A_1337 : memref<1x8192xi32, #tpu.memory_space<hbm>> -> memref<8192xi32, #tpu.memory_space<hbm>>
    %dma_wait3A_1339 = arith.constant 0 : i32
    %dma_wait3A_1340 = tpu.memref_slice %arg2[%select_n3A_1329, %dma_wait3A_1339] : memref<26x16384xi32, #tpu.memory_space<hbm>> -> memref<1x8192xi32, #tpu.memory_space<hbm>>
    %dma_wait3A_1341 = tpu.memref_squeeze %dma_wait3A_1340 : memref<1x8192xi32, #tpu.memory_space<hbm>> -> memref<8192xi32, #tpu.memory_space<hbm>>
    tpu.wait_dma2 semaphore(%arg10 : memref<!tpu.dma_semaphore, #tpu.memory_space<semaphore_mem>>) src(%dma_wait3A_1341 : memref<8192xi32, #tpu.memory_space<hbm>>) dst(%arg7 : memref<8192xi32, #tpu.memory_space<vmem>>)
    %scan3A_1342 = arith.constant 0 : i32
    %scan3A_1343 = arith.constant 0 : i32
    %scan3A_1344 = arith.constant 128 : i32
    %scan3A_1345 = arith.addi %scan3A_1343, %scan3A_1344 : i32
    %scan3A_1346 = arith.constant 1 : i32
    %scan3A_1347 = scf.for %scan3A_1682 = %scan3A_1343 to %scan3A_1345 step %scan3A_1346 iter_args(%scan3A_1683 = %scan3A_1342) -> (i32)  : i32 {
      %mul3A_1684 = arith.constant 64 : i32
      %mul3A_1685 = arith.muli %scan3A_1682, %mul3A_1684 : i32
      %add3A_1686 = arith.constant 0 : i32
      %add3A_1687 = arith.addi %mul3A_1685, %add3A_1686 : i32
      %get3A = arith.index_cast %add3A_1687 : i32 to index
      %get3A_1688 = tpu.vector_load %arg7[%get3A] {strides = array<i32>} : memref<8192xi32, #tpu.memory_space<vmem>>, vector<16xi32>,
      %gather3A = tpu.vector_load_idx %arg6[%get3A_1688] : memref<100000xf32, #tpu.memory_space<vmem>>[vector<16xi32>], vector<16xf32>,
      %swap3A = arith.index_cast %add3A_1687 : i32 to index
      %swap3A_1689 = tpu.vector_load %arg8[%swap3A] {strides = array<i32>} : memref<8192xf32, #tpu.memory_space<vmem>>, vector<16xf32>,
      tpu.vector_store %arg8[%swap3A], %gather3A {strides = array<i32>} : memref<8192xf32, #tpu.memory_space<vmem>>, vector<16xf32>,
      %add3A_1690 = arith.constant 16 : i32
      %add3A_1691 = arith.addi %mul3A_1685, %add3A_1690 : i32
      %get3A_1692 = arith.index_cast %add3A_1691 : i32 to index
      %get3A_1693 = tpu.vector_load %arg7[%get3A_1692] {strides = array<i32>} : memref<8192xi32, #tpu.memory_space<vmem>>, vector<16xi32>,
      %gather3A_1694 = tpu.vector_load_idx %arg6[%get3A_1693] : memref<100000xf32, #tpu.memory_space<vmem>>[vector<16xi32>], vector<16xf32>,
      %swap3A_1695 = arith.index_cast %add3A_1691 : i32 to index
      %swap3A_1696 = tpu.vector_load %arg8[%swap3A_1695] {strides = array<i32>} : memref<8192xf32, #tpu.memory_space<vmem>>, vector<16xf32>,
      tpu.vector_store %arg8[%swap3A_1695], %gather3A_1694 {strides = array<i32>} : memref<8192xf32, #tpu.memory_space<vmem>>, vector<16xf32>,
      %add3A_1697 = arith.constant 32 : i32
      %add3A_1698 = arith.addi %mul3A_1685, %add3A_1697 : i32
      %get3A_1699 = arith.index_cast %add3A_1698 : i32 to index
      %get3A_1700 = tpu.vector_load %arg7[%get3A_1699] {strides = array<i32>} : memref<8192xi32, #tpu.memory_space<vmem>>, vector<16xi32>,
      %gather3A_1701 = tpu.vector_load_idx %arg6[%get3A_1700] : memref<100000xf32, #tpu.memory_space<vmem>>[vector<16xi32>], vector<16xf32>,
      %swap3A_1702 = arith.index_cast %add3A_1698 : i32 to index
      %swap3A_1703 = tpu.vector_load %arg8[%swap3A_1702] {strides = array<i32>} : memref<8192xf32, #tpu.memory_space<vmem>>, vector<16xf32>,
      tpu.vector_store %arg8[%swap3A_1702], %gather3A_1701 {strides = array<i32>} : memref<8192xf32, #tpu.memory_space<vmem>>, vector<16xf32>,
      %add3A_1704 = arith.constant 48 : i32
      %add3A_1705 = arith.addi %mul3A_1685, %add3A_1704 : i32
      %get3A_1706 = arith.index_cast %add3A_1705 : i32 to index
      %get3A_1707 = tpu.vector_load %arg7[%get3A_1706] {strides = array<i32>} : memref<8192xi32, #tpu.memory_space<vmem>>, vector<16xi32>,
      %gather3A_1708 = tpu.vector_load_idx %arg6[%get3A_1707] : memref<100000xf32, #tpu.memory_space<vmem>>[vector<16xi32>], vector<16xf32>,
      %swap3A_1709 = arith.index_cast %add3A_1705 : i32 to index
      %swap3A_1710 = tpu.vector_load %arg8[%swap3A_1709] {strides = array<i32>} : memref<8192xf32, #tpu.memory_space<vmem>>, vector<16xf32>,
      tpu.vector_store %arg8[%swap3A_1709], %gather3A_1708 {strides = array<i32>} : memref<8192xf32, #tpu.memory_space<vmem>>, vector<16xf32>,
      %scan3A_1711 = arith.constant 0 : i32
      scf.yield %scan3A_1711 : i32
    }
    %scan3A_1348 = arith.constant 128 : i32
    %add3A_1349 = arith.constant 13 : i32
    %add3A_1350 = arith.addi %add3A_1349, %add3A_1293 : i32
    %dma_start3A_1351 = arith.constant 0 : i32
    %dma_start3A_1352 = tpu.memref_slice %arg5[%add3A_1350, %dma_start3A_1351] : memref<429x16384xf32, #tpu.memory_space<hbm>> -> memref<1x8192xf32, #tpu.memory_space<hbm>>
    %dma_start3A_1353 = tpu.memref_squeeze %dma_start3A_1352 : memref<1x8192xf32, #tpu.memory_space<hbm>> -> memref<8192xf32, #tpu.memory_space<hbm>>
    %dma_start3A_1354 = arith.constant 0 : i32
    %dma_start3A_1355 = tpu.memref_slice %arg5[%add3A_1350, %dma_start3A_1354] : memref<429x16384xf32, #tpu.memory_space<hbm>> -> memref<1x8192xf32, #tpu.memory_space<hbm>>
    %dma_start3A_1356 = tpu.memref_squeeze %dma_start3A_1355 : memref<1x8192xf32, #tpu.memory_space<hbm>> -> memref<8192xf32, #tpu.memory_space<hbm>>
    tpu.enqueue_dma source(%arg8 : memref<8192xf32, #tpu.memory_space<vmem>>) target(%dma_start3A_1356 : memref<8192xf32, #tpu.memory_space<hbm>>) target_semaphore(%arg11 : memref<!tpu.dma_semaphore, #tpu.memory_space<semaphore_mem>>)
    %dma_wait3A_1357 = arith.constant 0 : i32
    %dma_wait3A_1358 = tpu.memref_slice %arg5[%add3A_1350, %dma_wait3A_1357] : memref<429x16384xf32, #tpu.memory_space<hbm>> -> memref<1x8192xf32, #tpu.memory_space<hbm>>
    %dma_wait3A_1359 = tpu.memref_squeeze %dma_wait3A_1358 : memref<1x8192xf32, #tpu.memory_space<hbm>> -> memref<8192xf32, #tpu.memory_space<hbm>>
    %dma_wait3A_1360 = arith.constant 0 : i32
    %dma_wait3A_1361 = tpu.memref_slice %arg5[%add3A_1350, %dma_wait3A_1360] : memref<429x16384xf32, #tpu.memory_space<hbm>> -> memref<1x8192xf32, #tpu.memory_space<hbm>>
    %dma_wait3A_1362 = tpu.memref_squeeze %dma_wait3A_1361 : memref<1x8192xf32, #tpu.memory_space<hbm>> -> memref<8192xf32, #tpu.memory_space<hbm>>
    tpu.wait_dma2 semaphore(%arg11 : memref<!tpu.dma_semaphore, #tpu.memory_space<semaphore_mem>>) src(%arg8 : memref<8192xf32, #tpu.memory_space<vmem>>) dst(%dma_wait3A_1362 : memref<8192xf32, #tpu.memory_space<hbm>>)
    %jit3A_1363 = arith.constant 16 : i32
    %div3A_1364 = arith.divsi %add3A_1293, %jit3A_1363 : i32
    %sign3A_1365 = arith.constant 0 : i32
    %sign3A_1366 = arith.cmpi sgt, %add3A_1293, %sign3A_1365 : i32
    %sign3A_1367 = arith.extui %sign3A_1366 : i1 to i32
    %sign3A_1368 = arith.constant 0 : i32
    %sign3A_1369 = arith.cmpi slt, %add3A_1293, %sign3A_1368 : i32
    %sign3A_1370 = arith.extui %sign3A_1369 : i1 to i32
    %sign3A_1371 = arith.subi %sign3A_1367, %sign3A_1370 : i32
    %sign3A_1372 = arith.constant 0 : i32
    %sign3A_1373 = arith.cmpi sgt, %jit3A_1363, %sign3A_1372 : i32
    %sign3A_1374 = arith.extui %sign3A_1373 : i1 to i32
    %sign3A_1375 = arith.constant 0 : i32
    %sign3A_1376 = arith.cmpi slt, %jit3A_1363, %sign3A_1375 : i32
    %sign3A_1377 = arith.extui %sign3A_1376 : i1 to i32
    %sign3A_1378 = arith.subi %sign3A_1374, %sign3A_1377 : i32
    %ne3A_1379 = arith.cmpi ne, %sign3A_1371, %sign3A_1378 : i32
    %rem3A_1380 = arith.remsi %add3A_1293, %jit3A_1363 : i32
    %ne3A_1381 = arith.constant 0 : i32
    %ne3A_1382 = arith.cmpi ne, %rem3A_1380, %ne3A_1381 : i32
    %and3A_1383 = arith.andi %ne3A_1379, %ne3A_1382 : i1
    %sub3A_1384 = arith.constant 1 : i32
    %sub3A_1385 = arith.subi %div3A_1364, %sub3A_1384 : i32
    %select_n3A_1386 = arith.select %and3A_1383, %sub3A_1385, %div3A_1364 : i32
    %dma_start3A_1387 = arith.constant 8192 : i32
    %dma_start3A_1388 = tpu.memref_slice %arg2[%select_n3A_1386, %dma_start3A_1387] : memref<26x16384xi32, #tpu.memory_space<hbm>> -> memref<1x8192xi32, #tpu.memory_space<hbm>>
    %dma_start3A_1389 = tpu.memref_squeeze %dma_start3A_1388 : memref<1x8192xi32, #tpu.memory_space<hbm>> -> memref<8192xi32, #tpu.memory_space<hbm>>
    %dma_start3A_1390 = arith.constant 8192 : i32
    %dma_start3A_1391 = tpu.memref_slice %arg2[%select_n3A_1386, %dma_start3A_1390] : memref<26x16384xi32, #tpu.memory_space<hbm>> -> memref<1x8192xi32, #tpu.memory_space<hbm>>
    %dma_start3A_1392 = tpu.memref_squeeze %dma_start3A_1391 : memref<1x8192xi32, #tpu.memory_space<hbm>> -> memref<8192xi32, #tpu.memory_space<hbm>>
    tpu.enqueue_dma source(%dma_start3A_1392 : memref<8192xi32, #tpu.memory_space<hbm>>) target(%arg7 : memref<8192xi32, #tpu.memory_space<vmem>>) target_semaphore(%arg10 : memref<!tpu.dma_semaphore, #tpu.memory_space<semaphore_mem>>)
    %dma_wait3A_1393 = arith.constant 8192 : i32
    %dma_wait3A_1394 = tpu.memref_slice %arg2[%select_n3A_1386, %dma_wait3A_1393] : memref<26x16384xi32, #tpu.memory_space<hbm>> -> memref<1x8192xi32, #tpu.memory_space<hbm>>
    %dma_wait3A_1395 = tpu.memref_squeeze %dma_wait3A_1394 : memref<1x8192xi32, #tpu.memory_space<hbm>> -> memref<8192xi32, #tpu.memory_space<hbm>>
    %dma_wait3A_1396 = arith.constant 8192 : i32
    %dma_wait3A_1397 = tpu.memref_slice %arg2[%select_n3A_1386, %dma_wait3A_1396] : memref<26x16384xi32, #tpu.memory_space<hbm>> -> memref<1x8192xi32, #tpu.memory_space<hbm>>
    %dma_wait3A_1398 = tpu.memref_squeeze %dma_wait3A_1397 : memref<1x8192xi32, #tpu.memory_space<hbm>> -> memref<8192xi32, #tpu.memory_space<hbm>>
    tpu.wait_dma2 semaphore(%arg10 : memref<!tpu.dma_semaphore, #tpu.memory_space<semaphore_mem>>) src(%dma_wait3A_1398 : memref<8192xi32, #tpu.memory_space<hbm>>) dst(%arg7 : memref<8192xi32, #tpu.memory_space<vmem>>)
    %scan3A_1399 = arith.constant 0 : i32
    %scan3A_1400 = arith.constant 0 : i32
    %scan3A_1401 = arith.constant 128 : i32
    %scan3A_1402 = arith.addi %scan3A_1400, %scan3A_1401 : i32
    %scan3A_1403 = arith.constant 1 : i32
    %scan3A_1404 = scf.for %scan3A_1682 = %scan3A_1400 to %scan3A_1402 step %scan3A_1403 iter_args(%scan3A_1683 = %scan3A_1399) -> (i32)  : i32 {
      %mul3A_1684 = arith.constant 64 : i32
      %mul3A_1685 = arith.muli %scan3A_1682, %mul3A_1684 : i32
      %add3A_1686 = arith.constant 0 : i32
      %add3A_1687 = arith.addi %mul3A_1685, %add3A_1686 : i32
      %get3A = arith.index_cast %add3A_1687 : i32 to index
      %get3A_1688 = tpu.vector_load %arg7[%get3A] {strides = array<i32>} : memref<8192xi32, #tpu.memory_space<vmem>>, vector<16xi32>,
      %gather3A = tpu.vector_load_idx %arg6[%get3A_1688] : memref<100000xf32, #tpu.memory_space<vmem>>[vector<16xi32>], vector<16xf32>,
      %swap3A = arith.index_cast %add3A_1687 : i32 to index
      %swap3A_1689 = tpu.vector_load %arg8[%swap3A] {strides = array<i32>} : memref<8192xf32, #tpu.memory_space<vmem>>, vector<16xf32>,
      tpu.vector_store %arg8[%swap3A], %gather3A {strides = array<i32>} : memref<8192xf32, #tpu.memory_space<vmem>>, vector<16xf32>,
      %add3A_1690 = arith.constant 16 : i32
      %add3A_1691 = arith.addi %mul3A_1685, %add3A_1690 : i32
      %get3A_1692 = arith.index_cast %add3A_1691 : i32 to index
      %get3A_1693 = tpu.vector_load %arg7[%get3A_1692] {strides = array<i32>} : memref<8192xi32, #tpu.memory_space<vmem>>, vector<16xi32>,
      %gather3A_1694 = tpu.vector_load_idx %arg6[%get3A_1693] : memref<100000xf32, #tpu.memory_space<vmem>>[vector<16xi32>], vector<16xf32>,
      %swap3A_1695 = arith.index_cast %add3A_1691 : i32 to index
      %swap3A_1696 = tpu.vector_load %arg8[%swap3A_1695] {strides = array<i32>} : memref<8192xf32, #tpu.memory_space<vmem>>, vector<16xf32>,
      tpu.vector_store %arg8[%swap3A_1695], %gather3A_1694 {strides = array<i32>} : memref<8192xf32, #tpu.memory_space<vmem>>, vector<16xf32>,
      %add3A_1697 = arith.constant 32 : i32
      %add3A_1698 = arith.addi %mul3A_1685, %add3A_1697 : i32
      %get3A_1699 = arith.index_cast %add3A_1698 : i32 to index
      %get3A_1700 = tpu.vector_load %arg7[%get3A_1699] {strides = array<i32>} : memref<8192xi32, #tpu.memory_space<vmem>>, vector<16xi32>,
      %gather3A_1701 = tpu.vector_load_idx %arg6[%get3A_1700] : memref<100000xf32, #tpu.memory_space<vmem>>[vector<16xi32>], vector<16xf32>,
      %swap3A_1702 = arith.index_cast %add3A_1698 : i32 to index
      %swap3A_1703 = tpu.vector_load %arg8[%swap3A_1702] {strides = array<i32>} : memref<8192xf32, #tpu.memory_space<vmem>>, vector<16xf32>,
      tpu.vector_store %arg8[%swap3A_1702], %gather3A_1701 {strides = array<i32>} : memref<8192xf32, #tpu.memory_space<vmem>>, vector<16xf32>,
      %add3A_1704 = arith.constant 48 : i32
      %add3A_1705 = arith.addi %mul3A_1685, %add3A_1704 : i32
      %get3A_1706 = arith.index_cast %add3A_1705 : i32 to index
      %get3A_1707 = tpu.vector_load %arg7[%get3A_1706] {strides = array<i32>} : memref<8192xi32, #tpu.memory_space<vmem>>, vector<16xi32>,
      %gather3A_1708 = tpu.vector_load_idx %arg6[%get3A_1707] : memref<100000xf32, #tpu.memory_space<vmem>>[vector<16xi32>], vector<16xf32>,
      %swap3A_1709 = arith.index_cast %add3A_1705 : i32 to index
      %swap3A_1710 = tpu.vector_load %arg8[%swap3A_1709] {strides = array<i32>} : memref<8192xf32, #tpu.memory_space<vmem>>, vector<16xf32>,
      tpu.vector_store %arg8[%swap3A_1709], %gather3A_1708 {strides = array<i32>} : memref<8192xf32, #tpu.memory_space<vmem>>, vector<16xf32>,
      %scan3A_1711 = arith.constant 0 : i32
      scf.yield %scan3A_1711 : i32
    }
    %scan3A_1405 = arith.constant 128 : i32
    %add3A_1406 = arith.constant 13 : i32
    %add3A_1407 = arith.addi %add3A_1406, %add3A_1293 : i32
    %dma_start3A_1408 = arith.constant 8192 : i32
    %dma_start3A_1409 = tpu.memref_slice %arg5[%add3A_1407, %dma_start3A_1408] : memref<429x16384xf32, #tpu.memory_space<hbm>> -> memref<1x8192xf32, #tpu.memory_space<hbm>>
    %dma_start3A_1410 = tpu.memref_squeeze %dma_start3A_1409 : memref<1x8192xf32, #tpu.memory_space<hbm>> -> memref<8192xf32, #tpu.memory_space<hbm>>
    %dma_start3A_1411 = arith.constant 8192 : i32
    %dma_start3A_1412 = tpu.memref_slice %arg5[%add3A_1407, %dma_start3A_1411] : memref<429x16384xf32, #tpu.memory_space<hbm>> -> memref<1x8192xf32, #tpu.memory_space<hbm>>
    %dma_start3A_1413 = tpu.memref_squeeze %dma_start3A_1412 : memref<1x8192xf32, #tpu.memory_space<hbm>> -> memref<8192xf32, #tpu.memory_space<hbm>>
    tpu.enqueue_dma source(%arg8 : memref<8192xf32, #tpu.memory_space<vmem>>) target(%dma_start3A_1413 : memref<8192xf32, #tpu.memory_space<hbm>>) target_semaphore(%arg11 : memref<!tpu.dma_semaphore, #tpu.memory_space<semaphore_mem>>)
    %dma_wait3A_1414 = arith.constant 8192 : i32
    %dma_wait3A_1415 = tpu.memref_slice %arg5[%add3A_1407, %dma_wait3A_1414] : memref<429x16384xf32, #tpu.memory_space<hbm>> -> memref<1x8192xf32, #tpu.memory_space<hbm>>
    %dma_wait3A_1416 = tpu.memref_squeeze %dma_wait3A_1415 : memref<1x8192xf32, #tpu.memory_space<hbm>> -> memref<8192xf32, #tpu.memory_space<hbm>>
    %dma_wait3A_1417 = arith.constant 8192 : i32
    %dma_wait3A_1418 = tpu.memref_slice %arg5[%add3A_1407, %dma_wait3A_1417] : memref<429x16384xf32, #tpu.memory_space<hbm>> -> memref<1x8192xf32, #tpu.memory_space<hbm>>
    %dma_wait3A_1419 = tpu.memref_squeeze %dma_wait3A_1418 : memref<1x8192xf32, #tpu.memory_space<hbm>> -> memref<8192xf32, #tpu.memory_space<hbm>>
    tpu.wait_dma2 semaphore(%arg11 : memref<!tpu.dma_semaphore, #tpu.memory_space<semaphore_mem>>) src(%arg8 : memref<8192xf32, #tpu.memory_space<vmem>>) dst(%dma_wait3A_1419 : memref<8192xf32, #tpu.memory_space<hbm>>)
    %mul3A_1420 = arith.constant 13 : i32
    %mul3A_1421 = arith.muli %add3A, %mul3A_1420 : i32
    %add3A_1422 = arith.constant 11 : i32
    %add3A_1423 = arith.addi %mul3A_1421, %add3A_1422 : i32
    %dma_start3A_1424 = arith.constant 0 : i32
    %dma_start3A_1425 = tpu.memref_slice %arg3[%add3A_1423, %dma_start3A_1424] : memref<416x100000xf32, #tpu.memory_space<hbm>> -> memref<1x100000xf32, #tpu.memory_space<hbm>>
    %dma_start3A_1426 = tpu.memref_squeeze %dma_start3A_1425 : memref<1x100000xf32, #tpu.memory_space<hbm>> -> memref<100000xf32, #tpu.memory_space<hbm>>
    %dma_start3A_1427 = arith.constant 0 : i32
    %dma_start3A_1428 = tpu.memref_slice %arg3[%add3A_1423, %dma_start3A_1427] : memref<416x100000xf32, #tpu.memory_space<hbm>> -> memref<1x100000xf32, #tpu.memory_space<hbm>>
    %dma_start3A_1429 = tpu.memref_squeeze %dma_start3A_1428 : memref<1x100000xf32, #tpu.memory_space<hbm>> -> memref<100000xf32, #tpu.memory_space<hbm>>
    tpu.enqueue_dma source(%dma_start3A_1429 : memref<100000xf32, #tpu.memory_space<hbm>>) target(%arg6 : memref<100000xf32, #tpu.memory_space<vmem>>) target_semaphore(%arg9 : memref<!tpu.dma_semaphore, #tpu.memory_space<semaphore_mem>>)
    %dma_wait3A_1430 = arith.constant 0 : i32
    %dma_wait3A_1431 = tpu.memref_slice %arg3[%add3A_1423, %dma_wait3A_1430] : memref<416x100000xf32, #tpu.memory_space<hbm>> -> memref<1x100000xf32, #tpu.memory_space<hbm>>
    %dma_wait3A_1432 = tpu.memref_squeeze %dma_wait3A_1431 : memref<1x100000xf32, #tpu.memory_space<hbm>> -> memref<100000xf32, #tpu.memory_space<hbm>>
    %dma_wait3A_1433 = arith.constant 0 : i32
    %dma_wait3A_1434 = tpu.memref_slice %arg3[%add3A_1423, %dma_wait3A_1433] : memref<416x100000xf32, #tpu.memory_space<hbm>> -> memref<1x100000xf32, #tpu.memory_space<hbm>>
    %dma_wait3A_1435 = tpu.memref_squeeze %dma_wait3A_1434 : memref<1x100000xf32, #tpu.memory_space<hbm>> -> memref<100000xf32, #tpu.memory_space<hbm>>
    tpu.wait_dma2 semaphore(%arg9 : memref<!tpu.dma_semaphore, #tpu.memory_space<semaphore_mem>>) src(%dma_wait3A_1435 : memref<100000xf32, #tpu.memory_space<hbm>>) dst(%arg6 : memref<100000xf32, #tpu.memory_space<vmem>>)
    %jit3A_1436 = arith.constant 16 : i32
    %div3A_1437 = arith.divsi %add3A_1423, %jit3A_1436 : i32
    %sign3A_1438 = arith.constant 0 : i32
    %sign3A_1439 = arith.cmpi sgt, %add3A_1423, %sign3A_1438 : i32
    %sign3A_1440 = arith.extui %sign3A_1439 : i1 to i32
    %sign3A_1441 = arith.constant 0 : i32
    %sign3A_1442 = arith.cmpi slt, %add3A_1423, %sign3A_1441 : i32
    %sign3A_1443 = arith.extui %sign3A_1442 : i1 to i32
    %sign3A_1444 = arith.subi %sign3A_1440, %sign3A_1443 : i32
    %sign3A_1445 = arith.constant 0 : i32
    %sign3A_1446 = arith.cmpi sgt, %jit3A_1436, %sign3A_1445 : i32
    %sign3A_1447 = arith.extui %sign3A_1446 : i1 to i32
    %sign3A_1448 = arith.constant 0 : i32
    %sign3A_1449 = arith.cmpi slt, %jit3A_1436, %sign3A_1448 : i32
    %sign3A_1450 = arith.extui %sign3A_1449 : i1 to i32
    %sign3A_1451 = arith.subi %sign3A_1447, %sign3A_1450 : i32
    %ne3A_1452 = arith.cmpi ne, %sign3A_1444, %sign3A_1451 : i32
    %rem3A_1453 = arith.remsi %add3A_1423, %jit3A_1436 : i32
    %ne3A_1454 = arith.constant 0 : i32
    %ne3A_1455 = arith.cmpi ne, %rem3A_1453, %ne3A_1454 : i32
    %and3A_1456 = arith.andi %ne3A_1452, %ne3A_1455 : i1
    %sub3A_1457 = arith.constant 1 : i32
    %sub3A_1458 = arith.subi %div3A_1437, %sub3A_1457 : i32
    %select_n3A_1459 = arith.select %and3A_1456, %sub3A_1458, %div3A_1437 : i32
    %dma_start3A_1460 = arith.constant 0 : i32
    %dma_start3A_1461 = tpu.memref_slice %arg2[%select_n3A_1459, %dma_start3A_1460] : memref<26x16384xi32, #tpu.memory_space<hbm>> -> memref<1x8192xi32, #tpu.memory_space<hbm>>
    %dma_start3A_1462 = tpu.memref_squeeze %dma_start3A_1461 : memref<1x8192xi32, #tpu.memory_space<hbm>> -> memref<8192xi32, #tpu.memory_space<hbm>>
    %dma_start3A_1463 = arith.constant 0 : i32
    %dma_start3A_1464 = tpu.memref_slice %arg2[%select_n3A_1459, %dma_start3A_1463] : memref<26x16384xi32, #tpu.memory_space<hbm>> -> memref<1x8192xi32, #tpu.memory_space<hbm>>
    %dma_start3A_1465 = tpu.memref_squeeze %dma_start3A_1464 : memref<1x8192xi32, #tpu.memory_space<hbm>> -> memref<8192xi32, #tpu.memory_space<hbm>>
    tpu.enqueue_dma source(%dma_start3A_1465 : memref<8192xi32, #tpu.memory_space<hbm>>) target(%arg7 : memref<8192xi32, #tpu.memory_space<vmem>>) target_semaphore(%arg10 : memref<!tpu.dma_semaphore, #tpu.memory_space<semaphore_mem>>)
    %dma_wait3A_1466 = arith.constant 0 : i32
    %dma_wait3A_1467 = tpu.memref_slice %arg2[%select_n3A_1459, %dma_wait3A_1466] : memref<26x16384xi32, #tpu.memory_space<hbm>> -> memref<1x8192xi32, #tpu.memory_space<hbm>>
    %dma_wait3A_1468 = tpu.memref_squeeze %dma_wait3A_1467 : memref<1x8192xi32, #tpu.memory_space<hbm>> -> memref<8192xi32, #tpu.memory_space<hbm>>
    %dma_wait3A_1469 = arith.constant 0 : i32
    %dma_wait3A_1470 = tpu.memref_slice %arg2[%select_n3A_1459, %dma_wait3A_1469] : memref<26x16384xi32, #tpu.memory_space<hbm>> -> memref<1x8192xi32, #tpu.memory_space<hbm>>
    %dma_wait3A_1471 = tpu.memref_squeeze %dma_wait3A_1470 : memref<1x8192xi32, #tpu.memory_space<hbm>> -> memref<8192xi32, #tpu.memory_space<hbm>>
    tpu.wait_dma2 semaphore(%arg10 : memref<!tpu.dma_semaphore, #tpu.memory_space<semaphore_mem>>) src(%dma_wait3A_1471 : memref<8192xi32, #tpu.memory_space<hbm>>) dst(%arg7 : memref<8192xi32, #tpu.memory_space<vmem>>)
    %scan3A_1472 = arith.constant 0 : i32
    %scan3A_1473 = arith.constant 0 : i32
    %scan3A_1474 = arith.constant 128 : i32
    %scan3A_1475 = arith.addi %scan3A_1473, %scan3A_1474 : i32
    %scan3A_1476 = arith.constant 1 : i32
    %scan3A_1477 = scf.for %scan3A_1682 = %scan3A_1473 to %scan3A_1475 step %scan3A_1476 iter_args(%scan3A_1683 = %scan3A_1472) -> (i32)  : i32 {
      %mul3A_1684 = arith.constant 64 : i32
      %mul3A_1685 = arith.muli %scan3A_1682, %mul3A_1684 : i32
      %add3A_1686 = arith.constant 0 : i32
      %add3A_1687 = arith.addi %mul3A_1685, %add3A_1686 : i32
      %get3A = arith.index_cast %add3A_1687 : i32 to index
      %get3A_1688 = tpu.vector_load %arg7[%get3A] {strides = array<i32>} : memref<8192xi32, #tpu.memory_space<vmem>>, vector<16xi32>,
      %gather3A = tpu.vector_load_idx %arg6[%get3A_1688] : memref<100000xf32, #tpu.memory_space<vmem>>[vector<16xi32>], vector<16xf32>,
      %swap3A = arith.index_cast %add3A_1687 : i32 to index
      %swap3A_1689 = tpu.vector_load %arg8[%swap3A] {strides = array<i32>} : memref<8192xf32, #tpu.memory_space<vmem>>, vector<16xf32>,
      tpu.vector_store %arg8[%swap3A], %gather3A {strides = array<i32>} : memref<8192xf32, #tpu.memory_space<vmem>>, vector<16xf32>,
      %add3A_1690 = arith.constant 16 : i32
      %add3A_1691 = arith.addi %mul3A_1685, %add3A_1690 : i32
      %get3A_1692 = arith.index_cast %add3A_1691 : i32 to index
      %get3A_1693 = tpu.vector_load %arg7[%get3A_1692] {strides = array<i32>} : memref<8192xi32, #tpu.memory_space<vmem>>, vector<16xi32>,
      %gather3A_1694 = tpu.vector_load_idx %arg6[%get3A_1693] : memref<100000xf32, #tpu.memory_space<vmem>>[vector<16xi32>], vector<16xf32>,
      %swap3A_1695 = arith.index_cast %add3A_1691 : i32 to index
      %swap3A_1696 = tpu.vector_load %arg8[%swap3A_1695] {strides = array<i32>} : memref<8192xf32, #tpu.memory_space<vmem>>, vector<16xf32>,
      tpu.vector_store %arg8[%swap3A_1695], %gather3A_1694 {strides = array<i32>} : memref<8192xf32, #tpu.memory_space<vmem>>, vector<16xf32>,
      %add3A_1697 = arith.constant 32 : i32
      %add3A_1698 = arith.addi %mul3A_1685, %add3A_1697 : i32
      %get3A_1699 = arith.index_cast %add3A_1698 : i32 to index
      %get3A_1700 = tpu.vector_load %arg7[%get3A_1699] {strides = array<i32>} : memref<8192xi32, #tpu.memory_space<vmem>>, vector<16xi32>,
      %gather3A_1701 = tpu.vector_load_idx %arg6[%get3A_1700] : memref<100000xf32, #tpu.memory_space<vmem>>[vector<16xi32>], vector<16xf32>,
      %swap3A_1702 = arith.index_cast %add3A_1698 : i32 to index
      %swap3A_1703 = tpu.vector_load %arg8[%swap3A_1702] {strides = array<i32>} : memref<8192xf32, #tpu.memory_space<vmem>>, vector<16xf32>,
      tpu.vector_store %arg8[%swap3A_1702], %gather3A_1701 {strides = array<i32>} : memref<8192xf32, #tpu.memory_space<vmem>>, vector<16xf32>,
      %add3A_1704 = arith.constant 48 : i32
      %add3A_1705 = arith.addi %mul3A_1685, %add3A_1704 : i32
      %get3A_1706 = arith.index_cast %add3A_1705 : i32 to index
      %get3A_1707 = tpu.vector_load %arg7[%get3A_1706] {strides = array<i32>} : memref<8192xi32, #tpu.memory_space<vmem>>, vector<16xi32>,
      %gather3A_1708 = tpu.vector_load_idx %arg6[%get3A_1707] : memref<100000xf32, #tpu.memory_space<vmem>>[vector<16xi32>], vector<16xf32>,
      %swap3A_1709 = arith.index_cast %add3A_1705 : i32 to index
      %swap3A_1710 = tpu.vector_load %arg8[%swap3A_1709] {strides = array<i32>} : memref<8192xf32, #tpu.memory_space<vmem>>, vector<16xf32>,
      tpu.vector_store %arg8[%swap3A_1709], %gather3A_1708 {strides = array<i32>} : memref<8192xf32, #tpu.memory_space<vmem>>, vector<16xf32>,
      %scan3A_1711 = arith.constant 0 : i32
      scf.yield %scan3A_1711 : i32
    }
    %scan3A_1478 = arith.constant 128 : i32
    %add3A_1479 = arith.constant 13 : i32
    %add3A_1480 = arith.addi %add3A_1479, %add3A_1423 : i32
    %dma_start3A_1481 = arith.constant 0 : i32
    %dma_start3A_1482 = tpu.memref_slice %arg5[%add3A_1480, %dma_start3A_1481] : memref<429x16384xf32, #tpu.memory_space<hbm>> -> memref<1x8192xf32, #tpu.memory_space<hbm>>
    %dma_start3A_1483 = tpu.memref_squeeze %dma_start3A_1482 : memref<1x8192xf32, #tpu.memory_space<hbm>> -> memref<8192xf32, #tpu.memory_space<hbm>>
    %dma_start3A_1484 = arith.constant 0 : i32
    %dma_start3A_1485 = tpu.memref_slice %arg5[%add3A_1480, %dma_start3A_1484] : memref<429x16384xf32, #tpu.memory_space<hbm>> -> memref<1x8192xf32, #tpu.memory_space<hbm>>
    %dma_start3A_1486 = tpu.memref_squeeze %dma_start3A_1485 : memref<1x8192xf32, #tpu.memory_space<hbm>> -> memref<8192xf32, #tpu.memory_space<hbm>>
    tpu.enqueue_dma source(%arg8 : memref<8192xf32, #tpu.memory_space<vmem>>) target(%dma_start3A_1486 : memref<8192xf32, #tpu.memory_space<hbm>>) target_semaphore(%arg11 : memref<!tpu.dma_semaphore, #tpu.memory_space<semaphore_mem>>)
    %dma_wait3A_1487 = arith.constant 0 : i32
    %dma_wait3A_1488 = tpu.memref_slice %arg5[%add3A_1480, %dma_wait3A_1487] : memref<429x16384xf32, #tpu.memory_space<hbm>> -> memref<1x8192xf32, #tpu.memory_space<hbm>>
    %dma_wait3A_1489 = tpu.memref_squeeze %dma_wait3A_1488 : memref<1x8192xf32, #tpu.memory_space<hbm>> -> memref<8192xf32, #tpu.memory_space<hbm>>
    %dma_wait3A_1490 = arith.constant 0 : i32
    %dma_wait3A_1491 = tpu.memref_slice %arg5[%add3A_1480, %dma_wait3A_1490] : memref<429x16384xf32, #tpu.memory_space<hbm>> -> memref<1x8192xf32, #tpu.memory_space<hbm>>
    %dma_wait3A_1492 = tpu.memref_squeeze %dma_wait3A_1491 : memref<1x8192xf32, #tpu.memory_space<hbm>> -> memref<8192xf32, #tpu.memory_space<hbm>>
    tpu.wait_dma2 semaphore(%arg11 : memref<!tpu.dma_semaphore, #tpu.memory_space<semaphore_mem>>) src(%arg8 : memref<8192xf32, #tpu.memory_space<vmem>>) dst(%dma_wait3A_1492 : memref<8192xf32, #tpu.memory_space<hbm>>)
    %jit3A_1493 = arith.constant 16 : i32
    %div3A_1494 = arith.divsi %add3A_1423, %jit3A_1493 : i32
    %sign3A_1495 = arith.constant 0 : i32
    %sign3A_1496 = arith.cmpi sgt, %add3A_1423, %sign3A_1495 : i32
    %sign3A_1497 = arith.extui %sign3A_1496 : i1 to i32
    %sign3A_1498 = arith.constant 0 : i32
    %sign3A_1499 = arith.cmpi slt, %add3A_1423, %sign3A_1498 : i32
    %sign3A_1500 = arith.extui %sign3A_1499 : i1 to i32
    %sign3A_1501 = arith.subi %sign3A_1497, %sign3A_1500 : i32
    %sign3A_1502 = arith.constant 0 : i32
    %sign3A_1503 = arith.cmpi sgt, %jit3A_1493, %sign3A_1502 : i32
    %sign3A_1504 = arith.extui %sign3A_1503 : i1 to i32
    %sign3A_1505 = arith.constant 0 : i32
    %sign3A_1506 = arith.cmpi slt, %jit3A_1493, %sign3A_1505 : i32
    %sign3A_1507 = arith.extui %sign3A_1506 : i1 to i32
    %sign3A_1508 = arith.subi %sign3A_1504, %sign3A_1507 : i32
    %ne3A_1509 = arith.cmpi ne, %sign3A_1501, %sign3A_1508 : i32
    %rem3A_1510 = arith.remsi %add3A_1423, %jit3A_1493 : i32
    %ne3A_1511 = arith.constant 0 : i32
    %ne3A_1512 = arith.cmpi ne, %rem3A_1510, %ne3A_1511 : i32
    %and3A_1513 = arith.andi %ne3A_1509, %ne3A_1512 : i1
    %sub3A_1514 = arith.constant 1 : i32
    %sub3A_1515 = arith.subi %div3A_1494, %sub3A_1514 : i32
    %select_n3A_1516 = arith.select %and3A_1513, %sub3A_1515, %div3A_1494 : i32
    %dma_start3A_1517 = arith.constant 8192 : i32
    %dma_start3A_1518 = tpu.memref_slice %arg2[%select_n3A_1516, %dma_start3A_1517] : memref<26x16384xi32, #tpu.memory_space<hbm>> -> memref<1x8192xi32, #tpu.memory_space<hbm>>
    %dma_start3A_1519 = tpu.memref_squeeze %dma_start3A_1518 : memref<1x8192xi32, #tpu.memory_space<hbm>> -> memref<8192xi32, #tpu.memory_space<hbm>>
    %dma_start3A_1520 = arith.constant 8192 : i32
    %dma_start3A_1521 = tpu.memref_slice %arg2[%select_n3A_1516, %dma_start3A_1520] : memref<26x16384xi32, #tpu.memory_space<hbm>> -> memref<1x8192xi32, #tpu.memory_space<hbm>>
    %dma_start3A_1522 = tpu.memref_squeeze %dma_start3A_1521 : memref<1x8192xi32, #tpu.memory_space<hbm>> -> memref<8192xi32, #tpu.memory_space<hbm>>
    tpu.enqueue_dma source(%dma_start3A_1522 : memref<8192xi32, #tpu.memory_space<hbm>>) target(%arg7 : memref<8192xi32, #tpu.memory_space<vmem>>) target_semaphore(%arg10 : memref<!tpu.dma_semaphore, #tpu.memory_space<semaphore_mem>>)
    %dma_wait3A_1523 = arith.constant 8192 : i32
    %dma_wait3A_1524 = tpu.memref_slice %arg2[%select_n3A_1516, %dma_wait3A_1523] : memref<26x16384xi32, #tpu.memory_space<hbm>> -> memref<1x8192xi32, #tpu.memory_space<hbm>>
    %dma_wait3A_1525 = tpu.memref_squeeze %dma_wait3A_1524 : memref<1x8192xi32, #tpu.memory_space<hbm>> -> memref<8192xi32, #tpu.memory_space<hbm>>
    %dma_wait3A_1526 = arith.constant 8192 : i32
    %dma_wait3A_1527 = tpu.memref_slice %arg2[%select_n3A_1516, %dma_wait3A_1526] : memref<26x16384xi32, #tpu.memory_space<hbm>> -> memref<1x8192xi32, #tpu.memory_space<hbm>>
    %dma_wait3A_1528 = tpu.memref_squeeze %dma_wait3A_1527 : memref<1x8192xi32, #tpu.memory_space<hbm>> -> memref<8192xi32, #tpu.memory_space<hbm>>
    tpu.wait_dma2 semaphore(%arg10 : memref<!tpu.dma_semaphore, #tpu.memory_space<semaphore_mem>>) src(%dma_wait3A_1528 : memref<8192xi32, #tpu.memory_space<hbm>>) dst(%arg7 : memref<8192xi32, #tpu.memory_space<vmem>>)
    %scan3A_1529 = arith.constant 0 : i32
    %scan3A_1530 = arith.constant 0 : i32
    %scan3A_1531 = arith.constant 128 : i32
    %scan3A_1532 = arith.addi %scan3A_1530, %scan3A_1531 : i32
    %scan3A_1533 = arith.constant 1 : i32
    %scan3A_1534 = scf.for %scan3A_1682 = %scan3A_1530 to %scan3A_1532 step %scan3A_1533 iter_args(%scan3A_1683 = %scan3A_1529) -> (i32)  : i32 {
      %mul3A_1684 = arith.constant 64 : i32
      %mul3A_1685 = arith.muli %scan3A_1682, %mul3A_1684 : i32
      %add3A_1686 = arith.constant 0 : i32
      %add3A_1687 = arith.addi %mul3A_1685, %add3A_1686 : i32
      %get3A = arith.index_cast %add3A_1687 : i32 to index
      %get3A_1688 = tpu.vector_load %arg7[%get3A] {strides = array<i32>} : memref<8192xi32, #tpu.memory_space<vmem>>, vector<16xi32>,
      %gather3A = tpu.vector_load_idx %arg6[%get3A_1688] : memref<100000xf32, #tpu.memory_space<vmem>>[vector<16xi32>], vector<16xf32>,
      %swap3A = arith.index_cast %add3A_1687 : i32 to index
      %swap3A_1689 = tpu.vector_load %arg8[%swap3A] {strides = array<i32>} : memref<8192xf32, #tpu.memory_space<vmem>>, vector<16xf32>,
      tpu.vector_store %arg8[%swap3A], %gather3A {strides = array<i32>} : memref<8192xf32, #tpu.memory_space<vmem>>, vector<16xf32>,
      %add3A_1690 = arith.constant 16 : i32
      %add3A_1691 = arith.addi %mul3A_1685, %add3A_1690 : i32
      %get3A_1692 = arith.index_cast %add3A_1691 : i32 to index
      %get3A_1693 = tpu.vector_load %arg7[%get3A_1692] {strides = array<i32>} : memref<8192xi32, #tpu.memory_space<vmem>>, vector<16xi32>,
      %gather3A_1694 = tpu.vector_load_idx %arg6[%get3A_1693] : memref<100000xf32, #tpu.memory_space<vmem>>[vector<16xi32>], vector<16xf32>,
      %swap3A_1695 = arith.index_cast %add3A_1691 : i32 to index
      %swap3A_1696 = tpu.vector_load %arg8[%swap3A_1695] {strides = array<i32>} : memref<8192xf32, #tpu.memory_space<vmem>>, vector<16xf32>,
      tpu.vector_store %arg8[%swap3A_1695], %gather3A_1694 {strides = array<i32>} : memref<8192xf32, #tpu.memory_space<vmem>>, vector<16xf32>,
      %add3A_1697 = arith.constant 32 : i32
      %add3A_1698 = arith.addi %mul3A_1685, %add3A_1697 : i32
      %get3A_1699 = arith.index_cast %add3A_1698 : i32 to index
      %get3A_1700 = tpu.vector_load %arg7[%get3A_1699] {strides = array<i32>} : memref<8192xi32, #tpu.memory_space<vmem>>, vector<16xi32>,
      %gather3A_1701 = tpu.vector_load_idx %arg6[%get3A_1700] : memref<100000xf32, #tpu.memory_space<vmem>>[vector<16xi32>], vector<16xf32>,
      %swap3A_1702 = arith.index_cast %add3A_1698 : i32 to index
      %swap3A_1703 = tpu.vector_load %arg8[%swap3A_1702] {strides = array<i32>} : memref<8192xf32, #tpu.memory_space<vmem>>, vector<16xf32>,
      tpu.vector_store %arg8[%swap3A_1702], %gather3A_1701 {strides = array<i32>} : memref<8192xf32, #tpu.memory_space<vmem>>, vector<16xf32>,
      %add3A_1704 = arith.constant 48 : i32
      %add3A_1705 = arith.addi %mul3A_1685, %add3A_1704 : i32
      %get3A_1706 = arith.index_cast %add3A_1705 : i32 to index
      %get3A_1707 = tpu.vector_load %arg7[%get3A_1706] {strides = array<i32>} : memref<8192xi32, #tpu.memory_space<vmem>>, vector<16xi32>,
      %gather3A_1708 = tpu.vector_load_idx %arg6[%get3A_1707] : memref<100000xf32, #tpu.memory_space<vmem>>[vector<16xi32>], vector<16xf32>,
      %swap3A_1709 = arith.index_cast %add3A_1705 : i32 to index
      %swap3A_1710 = tpu.vector_load %arg8[%swap3A_1709] {strides = array<i32>} : memref<8192xf32, #tpu.memory_space<vmem>>, vector<16xf32>,
      tpu.vector_store %arg8[%swap3A_1709], %gather3A_1708 {strides = array<i32>} : memref<8192xf32, #tpu.memory_space<vmem>>, vector<16xf32>,
      %scan3A_1711 = arith.constant 0 : i32
      scf.yield %scan3A_1711 : i32
    }
    %scan3A_1535 = arith.constant 128 : i32
    %add3A_1536 = arith.constant 13 : i32
    %add3A_1537 = arith.addi %add3A_1536, %add3A_1423 : i32
    %dma_start3A_1538 = arith.constant 8192 : i32
    %dma_start3A_1539 = tpu.memref_slice %arg5[%add3A_1537, %dma_start3A_1538] : memref<429x16384xf32, #tpu.memory_space<hbm>> -> memref<1x8192xf32, #tpu.memory_space<hbm>>
    %dma_start3A_1540 = tpu.memref_squeeze %dma_start3A_1539 : memref<1x8192xf32, #tpu.memory_space<hbm>> -> memref<8192xf32, #tpu.memory_space<hbm>>
    %dma_start3A_1541 = arith.constant 8192 : i32
    %dma_start3A_1542 = tpu.memref_slice %arg5[%add3A_1537, %dma_start3A_1541] : memref<429x16384xf32, #tpu.memory_space<hbm>> -> memref<1x8192xf32, #tpu.memory_space<hbm>>
    %dma_start3A_1543 = tpu.memref_squeeze %dma_start3A_1542 : memref<1x8192xf32, #tpu.memory_space<hbm>> -> memref<8192xf32, #tpu.memory_space<hbm>>
    tpu.enqueue_dma source(%arg8 : memref<8192xf32, #tpu.memory_space<vmem>>) target(%dma_start3A_1543 : memref<8192xf32, #tpu.memory_space<hbm>>) target_semaphore(%arg11 : memref<!tpu.dma_semaphore, #tpu.memory_space<semaphore_mem>>)
    %dma_wait3A_1544 = arith.constant 8192 : i32
    %dma_wait3A_1545 = tpu.memref_slice %arg5[%add3A_1537, %dma_wait3A_1544] : memref<429x16384xf32, #tpu.memory_space<hbm>> -> memref<1x8192xf32, #tpu.memory_space<hbm>>
    %dma_wait3A_1546 = tpu.memref_squeeze %dma_wait3A_1545 : memref<1x8192xf32, #tpu.memory_space<hbm>> -> memref<8192xf32, #tpu.memory_space<hbm>>
    %dma_wait3A_1547 = arith.constant 8192 : i32
    %dma_wait3A_1548 = tpu.memref_slice %arg5[%add3A_1537, %dma_wait3A_1547] : memref<429x16384xf32, #tpu.memory_space<hbm>> -> memref<1x8192xf32, #tpu.memory_space<hbm>>
    %dma_wait3A_1549 = tpu.memref_squeeze %dma_wait3A_1548 : memref<1x8192xf32, #tpu.memory_space<hbm>> -> memref<8192xf32, #tpu.memory_space<hbm>>
    tpu.wait_dma2 semaphore(%arg11 : memref<!tpu.dma_semaphore, #tpu.memory_space<semaphore_mem>>) src(%arg8 : memref<8192xf32, #tpu.memory_space<vmem>>) dst(%dma_wait3A_1549 : memref<8192xf32, #tpu.memory_space<hbm>>)
    %mul3A_1550 = arith.constant 13 : i32
    %mul3A_1551 = arith.muli %add3A, %mul3A_1550 : i32
    %add3A_1552 = arith.constant 12 : i32
    %add3A_1553 = arith.addi %mul3A_1551, %add3A_1552 : i32
    %dma_start3A_1554 = arith.constant 0 : i32
    %dma_start3A_1555 = tpu.memref_slice %arg3[%add3A_1553, %dma_start3A_1554] : memref<416x100000xf32, #tpu.memory_space<hbm>> -> memref<1x100000xf32, #tpu.memory_space<hbm>>
    %dma_start3A_1556 = tpu.memref_squeeze %dma_start3A_1555 : memref<1x100000xf32, #tpu.memory_space<hbm>> -> memref<100000xf32, #tpu.memory_space<hbm>>
    %dma_start3A_1557 = arith.constant 0 : i32
    %dma_start3A_1558 = tpu.memref_slice %arg3[%add3A_1553, %dma_start3A_1557] : memref<416x100000xf32, #tpu.memory_space<hbm>> -> memref<1x100000xf32, #tpu.memory_space<hbm>>
    %dma_start3A_1559 = tpu.memref_squeeze %dma_start3A_1558 : memref<1x100000xf32, #tpu.memory_space<hbm>> -> memref<100000xf32, #tpu.memory_space<hbm>>
    tpu.enqueue_dma source(%dma_start3A_1559 : memref<100000xf32, #tpu.memory_space<hbm>>) target(%arg6 : memref<100000xf32, #tpu.memory_space<vmem>>) target_semaphore(%arg9 : memref<!tpu.dma_semaphore, #tpu.memory_space<semaphore_mem>>)
    %dma_wait3A_1560 = arith.constant 0 : i32
    %dma_wait3A_1561 = tpu.memref_slice %arg3[%add3A_1553, %dma_wait3A_1560] : memref<416x100000xf32, #tpu.memory_space<hbm>> -> memref<1x100000xf32, #tpu.memory_space<hbm>>
    %dma_wait3A_1562 = tpu.memref_squeeze %dma_wait3A_1561 : memref<1x100000xf32, #tpu.memory_space<hbm>> -> memref<100000xf32, #tpu.memory_space<hbm>>
    %dma_wait3A_1563 = arith.constant 0 : i32
    %dma_wait3A_1564 = tpu.memref_slice %arg3[%add3A_1553, %dma_wait3A_1563] : memref<416x100000xf32, #tpu.memory_space<hbm>> -> memref<1x100000xf32, #tpu.memory_space<hbm>>
    %dma_wait3A_1565 = tpu.memref_squeeze %dma_wait3A_1564 : memref<1x100000xf32, #tpu.memory_space<hbm>> -> memref<100000xf32, #tpu.memory_space<hbm>>
    tpu.wait_dma2 semaphore(%arg9 : memref<!tpu.dma_semaphore, #tpu.memory_space<semaphore_mem>>) src(%dma_wait3A_1565 : memref<100000xf32, #tpu.memory_space<hbm>>) dst(%arg6 : memref<100000xf32, #tpu.memory_space<vmem>>)
    %jit3A_1566 = arith.constant 16 : i32
    %div3A_1567 = arith.divsi %add3A_1553, %jit3A_1566 : i32
    %sign3A_1568 = arith.constant 0 : i32
    %sign3A_1569 = arith.cmpi sgt, %add3A_1553, %sign3A_1568 : i32
    %sign3A_1570 = arith.extui %sign3A_1569 : i1 to i32
    %sign3A_1571 = arith.constant 0 : i32
    %sign3A_1572 = arith.cmpi slt, %add3A_1553, %sign3A_1571 : i32
    %sign3A_1573 = arith.extui %sign3A_1572 : i1 to i32
    %sign3A_1574 = arith.subi %sign3A_1570, %sign3A_1573 : i32
    %sign3A_1575 = arith.constant 0 : i32
    %sign3A_1576 = arith.cmpi sgt, %jit3A_1566, %sign3A_1575 : i32
    %sign3A_1577 = arith.extui %sign3A_1576 : i1 to i32
    %sign3A_1578 = arith.constant 0 : i32
    %sign3A_1579 = arith.cmpi slt, %jit3A_1566, %sign3A_1578 : i32
    %sign3A_1580 = arith.extui %sign3A_1579 : i1 to i32
    %sign3A_1581 = arith.subi %sign3A_1577, %sign3A_1580 : i32
    %ne3A_1582 = arith.cmpi ne, %sign3A_1574, %sign3A_1581 : i32
    %rem3A_1583 = arith.remsi %add3A_1553, %jit3A_1566 : i32
    %ne3A_1584 = arith.constant 0 : i32
    %ne3A_1585 = arith.cmpi ne, %rem3A_1583, %ne3A_1584 : i32
    %and3A_1586 = arith.andi %ne3A_1582, %ne3A_1585 : i1
    %sub3A_1587 = arith.constant 1 : i32
    %sub3A_1588 = arith.subi %div3A_1567, %sub3A_1587 : i32
    %select_n3A_1589 = arith.select %and3A_1586, %sub3A_1588, %div3A_1567 : i32
    %dma_start3A_1590 = arith.constant 0 : i32
    %dma_start3A_1591 = tpu.memref_slice %arg2[%select_n3A_1589, %dma_start3A_1590] : memref<26x16384xi32, #tpu.memory_space<hbm>> -> memref<1x8192xi32, #tpu.memory_space<hbm>>
    %dma_start3A_1592 = tpu.memref_squeeze %dma_start3A_1591 : memref<1x8192xi32, #tpu.memory_space<hbm>> -> memref<8192xi32, #tpu.memory_space<hbm>>
    %dma_start3A_1593 = arith.constant 0 : i32
    %dma_start3A_1594 = tpu.memref_slice %arg2[%select_n3A_1589, %dma_start3A_1593] : memref<26x16384xi32, #tpu.memory_space<hbm>> -> memref<1x8192xi32, #tpu.memory_space<hbm>>
    %dma_start3A_1595 = tpu.memref_squeeze %dma_start3A_1594 : memref<1x8192xi32, #tpu.memory_space<hbm>> -> memref<8192xi32, #tpu.memory_space<hbm>>
    tpu.enqueue_dma source(%dma_start3A_1595 : memref<8192xi32, #tpu.memory_space<hbm>>) target(%arg7 : memref<8192xi32, #tpu.memory_space<vmem>>) target_semaphore(%arg10 : memref<!tpu.dma_semaphore, #tpu.memory_space<semaphore_mem>>)
    %dma_wait3A_1596 = arith.constant 0 : i32
    %dma_wait3A_1597 = tpu.memref_slice %arg2[%select_n3A_1589, %dma_wait3A_1596] : memref<26x16384xi32, #tpu.memory_space<hbm>> -> memref<1x8192xi32, #tpu.memory_space<hbm>>
    %dma_wait3A_1598 = tpu.memref_squeeze %dma_wait3A_1597 : memref<1x8192xi32, #tpu.memory_space<hbm>> -> memref<8192xi32, #tpu.memory_space<hbm>>
    %dma_wait3A_1599 = arith.constant 0 : i32
    %dma_wait3A_1600 = tpu.memref_slice %arg2[%select_n3A_1589, %dma_wait3A_1599] : memref<26x16384xi32, #tpu.memory_space<hbm>> -> memref<1x8192xi32, #tpu.memory_space<hbm>>
    %dma_wait3A_1601 = tpu.memref_squeeze %dma_wait3A_1600 : memref<1x8192xi32, #tpu.memory_space<hbm>> -> memref<8192xi32, #tpu.memory_space<hbm>>
    tpu.wait_dma2 semaphore(%arg10 : memref<!tpu.dma_semaphore, #tpu.memory_space<semaphore_mem>>) src(%dma_wait3A_1601 : memref<8192xi32, #tpu.memory_space<hbm>>) dst(%arg7 : memref<8192xi32, #tpu.memory_space<vmem>>)
    %scan3A_1602 = arith.constant 0 : i32
    %scan3A_1603 = arith.constant 0 : i32
    %scan3A_1604 = arith.constant 128 : i32
    %scan3A_1605 = arith.addi %scan3A_1603, %scan3A_1604 : i32
    %scan3A_1606 = arith.constant 1 : i32
    %scan3A_1607 = scf.for %scan3A_1682 = %scan3A_1603 to %scan3A_1605 step %scan3A_1606 iter_args(%scan3A_1683 = %scan3A_1602) -> (i32)  : i32 {
      %mul3A_1684 = arith.constant 64 : i32
      %mul3A_1685 = arith.muli %scan3A_1682, %mul3A_1684 : i32
      %add3A_1686 = arith.constant 0 : i32
      %add3A_1687 = arith.addi %mul3A_1685, %add3A_1686 : i32
      %get3A = arith.index_cast %add3A_1687 : i32 to index
      %get3A_1688 = tpu.vector_load %arg7[%get3A] {strides = array<i32>} : memref<8192xi32, #tpu.memory_space<vmem>>, vector<16xi32>,
      %gather3A = tpu.vector_load_idx %arg6[%get3A_1688] : memref<100000xf32, #tpu.memory_space<vmem>>[vector<16xi32>], vector<16xf32>,
      %swap3A = arith.index_cast %add3A_1687 : i32 to index
      %swap3A_1689 = tpu.vector_load %arg8[%swap3A] {strides = array<i32>} : memref<8192xf32, #tpu.memory_space<vmem>>, vector<16xf32>,
      tpu.vector_store %arg8[%swap3A], %gather3A {strides = array<i32>} : memref<8192xf32, #tpu.memory_space<vmem>>, vector<16xf32>,
      %add3A_1690 = arith.constant 16 : i32
      %add3A_1691 = arith.addi %mul3A_1685, %add3A_1690 : i32
      %get3A_1692 = arith.index_cast %add3A_1691 : i32 to index
      %get3A_1693 = tpu.vector_load %arg7[%get3A_1692] {strides = array<i32>} : memref<8192xi32, #tpu.memory_space<vmem>>, vector<16xi32>,
      %gather3A_1694 = tpu.vector_load_idx %arg6[%get3A_1693] : memref<100000xf32, #tpu.memory_space<vmem>>[vector<16xi32>], vector<16xf32>,
      %swap3A_1695 = arith.index_cast %add3A_1691 : i32 to index
      %swap3A_1696 = tpu.vector_load %arg8[%swap3A_1695] {strides = array<i32>} : memref<8192xf32, #tpu.memory_space<vmem>>, vector<16xf32>,
      tpu.vector_store %arg8[%swap3A_1695], %gather3A_1694 {strides = array<i32>} : memref<8192xf32, #tpu.memory_space<vmem>>, vector<16xf32>,
      %add3A_1697 = arith.constant 32 : i32
      %add3A_1698 = arith.addi %mul3A_1685, %add3A_1697 : i32
      %get3A_1699 = arith.index_cast %add3A_1698 : i32 to index
      %get3A_1700 = tpu.vector_load %arg7[%get3A_1699] {strides = array<i32>} : memref<8192xi32, #tpu.memory_space<vmem>>, vector<16xi32>,
      %gather3A_1701 = tpu.vector_load_idx %arg6[%get3A_1700] : memref<100000xf32, #tpu.memory_space<vmem>>[vector<16xi32>], vector<16xf32>,
      %swap3A_1702 = arith.index_cast %add3A_1698 : i32 to index
      %swap3A_1703 = tpu.vector_load %arg8[%swap3A_1702] {strides = array<i32>} : memref<8192xf32, #tpu.memory_space<vmem>>, vector<16xf32>,
      tpu.vector_store %arg8[%swap3A_1702], %gather3A_1701 {strides = array<i32>} : memref<8192xf32, #tpu.memory_space<vmem>>, vector<16xf32>,
      %add3A_1704 = arith.constant 48 : i32
      %add3A_1705 = arith.addi %mul3A_1685, %add3A_1704 : i32
      %get3A_1706 = arith.index_cast %add3A_1705 : i32 to index
      %get3A_1707 = tpu.vector_load %arg7[%get3A_1706] {strides = array<i32>} : memref<8192xi32, #tpu.memory_space<vmem>>, vector<16xi32>,
      %gather3A_1708 = tpu.vector_load_idx %arg6[%get3A_1707] : memref<100000xf32, #tpu.memory_space<vmem>>[vector<16xi32>], vector<16xf32>,
      %swap3A_1709 = arith.index_cast %add3A_1705 : i32 to index
      %swap3A_1710 = tpu.vector_load %arg8[%swap3A_1709] {strides = array<i32>} : memref<8192xf32, #tpu.memory_space<vmem>>, vector<16xf32>,
      tpu.vector_store %arg8[%swap3A_1709], %gather3A_1708 {strides = array<i32>} : memref<8192xf32, #tpu.memory_space<vmem>>, vector<16xf32>,
      %scan3A_1711 = arith.constant 0 : i32
      scf.yield %scan3A_1711 : i32
    }
    %scan3A_1608 = arith.constant 128 : i32
    %add3A_1609 = arith.constant 13 : i32
    %add3A_1610 = arith.addi %add3A_1609, %add3A_1553 : i32
    %dma_start3A_1611 = arith.constant 0 : i32
    %dma_start3A_1612 = tpu.memref_slice %arg5[%add3A_1610, %dma_start3A_1611] : memref<429x16384xf32, #tpu.memory_space<hbm>> -> memref<1x8192xf32, #tpu.memory_space<hbm>>
    %dma_start3A_1613 = tpu.memref_squeeze %dma_start3A_1612 : memref<1x8192xf32, #tpu.memory_space<hbm>> -> memref<8192xf32, #tpu.memory_space<hbm>>
    %dma_start3A_1614 = arith.constant 0 : i32
    %dma_start3A_1615 = tpu.memref_slice %arg5[%add3A_1610, %dma_start3A_1614] : memref<429x16384xf32, #tpu.memory_space<hbm>> -> memref<1x8192xf32, #tpu.memory_space<hbm>>
    %dma_start3A_1616 = tpu.memref_squeeze %dma_start3A_1615 : memref<1x8192xf32, #tpu.memory_space<hbm>> -> memref<8192xf32, #tpu.memory_space<hbm>>
    tpu.enqueue_dma source(%arg8 : memref<8192xf32, #tpu.memory_space<vmem>>) target(%dma_start3A_1616 : memref<8192xf32, #tpu.memory_space<hbm>>) target_semaphore(%arg11 : memref<!tpu.dma_semaphore, #tpu.memory_space<semaphore_mem>>)
    %dma_wait3A_1617 = arith.constant 0 : i32
    %dma_wait3A_1618 = tpu.memref_slice %arg5[%add3A_1610, %dma_wait3A_1617] : memref<429x16384xf32, #tpu.memory_space<hbm>> -> memref<1x8192xf32, #tpu.memory_space<hbm>>
    %dma_wait3A_1619 = tpu.memref_squeeze %dma_wait3A_1618 : memref<1x8192xf32, #tpu.memory_space<hbm>> -> memref<8192xf32, #tpu.memory_space<hbm>>
    %dma_wait3A_1620 = arith.constant 0 : i32
    %dma_wait3A_1621 = tpu.memref_slice %arg5[%add3A_1610, %dma_wait3A_1620] : memref<429x16384xf32, #tpu.memory_space<hbm>> -> memref<1x8192xf32, #tpu.memory_space<hbm>>
    %dma_wait3A_1622 = tpu.memref_squeeze %dma_wait3A_1621 : memref<1x8192xf32, #tpu.memory_space<hbm>> -> memref<8192xf32, #tpu.memory_space<hbm>>
    tpu.wait_dma2 semaphore(%arg11 : memref<!tpu.dma_semaphore, #tpu.memory_space<semaphore_mem>>) src(%arg8 : memref<8192xf32, #tpu.memory_space<vmem>>) dst(%dma_wait3A_1622 : memref<8192xf32, #tpu.memory_space<hbm>>)
    %jit3A_1623 = arith.constant 16 : i32
    %div3A_1624 = arith.divsi %add3A_1553, %jit3A_1623 : i32
    %sign3A_1625 = arith.constant 0 : i32
    %sign3A_1626 = arith.cmpi sgt, %add3A_1553, %sign3A_1625 : i32
    %sign3A_1627 = arith.extui %sign3A_1626 : i1 to i32
    %sign3A_1628 = arith.constant 0 : i32
    %sign3A_1629 = arith.cmpi slt, %add3A_1553, %sign3A_1628 : i32
    %sign3A_1630 = arith.extui %sign3A_1629 : i1 to i32
    %sign3A_1631 = arith.subi %sign3A_1627, %sign3A_1630 : i32
    %sign3A_1632 = arith.constant 0 : i32
    %sign3A_1633 = arith.cmpi sgt, %jit3A_1623, %sign3A_1632 : i32
    %sign3A_1634 = arith.extui %sign3A_1633 : i1 to i32
    %sign3A_1635 = arith.constant 0 : i32
    %sign3A_1636 = arith.cmpi slt, %jit3A_1623, %sign3A_1635 : i32
    %sign3A_1637 = arith.extui %sign3A_1636 : i1 to i32
    %sign3A_1638 = arith.subi %sign3A_1634, %sign3A_1637 : i32
    %ne3A_1639 = arith.cmpi ne, %sign3A_1631, %sign3A_1638 : i32
    %rem3A_1640 = arith.remsi %add3A_1553, %jit3A_1623 : i32
    %ne3A_1641 = arith.constant 0 : i32
    %ne3A_1642 = arith.cmpi ne, %rem3A_1640, %ne3A_1641 : i32
    %and3A_1643 = arith.andi %ne3A_1639, %ne3A_1642 : i1
    %sub3A_1644 = arith.constant 1 : i32
    %sub3A_1645 = arith.subi %div3A_1624, %sub3A_1644 : i32
    %select_n3A_1646 = arith.select %and3A_1643, %sub3A_1645, %div3A_1624 : i32
    %dma_start3A_1647 = arith.constant 8192 : i32
    %dma_start3A_1648 = tpu.memref_slice %arg2[%select_n3A_1646, %dma_start3A_1647] : memref<26x16384xi32, #tpu.memory_space<hbm>> -> memref<1x8192xi32, #tpu.memory_space<hbm>>
    %dma_start3A_1649 = tpu.memref_squeeze %dma_start3A_1648 : memref<1x8192xi32, #tpu.memory_space<hbm>> -> memref<8192xi32, #tpu.memory_space<hbm>>
    %dma_start3A_1650 = arith.constant 8192 : i32
    %dma_start3A_1651 = tpu.memref_slice %arg2[%select_n3A_1646, %dma_start3A_1650] : memref<26x16384xi32, #tpu.memory_space<hbm>> -> memref<1x8192xi32, #tpu.memory_space<hbm>>
    %dma_start3A_1652 = tpu.memref_squeeze %dma_start3A_1651 : memref<1x8192xi32, #tpu.memory_space<hbm>> -> memref<8192xi32, #tpu.memory_space<hbm>>
    tpu.enqueue_dma source(%dma_start3A_1652 : memref<8192xi32, #tpu.memory_space<hbm>>) target(%arg7 : memref<8192xi32, #tpu.memory_space<vmem>>) target_semaphore(%arg10 : memref<!tpu.dma_semaphore, #tpu.memory_space<semaphore_mem>>)
    %dma_wait3A_1653 = arith.constant 8192 : i32
    %dma_wait3A_1654 = tpu.memref_slice %arg2[%select_n3A_1646, %dma_wait3A_1653] : memref<26x16384xi32, #tpu.memory_space<hbm>> -> memref<1x8192xi32, #tpu.memory_space<hbm>>
    %dma_wait3A_1655 = tpu.memref_squeeze %dma_wait3A_1654 : memref<1x8192xi32, #tpu.memory_space<hbm>> -> memref<8192xi32, #tpu.memory_space<hbm>>
    %dma_wait3A_1656 = arith.constant 8192 : i32
    %dma_wait3A_1657 = tpu.memref_slice %arg2[%select_n3A_1646, %dma_wait3A_1656] : memref<26x16384xi32, #tpu.memory_space<hbm>> -> memref<1x8192xi32, #tpu.memory_space<hbm>>
    %dma_wait3A_1658 = tpu.memref_squeeze %dma_wait3A_1657 : memref<1x8192xi32, #tpu.memory_space<hbm>> -> memref<8192xi32, #tpu.memory_space<hbm>>
    tpu.wait_dma2 semaphore(%arg10 : memref<!tpu.dma_semaphore, #tpu.memory_space<semaphore_mem>>) src(%dma_wait3A_1658 : memref<8192xi32, #tpu.memory_space<hbm>>) dst(%arg7 : memref<8192xi32, #tpu.memory_space<vmem>>)
    %scan3A_1659 = arith.constant 0 : i32
    %scan3A_1660 = arith.constant 0 : i32
    %scan3A_1661 = arith.constant 128 : i32
    %scan3A_1662 = arith.addi %scan3A_1660, %scan3A_1661 : i32
    %scan3A_1663 = arith.constant 1 : i32
    %scan3A_1664 = scf.for %scan3A_1682 = %scan3A_1660 to %scan3A_1662 step %scan3A_1663 iter_args(%scan3A_1683 = %scan3A_1659) -> (i32)  : i32 {
      %mul3A_1684 = arith.constant 64 : i32
      %mul3A_1685 = arith.muli %scan3A_1682, %mul3A_1684 : i32
      %add3A_1686 = arith.constant 0 : i32
      %add3A_1687 = arith.addi %mul3A_1685, %add3A_1686 : i32
      %get3A = arith.index_cast %add3A_1687 : i32 to index
      %get3A_1688 = tpu.vector_load %arg7[%get3A] {strides = array<i32>} : memref<8192xi32, #tpu.memory_space<vmem>>, vector<16xi32>,
      %gather3A = tpu.vector_load_idx %arg6[%get3A_1688] : memref<100000xf32, #tpu.memory_space<vmem>>[vector<16xi32>], vector<16xf32>,
      %swap3A = arith.index_cast %add3A_1687 : i32 to index
      %swap3A_1689 = tpu.vector_load %arg8[%swap3A] {strides = array<i32>} : memref<8192xf32, #tpu.memory_space<vmem>>, vector<16xf32>,
      tpu.vector_store %arg8[%swap3A], %gather3A {strides = array<i32>} : memref<8192xf32, #tpu.memory_space<vmem>>, vector<16xf32>,
      %add3A_1690 = arith.constant 16 : i32
      %add3A_1691 = arith.addi %mul3A_1685, %add3A_1690 : i32
      %get3A_1692 = arith.index_cast %add3A_1691 : i32 to index
      %get3A_1693 = tpu.vector_load %arg7[%get3A_1692] {strides = array<i32>} : memref<8192xi32, #tpu.memory_space<vmem>>, vector<16xi32>,
      %gather3A_1694 = tpu.vector_load_idx %arg6[%get3A_1693] : memref<100000xf32, #tpu.memory_space<vmem>>[vector<16xi32>], vector<16xf32>,
      %swap3A_1695 = arith.index_cast %add3A_1691 : i32 to index
      %swap3A_1696 = tpu.vector_load %arg8[%swap3A_1695] {strides = array<i32>} : memref<8192xf32, #tpu.memory_space<vmem>>, vector<16xf32>,
      tpu.vector_store %arg8[%swap3A_1695], %gather3A_1694 {strides = array<i32>} : memref<8192xf32, #tpu.memory_space<vmem>>, vector<16xf32>,
      %add3A_1697 = arith.constant 32 : i32
      %add3A_1698 = arith.addi %mul3A_1685, %add3A_1697 : i32
      %get3A_1699 = arith.index_cast %add3A_1698 : i32 to index
      %get3A_1700 = tpu.vector_load %arg7[%get3A_1699] {strides = array<i32>} : memref<8192xi32, #tpu.memory_space<vmem>>, vector<16xi32>,
      %gather3A_1701 = tpu.vector_load_idx %arg6[%get3A_1700] : memref<100000xf32, #tpu.memory_space<vmem>>[vector<16xi32>], vector<16xf32>,
      %swap3A_1702 = arith.index_cast %add3A_1698 : i32 to index
      %swap3A_1703 = tpu.vector_load %arg8[%swap3A_1702] {strides = array<i32>} : memref<8192xf32, #tpu.memory_space<vmem>>, vector<16xf32>,
      tpu.vector_store %arg8[%swap3A_1702], %gather3A_1701 {strides = array<i32>} : memref<8192xf32, #tpu.memory_space<vmem>>, vector<16xf32>,
      %add3A_1704 = arith.constant 48 : i32
      %add3A_1705 = arith.addi %mul3A_1685, %add3A_1704 : i32
      %get3A_1706 = arith.index_cast %add3A_1705 : i32 to index
      %get3A_1707 = tpu.vector_load %arg7[%get3A_1706] {strides = array<i32>} : memref<8192xi32, #tpu.memory_space<vmem>>, vector<16xi32>,
      %gather3A_1708 = tpu.vector_load_idx %arg6[%get3A_1707] : memref<100000xf32, #tpu.memory_space<vmem>>[vector<16xi32>], vector<16xf32>,
      %swap3A_1709 = arith.index_cast %add3A_1705 : i32 to index
      %swap3A_1710 = tpu.vector_load %arg8[%swap3A_1709] {strides = array<i32>} : memref<8192xf32, #tpu.memory_space<vmem>>, vector<16xf32>,
      tpu.vector_store %arg8[%swap3A_1709], %gather3A_1708 {strides = array<i32>} : memref<8192xf32, #tpu.memory_space<vmem>>, vector<16xf32>,
      %scan3A_1711 = arith.constant 0 : i32
      scf.yield %scan3A_1711 : i32
    }
    %scan3A_1665 = arith.constant 128 : i32
    %add3A_1666 = arith.constant 13 : i32
    %add3A_1667 = arith.addi %add3A_1666, %add3A_1553 : i32
    %dma_start3A_1668 = arith.constant 8192 : i32
    %dma_start3A_1669 = tpu.memref_slice %arg5[%add3A_1667, %dma_start3A_1668] : memref<429x16384xf32, #tpu.memory_space<hbm>> -> memref<1x8192xf32, #tpu.memory_space<hbm>>
    %dma_start3A_1670 = tpu.memref_squeeze %dma_start3A_1669 : memref<1x8192xf32, #tpu.memory_space<hbm>> -> memref<8192xf32, #tpu.memory_space<hbm>>
    %dma_start3A_1671 = arith.constant 8192 : i32
    %dma_start3A_1672 = tpu.memref_slice %arg5[%add3A_1667, %dma_start3A_1671] : memref<429x16384xf32, #tpu.memory_space<hbm>> -> memref<1x8192xf32, #tpu.memory_space<hbm>>
    %dma_start3A_1673 = tpu.memref_squeeze %dma_start3A_1672 : memref<1x8192xf32, #tpu.memory_space<hbm>> -> memref<8192xf32, #tpu.memory_space<hbm>>
    tpu.enqueue_dma source(%arg8 : memref<8192xf32, #tpu.memory_space<vmem>>) target(%dma_start3A_1673 : memref<8192xf32, #tpu.memory_space<hbm>>) target_semaphore(%arg11 : memref<!tpu.dma_semaphore, #tpu.memory_space<semaphore_mem>>)
    %dma_wait3A_1674 = arith.constant 8192 : i32
    %dma_wait3A_1675 = tpu.memref_slice %arg5[%add3A_1667, %dma_wait3A_1674] : memref<429x16384xf32, #tpu.memory_space<hbm>> -> memref<1x8192xf32, #tpu.memory_space<hbm>>
    %dma_wait3A_1676 = tpu.memref_squeeze %dma_wait3A_1675 : memref<1x8192xf32, #tpu.memory_space<hbm>> -> memref<8192xf32, #tpu.memory_space<hbm>>
    %dma_wait3A_1677 = arith.constant 8192 : i32
    %dma_wait3A_1678 = tpu.memref_slice %arg5[%add3A_1667, %dma_wait3A_1677] : memref<429x16384xf32, #tpu.memory_space<hbm>> -> memref<1x8192xf32, #tpu.memory_space<hbm>>
    %dma_wait3A_1679 = tpu.memref_squeeze %dma_wait3A_1678 : memref<1x8192xf32, #tpu.memory_space<hbm>> -> memref<8192xf32, #tpu.memory_space<hbm>>
    tpu.wait_dma2 semaphore(%arg11 : memref<!tpu.dma_semaphore, #tpu.memory_space<semaphore_mem>>) src(%arg8 : memref<8192xf32, #tpu.memory_space<vmem>>) dst(%dma_wait3A_1679 : memref<8192xf32, #tpu.memory_space<hbm>>)
    %lt3A = arith.constant 13 : i32
    %lt3A_1680 = arith.cmpi slt, %add3A, %lt3A : i32
    %convert_element_type3A = arith.extui %lt3A_1680 : i1 to i32
    %cond3A = arith.constant 0 : i32
    %cond3A_1681 = arith.cmpi ne, %convert_element_type3A, %cond3A : i32
    scf.if %cond3A_1681 {
      %dma_start3A_1682 = arith.constant 0 : i32
      %dma_start3A_1683 = tpu.memref_slice %arg4[%add3A, %dma_start3A_1682] : memref<13x16384xf32, #tpu.memory_space<hbm>> -> memref<1x8192xf32, #tpu.memory_space<hbm>>
      %dma_start3A_1684 = tpu.memref_squeeze %dma_start3A_1683 : memref<1x8192xf32, #tpu.memory_space<hbm>> -> memref<8192xf32, #tpu.memory_space<hbm>>
      %dma_start3A_1685 = arith.constant 0 : i32
      %dma_start3A_1686 = tpu.memref_slice %arg4[%add3A, %dma_start3A_1685] : memref<13x16384xf32, #tpu.memory_space<hbm>> -> memref<1x8192xf32, #tpu.memory_space<hbm>>
      %dma_start3A_1687 = tpu.memref_squeeze %dma_start3A_1686 : memref<1x8192xf32, #tpu.memory_space<hbm>> -> memref<8192xf32, #tpu.memory_space<hbm>>
      tpu.enqueue_dma source(%dma_start3A_1687 : memref<8192xf32, #tpu.memory_space<hbm>>) target(%arg8 : memref<8192xf32, #tpu.memory_space<vmem>>) target_semaphore(%arg10 : memref<!tpu.dma_semaphore, #tpu.memory_space<semaphore_mem>>)
      %dma_wait3A_1688 = arith.constant 0 : i32
      %dma_wait3A_1689 = tpu.memref_slice %arg4[%add3A, %dma_wait3A_1688] : memref<13x16384xf32, #tpu.memory_space<hbm>> -> memref<1x8192xf32, #tpu.memory_space<hbm>>
      %dma_wait3A_1690 = tpu.memref_squeeze %dma_wait3A_1689 : memref<1x8192xf32, #tpu.memory_space<hbm>> -> memref<8192xf32, #tpu.memory_space<hbm>>
      %dma_wait3A_1691 = arith.constant 0 : i32
      %dma_wait3A_1692 = tpu.memref_slice %arg4[%add3A, %dma_wait3A_1691] : memref<13x16384xf32, #tpu.memory_space<hbm>> -> memref<1x8192xf32, #tpu.memory_space<hbm>>
      %dma_wait3A_1693 = tpu.memref_squeeze %dma_wait3A_1692 : memref<1x8192xf32, #tpu.memory_space<hbm>> -> memref<8192xf32, #tpu.memory_space<hbm>>
      tpu.wait_dma2 semaphore(%arg10 : memref<!tpu.dma_semaphore, #tpu.memory_space<semaphore_mem>>) src(%dma_wait3A_1693 : memref<8192xf32, #tpu.memory_space<hbm>>) dst(%arg8 : memref<8192xf32, #tpu.memory_space<vmem>>)
      %dma_start3A_1694 = arith.constant 0 : i32
      %dma_start3A_1695 = tpu.memref_slice %arg5[%add3A, %dma_start3A_1694] : memref<429x16384xf32, #tpu.memory_space<hbm>> -> memref<1x8192xf32, #tpu.memory_space<hbm>>
      %dma_start3A_1696 = tpu.memref_squeeze %dma_start3A_1695 : memref<1x8192xf32, #tpu.memory_space<hbm>> -> memref<8192xf32, #tpu.memory_space<hbm>>
      %dma_start3A_1697 = arith.constant 0 : i32
      %dma_start3A_1698 = tpu.memref_slice %arg5[%add3A, %dma_start3A_1697] : memref<429x16384xf32, #tpu.memory_space<hbm>> -> memref<1x8192xf32, #tpu.memory_space<hbm>>
      %dma_start3A_1699 = tpu.memref_squeeze %dma_start3A_1698 : memref<1x8192xf32, #tpu.memory_space<hbm>> -> memref<8192xf32, #tpu.memory_space<hbm>>
      tpu.enqueue_dma source(%arg8 : memref<8192xf32, #tpu.memory_space<vmem>>) target(%dma_start3A_1699 : memref<8192xf32, #tpu.memory_space<hbm>>) target_semaphore(%arg11 : memref<!tpu.dma_semaphore, #tpu.memory_space<semaphore_mem>>)
      %dma_wait3A_1700 = arith.constant 0 : i32
      %dma_wait3A_1701 = tpu.memref_slice %arg5[%add3A, %dma_wait3A_1700] : memref<429x16384xf32, #tpu.memory_space<hbm>> -> memref<1x8192xf32, #tpu.memory_space<hbm>>
      %dma_wait3A_1702 = tpu.memref_squeeze %dma_wait3A_1701 : memref<1x8192xf32, #tpu.memory_space<hbm>> -> memref<8192xf32, #tpu.memory_space<hbm>>
      %dma_wait3A_1703 = arith.constant 0 : i32
      %dma_wait3A_1704 = tpu.memref_slice %arg5[%add3A, %dma_wait3A_1703] : memref<429x16384xf32, #tpu.memory_space<hbm>> -> memref<1x8192xf32, #tpu.memory_space<hbm>>
      %dma_wait3A_1705 = tpu.memref_squeeze %dma_wait3A_1704 : memref<1x8192xf32, #tpu.memory_space<hbm>> -> memref<8192xf32, #tpu.memory_space<hbm>>
      tpu.wait_dma2 semaphore(%arg11 : memref<!tpu.dma_semaphore, #tpu.memory_space<semaphore_mem>>) src(%arg8 : memref<8192xf32, #tpu.memory_space<vmem>>) dst(%dma_wait3A_1705 : memref<8192xf32, #tpu.memory_space<hbm>>)
      %dma_start3A_1706 = arith.constant 8192 : i32
      %dma_start3A_1707 = tpu.memref_slice %arg4[%add3A, %dma_start3A_1706] : memref<13x16384xf32, #tpu.memory_space<hbm>> -> memref<1x8192xf32, #tpu.memory_space<hbm>>
      %dma_start3A_1708 = tpu.memref_squeeze %dma_start3A_1707 : memref<1x8192xf32, #tpu.memory_space<hbm>> -> memref<8192xf32, #tpu.memory_space<hbm>>
      %dma_start3A_1709 = arith.constant 8192 : i32
      %dma_start3A_1710 = tpu.memref_slice %arg4[%add3A, %dma_start3A_1709] : memref<13x16384xf32, #tpu.memory_space<hbm>> -> memref<1x8192xf32, #tpu.memory_space<hbm>>
      %dma_start3A_1711 = tpu.memref_squeeze %dma_start3A_1710 : memref<1x8192xf32, #tpu.memory_space<hbm>> -> memref<8192xf32, #tpu.memory_space<hbm>>
      tpu.enqueue_dma source(%dma_start3A_1711 : memref<8192xf32, #tpu.memory_space<hbm>>) target(%arg8 : memref<8192xf32, #tpu.memory_space<vmem>>) target_semaphore(%arg10 : memref<!tpu.dma_semaphore, #tpu.memory_space<semaphore_mem>>)
      %dma_wait3A_1712 = arith.constant 8192 : i32
      %dma_wait3A_1713 = tpu.memref_slice %arg4[%add3A, %dma_wait3A_1712] : memref<13x16384xf32, #tpu.memory_space<hbm>> -> memref<1x8192xf32, #tpu.memory_space<hbm>>
      %dma_wait3A_1714 = tpu.memref_squeeze %dma_wait3A_1713 : memref<1x8192xf32, #tpu.memory_space<hbm>> -> memref<8192xf32, #tpu.memory_space<hbm>>
      %dma_wait3A_1715 = arith.constant 8192 : i32
      %dma_wait3A_1716 = tpu.memref_slice %arg4[%add3A, %dma_wait3A_1715] : memref<13x16384xf32, #tpu.memory_space<hbm>> -> memref<1x8192xf32, #tpu.memory_space<hbm>>
      %dma_wait3A_1717 = tpu.memref_squeeze %dma_wait3A_1716 : memref<1x8192xf32, #tpu.memory_space<hbm>> -> memref<8192xf32, #tpu.memory_space<hbm>>
      tpu.wait_dma2 semaphore(%arg10 : memref<!tpu.dma_semaphore, #tpu.memory_space<semaphore_mem>>) src(%dma_wait3A_1717 : memref<8192xf32, #tpu.memory_space<hbm>>) dst(%arg8 : memref<8192xf32, #tpu.memory_space<vmem>>)
      %dma_start3A_1718 = arith.constant 8192 : i32
      %dma_start3A_1719 = tpu.memref_slice %arg5[%add3A, %dma_start3A_1718] : memref<429x16384xf32, #tpu.memory_space<hbm>> -> memref<1x8192xf32, #tpu.memory_space<hbm>>
      %dma_start3A_1720 = tpu.memref_squeeze %dma_start3A_1719 : memref<1x8192xf32, #tpu.memory_space<hbm>> -> memref<8192xf32, #tpu.memory_space<hbm>>
      %dma_start3A_1721 = arith.constant 8192 : i32
      %dma_start3A_1722 = tpu.memref_slice %arg5[%add3A, %dma_start3A_1721] : memref<429x16384xf32, #tpu.memory_space<hbm>> -> memref<1x8192xf32, #tpu.memory_space<hbm>>
      %dma_start3A_1723 = tpu.memref_squeeze %dma_start3A_1722 : memref<1x8192xf32, #tpu.memory_space<hbm>> -> memref<8192xf32, #tpu.memory_space<hbm>>
      tpu.enqueue_dma source(%arg8 : memref<8192xf32, #tpu.memory_space<vmem>>) target(%dma_start3A_1723 : memref<8192xf32, #tpu.memory_space<hbm>>) target_semaphore(%arg11 : memref<!tpu.dma_semaphore, #tpu.memory_space<semaphore_mem>>)
      %dma_wait3A_1724 = arith.constant 8192 : i32
      %dma_wait3A_1725 = tpu.memref_slice %arg5[%add3A, %dma_wait3A_1724] : memref<429x16384xf32, #tpu.memory_space<hbm>> -> memref<1x8192xf32, #tpu.memory_space<hbm>>
      %dma_wait3A_1726 = tpu.memref_squeeze %dma_wait3A_1725 : memref<1x8192xf32, #tpu.memory_space<hbm>> -> memref<8192xf32, #tpu.memory_space<hbm>>
      %dma_wait3A_1727 = arith.constant 8192 : i32
      %dma_wait3A_1728 = tpu.memref_slice %arg5[%add3A, %dma_wait3A_1727] : memref<429x16384xf32, #tpu.memory_space<hbm>> -> memref<1x8192xf32, #tpu.memory_space<hbm>>
      %dma_wait3A_1729 = tpu.memref_squeeze %dma_wait3A_1728 : memref<1x8192xf32, #tpu.memory_space<hbm>> -> memref<8192xf32, #tpu.memory_space<hbm>>
      tpu.wait_dma2 semaphore(%arg11 : memref<!tpu.dma_semaphore, #tpu.memory_space<semaphore_mem>>) src(%arg8 : memref<8192xf32, #tpu.memory_space<vmem>>) dst(%dma_wait3A_1729 : memref<8192xf32, #tpu.memory_space<hbm>>)
    } else {
    }
    return
  }
}

</mosaic_0001>

<sc_bundles>
// kernel: _embed_cols.3.cloned.1.call-start
scs
__scs_entry_jumppad:
0x0: {  	(pc) =	sbr.rel $0x88, $3  }
0x1: {  	(tag) =	ssettag $0x0;
	lr =	simm.s32 $0x1  }
0x2: {  	[smem:$0x3F9E] =	sst lr;
	_ =	strace $0xD0000000  }
0x3: {  	_ = 	snop  }
0x4: {  	_ = 	snop  }
0x5: {  	_ = 	snop  }
0x6: {  	_ = 	snop  }
0x7: {  	_ = 	snop  }
__scs_overlays_trampoline_lowered:
0x8: {  	[smem:$0x3FAD] =	sst s0  }
0x9: {  	[smem:$0x3FAE] =	sst s1  }
0xa: {  	[smem:$0x3FAF] =	sst s2  }
0xb: {  	[smem:$0x3FB0] =	sst s3  }
0xc: {  	[smem:$0x3FB1] =	sst s4  }
0xd: {  	[smem:$0x3FB2] =	sst s5  }
0xe: {  	[smem:$0x3FB3] =	sst s6  }
0xf: {  	[smem:$0x3FB4] =	sst s7  }
0x10: {  	[smem:$0x3FB5] =	sst s8  }
0x11: {  	[smem:$0x3FB6] =	sst s9;
	s0 =	simm.s32 @!p0 $0x0  }
0x12: {  	s1 =	sld [smem:$0x3F9C];
	s0 =	simm.s32 @p0 $0x1  }
0x13: {  	[smem:$0x3FB7] =	sst s0;
	s0 =	simm.s32 @!p1 $0x0  }
0x14: {  	s2 =	sld [smem:$0x3F9B];
	s0 =	simm.s32 @p1 $0x1  }
0x15: {  	[smem:$0x3FB8] =	sst s0;
	s0 =	simm.s32 @!p2 $0x0  }
0x16: {  	s3 =	sld [smem:$0x3FDB];
	s0 =	simm.s32 @p2 $0x1  }
0x17: {  	s4 =	simm.s32 $0x1BF5;
	[smem:$0x3FBA] =	sst s0  }
0x18: {  	s0 =	sld [smem:$0x3F9D];
	_ =	swait.ge [sflag:s4], $0x0  }
0x19: {  	s7 =	sld [smem:$0x3F9E]  }
0x1a: {  	s8 =	sadd.s32 $0xFFFFE003, lr  }
0x1b: {  	s9 =	sadd.s32 $0xFFFFFEF7, lr;
	s5 =	simm.s32 $0xFFFFFFFF;
	p2 =	slt.u32 s8, $0xFFFFF086  }
0x1c: {  	p1 =	slt.u32 s9, $0xF7A;
	s5 =	simm.s32 @!p2 $0x0  }
0x1d: {  	s5 =	simm.s32 @p1 $0x1;
	p0 =	seq.s32 s7, s2  }
0x1e: {  	s7 =	smul.u32 @!p0 $0xF7A, s2;
	p2 =	seq.s32 @!p0 s5, $0x0  }
0x1f: {  	s9 =	smul.u32 $0xF7A, s1;
	s8 =	simm.s32 @!p0 $0x1BF5;
	p2 =	por !p2, p0  }
0x20: {  	[sflag:s8] =	ssyncset.s32 @!p0 $0xFFFFF086;
	s6 =	sadd.s32 @!p0 s3, s7;
	s7 =	simm.s32 @!p0 $0x108  }
0x21: {  	s3 =	sadd.s32 s3, s9;
	s6 =	sadd.s32 @!p0 $0x88, s6;
	s7 =	simm.s32 @p2 $0x1082  }
0x22: {  	[simem:s7], [sflag:s8] =	dma.local @!p0 [hbm:s6], $0xF7A  }
0x23: {  	s9 =	sor.u32 $0xD0000000, s2;
	s6 =	simm.s32 $0x108;
	_ =	swait.ge @!p0 [sflag:s8], $0x0  }
0x24: {  	s3 =	sadd.s32 $0x88, s3;
	s6 =	simm.s32 @!p1 $0x1082;
	[sflag:s4] =	ssyncset.s32 $0xFFFFF086  }
0x25: {  	[simem:s6], [sflag:s4] =	dma.local [hbm:s3], $0xF7A  }
0x26: {  	[smem:$0x3F9E] =	sst s1;
	(tag) =	ssettag s2;
	_ =	strace s9  }
0x27: {  	s1 =	sld [smem:$0x3FAE]  }
0x28: {  	s2 =	sld [smem:$0x3FAF]  }
0x29: {  	s4 =	sld [smem:$0x3FB1]  }
0x2a: {  	p0 =	seq.s32 s5, $0x0;
	s5 =	sld [smem:$0x3FB2]  }
0x2b: {  	s6 =	sld [smem:$0x3FB3]  }
0x2c: {  	s7 =	sld [smem:$0x3FB4]  }
0x2d: {  	s3 =	simm.s32 $0x108;
	s8 =	sld [smem:$0x3FB5]  }
0x2e: {  	s3 =	simm.s32 @!p0 $0x1082;
	s9 =	sld [smem:$0x3FB6]  }
0x2f: {  	lr =	sadd.s32 s0, s3;
	s0 =	sld [smem:$0x3FAD]  }
0x30: {  	s3 =	sld [smem:$0x3FB0]  }
0x31: {  	[smem:$0x3FB9] =	sst s10  }
0x32: {  	s10 =	sld [smem:$0x3FB7];
	_ =	sdelay $0x3  }
0x33: {  	p0 =	seq.s32 s10, $0x1;
	s10 =	sld [smem:$0x3FB9];
	_ =	sdelay $0x3  }
0x34: {  	[smem:$0x3FB9] =	sst s10  }
0x35: {  	s10 =	sld [smem:$0x3FB8];
	_ =	sdelay $0x3  }
0x36: {  	p1 =	seq.s32 s10, $0x1;
	s10 =	sld [smem:$0x3FB9];
	_ =	sdelay $0x3  }
0x37: {  	[smem:$0x3FB9] =	sst s10  }
0x38: {  	s10 =	sld [smem:$0x3FBA]  }
0x39: {  	_ = 	snop;
	(pc) =	sbr.ind lr, $3  }
0x3a: {  	_ = 	snop  }
0x3b: {  	_ = 	snop  }
0x3c: {  	p2 =	seq.s32 s10, $0x1;
	s10 =	sld [smem:$0x3FB9]  }
0x3d: {  	_ =	shalt  }
0x3e: {  	_ =	shalt  }
0x3f: {  	_ =	shalt  }
0x40: {  	_ =	shalt  }
0x41: {  	_ =	shalt  }
0x42: {  	_ =	shalt  }
0x43: {  	_ =	shalt  }
0x44: {  	_ =	shalt  }
0x45: {  	_ =	shalt  }
0x46: {  	_ =	shalt  }
0x47: {  	_ =	shalt  }
0x48: {  	_ =	shalt  }
0x49: {  	_ =	shalt  }
0x4a: {  	_ =	shalt  }
0x4b: {  	_ =	shalt  }
0x4c: {  	_ =	shalt  }
0x4d: {  	_ =	shalt  }
0x4e: {  	_ =	shalt  }
0x4f: {  	_ =	shalt  }
0x50: {  	_ =	shalt  }
0x51: {  	_ =	shalt  }
0x52: {  	_ =	shalt  }
0x53: {  	_ =	shalt  }
0x54: {  	_ =	shalt  }
0x55: {  	_ =	shalt  }
0x56: {  	_ =	shalt  }
0x57: {  	_ =	shalt  }
0x58: {  	_ =	shalt  }
0x59: {  	_ =	shalt  }
0x5a: {  	_ =	shalt  }
0x5b: {  	_ =	shalt  }
0x5c: {  	_ =	shalt  }
0x5d: {  	_ =	shalt  }
0x5e: {  	_ =	shalt  }
0x5f: {  	_ =	shalt  }
0x60: {  	_ =	shalt  }
0x61: {  	_ =	shalt  }
0x62: {  	_ =	shalt  }
0x63: {  	_ =	shalt  }
0x64: {  	_ =	shalt  }
0x65: {  	_ =	shalt  }
0x66: {  	_ =	shalt  }
0x67: {  	_ =	shalt  }
0x68: {  	_ =	shalt  }
0x69: {  	_ =	shalt  }
0x6a: {  	_ =	shalt  }
0x6b: {  	_ =	shalt  }
0x6c: {  	_ =	shalt  }
0x6d: {  	_ =	shalt  }
0x6e: {  	_ =	shalt  }
0x6f: {  	_ =	shalt  }
0x70: {  	_ =	shalt  }
0x71: {  	_ =	shalt  }
0x72: {  	_ =	shalt  }
0x73: {  	_ =	shalt  }
0x74: {  	_ =	shalt  }
0x75: {  	_ =	shalt  }
0x76: {  	_ =	shalt  }
0x77: {  	_ =	shalt  }
0x78: {  	_ =	shalt  }
0x79: {  	_ =	shalt  }
0x7a: {  	_ =	shalt  }
0x7b: {  	_ =	shalt  }
0x7c: {  	_ =	shalt  }
0x7d: {  	_ =	shalt  }
0x7e: {  	_ =	shalt  }
0x7f: {  	_ =	shalt  }
0x80: {  	_ =	shalt  }
0x81: {  	_ =	shalt  }
0x82: {  	_ =	shalt  }
0x83: {  	_ =	shalt  }
0x84: {  	_ =	shalt  }
0x85: {  	_ =	shalt  }
0x86: {  	_ =	shalt  }
0x87: {  	_ =	shalt  }
.Lfunc_end0:
.L_simem_size_0:
called_computation_lowered:
.L_overlay_start_0:
0x88: {  	s2 =	sld [smem:$0x3FD9]  }
0x89: {  	s3 =	sld [smem:$0x3FFE];
	_ =	sdelay $0x1  }
0x8a: {  	s1 =	srdreg.scid  }
0x8b: {  	s0 =	sand.u32 $0x1, s1  }
0x8c: {  	s17 =	sshll.u32 s0, $0xA;
	s2 =	sadd.s32 s3, s2  }
0x8d: {  	s2 =	sadd.s32 s2, s17  }
0x8e: {  	[smem:$0x3FC5] =	sst s2  }
0x8f: {  	_ = 	snop  }
0x90: {  	s2 =	sld [smem:$0x3FD0];
	(tm) =	ssettm $0x1  }
0x91: {  	s18 =	sld [smem:$0x3FFB];
	_ =	sdelay $0x3  }
0x92: {  	_ =	strace s18  }
0x93: {  	s3 =	sld [smem:$0x3FFC];
	_ =	sdelay $0x3  }
0x94: {  	_ =	strace s3  }
0x95: {  	s3 =	sld [smem:$0x3FFD];
	_ =	sdelay $0x3  }
0x96: {  	_ =	strace s3  }
0x97: {  	_ =	strace $0x8FFFFFFF  }
0x98: {  	s19 =	sld [smem:$0x3FDB];
	_ =	sdelay $0x1  }
0x99: {  	s4 =	simm.s32 $_scs_section_size  }
0x9a: {  	s5 =	simm.s32 $_size__tile_overlayer_lowered;
	s6 =	simm.s32 $_tile_overlayer_lowered  }
0x9b: {  	s22 =	simm.s32 $0x1BFF;
	s21 =	sshll.u32 s6, $0x1;
	s3 =	sadd.s32 s4, s19  }
0x9c: {  	s7 =	simm.s32 $0x0;
	s20 =	sshll.u32 s5, $0x1;
	s5 =	sadd.s32 s21, s3  }
0x9d: {  	[timem:s7], [sflag:s22] =	dma.local [hbm:s5], s20  }
0x9e: {  	_ =	swait.ge [sflag:s22], s20  }
0x9f: {  	s4 =	ssub.s32 $0x0, s20;
	[sflag:s22] =	ssyncset.done $0x0  }
0xa0: {  	[sflag:s22] =	ssyncadd.s32 s4;
	_ =	sdelay $0x1  }
0xa1: {  	s23 =	simm.s32 $0x1B8B  }
0xa2: {  	_ =	swait.ge [sflag:s23], $0x1  }
0xa3: {  	[sflag:s23] =	ssyncset.done $0x0  }
0xa4: {  	s25 =	simm.s32 $0x1B8E;
	s24 =	sld [smem:$0x3FFE];
	[sflag:s23] =	ssyncadd.s32 $0xFFFFFFFF  }
0xa5: {  	s26 =	simm.s32 $execute0_lowered;
	[smem:$0x3FD2] =	sst s25  }
0xa6: {  	s5 =	sshll.u32 s26, $0x1;
	_ =	strace $0x80000046;
	[dreg:$0x1] =	wrdreg $0xFFFFFFFF  }
0xa7: {  	s28 =	simm.s32 $_size_execute0_lowered;
	s3 =	sadd.s32 s3, s5;
	[dreg:$0x0] =	wrdreg $0x0  }
0xa8: {  	s5 =	sshll.u32 s28, $0x1;
	[dreg:$0x2] =	wrdreg s3  }
0xa9: {  	[dreg:$0x3] =	wrdreg s5  }
0xaa: {  	[dreg:$0x4] =	wrdreg $0xC0  }
0xab: {  	_ =	task [dreg:s7], $0x5FFFF  }
0xac: {  	[dreg:$0x1] =	wrdreg $0xFFFFFFFF  }
0xad: {  	[dreg:$0x0] =	wrdreg $0x60  }
0xae: {  	[dreg:$0x2] =	wrdreg s2  }
0xaf: {  	[dreg:$0x3] =	wrdreg s24  }
0xb0: {  	[dreg:$0x4] =	wrdreg $0x9  }
0xb1: {  	_ =	task.clear_ibuf [dreg:s7], $0x5FFFF;
	_ =	strace $0x90000046  }
0xb2: {  	s29 =	simm.s32 $0x9;
	_ =	strace $0x80000048  }
0xb3: {  	_ =	swait.ge [sflag:s29], $0x1  }
0xb4: {  	[sflag:s29] =	ssyncadd.s32 $0xFFFFFFFF  }
0xb5: {  	_ =	strace $0x90000048  }
0xb6: {  	_ =	sfence  }
0xb7: {  	s30 =	sld [smem:$0x0];
	_ =	sdelay $0x2  }
0xb8: {  	s31 =	sshll.u32 s1, $0xD;
	s1 =	sshrl.u32 s1, $0x2  }
0xb9: {  	s3 =	sand.u32 $0x4000, s31;
	s1 =	sadd.s32 s1, s30  }
0xba: {  	s0 =	sor.u32 s3, s0;
	s1 =	sshll.u32 s1, $0x11  }
0xbb: {  	s0 =	sor.u32 s1, s0  }
0xbc: {  	s0 =	sadd.s32 $0x8F2B, s0  }
0xbd: {  	[sflag:s0] =	ssyncadd.remote.s32 $0x1  }
0xbe: {  	_ =	sfence.sel $0xFFFF  }
0xbf: {  	[dreg:$0x0] =	wrdreg $0xFFFFFFFF;
	(pc) =	sbr.abs _section_cstart, $3  }
0xc0: {  	[dreg:$0x1] =	wrdreg $0xFFFFFFFF  }
0xc1: {  	_ =	task.clear_ibuf [dreg:s7], $0x2FFFF;
	_ =	strace $0x9FFFFFFF  }
0xc2: {  	(tm) =	ssettm $0x7FFFFFFF  }
0xc3: {  	_ =	shalt  }
tec
execute0_lowered:
.L_overlay_start_1:
0x0: {  	(tag) =	ssettag $0x1  }
0x1: {  	s0 =	srdreg.scid;
	s1 =	stileid.u32  }
0x2: {  	s0 =	sand.u32 $0x1, s0;
	s1 =	sshll.u32 s1, $0x1  }
0x3: {  	s2 =	sor.u32 s0, s1  }
0x4: {  	s3 =	rddreg [dreg:$0x1];
	s4 =	smul.u32 $0xD, s2  }
0x5: {  	s7 =	rddreg [dreg:$0x0];
	s0 =	ssub.s32 $0x2, s0;
	s1 =	smul.u32 $0x27AC4, s2  }
0x6: {  	s28 =	simm.s32 $0x0;
	s5 =	sshrl.u32 s0, $0x1;
	s6 =	smul.u32 $0x680, s2  }
0x7: {  	s8 =	sadd.s32 $0x6C00, s3;
	[smem:$0x7FF] =	sst s28;
	s0 =	ssub.s32 s0, s5  }
0x8: {  	s1 =	sadd.s32 s8, s1;
	s24 =	sand.u32 $0xF800, s6;
	s25 =	sadd.s32 $0x1, s4  }
0x9: {  	s4 =	sshll.u32 s4, $0x7;
	s9 =	sadd.s32 s7, s24;
	s10 =	smul.u32 $0x30D4, s25  }
0xa: {  	s26 =	sshll.u32 s25, $0x7;
	s12 =	sadd.s32 $0x180, s4;
	s16 =	sadd.s32 $0x200, s4  }
0xb: {  	s18 =	sadd.s32 $0x280, s4;
	[dreg:$0x3] =	wrdreg s9;
	s9 =	sadd.s32 $0x400, s7  }
0xc: {  	s20 =	sadd.s32 $0x300, s4;
	s14 =	sand.u32 $0x1F800, s12;
	s5 =	sadd.s32 s24, s9  }
0xd: {  	s17 =	sand.u32 $0x1F800, s16;
	s8 =	sadd.s32 s8, s10;
	[dreg:$0x4] =	wrdreg s5  }
0xe: {  	s22 =	sand.u32 $0x1F800, s20;
	s15 =	sadd.s32 s7, s14;
	[dreg:$0x5] =	wrdreg s8  }
0xf: {  	s10 =	sadd.s32 $0x100, s4;
	s19 =	sadd.s32 s7, s17;
	[dreg:$0xa] =	wrdreg s15  }
0x10: {  	s23 =	sadd.s32 s7, s22;
	s5 =	sand.u32 $0x1F800, s26;
	[dreg:$0xc] =	wrdreg s19  }
0x11: {  	s24 =	sadd.s32 $0x380, s4;
	[dreg:$0x10] =	wrdreg s23;
	s11 =	sadd.s32 s7, s5  }
0x12: {  	s6 =	sand.u32 $0x1F800, s10;
	s5 =	sadd.s32 s5, s9;
	[dreg:$0x6] =	wrdreg s11  }
0x13: {  	s25 =	sand.u32 $0x1F800, s24;
	s13 =	sadd.s32 s7, s6;
	[dreg:$0x7] =	wrdreg s5  }
0x14: {  	s26 =	sadd.s32 $0x400, s4;
	s6 =	sadd.s32 s6, s9;
	[dreg:$0x8] =	wrdreg s13  }
0x15: {  	s15 =	sadd.s32 $0x500, s4;
	s10 =	sadd.s32 s7, s25;
	[dreg:$0x9] =	wrdreg s6  }
0x16: {  	s16 =	sand.u32 $0x1F800, s15;
	s5 =	sadd.s32 s14, s9;
	[dreg:$0x12] =	wrdreg s10  }
0x17: {  	s6 =	sand.u32 $0x1F800, s18;
	s18 =	sadd.s32 s7, s16;
	[dreg:$0xb] =	wrdreg s5  }
0x18: {  	s23 =	sadd.s32 $0x4FC600, s3;
	s5 =	sadd.s32 s17, s9;
	[dreg:$0x18] =	wrdreg s18  }
0x19: {  	s24 =	sshll.u32 s2, $0xB;
	s21 =	sadd.s32 s7, s6;
	[dreg:$0xd] =	wrdreg s5  }
0x1a: {  	s11 =	sadd.s32 $0x480, s4;
	s6 =	sadd.s32 s6, s9;
	[dreg:$0xe] =	wrdreg s21  }
0x1b: {  	s12 =	sand.u32 $0x1F800, s11;
	[dreg:$0xf] =	wrdreg s6;
	s5 =	sadd.s32 s22, s9  }
0x1c: {  	s3 =	sadd.s32 $0x400, s3;
	s14 =	sadd.s32 s7, s12;
	[dreg:$0x11] =	wrdreg s5  }
0x1d: {  	s6 =	sand.u32 $0x1F800, s26;
	s26 =	sadd.s32 s3, s24;
	[dreg:$0x16] =	wrdreg s14  }
0x1e: {  	s17 =	sadd.s32 $0x580, s4;
	s5 =	sadd.s32 s25, s9;
	[dreg:$0x1e] =	wrdreg s26  }
0x1f: {  	s4 =	sadd.s32 $0x600, s4;
	s13 =	sadd.s32 s7, s6;
	[dreg:$0x13] =	wrdreg s5  }
0x20: {  	s4 =	sand.u32 $0x1F800, s4;
	s6 =	sadd.s32 s6, s9;
	[dreg:$0x14] =	wrdreg s13  }
0x21: {  	s21 =	sadd.s32 s7, s4;
	[dreg:$0x15] =	wrdreg s6  }
0x22: {  	s4 =	sadd.s32 s4, s9;
	[dreg:$0x1c] =	wrdreg s21  }
0x23: {  	s19 =	sand.u32 $0x1F800, s17;
	s5 =	sadd.s32 s12, s9;
	[dreg:$0x1d] =	wrdreg s4  }
0x24: {  	s25 =	sor.u32 $0x400, s24;
	s6 =	sadd.s32 s7, s19;
	[dreg:$0x17] =	wrdreg s5  }
0x25: {  	s3 =	sadd.s32 s3, s25;
	[dreg:$0x1a] =	wrdreg s6  }
0x26: {  	s20 =	smul.u32 $0x34000, s2;
	s5 =	sadd.s32 s16, s9;
	[smem:$0x7E8] =	sst s3  }
0x27: {  	s6 =	sadd.s32 s23, s24;
	[dreg:$0x19] =	wrdreg s5  }
0x28: {  	s22 =	sshrl.u32 s20, $0x3;
	s5 =	sadd.s32 s19, s9;
	[dreg:$0x1f] =	wrdreg s6  }
0x29: {  	s4 =	sadd.s32 s23, s22;
	s6 =	sadd.s32 s23, s25;
	[dreg:$0x1b] =	wrdreg s5  }
0x2a: {  	s7 =	sadd.s32 $0x6800, s4;
	[smem:$0x7E9] =	sst s6  }
0x2b: {  	s8 =	sadd.s32 $0x6C00, s4;
	_ =	strace $0x80000047;
	[smem:$0x7EA] =	sst s7  }
0x2c: {  	s9 =	sadd.s32 $0x7000, s4;
	[smem:$0x7EB] =	sst s8  }
0x2d: {  	s10 =	sadd.s32 $0x7400, s4;
	[smem:$0x7EC] =	sst s9  }
0x2e: {  	s11 =	sadd.s32 $0x7800, s4;
	[smem:$0x7ED] =	sst s10  }
0x2f: {  	s12 =	sadd.s32 $0x7C00, s4;
	[smem:$0x7EE] =	sst s11  }
0x30: {  	s13 =	sadd.s32 $0x8000, s4;
	[smem:$0x7EF] =	sst s12  }
0x31: {  	s14 =	sadd.s32 $0x8400, s4;
	[smem:$0x7F0] =	sst s13  }
0x32: {  	s15 =	sadd.s32 $0x8800, s4;
	[smem:$0x7F1] =	sst s14  }
0x33: {  	s16 =	sadd.s32 $0x8C00, s4;
	[smem:$0x7F2] =	sst s15  }
0x34: {  	s17 =	sadd.s32 $0x9000, s4;
	[smem:$0x7F3] =	sst s16  }
0x35: {  	s18 =	sadd.s32 $0x9400, s4;
	[smem:$0x7F4] =	sst s17  }
0x36: {  	p0 =	sgt.u32 s2, $0xC;
	s19 =	sadd.s32 $0x9800, s4;
	[smem:$0x7F5] =	sst s18  }
0x37: {  	s0 =	smax.u32 s0, $0x1;
	s20 =	sadd.s32 $0x9C00, s4;
	[smem:$0x7F6] =	sst s19  }
0x38: {  	s2 =	sadd.s32 $0x61A8, s1;
	s21 =	sadd.s32 $0xA000, s4;
	[smem:$0x7F7] =	sst s20  }
0x39: {  	s22 =	sadd.s32 $0xA400, s4;
	s24 =	sadd.s32 $0xAC00, s4;
	[smem:$0x7F8] =	sst s21  }
0x3a: {  	s26 =	sadd.s32 $0xB400, s4;
	s23 =	sadd.s32 $0xA800, s4;
	[smem:$0x7F9] =	sst s22  }
0x3b: {  	s29 =	sadd.s32 $0xC400, s4;
	s30 =	sadd.s32 $0xC800, s4;
	[smem:$0x7FA] =	sst s23  }
0x3c: {  	s31 =	sadd.s32 $0xCC00, s4;
	s25 =	sadd.s32 $0xB000, s4;
	[smem:$0x7FB] =	sst s24  }
0x3d: {  	s3 =	sadd.s32 $0x927C, s1;
	s5 =	sadd.s32 $0xF424, s1;
	[smem:$0x7FC] =	sst s25  }
0x3e: {  	s6 =	sadd.s32 $0x124F8, s1;
	[smem:$0x7FD] =	sst s26;
	s24 =	sadd.s32 $0xB800, s4  }
0x3f: {  	s25 =	sadd.s32 $0xBC00, s4;
	s26 =	sadd.s32 $0xC000, s4;
	s4 =	sadd.s32 $0xC350, s1  }
0x40: {  	s7 =	sadd.s32 $0x155CC, s1;
	s8 =	sadd.s32 $0x186A0, s1;
	s9 =	sadd.s32 $0x1B774, s1  }
0x41: {  	s10 =	sadd.s32 $0x1E848, s1;
	s11 =	sadd.s32 $0x2191C, s1;
	s12 =	sadd.s32 $0x249F0, s1  }
0x42: {  	s13 =	simm.s32 $0x1;
	s14 =	simm.s32 $0x186A0;
	s15 =	simm.s32 $0x2  }
0x43: {  	s16 =	simm.s32 $0x1A6A0;
	s17 =	simm.s32 $0x3;
	s18 =	simm.s32 $0x0  }
.LBB2_1:
0x44: {  	[tilespmem:s28], [sflag:$0x1] =	stream.linear.gather [hbm4b:s1+s28], $0x186A0, $0x38;
	[tilespmem:$0x1C6A0] =	vst v63  }
0x45: {  	_ =	swait.ge [sflag:s13], $0x186A0  }
0x46: {  	[sflag:s13] =	ssyncset.done $0x0  }
0x47: {  	s19 =	rddreg [dreg:$0x3];
	[sflag:s13] =	ssyncadd.s32 $0xFFFE7960  }
0x48: {  	[tilespmem:s14], [sflag:$0x2] =	stream.linear.gather [hbm4b:s19+s28], $0x2000, $0x38;
	[tilespmem:$0x1C6A0] =	vst v63  }
0x49: {  	_ =	swait.ge [sflag:s15], $0x2000  }
0x4a: {  	[sflag:s15] =	ssyncset.done $0x0  }
0x4b: {  	s19 =	simm.s32 $0x0;
	[sflag:s15] =	ssyncadd.s32 $0xFFFFE000  }
0x4c: {  	v0 =	vld [tilespmem:s19+$0x186A0];
	_ =	sdelay $0x5  }
0x4d: {  	v1 =	vld [tilespmem:s19+$0x186B0];
	_ =	sdelay $0x1  }
0x4e: {  	v0 =	vld.idx.msk [tilespmem:v0+s28+$0x0], $0xffff;
	_ =	sdelay $0x4  }
0x4f: {  	v2 =	vld [tilespmem:s19+$0x186C0];
	[tilespmem:s19+$0x1A6A0] =	vst v0  }
0x50: {  	v0 =	vld.idx.msk [tilespmem:v1+s28+$0x0], $0xffff;
	_ =	sdelay $0x4  }
0x51: {  	[tilespmem:s19+$0x1A6B0] =	vst v0;
	v0 =	vld [tilespmem:s19+$0x186D0];
	_ =	sdelay $0x1  }
0x52: {  	v1 =	vld.idx.msk [tilespmem:v2+s28+$0x0], $0xffff;
	_ =	sdelay $0x3  }
0x53: {  	s21 =	simm.s32 $0x40;
	s20 =	simm.s32 $0x200  }
.LBB2_2:
0x54: {  	p1 =	sne.s32 s20, $0x7F00;
	v2 =	vld [tilespmem:s21+$0x186A0];
	[tilespmem:s19+$0x1A6C0] =	vst v1  }
0x55: {  	v0 =	vld.idx.msk [tilespmem:v0+s28+$0x0], $0xffff;
	_ =	sdelay $0x5  }
0x56: {  	v1 =	vld [tilespmem:s21+$0x186B0];
	[tilespmem:s19+$0x1A6D0] =	vst v0;
	s19 =	smov.u32 s21  }
0x57: {  	v0 =	vld.idx.msk [tilespmem:v2+s28+$0x0], $0xffff;
	_ =	sdelay $0x5  }
0x58: {  	[tilespmem:s19+$0x1A6A0] =	vst v0;
	v2 =	vld [tilespmem:s19+$0x186C0]  }
0x59: {  	v0 =	vld.idx.msk [tilespmem:v1+s28+$0x0], $0xffff;
	_ =	sdelay $0x5  }
0x5a: {  	[tilespmem:s19+$0x1A6B0] =	vst v0;
	v0 =	vld [tilespmem:s19+$0x186D0]  }
0x5b: {  	v1 =	vld.idx.msk [tilespmem:v2+s28+$0x0], $0xffff  }
.Ltmp0:
0x5c: {  	(pc) =	sbr.rel @p1 .LBB2_2-.Ltmp0, $2  }
0x5d: {  	_ =	sdelay $0x2  }
0x5e: {  	s21 =	sshra.s32 s20, $0x2;
	s20 =	sadd.s32 $0x100, s20  }
0x5f: {  	_ =	sdelay $0x1  }
0x60: {  	v2 =	vld [tilespmem:s21+$0x186A0]  }
0x61: {  	[tilespmem:s19+$0x1A6C0] =	vst v1  }
0x62: {  	v0 =	vld.idx.msk [tilespmem:v0+s28+$0x0], $0xffff;
	_ =	sdelay $0x3  }
0x63: {  	v1 =	vld [tilespmem:s21+$0x186B0]  }
0x64: {  	[tilespmem:s19+$0x1A6D0] =	vst v0  }
0x65: {  	v0 =	vld.idx.msk [tilespmem:v2+s28+$0x0], $0xffff;
	_ =	sdelay $0x4  }
0x66: {  	[tilespmem:s21+$0x1A6A0] =	vst v0;
	v0 =	vld [tilespmem:s21+$0x186C0]  }
0x67: {  	v1 =	vld.idx.msk [tilespmem:v1+s28+$0x0], $0xffff;
	_ =	sdelay $0x4  }
0x68: {  	[tilespmem:s21+$0x1A6B0] =	vst v1;
	v1 =	vld [tilespmem:s21+$0x186D0];
	_ =	sdelay $0x1  }
0x69: {  	v0 =	vld.idx.msk [tilespmem:v0+s28+$0x0], $0xffff;
	_ =	sdelay $0x4  }
0x6a: {  	[tilespmem:s21+$0x1A6C0] =	vst v0  }
0x6b: {  	v0 =	vld.idx.msk [tilespmem:v1+s28+$0x0], $0xffff;
	_ =	sdelay $0x2  }
0x6c: {  	s20 =	sld [smem:$0x7EA];
	_ =	sdelay $0x1  }
0x6d: {  	s22 =	simm.s32 $0x0;
	[tilespmem:s21+$0x1A6D0] =	vst v0  }
0x6e: {  	[hbm4b:s20+s22] =	stream.linear.scatter [tilespmem:s16], [sflag:$0x3], $0x2000, $0x38;
	[tilespmem:$0x1C6A0] =	vst v63  }
0x6f: {  	_ =	swait.ge [sflag:s17], $0x2000  }
0x70: {  	[sflag:s17] =	ssyncset.done $0x0  }
0x71: {  	s23 =	rddreg [dreg:$0x4];
	[sflag:s17] =	ssyncadd.s32 $0xFFFFE000  }
0x72: {  	[tilespmem:s14], [sflag:$0x2] =	stream.linear.gather [hbm4b:s23+s22], $0x2000, $0x38;
	[tilespmem:$0x1C6A0] =	vst v63  }
0x73: {  	_ =	swait.ge [sflag:s15], $0x2000  }
0x74: {  	[sflag:s15] =	ssyncset.done $0x0  }
0x75: {  	s19 =	simm.s32 $0x0;
	[sflag:s15] =	ssyncadd.s32 $0xFFFFE000  }
0x76: {  	v0 =	vld [tilespmem:s19+$0x186A0];
	_ =	sdelay $0x5  }
0x77: {  	v1 =	vld [tilespmem:s19+$0x186B0];
	_ =	sdelay $0x1  }
0x78: {  	v0 =	vld.idx.msk [tilespmem:v0+s28+$0x0], $0xffff;
	_ =	sdelay $0x4  }
0x79: {  	v2 =	vld [tilespmem:s19+$0x186C0];
	[tilespmem:s19+$0x1A6A0] =	vst v0  }
0x7a: {  	v0 =	vld.idx.msk [tilespmem:v1+s28+$0x0], $0xffff;
	_ =	sdelay $0x4  }
0x7b: {  	[tilespmem:s19+$0x1A6B0] =	vst v0;
	v0 =	vld [tilespmem:s19+$0x186D0];
	_ =	sdelay $0x1  }
0x7c: {  	v1 =	vld.idx.msk [tilespmem:v2+s28+$0x0], $0xffff;
	_ =	sdelay $0x3  }
0x7d: {  	s21 =	simm.s32 $0x40;
	s20 =	simm.s32 $0x200  }
.LBB2_4:
0x7e: {  	p1 =	sne.s32 s20, $0x7F00;
	v2 =	vld [tilespmem:s21+$0x186A0];
	[tilespmem:s19+$0x1A6C0] =	vst v1  }
0x7f: {  	v0 =	vld.idx.msk [tilespmem:v0+s28+$0x0], $0xffff;
	_ =	sdelay $0x5  }
0x80: {  	v1 =	vld [tilespmem:s21+$0x186B0];
	[tilespmem:s19+$0x1A6D0] =	vst v0;
	s19 =	smov.u32 s21  }
0x81: {  	v0 =	vld.idx.msk [tilespmem:v2+s28+$0x0], $0xffff;
	_ =	sdelay $0x5  }
0x82: {  	[tilespmem:s19+$0x1A6A0] =	vst v0;
	v2 =	vld [tilespmem:s19+$0x186C0]  }
0x83: {  	v0 =	vld.idx.msk [tilespmem:v1+s28+$0x0], $0xffff;
	_ =	sdelay $0x5  }
0x84: {  	[tilespmem:s19+$0x1A6B0] =	vst v0;
	v0 =	vld [tilespmem:s19+$0x186D0]  }
0x85: {  	v1 =	vld.idx.msk [tilespmem:v2+s28+$0x0], $0xffff  }
.Ltmp1:
0x86: {  	(pc) =	sbr.rel @p1 .LBB2_4-.Ltmp1, $2  }
0x87: {  	_ =	sdelay $0x2  }
0x88: {  	s21 =	sshra.s32 s20, $0x2;
	s20 =	sadd.s32 $0x100, s20  }
0x89: {  	_ =	sdelay $0x1  }
0x8a: {  	v2 =	vld [tilespmem:s21+$0x186A0]  }
0x8b: {  	[tilespmem:s19+$0x1A6C0] =	vst v1  }
0x8c: {  	v0 =	vld.idx.msk [tilespmem:v0+s28+$0x0], $0xffff;
	_ =	sdelay $0x3  }
0x8d: {  	v1 =	vld [tilespmem:s21+$0x186B0]  }
0x8e: {  	[tilespmem:s19+$0x1A6D0] =	vst v0  }
0x8f: {  	v0 =	vld.idx.msk [tilespmem:v2+s28+$0x0], $0xffff;
	_ =	sdelay $0x4  }
0x90: {  	[tilespmem:s21+$0x1A6A0] =	vst v0;
	v0 =	vld [tilespmem:s21+$0x186C0]  }
0x91: {  	v1 =	vld.idx.msk [tilespmem:v1+s28+$0x0], $0xffff;
	_ =	sdelay $0x4  }
0x92: {  	[tilespmem:s21+$0x1A6B0] =	vst v1;
	v1 =	vld [tilespmem:s21+$0x186D0];
	_ =	sdelay $0x1  }
0x93: {  	v0 =	vld.idx.msk [tilespmem:v0+s28+$0x0], $0xffff;
	_ =	sdelay $0x4  }
0x94: {  	[tilespmem:s21+$0x1A6C0] =	vst v0  }
0x95: {  	v0 =	vld.idx.msk [tilespmem:v1+s28+$0x0], $0xffff;
	_ =	sdelay $0x2  }
0x96: {  	s20 =	sld [smem:$0x7EB];
	_ =	sdelay $0x1  }
0x97: {  	[tilespmem:s21+$0x1A6D0] =	vst v0;
	s21 =	simm.s32 $0x0  }
0x98: {  	[hbm4b:s20+s21] =	stream.linear.scatter [tilespmem:s16], [sflag:$0x3], $0x2000, $0x38;
	[tilespmem:$0x1C6A0] =	vst v63  }
0x99: {  	_ =	swait.ge [sflag:s17], $0x2000  }
0x9a: {  	[sflag:s17] =	ssyncset.done $0x0  }
0x9b: {  	s22 =	rddreg [dreg:$0x5];
	[sflag:s17] =	ssyncadd.s32 $0xFFFFE000  }
0x9c: {  	[tilespmem:s21], [sflag:$0x1] =	stream.linear.gather [hbm4b:s22+s21], $0x186A0, $0x38;
	[tilespmem:$0x1C6A0] =	vst v63  }
0x9d: {  	_ =	swait.ge [sflag:s13], $0x186A0  }
0x9e: {  	[sflag:s13] =	ssyncset.done $0x0  }
0x9f: {  	s23 =	rddreg [dreg:$0x6];
	[sflag:s13] =	ssyncadd.s32 $0xFFFE7960  }
0xa0: {  	[tilespmem:s14], [sflag:$0x2] =	stream.linear.gather [hbm4b:s23+s21], $0x2000, $0x38;
	[tilespmem:$0x1C6A0] =	vst v63  }
0xa1: {  	_ =	swait.ge [sflag:s15], $0x2000  }
0xa2: {  	[sflag:s15] =	ssyncset.done $0x0  }
0xa3: {  	s19 =	simm.s32 $0x0;
	[sflag:s15] =	ssyncadd.s32 $0xFFFFE000  }
0xa4: {  	v0 =	vld [tilespmem:s19+$0x186A0];
	_ =	sdelay $0x5  }
0xa5: {  	v1 =	vld [tilespmem:s19+$0x186B0];
	_ =	sdelay $0x1  }
0xa6: {  	v0 =	vld.idx.msk [tilespmem:v0+s28+$0x0], $0xffff;
	_ =	sdelay $0x4  }
0xa7: {  	v2 =	vld [tilespmem:s19+$0x186C0];
	[tilespmem:s19+$0x1A6A0] =	vst v0  }
0xa8: {  	v0 =	vld.idx.msk [tilespmem:v1+s28+$0x0], $0xffff;
	_ =	sdelay $0x4  }
0xa9: {  	[tilespmem:s19+$0x1A6B0] =	vst v0;
	v0 =	vld [tilespmem:s19+$0x186D0];
	_ =	sdelay $0x1  }
0xaa: {  	v1 =	vld.idx.msk [tilespmem:v2+s28+$0x0], $0xffff;
	_ =	sdelay $0x3  }
0xab: {  	s20 =	simm.s32 $0x200;
	s21 =	simm.s32 $0x40  }
.LBB2_6:
0xac: {  	p1 =	sne.s32 s20, $0x7F00;
	v2 =	vld [tilespmem:s21+$0x186A0];
	[tilespmem:s19+$0x1A6C0] =	vst v1  }
0xad: {  	v0 =	vld.idx.msk [tilespmem:v0+s28+$0x0], $0xffff;
	_ =	sdelay $0x5  }
0xae: {  	v1 =	vld [tilespmem:s21+$0x186B0];
	[tilespmem:s19+$0x1A6D0] =	vst v0;
	s19 =	smov.u32 s21  }
0xaf: {  	v0 =	vld.idx.msk [tilespmem:v2+s28+$0x0], $0xffff;
	_ =	sdelay $0x5  }
0xb0: {  	[tilespmem:s19+$0x1A6A0] =	vst v0;
	v2 =	vld [tilespmem:s19+$0x186C0]  }
0xb1: {  	v0 =	vld.idx.msk [tilespmem:v1+s28+$0x0], $0xffff;
	_ =	sdelay $0x5  }
0xb2: {  	[tilespmem:s19+$0x1A6B0] =	vst v0;
	v0 =	vld [tilespmem:s19+$0x186D0]  }
0xb3: {  	v1 =	vld.idx.msk [tilespmem:v2+s28+$0x0], $0xffff  }
.Ltmp2:
0xb4: {  	(pc) =	sbr.rel @p1 .LBB2_6-.Ltmp2, $2  }
0xb5: {  	_ =	sdelay $0x2  }
0xb6: {  	s21 =	sshra.s32 s20, $0x2;
	s20 =	sadd.s32 $0x100, s20  }
0xb7: {  	_ =	sdelay $0x1  }
0xb8: {  	v2 =	vld [tilespmem:s21+$0x186A0]  }
0xb9: {  	[tilespmem:s19+$0x1A6C0] =	vst v1  }
0xba: {  	v0 =	vld.idx.msk [tilespmem:v0+s28+$0x0], $0xffff;
	_ =	sdelay $0x3  }
0xbb: {  	v1 =	vld [tilespmem:s21+$0x186B0]  }
0xbc: {  	[tilespmem:s19+$0x1A6D0] =	vst v0  }
0xbd: {  	v0 =	vld.idx.msk [tilespmem:v2+s28+$0x0], $0xffff;
	_ =	sdelay $0x4  }
0xbe: {  	[tilespmem:s21+$0x1A6A0] =	vst v0;
	v0 =	vld [tilespmem:s21+$0x186C0]  }
0xbf: {  	v1 =	vld.idx.msk [tilespmem:v1+s28+$0x0], $0xffff;
	_ =	sdelay $0x4  }
0xc0: {  	[tilespmem:s21+$0x1A6B0] =	vst v1;
	v1 =	vld [tilespmem:s21+$0x186D0];
	_ =	sdelay $0x1  }
0xc1: {  	v0 =	vld.idx.msk [tilespmem:v0+s28+$0x0], $0xffff;
	_ =	sdelay $0x4  }
0xc2: {  	[tilespmem:s21+$0x1A6C0] =	vst v0  }
0xc3: {  	v0 =	vld.idx.msk [tilespmem:v1+s28+$0x0], $0xffff;
	_ =	sdelay $0x2  }
0xc4: {  	s20 =	sld [smem:$0x7EC];
	_ =	sdelay $0x1  }
0xc5: {  	s22 =	simm.s32 $0x0;
	[tilespmem:s21+$0x1A6D0] =	vst v0  }
0xc6: {  	[hbm4b:s20+s22] =	stream.linear.scatter [tilespmem:s16], [sflag:$0x3], $0x2000, $0x38;
	[tilespmem:$0x1C6A0] =	vst v63  }
0xc7: {  	_ =	swait.ge [sflag:s17], $0x2000  }
0xc8: {  	[sflag:s17] =	ssyncset.done $0x0  }
0xc9: {  	s23 =	rddreg [dreg:$0x7];
	[sflag:s17] =	ssyncadd.s32 $0xFFFFE000  }
0xca: {  	[tilespmem:s14], [sflag:$0x2] =	stream.linear.gather [hbm4b:s23+s22], $0x2000, $0x38;
	[tilespmem:$0x1C6A0] =	vst v63  }
0xcb: {  	_ =	swait.ge [sflag:s15], $0x2000  }
0xcc: {  	[sflag:s15] =	ssyncset.done $0x0  }
0xcd: {  	s19 =	simm.s32 $0x0;
	[sflag:s15] =	ssyncadd.s32 $0xFFFFE000  }
0xce: {  	v0 =	vld [tilespmem:s19+$0x186A0];
	_ =	sdelay $0x5  }
0xcf: {  	v1 =	vld [tilespmem:s19+$0x186B0];
	_ =	sdelay $0x1  }
0xd0: {  	v0 =	vld.idx.msk [tilespmem:v0+s28+$0x0], $0xffff;
	_ =	sdelay $0x4  }
0xd1: {  	v2 =	vld [tilespmem:s19+$0x186C0];
	[tilespmem:s19+$0x1A6A0] =	vst v0  }
0xd2: {  	v0 =	vld.idx.msk [tilespmem:v1+s28+$0x0], $0xffff;
	_ =	sdelay $0x4  }
0xd3: {  	[tilespmem:s19+$0x1A6B0] =	vst v0;
	v0 =	vld [tilespmem:s19+$0x186D0];
	_ =	sdelay $0x1  }
0xd4: {  	v1 =	vld.idx.msk [tilespmem:v2+s28+$0x0], $0xffff;
	_ =	sdelay $0x3  }
0xd5: {  	s21 =	simm.s32 $0x40;
	s20 =	simm.s32 $0x200  }
.LBB2_8:
0xd6: {  	p1 =	sne.s32 s20, $0x7F00;
	v2 =	vld [tilespmem:s21+$0x186A0];
	[tilespmem:s19+$0x1A6C0] =	vst v1  }
0xd7: {  	v0 =	vld.idx.msk [tilespmem:v0+s28+$0x0], $0xffff;
	_ =	sdelay $0x5  }
0xd8: {  	v1 =	vld [tilespmem:s21+$0x186B0];
	[tilespmem:s19+$0x1A6D0] =	vst v0;
	s19 =	smov.u32 s21  }
0xd9: {  	v0 =	vld.idx.msk [tilespmem:v2+s28+$0x0], $0xffff;
	_ =	sdelay $0x5  }
0xda: {  	[tilespmem:s19+$0x1A6A0] =	vst v0;
	v2 =	vld [tilespmem:s19+$0x186C0]  }
0xdb: {  	v0 =	vld.idx.msk [tilespmem:v1+s28+$0x0], $0xffff;
	_ =	sdelay $0x5  }
0xdc: {  	[tilespmem:s19+$0x1A6B0] =	vst v0;
	v0 =	vld [tilespmem:s19+$0x186D0]  }
0xdd: {  	v1 =	vld.idx.msk [tilespmem:v2+s28+$0x0], $0xffff  }
.Ltmp3:
0xde: {  	(pc) =	sbr.rel @p1 .LBB2_8-.Ltmp3, $2  }
0xdf: {  	_ =	sdelay $0x2  }
0xe0: {  	s21 =	sshra.s32 s20, $0x2;
	s20 =	sadd.s32 $0x100, s20  }
0xe1: {  	_ =	sdelay $0x1  }
0xe2: {  	v2 =	vld [tilespmem:s21+$0x186A0]  }
0xe3: {  	[tilespmem:s19+$0x1A6C0] =	vst v1  }
0xe4: {  	v0 =	vld.idx.msk [tilespmem:v0+s28+$0x0], $0xffff;
	_ =	sdelay $0x3  }
0xe5: {  	v1 =	vld [tilespmem:s21+$0x186B0]  }
0xe6: {  	[tilespmem:s19+$0x1A6D0] =	vst v0  }
0xe7: {  	v0 =	vld.idx.msk [tilespmem:v2+s28+$0x0], $0xffff;
	_ =	sdelay $0x4  }
0xe8: {  	[tilespmem:s21+$0x1A6A0] =	vst v0;
	v0 =	vld [tilespmem:s21+$0x186C0]  }
0xe9: {  	v1 =	vld.idx.msk [tilespmem:v1+s28+$0x0], $0xffff;
	_ =	sdelay $0x4  }
0xea: {  	[tilespmem:s21+$0x1A6B0] =	vst v1;
	v1 =	vld [tilespmem:s21+$0x186D0];
	_ =	sdelay $0x1  }
0xeb: {  	v0 =	vld.idx.msk [tilespmem:v0+s28+$0x0], $0xffff;
	_ =	sdelay $0x4  }
0xec: {  	[tilespmem:s21+$0x1A6C0] =	vst v0  }
0xed: {  	v0 =	vld.idx.msk [tilespmem:v1+s28+$0x0], $0xffff;
	_ =	sdelay $0x2  }
0xee: {  	s20 =	sld [smem:$0x7ED];
	_ =	sdelay $0x1  }
0xef: {  	s22 =	simm.s32 $0x0;
	[tilespmem:s21+$0x1A6D0] =	vst v0  }
0xf0: {  	[hbm4b:s20+s22] =	stream.linear.scatter [tilespmem:s16], [sflag:$0x3], $0x2000, $0x38;
	[tilespmem:$0x1C6A0] =	vst v63  }
0xf1: {  	_ =	swait.ge [sflag:s17], $0x2000  }
0xf2: {  	[sflag:s17] =	ssyncset.done $0x0  }
0xf3: {  	[sflag:s17] =	ssyncadd.s32 $0xFFFFE000  }
0xf4: {  	[tilespmem:s22], [sflag:$0x1] =	stream.linear.gather [hbm4b:s2+s22], $0x186A0, $0x38;
	[tilespmem:$0x1C6A0] =	vst v63  }
0xf5: {  	_ =	swait.ge [sflag:s13], $0x186A0  }
0xf6: {  	[sflag:s13] =	ssyncset.done $0x0  }
0xf7: {  	s23 =	rddreg [dreg:$0x8];
	[sflag:s13] =	ssyncadd.s32 $0xFFFE7960  }
0xf8: {  	[tilespmem:s14], [sflag:$0x2] =	stream.linear.gather [hbm4b:s23+s22], $0x2000, $0x38;
	[tilespmem:$0x1C6A0] =	vst v63  }
0xf9: {  	_ =	swait.ge [sflag:s15], $0x2000  }
0xfa: {  	[sflag:s15] =	ssyncset.done $0x0  }
0xfb: {  	s19 =	simm.s32 $0x0;
	[sflag:s15] =	ssyncadd.s32 $0xFFFFE000  }
0xfc: {  	v0 =	vld [tilespmem:s19+$0x186A0];
	_ =	sdelay $0x5  }
0xfd: {  	v1 =	vld [tilespmem:s19+$0x186B0];
	_ =	sdelay $0x1  }
0xfe: {  	v0 =	vld.idx.msk [tilespmem:v0+s28+$0x0], $0xffff;
	_ =	sdelay $0x4  }
0xff: {  	v2 =	vld [tilespmem:s19+$0x186C0];
	[tilespmem:s19+$0x1A6A0] =	vst v0  }
0x100: {  	v0 =	vld.idx.msk [tilespmem:v1+s28+$0x0], $0xffff;
	_ =	sdelay $0x4  }
0x101: {  	[tilespmem:s19+$0x1A6B0] =	vst v0;
	v0 =	vld [tilespmem:s19+$0x186D0];
	_ =	sdelay $0x1  }
0x102: {  	v1 =	vld.idx.msk [tilespmem:v2+s28+$0x0], $0xffff;
	_ =	sdelay $0x3  }
0x103: {  	s21 =	simm.s32 $0x40;
	s20 =	simm.s32 $0x200  }
.LBB2_10:
0x104: {  	p1 =	sne.s32 s20, $0x7F00;
	v2 =	vld [tilespmem:s21+$0x186A0];
	[tilespmem:s19+$0x1A6C0] =	vst v1  }
0x105: {  	v0 =	vld.idx.msk [tilespmem:v0+s28+$0x0], $0xffff;
	_ =	sdelay $0x5  }
0x106: {  	v1 =	vld [tilespmem:s21+$0x186B0];
	[tilespmem:s19+$0x1A6D0] =	vst v0;
	s19 =	smov.u32 s21  }
0x107: {  	v0 =	vld.idx.msk [tilespmem:v2+s28+$0x0], $0xffff;
	_ =	sdelay $0x5  }
0x108: {  	[tilespmem:s19+$0x1A6A0] =	vst v0;
	v2 =	vld [tilespmem:s19+$0x186C0]  }
0x109: {  	v0 =	vld.idx.msk [tilespmem:v1+s28+$0x0], $0xffff;
	_ =	sdelay $0x5  }
0x10a: {  	[tilespmem:s19+$0x1A6B0] =	vst v0;
	v0 =	vld [tilespmem:s19+$0x186D0]  }
0x10b: {  	v1 =	vld.idx.msk [tilespmem:v2+s28+$0x0], $0xffff  }
.Ltmp4:
0x10c: {  	(pc) =	sbr.rel @p1 .LBB2_10-.Ltmp4, $2  }
0x10d: {  	_ =	sdelay $0x2  }
0x10e: {  	s21 =	sshra.s32 s20, $0x2;
	s20 =	sadd.s32 $0x100, s20  }
0x10f: {  	_ =	sdelay $0x1  }
0x110: {  	v2 =	vld [tilespmem:s21+$0x186A0]  }
0x111: {  	[tilespmem:s19+$0x1A6C0] =	vst v1  }
0x112: {  	v0 =	vld.idx.msk [tilespmem:v0+s28+$0x0], $0xffff;
	_ =	sdelay $0x3  }
0x113: {  	v1 =	vld [tilespmem:s21+$0x186B0]  }
0x114: {  	[tilespmem:s19+$0x1A6D0] =	vst v0  }
0x115: {  	v0 =	vld.idx.msk [tilespmem:v2+s28+$0x0], $0xffff;
	_ =	sdelay $0x4  }
0x116: {  	[tilespmem:s21+$0x1A6A0] =	vst v0;
	v0 =	vld [tilespmem:s21+$0x186C0]  }
0x117: {  	v1 =	vld.idx.msk [tilespmem:v1+s28+$0x0], $0xffff;
	_ =	sdelay $0x4  }
0x118: {  	[tilespmem:s21+$0x1A6B0] =	vst v1;
	v1 =	vld [tilespmem:s21+$0x186D0];
	_ =	sdelay $0x1  }
0x119: {  	v0 =	vld.idx.msk [tilespmem:v0+s28+$0x0], $0xffff;
	_ =	sdelay $0x4  }
0x11a: {  	[tilespmem:s21+$0x1A6C0] =	vst v0  }
0x11b: {  	v0 =	vld.idx.msk [tilespmem:v1+s28+$0x0], $0xffff;
	_ =	sdelay $0x2  }
0x11c: {  	s20 =	sld [smem:$0x7EE];
	_ =	sdelay $0x1  }
0x11d: {  	s22 =	simm.s32 $0x0;
	[tilespmem:s21+$0x1A6D0] =	vst v0  }
0x11e: {  	[hbm4b:s20+s22] =	stream.linear.scatter [tilespmem:s16], [sflag:$0x3], $0x2000, $0x38;
	[tilespmem:$0x1C6A0] =	vst v63  }
0x11f: {  	_ =	swait.ge [sflag:s17], $0x2000  }
0x120: {  	[sflag:s17] =	ssyncset.done $0x0  }
0x121: {  	s23 =	rddreg [dreg:$0x9];
	[sflag:s17] =	ssyncadd.s32 $0xFFFFE000  }
0x122: {  	[tilespmem:s14], [sflag:$0x2] =	stream.linear.gather [hbm4b:s23+s22], $0x2000, $0x38;
	[tilespmem:$0x1C6A0] =	vst v63  }
0x123: {  	_ =	swait.ge [sflag:s15], $0x2000  }
0x124: {  	[sflag:s15] =	ssyncset.done $0x0  }
0x125: {  	s19 =	simm.s32 $0x0;
	[sflag:s15] =	ssyncadd.s32 $0xFFFFE000  }
0x126: {  	v0 =	vld [tilespmem:s19+$0x186A0];
	_ =	sdelay $0x5  }
0x127: {  	v1 =	vld [tilespmem:s19+$0x186B0];
	_ =	sdelay $0x1  }
0x128: {  	v0 =	vld.idx.msk [tilespmem:v0+s28+$0x0], $0xffff;
	_ =	sdelay $0x4  }
0x129: {  	v2 =	vld [tilespmem:s19+$0x186C0];
	[tilespmem:s19+$0x1A6A0] =	vst v0  }
0x12a: {  	v0 =	vld.idx.msk [tilespmem:v1+s28+$0x0], $0xffff;
	_ =	sdelay $0x4  }
0x12b: {  	[tilespmem:s19+$0x1A6B0] =	vst v0;
	v0 =	vld [tilespmem:s19+$0x186D0];
	_ =	sdelay $0x1  }
0x12c: {  	v1 =	vld.idx.msk [tilespmem:v2+s28+$0x0], $0xffff;
	_ =	sdelay $0x3  }
0x12d: {  	s21 =	simm.s32 $0x40;
	s20 =	simm.s32 $0x200  }
.LBB2_12:
0x12e: {  	p1 =	sne.s32 s20, $0x7F00;
	v2 =	vld [tilespmem:s21+$0x186A0];
	[tilespmem:s19+$0x1A6C0] =	vst v1  }
0x12f: {  	v0 =	vld.idx.msk [tilespmem:v0+s28+$0x0], $0xffff;
	_ =	sdelay $0x5  }
0x130: {  	v1 =	vld [tilespmem:s21+$0x186B0];
	[tilespmem:s19+$0x1A6D0] =	vst v0;
	s19 =	smov.u32 s21  }
0x131: {  	v0 =	vld.idx.msk [tilespmem:v2+s28+$0x0], $0xffff;
	_ =	sdelay $0x5  }
0x132: {  	[tilespmem:s19+$0x1A6A0] =	vst v0;
	v2 =	vld [tilespmem:s19+$0x186C0]  }
0x133: {  	v0 =	vld.idx.msk [tilespmem:v1+s28+$0x0], $0xffff;
	_ =	sdelay $0x5  }
0x134: {  	[tilespmem:s19+$0x1A6B0] =	vst v0;
	v0 =	vld [tilespmem:s19+$0x186D0]  }
0x135: {  	v1 =	vld.idx.msk [tilespmem:v2+s28+$0x0], $0xffff  }
.Ltmp5:
0x136: {  	(pc) =	sbr.rel @p1 .LBB2_12-.Ltmp5, $2  }
0x137: {  	_ =	sdelay $0x2  }
0x138: {  	s21 =	sshra.s32 s20, $0x2;
	s20 =	sadd.s32 $0x100, s20  }
0x139: {  	_ =	sdelay $0x1  }
0x13a: {  	v2 =	vld [tilespmem:s21+$0x186A0]  }
0x13b: {  	[tilespmem:s19+$0x1A6C0] =	vst v1  }
0x13c: {  	v0 =	vld.idx.msk [tilespmem:v0+s28+$0x0], $0xffff;
	_ =	sdelay $0x3  }
0x13d: {  	v1 =	vld [tilespmem:s21+$0x186B0]  }
0x13e: {  	[tilespmem:s19+$0x1A6D0] =	vst v0  }
0x13f: {  	v0 =	vld.idx.msk [tilespmem:v2+s28+$0x0], $0xffff;
	_ =	sdelay $0x4  }
0x140: {  	[tilespmem:s21+$0x1A6A0] =	vst v0;
	v0 =	vld [tilespmem:s21+$0x186C0]  }
0x141: {  	v1 =	vld.idx.msk [tilespmem:v1+s28+$0x0], $0xffff;
	_ =	sdelay $0x4  }
0x142: {  	[tilespmem:s21+$0x1A6B0] =	vst v1;
	v1 =	vld [tilespmem:s21+$0x186D0];
	_ =	sdelay $0x1  }
0x143: {  	v0 =	vld.idx.msk [tilespmem:v0+s28+$0x0], $0xffff;
	_ =	sdelay $0x4  }
0x144: {  	[tilespmem:s21+$0x1A6C0] =	vst v0  }
0x145: {  	v0 =	vld.idx.msk [tilespmem:v1+s28+$0x0], $0xffff;
	_ =	sdelay $0x2  }
0x146: {  	s20 =	sld [smem:$0x7EF];
	_ =	sdelay $0x1  }
0x147: {  	s22 =	simm.s32 $0x0;
	[tilespmem:s21+$0x1A6D0] =	vst v0  }
0x148: {  	[hbm4b:s20+s22] =	stream.linear.scatter [tilespmem:s16], [sflag:$0x3], $0x2000, $0x38;
	[tilespmem:$0x1C6A0] =	vst v63  }
0x149: {  	_ =	swait.ge [sflag:s17], $0x2000  }
0x14a: {  	[sflag:s17] =	ssyncset.done $0x0  }
0x14b: {  	[sflag:s17] =	ssyncadd.s32 $0xFFFFE000  }
0x14c: {  	[tilespmem:s22], [sflag:$0x1] =	stream.linear.gather [hbm4b:s3+s22], $0x186A0, $0x38;
	[tilespmem:$0x1C6A0] =	vst v63  }
0x14d: {  	_ =	swait.ge [sflag:s13], $0x186A0  }
0x14e: {  	[sflag:s13] =	ssyncset.done $0x0  }
0x14f: {  	s23 =	rddreg [dreg:$0xa];
	[sflag:s13] =	ssyncadd.s32 $0xFFFE7960  }
0x150: {  	[tilespmem:s14], [sflag:$0x2] =	stream.linear.gather [hbm4b:s23+s22], $0x2000, $0x38;
	[tilespmem:$0x1C6A0] =	vst v63  }
0x151: {  	_ =	swait.ge [sflag:s15], $0x2000  }
0x152: {  	[sflag:s15] =	ssyncset.done $0x0  }
0x153: {  	s19 =	simm.s32 $0x0;
	[sflag:s15] =	ssyncadd.s32 $0xFFFFE000  }
0x154: {  	v0 =	vld [tilespmem:s19+$0x186A0];
	_ =	sdelay $0x5  }
0x155: {  	v1 =	vld [tilespmem:s19+$0x186B0];
	_ =	sdelay $0x1  }
0x156: {  	v0 =	vld.idx.msk [tilespmem:v0+s28+$0x0], $0xffff;
	_ =	sdelay $0x4  }
0x157: {  	v2 =	vld [tilespmem:s19+$0x186C0];
	[tilespmem:s19+$0x1A6A0] =	vst v0  }
0x158: {  	v0 =	vld.idx.msk [tilespmem:v1+s28+$0x0], $0xffff;
	_ =	sdelay $0x4  }
0x159: {  	[tilespmem:s19+$0x1A6B0] =	vst v0;
	v0 =	vld [tilespmem:s19+$0x186D0];
	_ =	sdelay $0x1  }
0x15a: {  	v1 =	vld.idx.msk [tilespmem:v2+s28+$0x0], $0xffff;
	_ =	sdelay $0x3  }
0x15b: {  	s21 =	simm.s32 $0x40;
	s20 =	simm.s32 $0x200  }
.LBB2_14:
0x15c: {  	p1 =	sne.s32 s20, $0x7F00;
	v2 =	vld [tilespmem:s21+$0x186A0];
	[tilespmem:s19+$0x1A6C0] =	vst v1  }
0x15d: {  	v0 =	vld.idx.msk [tilespmem:v0+s28+$0x0], $0xffff;
	_ =	sdelay $0x5  }
0x15e: {  	v1 =	vld [tilespmem:s21+$0x186B0];
	[tilespmem:s19+$0x1A6D0] =	vst v0;
	s19 =	smov.u32 s21  }
0x15f: {  	v0 =	vld.idx.msk [tilespmem:v2+s28+$0x0], $0xffff;
	_ =	sdelay $0x5  }
0x160: {  	[tilespmem:s19+$0x1A6A0] =	vst v0;
	v2 =	vld [tilespmem:s19+$0x186C0]  }
0x161: {  	v0 =	vld.idx.msk [tilespmem:v1+s28+$0x0], $0xffff;
	_ =	sdelay $0x5  }
0x162: {  	[tilespmem:s19+$0x1A6B0] =	vst v0;
	v0 =	vld [tilespmem:s19+$0x186D0]  }
0x163: {  	v1 =	vld.idx.msk [tilespmem:v2+s28+$0x0], $0xffff  }
.Ltmp6:
0x164: {  	(pc) =	sbr.rel @p1 .LBB2_14-.Ltmp6, $2  }
0x165: {  	_ =	sdelay $0x2  }
0x166: {  	s21 =	sshra.s32 s20, $0x2;
	s20 =	sadd.s32 $0x100, s20  }
0x167: {  	_ =	sdelay $0x1  }
0x168: {  	v2 =	vld [tilespmem:s21+$0x186A0]  }
0x169: {  	[tilespmem:s19+$0x1A6C0] =	vst v1  }
0x16a: {  	v0 =	vld.idx.msk [tilespmem:v0+s28+$0x0], $0xffff;
	_ =	sdelay $0x3  }
0x16b: {  	v1 =	vld [tilespmem:s21+$0x186B0]  }
0x16c: {  	[tilespmem:s19+$0x1A6D0] =	vst v0  }
0x16d: {  	v0 =	vld.idx.msk [tilespmem:v2+s28+$0x0], $0xffff;
	_ =	sdelay $0x4  }
0x16e: {  	[tilespmem:s21+$0x1A6A0] =	vst v0;
	v0 =	vld [tilespmem:s21+$0x186C0]  }
0x16f: {  	v1 =	vld.idx.msk [tilespmem:v1+s28+$0x0], $0xffff;
	_ =	sdelay $0x4  }
0x170: {  	[tilespmem:s21+$0x1A6B0] =	vst v1;
	v1 =	vld [tilespmem:s21+$0x186D0];
	_ =	sdelay $0x1  }
0x171: {  	v0 =	vld.idx.msk [tilespmem:v0+s28+$0x0], $0xffff;
	_ =	sdelay $0x4  }
0x172: {  	[tilespmem:s21+$0x1A6C0] =	vst v0  }
0x173: {  	v0 =	vld.idx.msk [tilespmem:v1+s28+$0x0], $0xffff;
	_ =	sdelay $0x2  }
0x174: {  	s20 =	sld [smem:$0x7F0];
	_ =	sdelay $0x1  }
0x175: {  	s22 =	simm.s32 $0x0;
	[tilespmem:s21+$0x1A6D0] =	vst v0  }
0x176: {  	[hbm4b:s20+s22] =	stream.linear.scatter [tilespmem:s16], [sflag:$0x3], $0x2000, $0x38;
	[tilespmem:$0x1C6A0] =	vst v63  }
0x177: {  	_ =	swait.ge [sflag:s17], $0x2000  }
0x178: {  	[sflag:s17] =	ssyncset.done $0x0  }
0x179: {  	s23 =	rddreg [dreg:$0xb];
	[sflag:s17] =	ssyncadd.s32 $0xFFFFE000  }
0x17a: {  	[tilespmem:s14], [sflag:$0x2] =	stream.linear.gather [hbm4b:s23+s22], $0x2000, $0x38;
	[tilespmem:$0x1C6A0] =	vst v63  }
0x17b: {  	_ =	swait.ge [sflag:s15], $0x2000  }
0x17c: {  	[sflag:s15] =	ssyncset.done $0x0  }
0x17d: {  	s19 =	simm.s32 $0x0;
	[sflag:s15] =	ssyncadd.s32 $0xFFFFE000  }
0x17e: {  	v0 =	vld [tilespmem:s19+$0x186A0];
	_ =	sdelay $0x5  }
0x17f: {  	v1 =	vld [tilespmem:s19+$0x186B0];
	_ =	sdelay $0x1  }
0x180: {  	v0 =	vld.idx.msk [tilespmem:v0+s28+$0x0], $0xffff;
	_ =	sdelay $0x4  }
0x181: {  	v2 =	vld [tilespmem:s19+$0x186C0];
	[tilespmem:s19+$0x1A6A0] =	vst v0  }
0x182: {  	v0 =	vld.idx.msk [tilespmem:v1+s28+$0x0], $0xffff;
	_ =	sdelay $0x4  }
0x183: {  	[tilespmem:s19+$0x1A6B0] =	vst v0;
	v0 =	vld [tilespmem:s19+$0x186D0];
	_ =	sdelay $0x1  }
0x184: {  	v1 =	vld.idx.msk [tilespmem:v2+s28+$0x0], $0xffff;
	_ =	sdelay $0x3  }
0x185: {  	s21 =	simm.s32 $0x40;
	s20 =	simm.s32 $0x200  }
.LBB2_16:
0x186: {  	p1 =	sne.s32 s20, $0x7F00;
	v2 =	vld [tilespmem:s21+$0x186A0];
	[tilespmem:s19+$0x1A6C0] =	vst v1  }
0x187: {  	v0 =	vld.idx.msk [tilespmem:v0+s28+$0x0], $0xffff;
	_ =	sdelay $0x5  }
0x188: {  	v1 =	vld [tilespmem:s21+$0x186B0];
	[tilespmem:s19+$0x1A6D0] =	vst v0;
	s19 =	smov.u32 s21  }
0x189: {  	v0 =	vld.idx.msk [tilespmem:v2+s28+$0x0], $0xffff;
	_ =	sdelay $0x5  }
0x18a: {  	[tilespmem:s19+$0x1A6A0] =	vst v0;
	v2 =	vld [tilespmem:s19+$0x186C0]  }
0x18b: {  	v0 =	vld.idx.msk [tilespmem:v1+s28+$0x0], $0xffff;
	_ =	sdelay $0x5  }
0x18c: {  	[tilespmem:s19+$0x1A6B0] =	vst v0;
	v0 =	vld [tilespmem:s19+$0x186D0]  }
0x18d: {  	v1 =	vld.idx.msk [tilespmem:v2+s28+$0x0], $0xffff  }
.Ltmp7:
0x18e: {  	(pc) =	sbr.rel @p1 .LBB2_16-.Ltmp7, $2  }
0x18f: {  	_ =	sdelay $0x2  }
0x190: {  	s21 =	sshra.s32 s20, $0x2;
	s20 =	sadd.s32 $0x100, s20  }
0x191: {  	_ =	sdelay $0x1  }
0x192: {  	v2 =	vld [tilespmem:s21+$0x186A0]  }
0x193: {  	[tilespmem:s19+$0x1A6C0] =	vst v1  }
0x194: {  	v0 =	vld.idx.msk [tilespmem:v0+s28+$0x0], $0xffff;
	_ =	sdelay $0x3  }
0x195: {  	v1 =	vld [tilespmem:s21+$0x186B0]  }
0x196: {  	[tilespmem:s19+$0x1A6D0] =	vst v0  }
0x197: {  	v0 =	vld.idx.msk [tilespmem:v2+s28+$0x0], $0xffff;
	_ =	sdelay $0x4  }
0x198: {  	[tilespmem:s21+$0x1A6A0] =	vst v0;
	v0 =	vld [tilespmem:s21+$0x186C0]  }
0x199: {  	v1 =	vld.idx.msk [tilespmem:v1+s28+$0x0], $0xffff;
	_ =	sdelay $0x4  }
0x19a: {  	[tilespmem:s21+$0x1A6B0] =	vst v1;
	v1 =	vld [tilespmem:s21+$0x186D0];
	_ =	sdelay $0x1  }
0x19b: {  	v0 =	vld.idx.msk [tilespmem:v0+s28+$0x0], $0xffff;
	_ =	sdelay $0x4  }
0x19c: {  	[tilespmem:s21+$0x1A6C0] =	vst v0  }
0x19d: {  	v0 =	vld.idx.msk [tilespmem:v1+s28+$0x0], $0xffff;
	_ =	sdelay $0x2  }
0x19e: {  	s20 =	sld [smem:$0x7F1];
	_ =	sdelay $0x1  }
0x19f: {  	s22 =	simm.s32 $0x0;
	[tilespmem:s21+$0x1A6D0] =	vst v0  }
0x1a0: {  	[hbm4b:s20+s22] =	stream.linear.scatter [tilespmem:s16], [sflag:$0x3], $0x2000, $0x38;
	[tilespmem:$0x1C6A0] =	vst v63  }
0x1a1: {  	_ =	swait.ge [sflag:s17], $0x2000  }
0x1a2: {  	[sflag:s17] =	ssyncset.done $0x0  }
0x1a3: {  	[sflag:s17] =	ssyncadd.s32 $0xFFFFE000  }
0x1a4: {  	[tilespmem:s22], [sflag:$0x1] =	stream.linear.gather [hbm4b:s4+s22], $0x186A0, $0x38;
	[tilespmem:$0x1C6A0] =	vst v63  }
0x1a5: {  	_ =	swait.ge [sflag:s13], $0x186A0  }
0x1a6: {  	[sflag:s13] =	ssyncset.done $0x0  }
0x1a7: {  	s23 =	rddreg [dreg:$0xc];
	[sflag:s13] =	ssyncadd.s32 $0xFFFE7960  }
0x1a8: {  	[tilespmem:s14], [sflag:$0x2] =	stream.linear.gather [hbm4b:s23+s22], $0x2000, $0x38;
	[tilespmem:$0x1C6A0] =	vst v63  }
0x1a9: {  	_ =	swait.ge [sflag:s15], $0x2000  }
0x1aa: {  	[sflag:s15] =	ssyncset.done $0x0  }
0x1ab: {  	s19 =	simm.s32 $0x0;
	[sflag:s15] =	ssyncadd.s32 $0xFFFFE000  }
0x1ac: {  	v0 =	vld [tilespmem:s19+$0x186A0];
	_ =	sdelay $0x5  }
0x1ad: {  	v1 =	vld [tilespmem:s19+$0x186B0];
	_ =	sdelay $0x1  }
0x1ae: {  	v0 =	vld.idx.msk [tilespmem:v0+s28+$0x0], $0xffff;
	_ =	sdelay $0x4  }
0x1af: {  	v2 =	vld [tilespmem:s19+$0x186C0];
	[tilespmem:s19+$0x1A6A0] =	vst v0  }
0x1b0: {  	v0 =	vld.idx.msk [tilespmem:v1+s28+$0x0], $0xffff;
	_ =	sdelay $0x4  }
0x1b1: {  	[tilespmem:s19+$0x1A6B0] =	vst v0;
	v0 =	vld [tilespmem:s19+$0x186D0];
	_ =	sdelay $0x1  }
0x1b2: {  	v1 =	vld.idx.msk [tilespmem:v2+s28+$0x0], $0xffff;
	_ =	sdelay $0x3  }
0x1b3: {  	s21 =	simm.s32 $0x40;
	s20 =	simm.s32 $0x200  }
.LBB2_18:
0x1b4: {  	p1 =	sne.s32 s20, $0x7F00;
	v2 =	vld [tilespmem:s21+$0x186A0];
	[tilespmem:s19+$0x1A6C0] =	vst v1  }
0x1b5: {  	v0 =	vld.idx.msk [tilespmem:v0+s28+$0x0], $0xffff;
	_ =	sdelay $0x5  }
0x1b6: {  	v1 =	vld [tilespmem:s21+$0x186B0];
	[tilespmem:s19+$0x1A6D0] =	vst v0;
	s19 =	smov.u32 s21  }
0x1b7: {  	v0 =	vld.idx.msk [tilespmem:v2+s28+$0x0], $0xffff;
	_ =	sdelay $0x5  }
0x1b8: {  	[tilespmem:s19+$0x1A6A0] =	vst v0;
	v2 =	vld [tilespmem:s19+$0x186C0]  }
0x1b9: {  	v0 =	vld.idx.msk [tilespmem:v1+s28+$0x0], $0xffff;
	_ =	sdelay $0x5  }
0x1ba: {  	[tilespmem:s19+$0x1A6B0] =	vst v0;
	v0 =	vld [tilespmem:s19+$0x186D0]  }
0x1bb: {  	v1 =	vld.idx.msk [tilespmem:v2+s28+$0x0], $0xffff  }
.Ltmp8:
0x1bc: {  	(pc) =	sbr.rel @p1 .LBB2_18-.Ltmp8, $2  }
0x1bd: {  	_ =	sdelay $0x2  }
0x1be: {  	s21 =	sshra.s32 s20, $0x2;
	s20 =	sadd.s32 $0x100, s20  }
0x1bf: {  	_ =	sdelay $0x1  }
0x1c0: {  	v2 =	vld [tilespmem:s21+$0x186A0]  }
0x1c1: {  	[tilespmem:s19+$0x1A6C0] =	vst v1  }
0x1c2: {  	v0 =	vld.idx.msk [tilespmem:v0+s28+$0x0], $0xffff;
	_ =	sdelay $0x3  }
0x1c3: {  	v1 =	vld [tilespmem:s21+$0x186B0]  }
0x1c4: {  	[tilespmem:s19+$0x1A6D0] =	vst v0  }
0x1c5: {  	v0 =	vld.idx.msk [tilespmem:v2+s28+$0x0], $0xffff;
	_ =	sdelay $0x4  }
0x1c6: {  	[tilespmem:s21+$0x1A6A0] =	vst v0;
	v0 =	vld [tilespmem:s21+$0x186C0]  }
0x1c7: {  	v1 =	vld.idx.msk [tilespmem:v1+s28+$0x0], $0xffff;
	_ =	sdelay $0x4  }
0x1c8: {  	[tilespmem:s21+$0x1A6B0] =	vst v1;
	v1 =	vld [tilespmem:s21+$0x186D0];
	_ =	sdelay $0x1  }
0x1c9: {  	v0 =	vld.idx.msk [tilespmem:v0+s28+$0x0], $0xffff;
	_ =	sdelay $0x4  }
0x1ca: {  	[tilespmem:s21+$0x1A6C0] =	vst v0  }
0x1cb: {  	v0 =	vld.idx.msk [tilespmem:v1+s28+$0x0], $0xffff;
	_ =	sdelay $0x2  }
0x1cc: {  	s20 =	sld [smem:$0x7F2];
	_ =	sdelay $0x1  }
0x1cd: {  	s22 =	simm.s32 $0x0;
	[tilespmem:s21+$0x1A6D0] =	vst v0  }
0x1ce: {  	[hbm4b:s20+s22] =	stream.linear.scatter [tilespmem:s16], [sflag:$0x3], $0x2000, $0x38;
	[tilespmem:$0x1C6A0] =	vst v63  }
0x1cf: {  	_ =	swait.ge [sflag:s17], $0x2000  }
0x1d0: {  	[sflag:s17] =	ssyncset.done $0x0  }
0x1d1: {  	s23 =	rddreg [dreg:$0xd];
	[sflag:s17] =	ssyncadd.s32 $0xFFFFE000  }
0x1d2: {  	[tilespmem:s14], [sflag:$0x2] =	stream.linear.gather [hbm4b:s23+s22], $0x2000, $0x38;
	[tilespmem:$0x1C6A0] =	vst v63  }
0x1d3: {  	_ =	swait.ge [sflag:s15], $0x2000  }
0x1d4: {  	[sflag:s15] =	ssyncset.done $0x0  }
0x1d5: {  	s19 =	simm.s32 $0x0;
	[sflag:s15] =	ssyncadd.s32 $0xFFFFE000  }
0x1d6: {  	v0 =	vld [tilespmem:s19+$0x186A0];
	_ =	sdelay $0x5  }
0x1d7: {  	v1 =	vld [tilespmem:s19+$0x186B0];
	_ =	sdelay $0x1  }
0x1d8: {  	v0 =	vld.idx.msk [tilespmem:v0+s28+$0x0], $0xffff;
	_ =	sdelay $0x4  }
0x1d9: {  	v2 =	vld [tilespmem:s19+$0x186C0];
	[tilespmem:s19+$0x1A6A0] =	vst v0  }
0x1da: {  	v0 =	vld.idx.msk [tilespmem:v1+s28+$0x0], $0xffff;
	_ =	sdelay $0x4  }
0x1db: {  	[tilespmem:s19+$0x1A6B0] =	vst v0;
	v0 =	vld [tilespmem:s19+$0x186D0];
	_ =	sdelay $0x1  }
0x1dc: {  	v1 =	vld.idx.msk [tilespmem:v2+s28+$0x0], $0xffff;
	_ =	sdelay $0x3  }
0x1dd: {  	s21 =	simm.s32 $0x40;
	s20 =	simm.s32 $0x200  }
.LBB2_20:
0x1de: {  	p1 =	sne.s32 s20, $0x7F00;
	v2 =	vld [tilespmem:s21+$0x186A0];
	[tilespmem:s19+$0x1A6C0] =	vst v1  }
0x1df: {  	v0 =	vld.idx.msk [tilespmem:v0+s28+$0x0], $0xffff;
	_ =	sdelay $0x5  }
0x1e0: {  	v1 =	vld [tilespmem:s21+$0x186B0];
	[tilespmem:s19+$0x1A6D0] =	vst v0;
	s19 =	smov.u32 s21  }
0x1e1: {  	v0 =	vld.idx.msk [tilespmem:v2+s28+$0x0], $0xffff;
	_ =	sdelay $0x5  }
0x1e2: {  	[tilespmem:s19+$0x1A6A0] =	vst v0;
	v2 =	vld [tilespmem:s19+$0x186C0]  }
0x1e3: {  	v0 =	vld.idx.msk [tilespmem:v1+s28+$0x0], $0xffff;
	_ =	sdelay $0x5  }
0x1e4: {  	[tilespmem:s19+$0x1A6B0] =	vst v0;
	v0 =	vld [tilespmem:s19+$0x186D0]  }
0x1e5: {  	v1 =	vld.idx.msk [tilespmem:v2+s28+$0x0], $0xffff  }
.Ltmp9:
0x1e6: {  	(pc) =	sbr.rel @p1 .LBB2_20-.Ltmp9, $2  }
0x1e7: {  	_ =	sdelay $0x2  }
0x1e8: {  	s21 =	sshra.s32 s20, $0x2;
	s20 =	sadd.s32 $0x100, s20  }
0x1e9: {  	_ =	sdelay $0x1  }
0x1ea: {  	v2 =	vld [tilespmem:s21+$0x186A0]  }
0x1eb: {  	[tilespmem:s19+$0x1A6C0] =	vst v1  }
0x1ec: {  	v0 =	vld.idx.msk [tilespmem:v0+s28+$0x0], $0xffff;
	_ =	sdelay $0x3  }
0x1ed: {  	v1 =	vld [tilespmem:s21+$0x186B0]  }
0x1ee: {  	[tilespmem:s19+$0x1A6D0] =	vst v0  }
0x1ef: {  	v0 =	vld.idx.msk [tilespmem:v2+s28+$0x0], $0xffff;
	_ =	sdelay $0x4  }
0x1f0: {  	[tilespmem:s21+$0x1A6A0] =	vst v0;
	v0 =	vld [tilespmem:s21+$0x186C0]  }
0x1f1: {  	v1 =	vld.idx.msk [tilespmem:v1+s28+$0x0], $0xffff;
	_ =	sdelay $0x4  }
0x1f2: {  	[tilespmem:s21+$0x1A6B0] =	vst v1;
	v1 =	vld [tilespmem:s21+$0x186D0];
	_ =	sdelay $0x1  }
0x1f3: {  	v0 =	vld.idx.msk [tilespmem:v0+s28+$0x0], $0xffff;
	_ =	sdelay $0x4  }
0x1f4: {  	[tilespmem:s21+$0x1A6C0] =	vst v0  }
0x1f5: {  	v0 =	vld.idx.msk [tilespmem:v1+s28+$0x0], $0xffff;
	_ =	sdelay $0x2  }
0x1f6: {  	s20 =	sld [smem:$0x7F3];
	_ =	sdelay $0x1  }
0x1f7: {  	s22 =	simm.s32 $0x0;
	[tilespmem:s21+$0x1A6D0] =	vst v0  }
0x1f8: {  	[hbm4b:s20+s22] =	stream.linear.scatter [tilespmem:s16], [sflag:$0x3], $0x2000, $0x38;
	[tilespmem:$0x1C6A0] =	vst v63  }
0x1f9: {  	_ =	swait.ge [sflag:s17], $0x2000  }
0x1fa: {  	[sflag:s17] =	ssyncset.done $0x0  }
0x1fb: {  	[sflag:s17] =	ssyncadd.s32 $0xFFFFE000  }
0x1fc: {  	[tilespmem:s22], [sflag:$0x1] =	stream.linear.gather [hbm4b:s5+s22], $0x186A0, $0x38;
	[tilespmem:$0x1C6A0] =	vst v63  }
0x1fd: {  	_ =	swait.ge [sflag:s13], $0x186A0  }
0x1fe: {  	[sflag:s13] =	ssyncset.done $0x0  }
0x1ff: {  	s23 =	rddreg [dreg:$0xe];
	[sflag:s13] =	ssyncadd.s32 $0xFFFE7960  }
0x200: {  	[tilespmem:s14], [sflag:$0x2] =	stream.linear.gather [hbm4b:s23+s22], $0x2000, $0x38;
	[tilespmem:$0x1C6A0] =	vst v63  }
0x201: {  	_ =	swait.ge [sflag:s15], $0x2000  }
0x202: {  	[sflag:s15] =	ssyncset.done $0x0  }
0x203: {  	s19 =	simm.s32 $0x0;
	[sflag:s15] =	ssyncadd.s32 $0xFFFFE000  }
0x204: {  	v0 =	vld [tilespmem:s19+$0x186A0];
	_ =	sdelay $0x5  }
0x205: {  	v1 =	vld [tilespmem:s19+$0x186B0];
	_ =	sdelay $0x1  }
0x206: {  	v0 =	vld.idx.msk [tilespmem:v0+s28+$0x0], $0xffff;
	_ =	sdelay $0x4  }
0x207: {  	v2 =	vld [tilespmem:s19+$0x186C0];
	[tilespmem:s19+$0x1A6A0] =	vst v0  }
0x208: {  	v0 =	vld.idx.msk [tilespmem:v1+s28+$0x0], $0xffff;
	_ =	sdelay $0x4  }
0x209: {  	[tilespmem:s19+$0x1A6B0] =	vst v0;
	v0 =	vld [tilespmem:s19+$0x186D0];
	_ =	sdelay $0x1  }
0x20a: {  	v1 =	vld.idx.msk [tilespmem:v2+s28+$0x0], $0xffff;
	_ =	sdelay $0x3  }
0x20b: {  	s21 =	simm.s32 $0x40;
	s20 =	simm.s32 $0x200  }
.LBB2_22:
0x20c: {  	p1 =	sne.s32 s20, $0x7F00;
	v2 =	vld [tilespmem:s21+$0x186A0];
	[tilespmem:s19+$0x1A6C0] =	vst v1  }
0x20d: {  	v0 =	vld.idx.msk [tilespmem:v0+s28+$0x0], $0xffff;
	_ =	sdelay $0x5  }
0x20e: {  	v1 =	vld [tilespmem:s21+$0x186B0];
	[tilespmem:s19+$0x1A6D0] =	vst v0;
	s19 =	smov.u32 s21  }
0x20f: {  	v0 =	vld.idx.msk [tilespmem:v2+s28+$0x0], $0xffff;
	_ =	sdelay $0x5  }
0x210: {  	[tilespmem:s19+$0x1A6A0] =	vst v0;
	v2 =	vld [tilespmem:s19+$0x186C0]  }
0x211: {  	v0 =	vld.idx.msk [tilespmem:v1+s28+$0x0], $0xffff;
	_ =	sdelay $0x5  }
0x212: {  	[tilespmem:s19+$0x1A6B0] =	vst v0;
	v0 =	vld [tilespmem:s19+$0x186D0]  }
0x213: {  	v1 =	vld.idx.msk [tilespmem:v2+s28+$0x0], $0xffff  }
.Ltmp10:
0x214: {  	(pc) =	sbr.rel @p1 .LBB2_22-.Ltmp10, $2  }
0x215: {  	_ =	sdelay $0x2  }
0x216: {  	s21 =	sshra.s32 s20, $0x2;
	s20 =	sadd.s32 $0x100, s20  }
0x217: {  	_ =	sdelay $0x1  }
0x218: {  	v2 =	vld [tilespmem:s21+$0x186A0]  }
0x219: {  	[tilespmem:s19+$0x1A6C0] =	vst v1  }
0x21a: {  	v0 =	vld.idx.msk [tilespmem:v0+s28+$0x0], $0xffff;
	_ =	sdelay $0x3  }
0x21b: {  	v1 =	vld [tilespmem:s21+$0x186B0]  }
0x21c: {  	[tilespmem:s19+$0x1A6D0] =	vst v0  }
0x21d: {  	v0 =	vld.idx.msk [tilespmem:v2+s28+$0x0], $0xffff;
	_ =	sdelay $0x4  }
0x21e: {  	[tilespmem:s21+$0x1A6A0] =	vst v0;
	v0 =	vld [tilespmem:s21+$0x186C0]  }
0x21f: {  	v1 =	vld.idx.msk [tilespmem:v1+s28+$0x0], $0xffff;
	_ =	sdelay $0x4  }
0x220: {  	[tilespmem:s21+$0x1A6B0] =	vst v1;
	v1 =	vld [tilespmem:s21+$0x186D0];
	_ =	sdelay $0x1  }
0x221: {  	v0 =	vld.idx.msk [tilespmem:v0+s28+$0x0], $0xffff;
	_ =	sdelay $0x4  }
0x222: {  	[tilespmem:s21+$0x1A6C0] =	vst v0  }
0x223: {  	v0 =	vld.idx.msk [tilespmem:v1+s28+$0x0], $0xffff;
	_ =	sdelay $0x2  }
0x224: {  	s20 =	sld [smem:$0x7F4];
	_ =	sdelay $0x1  }
0x225: {  	s22 =	simm.s32 $0x0;
	[tilespmem:s21+$0x1A6D0] =	vst v0  }
0x226: {  	[hbm4b:s20+s22] =	stream.linear.scatter [tilespmem:s16], [sflag:$0x3], $0x2000, $0x38;
	[tilespmem:$0x1C6A0] =	vst v63  }
0x227: {  	_ =	swait.ge [sflag:s17], $0x2000  }
0x228: {  	[sflag:s17] =	ssyncset.done $0x0  }
0x229: {  	s23 =	rddreg [dreg:$0xf];
	[sflag:s17] =	ssyncadd.s32 $0xFFFFE000  }
0x22a: {  	[tilespmem:s14], [sflag:$0x2] =	stream.linear.gather [hbm4b:s23+s22], $0x2000, $0x38;
	[tilespmem:$0x1C6A0] =	vst v63  }
0x22b: {  	_ =	swait.ge [sflag:s15], $0x2000  }
0x22c: {  	[sflag:s15] =	ssyncset.done $0x0  }
0x22d: {  	s19 =	simm.s32 $0x0;
	[sflag:s15] =	ssyncadd.s32 $0xFFFFE000  }
0x22e: {  	v0 =	vld [tilespmem:s19+$0x186A0];
	_ =	sdelay $0x5  }
0x22f: {  	v1 =	vld [tilespmem:s19+$0x186B0];
	_ =	sdelay $0x1  }
0x230: {  	v0 =	vld.idx.msk [tilespmem:v0+s28+$0x0], $0xffff;
	_ =	sdelay $0x4  }
0x231: {  	v2 =	vld [tilespmem:s19+$0x186C0];
	[tilespmem:s19+$0x1A6A0] =	vst v0  }
0x232: {  	v0 =	vld.idx.msk [tilespmem:v1+s28+$0x0], $0xffff;
	_ =	sdelay $0x4  }
0x233: {  	[tilespmem:s19+$0x1A6B0] =	vst v0;
	v0 =	vld [tilespmem:s19+$0x186D0];
	_ =	sdelay $0x1  }
0x234: {  	v1 =	vld.idx.msk [tilespmem:v2+s28+$0x0], $0xffff;
	_ =	sdelay $0x3  }
0x235: {  	s21 =	simm.s32 $0x40;
	s20 =	simm.s32 $0x200  }
.LBB2_24:
0x236: {  	p1 =	sne.s32 s20, $0x7F00;
	v2 =	vld [tilespmem:s21+$0x186A0];
	[tilespmem:s19+$0x1A6C0] =	vst v1  }
0x237: {  	v0 =	vld.idx.msk [tilespmem:v0+s28+$0x0], $0xffff;
	_ =	sdelay $0x5  }
0x238: {  	v1 =	vld [tilespmem:s21+$0x186B0];
	[tilespmem:s19+$0x1A6D0] =	vst v0;
	s19 =	smov.u32 s21  }
0x239: {  	v0 =	vld.idx.msk [tilespmem:v2+s28+$0x0], $0xffff;
	_ =	sdelay $0x5  }
0x23a: {  	[tilespmem:s19+$0x1A6A0] =	vst v0;
	v2 =	vld [tilespmem:s19+$0x186C0]  }
0x23b: {  	v0 =	vld.idx.msk [tilespmem:v1+s28+$0x0], $0xffff;
	_ =	sdelay $0x5  }
0x23c: {  	[tilespmem:s19+$0x1A6B0] =	vst v0;
	v0 =	vld [tilespmem:s19+$0x186D0]  }
0x23d: {  	v1 =	vld.idx.msk [tilespmem:v2+s28+$0x0], $0xffff  }
.Ltmp11:
0x23e: {  	(pc) =	sbr.rel @p1 .LBB2_24-.Ltmp11, $2  }
0x23f: {  	_ =	sdelay $0x2  }
0x240: {  	s21 =	sshra.s32 s20, $0x2;
	s20 =	sadd.s32 $0x100, s20  }
0x241: {  	_ =	sdelay $0x1  }
0x242: {  	v2 =	vld [tilespmem:s21+$0x186A0]  }
0x243: {  	[tilespmem:s19+$0x1A6C0] =	vst v1  }
0x244: {  	v0 =	vld.idx.msk [tilespmem:v0+s28+$0x0], $0xffff;
	_ =	sdelay $0x3  }
0x245: {  	v1 =	vld [tilespmem:s21+$0x186B0]  }
0x246: {  	[tilespmem:s19+$0x1A6D0] =	vst v0  }
0x247: {  	v0 =	vld.idx.msk [tilespmem:v2+s28+$0x0], $0xffff;
	_ =	sdelay $0x4  }
0x248: {  	[tilespmem:s21+$0x1A6A0] =	vst v0;
	v0 =	vld [tilespmem:s21+$0x186C0]  }
0x249: {  	v1 =	vld.idx.msk [tilespmem:v1+s28+$0x0], $0xffff;
	_ =	sdelay $0x4  }
0x24a: {  	[tilespmem:s21+$0x1A6B0] =	vst v1;
	v1 =	vld [tilespmem:s21+$0x186D0];
	_ =	sdelay $0x1  }
0x24b: {  	v0 =	vld.idx.msk [tilespmem:v0+s28+$0x0], $0xffff;
	_ =	sdelay $0x4  }
0x24c: {  	[tilespmem:s21+$0x1A6C0] =	vst v0  }
0x24d: {  	v0 =	vld.idx.msk [tilespmem:v1+s28+$0x0], $0xffff;
	_ =	sdelay $0x2  }
0x24e: {  	s20 =	sld [smem:$0x7F5];
	_ =	sdelay $0x1  }
0x24f: {  	s22 =	simm.s32 $0x0;
	[tilespmem:s21+$0x1A6D0] =	vst v0  }
0x250: {  	[hbm4b:s20+s22] =	stream.linear.scatter [tilespmem:s16], [sflag:$0x3], $0x2000, $0x38;
	[tilespmem:$0x1C6A0] =	vst v63  }
0x251: {  	_ =	swait.ge [sflag:s17], $0x2000  }
0x252: {  	[sflag:s17] =	ssyncset.done $0x0  }
0x253: {  	[sflag:s17] =	ssyncadd.s32 $0xFFFFE000  }
0x254: {  	[tilespmem:s22], [sflag:$0x1] =	stream.linear.gather [hbm4b:s6+s22], $0x186A0, $0x38;
	[tilespmem:$0x1C6A0] =	vst v63  }
0x255: {  	_ =	swait.ge [sflag:s13], $0x186A0  }
0x256: {  	[sflag:s13] =	ssyncset.done $0x0  }
0x257: {  	s23 =	rddreg [dreg:$0x10];
	[sflag:s13] =	ssyncadd.s32 $0xFFFE7960  }
0x258: {  	[tilespmem:s14], [sflag:$0x2] =	stream.linear.gather [hbm4b:s23+s22], $0x2000, $0x38;
	[tilespmem:$0x1C6A0] =	vst v63  }
0x259: {  	_ =	swait.ge [sflag:s15], $0x2000  }
0x25a: {  	[sflag:s15] =	ssyncset.done $0x0  }
0x25b: {  	s19 =	simm.s32 $0x0;
	[sflag:s15] =	ssyncadd.s32 $0xFFFFE000  }
0x25c: {  	v0 =	vld [tilespmem:s19+$0x186A0];
	_ =	sdelay $0x5  }
0x25d: {  	v1 =	vld [tilespmem:s19+$0x186B0];
	_ =	sdelay $0x1  }
0x25e: {  	v0 =	vld.idx.msk [tilespmem:v0+s28+$0x0], $0xffff;
	_ =	sdelay $0x4  }
0x25f: {  	v2 =	vld [tilespmem:s19+$0x186C0];
	[tilespmem:s19+$0x1A6A0] =	vst v0  }
0x260: {  	v0 =	vld.idx.msk [tilespmem:v1+s28+$0x0], $0xffff;
	_ =	sdelay $0x4  }
0x261: {  	[tilespmem:s19+$0x1A6B0] =	vst v0;
	v0 =	vld [tilespmem:s19+$0x186D0];
	_ =	sdelay $0x1  }
0x262: {  	v1 =	vld.idx.msk [tilespmem:v2+s28+$0x0], $0xffff;
	_ =	sdelay $0x3  }
0x263: {  	s21 =	simm.s32 $0x40;
	s20 =	simm.s32 $0x200  }
.LBB2_26:
0x264: {  	p1 =	sne.s32 s20, $0x7F00;
	v2 =	vld [tilespmem:s21+$0x186A0];
	[tilespmem:s19+$0x1A6C0] =	vst v1  }
0x265: {  	v0 =	vld.idx.msk [tilespmem:v0+s28+$0x0], $0xffff;
	_ =	sdelay $0x5  }
0x266: {  	v1 =	vld [tilespmem:s21+$0x186B0];
	[tilespmem:s19+$0x1A6D0] =	vst v0;
	s19 =	smov.u32 s21  }
0x267: {  	v0 =	vld.idx.msk [tilespmem:v2+s28+$0x0], $0xffff;
	_ =	sdelay $0x5  }
0x268: {  	[tilespmem:s19+$0x1A6A0] =	vst v0;
	v2 =	vld [tilespmem:s19+$0x186C0]  }
0x269: {  	v0 =	vld.idx.msk [tilespmem:v1+s28+$0x0], $0xffff;
	_ =	sdelay $0x5  }
0x26a: {  	[tilespmem:s19+$0x1A6B0] =	vst v0;
	v0 =	vld [tilespmem:s19+$0x186D0]  }
0x26b: {  	v1 =	vld.idx.msk [tilespmem:v2+s28+$0x0], $0xffff  }
.Ltmp12:
0x26c: {  	(pc) =	sbr.rel @p1 .LBB2_26-.Ltmp12, $2  }
0x26d: {  	_ =	sdelay $0x2  }
0x26e: {  	s21 =	sshra.s32 s20, $0x2;
	s20 =	sadd.s32 $0x100, s20  }
0x26f: {  	_ =	sdelay $0x1  }
0x270: {  	v2 =	vld [tilespmem:s21+$0x186A0]  }
0x271: {  	[tilespmem:s19+$0x1A6C0] =	vst v1  }
0x272: {  	v0 =	vld.idx.msk [tilespmem:v0+s28+$0x0], $0xffff;
	_ =	sdelay $0x3  }
0x273: {  	v1 =	vld [tilespmem:s21+$0x186B0]  }
0x274: {  	[tilespmem:s19+$0x1A6D0] =	vst v0  }
0x275: {  	v0 =	vld.idx.msk [tilespmem:v2+s28+$0x0], $0xffff;
	_ =	sdelay $0x4  }
0x276: {  	[tilespmem:s21+$0x1A6A0] =	vst v0;
	v0 =	vld [tilespmem:s21+$0x186C0]  }
0x277: {  	v1 =	vld.idx.msk [tilespmem:v1+s28+$0x0], $0xffff;
	_ =	sdelay $0x4  }
0x278: {  	[tilespmem:s21+$0x1A6B0] =	vst v1;
	v1 =	vld [tilespmem:s21+$0x186D0];
	_ =	sdelay $0x1  }
0x279: {  	v0 =	vld.idx.msk [tilespmem:v0+s28+$0x0], $0xffff;
	_ =	sdelay $0x4  }
0x27a: {  	[tilespmem:s21+$0x1A6C0] =	vst v0  }
0x27b: {  	v0 =	vld.idx.msk [tilespmem:v1+s28+$0x0], $0xffff;
	_ =	sdelay $0x2  }
0x27c: {  	s20 =	sld [smem:$0x7F6];
	_ =	sdelay $0x1  }
0x27d: {  	s22 =	simm.s32 $0x0;
	[tilespmem:s21+$0x1A6D0] =	vst v0  }
0x27e: {  	[hbm4b:s20+s22] =	stream.linear.scatter [tilespmem:s16], [sflag:$0x3], $0x2000, $0x38;
	[tilespmem:$0x1C6A0] =	vst v63  }
0x27f: {  	_ =	swait.ge [sflag:s17], $0x2000  }
0x280: {  	[sflag:s17] =	ssyncset.done $0x0  }
0x281: {  	s23 =	rddreg [dreg:$0x11];
	[sflag:s17] =	ssyncadd.s32 $0xFFFFE000  }
0x282: {  	[tilespmem:s14], [sflag:$0x2] =	stream.linear.gather [hbm4b:s23+s22], $0x2000, $0x38;
	[tilespmem:$0x1C6A0] =	vst v63  }
0x283: {  	_ =	swait.ge [sflag:s15], $0x2000  }
0x284: {  	[sflag:s15] =	ssyncset.done $0x0  }
0x285: {  	s19 =	simm.s32 $0x0;
	[sflag:s15] =	ssyncadd.s32 $0xFFFFE000  }
0x286: {  	v0 =	vld [tilespmem:s19+$0x186A0];
	_ =	sdelay $0x5  }
0x287: {  	v1 =	vld [tilespmem:s19+$0x186B0];
	_ =	sdelay $0x1  }
0x288: {  	v0 =	vld.idx.msk [tilespmem:v0+s28+$0x0], $0xffff;
	_ =	sdelay $0x4  }
0x289: {  	v2 =	vld [tilespmem:s19+$0x186C0];
	[tilespmem:s19+$0x1A6A0] =	vst v0  }
0x28a: {  	v0 =	vld.idx.msk [tilespmem:v1+s28+$0x0], $0xffff;
	_ =	sdelay $0x4  }
0x28b: {  	[tilespmem:s19+$0x1A6B0] =	vst v0;
	v0 =	vld [tilespmem:s19+$0x186D0];
	_ =	sdelay $0x1  }
0x28c: {  	v1 =	vld.idx.msk [tilespmem:v2+s28+$0x0], $0xffff;
	_ =	sdelay $0x3  }
0x28d: {  	s21 =	simm.s32 $0x40;
	s20 =	simm.s32 $0x200  }
.LBB2_28:
0x28e: {  	p1 =	sne.s32 s20, $0x7F00;
	v2 =	vld [tilespmem:s21+$0x186A0];
	[tilespmem:s19+$0x1A6C0] =	vst v1  }
0x28f: {  	v0 =	vld.idx.msk [tilespmem:v0+s28+$0x0], $0xffff;
	_ =	sdelay $0x5  }
0x290: {  	v1 =	vld [tilespmem:s21+$0x186B0];
	[tilespmem:s19+$0x1A6D0] =	vst v0;
	s19 =	smov.u32 s21  }
0x291: {  	v0 =	vld.idx.msk [tilespmem:v2+s28+$0x0], $0xffff;
	_ =	sdelay $0x5  }
0x292: {  	[tilespmem:s19+$0x1A6A0] =	vst v0;
	v2 =	vld [tilespmem:s19+$0x186C0]  }
0x293: {  	v0 =	vld.idx.msk [tilespmem:v1+s28+$0x0], $0xffff;
	_ =	sdelay $0x5  }
0x294: {  	[tilespmem:s19+$0x1A6B0] =	vst v0;
	v0 =	vld [tilespmem:s19+$0x186D0]  }
0x295: {  	v1 =	vld.idx.msk [tilespmem:v2+s28+$0x0], $0xffff  }
.Ltmp13:
0x296: {  	(pc) =	sbr.rel @p1 .LBB2_28-.Ltmp13, $2  }
0x297: {  	_ =	sdelay $0x2  }
0x298: {  	s21 =	sshra.s32 s20, $0x2;
	s20 =	sadd.s32 $0x100, s20  }
0x299: {  	_ =	sdelay $0x1  }
0x29a: {  	v2 =	vld [tilespmem:s21+$0x186A0]  }
0x29b: {  	[tilespmem:s19+$0x1A6C0] =	vst v1  }
0x29c: {  	v0 =	vld.idx.msk [tilespmem:v0+s28+$0x0], $0xffff;
	_ =	sdelay $0x3  }
0x29d: {  	v1 =	vld [tilespmem:s21+$0x186B0]  }
0x29e: {  	[tilespmem:s19+$0x1A6D0] =	vst v0  }
0x29f: {  	v0 =	vld.idx.msk [tilespmem:v2+s28+$0x0], $0xffff;
	_ =	sdelay $0x4  }
0x2a0: {  	[tilespmem:s21+$0x1A6A0] =	vst v0;
	v0 =	vld [tilespmem:s21+$0x186C0]  }
0x2a1: {  	v1 =	vld.idx.msk [tilespmem:v1+s28+$0x0], $0xffff;
	_ =	sdelay $0x4  }
0x2a2: {  	[tilespmem:s21+$0x1A6B0] =	vst v1;
	v1 =	vld [tilespmem:s21+$0x186D0];
	_ =	sdelay $0x1  }
0x2a3: {  	v0 =	vld.idx.msk [tilespmem:v0+s28+$0x0], $0xffff;
	_ =	sdelay $0x4  }
0x2a4: {  	[tilespmem:s21+$0x1A6C0] =	vst v0  }
0x2a5: {  	v0 =	vld.idx.msk [tilespmem:v1+s28+$0x0], $0xffff;
	_ =	sdelay $0x2  }
0x2a6: {  	s20 =	sld [smem:$0x7F7];
	_ =	sdelay $0x1  }
0x2a7: {  	s22 =	simm.s32 $0x0;
	[tilespmem:s21+$0x1A6D0] =	vst v0  }
0x2a8: {  	[hbm4b:s20+s22] =	stream.linear.scatter [tilespmem:s16], [sflag:$0x3], $0x2000, $0x38;
	[tilespmem:$0x1C6A0] =	vst v63  }
0x2a9: {  	_ =	swait.ge [sflag:s17], $0x2000  }
0x2aa: {  	[sflag:s17] =	ssyncset.done $0x0  }
0x2ab: {  	[sflag:s17] =	ssyncadd.s32 $0xFFFFE000  }
0x2ac: {  	[tilespmem:s22], [sflag:$0x1] =	stream.linear.gather [hbm4b:s7+s22], $0x186A0, $0x38;
	[tilespmem:$0x1C6A0] =	vst v63  }
0x2ad: {  	_ =	swait.ge [sflag:s13], $0x186A0  }
0x2ae: {  	[sflag:s13] =	ssyncset.done $0x0  }
0x2af: {  	s23 =	rddreg [dreg:$0x12];
	[sflag:s13] =	ssyncadd.s32 $0xFFFE7960  }
0x2b0: {  	[tilespmem:s14], [sflag:$0x2] =	stream.linear.gather [hbm4b:s23+s22], $0x2000, $0x38;
	[tilespmem:$0x1C6A0] =	vst v63  }
0x2b1: {  	_ =	swait.ge [sflag:s15], $0x2000  }
0x2b2: {  	[sflag:s15] =	ssyncset.done $0x0  }
0x2b3: {  	s19 =	simm.s32 $0x0;
	[sflag:s15] =	ssyncadd.s32 $0xFFFFE000  }
0x2b4: {  	v0 =	vld [tilespmem:s19+$0x186A0];
	_ =	sdelay $0x5  }
0x2b5: {  	v1 =	vld [tilespmem:s19+$0x186B0];
	_ =	sdelay $0x1  }
0x2b6: {  	v0 =	vld.idx.msk [tilespmem:v0+s28+$0x0], $0xffff;
	_ =	sdelay $0x4  }
0x2b7: {  	v2 =	vld [tilespmem:s19+$0x186C0];
	[tilespmem:s19+$0x1A6A0] =	vst v0  }
0x2b8: {  	v0 =	vld.idx.msk [tilespmem:v1+s28+$0x0], $0xffff;
	_ =	sdelay $0x4  }
0x2b9: {  	[tilespmem:s19+$0x1A6B0] =	vst v0;
	v0 =	vld [tilespmem:s19+$0x186D0];
	_ =	sdelay $0x1  }
0x2ba: {  	v1 =	vld.idx.msk [tilespmem:v2+s28+$0x0], $0xffff;
	_ =	sdelay $0x3  }
0x2bb: {  	s21 =	simm.s32 $0x40;
	s20 =	simm.s32 $0x200  }
.LBB2_30:
0x2bc: {  	p1 =	sne.s32 s20, $0x7F00;
	v2 =	vld [tilespmem:s21+$0x186A0];
	[tilespmem:s19+$0x1A6C0] =	vst v1  }
0x2bd: {  	v0 =	vld.idx.msk [tilespmem:v0+s28+$0x0], $0xffff;
	_ =	sdelay $0x5  }
0x2be: {  	v1 =	vld [tilespmem:s21+$0x186B0];
	[tilespmem:s19+$0x1A6D0] =	vst v0;
	s19 =	smov.u32 s21  }
0x2bf: {  	v0 =	vld.idx.msk [tilespmem:v2+s28+$0x0], $0xffff;
	_ =	sdelay $0x5  }
0x2c0: {  	[tilespmem:s19+$0x1A6A0] =	vst v0;
	v2 =	vld [tilespmem:s19+$0x186C0]  }
0x2c1: {  	v0 =	vld.idx.msk [tilespmem:v1+s28+$0x0], $0xffff;
	_ =	sdelay $0x5  }
0x2c2: {  	[tilespmem:s19+$0x1A6B0] =	vst v0;
	v0 =	vld [tilespmem:s19+$0x186D0]  }
0x2c3: {  	v1 =	vld.idx.msk [tilespmem:v2+s28+$0x0], $0xffff  }
.Ltmp14:
0x2c4: {  	(pc) =	sbr.rel @p1 .LBB2_30-.Ltmp14, $2  }
0x2c5: {  	_ =	sdelay $0x2  }
0x2c6: {  	s21 =	sshra.s32 s20, $0x2;
	s20 =	sadd.s32 $0x100, s20  }
0x2c7: {  	_ =	sdelay $0x1  }
0x2c8: {  	v2 =	vld [tilespmem:s21+$0x186A0]  }
0x2c9: {  	[tilespmem:s19+$0x1A6C0] =	vst v1  }
0x2ca: {  	v0 =	vld.idx.msk [tilespmem:v0+s28+$0x0], $0xffff;
	_ =	sdelay $0x3  }
0x2cb: {  	v1 =	vld [tilespmem:s21+$0x186B0]  }
0x2cc: {  	[tilespmem:s19+$0x1A6D0] =	vst v0  }
0x2cd: {  	v0 =	vld.idx.msk [tilespmem:v2+s28+$0x0], $0xffff;
	_ =	sdelay $0x4  }
0x2ce: {  	[tilespmem:s21+$0x1A6A0] =	vst v0;
	v0 =	vld [tilespmem:s21+$0x186C0]  }
0x2cf: {  	v1 =	vld.idx.msk [tilespmem:v1+s28+$0x0], $0xffff;
	_ =	sdelay $0x4  }
0x2d0: {  	[tilespmem:s21+$0x1A6B0] =	vst v1;
	v1 =	vld [tilespmem:s21+$0x186D0];
	_ =	sdelay $0x1  }
0x2d1: {  	v0 =	vld.idx.msk [tilespmem:v0+s28+$0x0], $0xffff;
	_ =	sdelay $0x4  }
0x2d2: {  	[tilespmem:s21+$0x1A6C0] =	vst v0  }
0x2d3: {  	v0 =	vld.idx.msk [tilespmem:v1+s28+$0x0], $0xffff;
	_ =	sdelay $0x2  }
0x2d4: {  	s20 =	sld [smem:$0x7F8];
	_ =	sdelay $0x1  }
0x2d5: {  	s22 =	simm.s32 $0x0;
	[tilespmem:s21+$0x1A6D0] =	vst v0  }
0x2d6: {  	[hbm4b:s20+s22] =	stream.linear.scatter [tilespmem:s16], [sflag:$0x3], $0x2000, $0x38;
	[tilespmem:$0x1C6A0] =	vst v63  }
0x2d7: {  	_ =	swait.ge [sflag:s17], $0x2000  }
0x2d8: {  	[sflag:s17] =	ssyncset.done $0x0  }
0x2d9: {  	s23 =	rddreg [dreg:$0x13];
	[sflag:s17] =	ssyncadd.s32 $0xFFFFE000  }
0x2da: {  	[tilespmem:s14], [sflag:$0x2] =	stream.linear.gather [hbm4b:s23+s22], $0x2000, $0x38;
	[tilespmem:$0x1C6A0] =	vst v63  }
0x2db: {  	_ =	swait.ge [sflag:s15], $0x2000  }
0x2dc: {  	[sflag:s15] =	ssyncset.done $0x0  }
0x2dd: {  	s19 =	simm.s32 $0x0;
	[sflag:s15] =	ssyncadd.s32 $0xFFFFE000  }
0x2de: {  	v0 =	vld [tilespmem:s19+$0x186A0];
	_ =	sdelay $0x5  }
0x2df: {  	v1 =	vld [tilespmem:s19+$0x186B0];
	_ =	sdelay $0x1  }
0x2e0: {  	v0 =	vld.idx.msk [tilespmem:v0+s28+$0x0], $0xffff;
	_ =	sdelay $0x4  }
0x2e1: {  	v2 =	vld [tilespmem:s19+$0x186C0];
	[tilespmem:s19+$0x1A6A0] =	vst v0  }
0x2e2: {  	v0 =	vld.idx.msk [tilespmem:v1+s28+$0x0], $0xffff;
	_ =	sdelay $0x4  }
0x2e3: {  	[tilespmem:s19+$0x1A6B0] =	vst v0;
	v0 =	vld [tilespmem:s19+$0x186D0];
	_ =	sdelay $0x1  }
0x2e4: {  	v1 =	vld.idx.msk [tilespmem:v2+s28+$0x0], $0xffff;
	_ =	sdelay $0x3  }
0x2e5: {  	s21 =	simm.s32 $0x40;
	s20 =	simm.s32 $0x200  }
.LBB2_32:
0x2e6: {  	p1 =	sne.s32 s20, $0x7F00;
	v2 =	vld [tilespmem:s21+$0x186A0];
	[tilespmem:s19+$0x1A6C0] =	vst v1  }
0x2e7: {  	v0 =	vld.idx.msk [tilespmem:v0+s28+$0x0], $0xffff;
	_ =	sdelay $0x5  }
0x2e8: {  	v1 =	vld [tilespmem:s21+$0x186B0];
	[tilespmem:s19+$0x1A6D0] =	vst v0;
	s19 =	smov.u32 s21  }
0x2e9: {  	v0 =	vld.idx.msk [tilespmem:v2+s28+$0x0], $0xffff;
	_ =	sdelay $0x5  }
0x2ea: {  	[tilespmem:s19+$0x1A6A0] =	vst v0;
	v2 =	vld [tilespmem:s19+$0x186C0]  }
0x2eb: {  	v0 =	vld.idx.msk [tilespmem:v1+s28+$0x0], $0xffff;
	_ =	sdelay $0x5  }
0x2ec: {  	[tilespmem:s19+$0x1A6B0] =	vst v0;
	v0 =	vld [tilespmem:s19+$0x186D0]  }
0x2ed: {  	v1 =	vld.idx.msk [tilespmem:v2+s28+$0x0], $0xffff  }
.Ltmp15:
0x2ee: {  	(pc) =	sbr.rel @p1 .LBB2_32-.Ltmp15, $2  }
0x2ef: {  	_ =	sdelay $0x2  }
0x2f0: {  	s21 =	sshra.s32 s20, $0x2;
	s20 =	sadd.s32 $0x100, s20  }
0x2f1: {  	_ =	sdelay $0x1  }
0x2f2: {  	v2 =	vld [tilespmem:s21+$0x186A0]  }
0x2f3: {  	[tilespmem:s19+$0x1A6C0] =	vst v1  }
0x2f4: {  	v0 =	vld.idx.msk [tilespmem:v0+s28+$0x0], $0xffff;
	_ =	sdelay $0x3  }
0x2f5: {  	v1 =	vld [tilespmem:s21+$0x186B0]  }
0x2f6: {  	[tilespmem:s19+$0x1A6D0] =	vst v0  }
0x2f7: {  	v0 =	vld.idx.msk [tilespmem:v2+s28+$0x0], $0xffff;
	_ =	sdelay $0x4  }
0x2f8: {  	[tilespmem:s21+$0x1A6A0] =	vst v0;
	v0 =	vld [tilespmem:s21+$0x186C0]  }
0x2f9: {  	v1 =	vld.idx.msk [tilespmem:v1+s28+$0x0], $0xffff;
	_ =	sdelay $0x4  }
0x2fa: {  	[tilespmem:s21+$0x1A6B0] =	vst v1;
	v1 =	vld [tilespmem:s21+$0x186D0];
	_ =	sdelay $0x1  }
0x2fb: {  	v0 =	vld.idx.msk [tilespmem:v0+s28+$0x0], $0xffff;
	_ =	sdelay $0x4  }
0x2fc: {  	[tilespmem:s21+$0x1A6C0] =	vst v0  }
0x2fd: {  	v0 =	vld.idx.msk [tilespmem:v1+s28+$0x0], $0xffff;
	_ =	sdelay $0x2  }
0x2fe: {  	s20 =	sld [smem:$0x7F9];
	_ =	sdelay $0x1  }
0x2ff: {  	s22 =	simm.s32 $0x0;
	[tilespmem:s21+$0x1A6D0] =	vst v0  }
0x300: {  	[hbm4b:s20+s22] =	stream.linear.scatter [tilespmem:s16], [sflag:$0x3], $0x2000, $0x38;
	[tilespmem:$0x1C6A0] =	vst v63  }
0x301: {  	_ =	swait.ge [sflag:s17], $0x2000  }
0x302: {  	[sflag:s17] =	ssyncset.done $0x0  }
0x303: {  	[sflag:s17] =	ssyncadd.s32 $0xFFFFE000  }
0x304: {  	[tilespmem:s22], [sflag:$0x1] =	stream.linear.gather [hbm4b:s8+s22], $0x186A0, $0x38;
	[tilespmem:$0x1C6A0] =	vst v63  }
0x305: {  	_ =	swait.ge [sflag:s13], $0x186A0  }
0x306: {  	[sflag:s13] =	ssyncset.done $0x0  }
0x307: {  	s23 =	rddreg [dreg:$0x14];
	[sflag:s13] =	ssyncadd.s32 $0xFFFE7960  }
0x308: {  	[tilespmem:s14], [sflag:$0x2] =	stream.linear.gather [hbm4b:s23+s22], $0x2000, $0x38;
	[tilespmem:$0x1C6A0] =	vst v63  }
0x309: {  	_ =	swait.ge [sflag:s15], $0x2000  }
0x30a: {  	[sflag:s15] =	ssyncset.done $0x0  }
0x30b: {  	s19 =	simm.s32 $0x0;
	[sflag:s15] =	ssyncadd.s32 $0xFFFFE000  }
0x30c: {  	v0 =	vld [tilespmem:s19+$0x186A0];
	_ =	sdelay $0x5  }
0x30d: {  	v1 =	vld [tilespmem:s19+$0x186B0];
	_ =	sdelay $0x1  }
0x30e: {  	v0 =	vld.idx.msk [tilespmem:v0+s28+$0x0], $0xffff;
	_ =	sdelay $0x4  }
0x30f: {  	v2 =	vld [tilespmem:s19+$0x186C0];
	[tilespmem:s19+$0x1A6A0] =	vst v0  }
0x310: {  	v0 =	vld.idx.msk [tilespmem:v1+s28+$0x0], $0xffff;
	_ =	sdelay $0x4  }
0x311: {  	[tilespmem:s19+$0x1A6B0] =	vst v0;
	v0 =	vld [tilespmem:s19+$0x186D0];
	_ =	sdelay $0x1  }
0x312: {  	v1 =	vld.idx.msk [tilespmem:v2+s28+$0x0], $0xffff;
	_ =	sdelay $0x3  }
0x313: {  	s21 =	simm.s32 $0x40;
	s20 =	simm.s32 $0x200  }
.LBB2_34:
0x314: {  	p1 =	sne.s32 s20, $0x7F00;
	v2 =	vld [tilespmem:s21+$0x186A0];
	[tilespmem:s19+$0x1A6C0] =	vst v1  }
0x315: {  	v0 =	vld.idx.msk [tilespmem:v0+s28+$0x0], $0xffff;
	_ =	sdelay $0x5  }
0x316: {  	v1 =	vld [tilespmem:s21+$0x186B0];
	[tilespmem:s19+$0x1A6D0] =	vst v0;
	s19 =	smov.u32 s21  }
0x317: {  	v0 =	vld.idx.msk [tilespmem:v2+s28+$0x0], $0xffff;
	_ =	sdelay $0x5  }
0x318: {  	[tilespmem:s19+$0x1A6A0] =	vst v0;
	v2 =	vld [tilespmem:s19+$0x186C0]  }
0x319: {  	v0 =	vld.idx.msk [tilespmem:v1+s28+$0x0], $0xffff;
	_ =	sdelay $0x5  }
0x31a: {  	[tilespmem:s19+$0x1A6B0] =	vst v0;
	v0 =	vld [tilespmem:s19+$0x186D0]  }
0x31b: {  	v1 =	vld.idx.msk [tilespmem:v2+s28+$0x0], $0xffff  }
.Ltmp16:
0x31c: {  	(pc) =	sbr.rel @p1 .LBB2_34-.Ltmp16, $2  }
0x31d: {  	_ =	sdelay $0x2  }
0x31e: {  	s21 =	sshra.s32 s20, $0x2;
	s20 =	sadd.s32 $0x100, s20  }
0x31f: {  	_ =	sdelay $0x1  }
0x320: {  	v2 =	vld [tilespmem:s21+$0x186A0]  }
0x321: {  	[tilespmem:s19+$0x1A6C0] =	vst v1  }
0x322: {  	v0 =	vld.idx.msk [tilespmem:v0+s28+$0x0], $0xffff;
	_ =	sdelay $0x3  }
0x323: {  	v1 =	vld [tilespmem:s21+$0x186B0]  }
0x324: {  	[tilespmem:s19+$0x1A6D0] =	vst v0  }
0x325: {  	v0 =	vld.idx.msk [tilespmem:v2+s28+$0x0], $0xffff;
	_ =	sdelay $0x4  }
0x326: {  	[tilespmem:s21+$0x1A6A0] =	vst v0;
	v0 =	vld [tilespmem:s21+$0x186C0]  }
0x327: {  	v1 =	vld.idx.msk [tilespmem:v1+s28+$0x0], $0xffff;
	_ =	sdelay $0x4  }
0x328: {  	[tilespmem:s21+$0x1A6B0] =	vst v1;
	v1 =	vld [tilespmem:s21+$0x186D0];
	_ =	sdelay $0x1  }
0x329: {  	v0 =	vld.idx.msk [tilespmem:v0+s28+$0x0], $0xffff;
	_ =	sdelay $0x4  }
0x32a: {  	[tilespmem:s21+$0x1A6C0] =	vst v0  }
0x32b: {  	v0 =	vld.idx.msk [tilespmem:v1+s28+$0x0], $0xffff;
	_ =	sdelay $0x2  }
0x32c: {  	s20 =	sld [smem:$0x7FA];
	_ =	sdelay $0x1  }
0x32d: {  	s22 =	simm.s32 $0x0;
	[tilespmem:s21+$0x1A6D0] =	vst v0  }
0x32e: {  	[hbm4b:s20+s22] =	stream.linear.scatter [tilespmem:s16], [sflag:$0x3], $0x2000, $0x38;
	[tilespmem:$0x1C6A0] =	vst v63  }
0x32f: {  	_ =	swait.ge [sflag:s17], $0x2000  }
0x330: {  	[sflag:s17] =	ssyncset.done $0x0  }
0x331: {  	s23 =	rddreg [dreg:$0x15];
	[sflag:s17] =	ssyncadd.s32 $0xFFFFE000  }
0x332: {  	[tilespmem:s14], [sflag:$0x2] =	stream.linear.gather [hbm4b:s23+s22], $0x2000, $0x38;
	[tilespmem:$0x1C6A0] =	vst v63  }
0x333: {  	_ =	swait.ge [sflag:s15], $0x2000  }
0x334: {  	[sflag:s15] =	ssyncset.done $0x0  }
0x335: {  	s19 =	simm.s32 $0x0;
	[sflag:s15] =	ssyncadd.s32 $0xFFFFE000  }
0x336: {  	v0 =	vld [tilespmem:s19+$0x186A0];
	_ =	sdelay $0x5  }
0x337: {  	v1 =	vld [tilespmem:s19+$0x186B0];
	_ =	sdelay $0x1  }
0x338: {  	v0 =	vld.idx.msk [tilespmem:v0+s28+$0x0], $0xffff;
	_ =	sdelay $0x4  }
0x339: {  	v2 =	vld [tilespmem:s19+$0x186C0];
	[tilespmem:s19+$0x1A6A0] =	vst v0  }
0x33a: {  	v0 =	vld.idx.msk [tilespmem:v1+s28+$0x0], $0xffff;
	_ =	sdelay $0x4  }
0x33b: {  	[tilespmem:s19+$0x1A6B0] =	vst v0;
	v0 =	vld [tilespmem:s19+$0x186D0];
	_ =	sdelay $0x1  }
0x33c: {  	v1 =	vld.idx.msk [tilespmem:v2+s28+$0x0], $0xffff;
	_ =	sdelay $0x3  }
0x33d: {  	s21 =	simm.s32 $0x40;
	s20 =	simm.s32 $0x200  }
.LBB2_36:
0x33e: {  	p1 =	sne.s32 s20, $0x7F00;
	v2 =	vld [tilespmem:s21+$0x186A0];
	[tilespmem:s19+$0x1A6C0] =	vst v1  }
0x33f: {  	v0 =	vld.idx.msk [tilespmem:v0+s28+$0x0], $0xffff;
	_ =	sdelay $0x5  }
0x340: {  	v1 =	vld [tilespmem:s21+$0x186B0];
	[tilespmem:s19+$0x1A6D0] =	vst v0;
	s19 =	smov.u32 s21  }
0x341: {  	v0 =	vld.idx.msk [tilespmem:v2+s28+$0x0], $0xffff;
	_ =	sdelay $0x5  }
0x342: {  	[tilespmem:s19+$0x1A6A0] =	vst v0;
	v2 =	vld [tilespmem:s19+$0x186C0]  }
0x343: {  	v0 =	vld.idx.msk [tilespmem:v1+s28+$0x0], $0xffff;
	_ =	sdelay $0x5  }
0x344: {  	[tilespmem:s19+$0x1A6B0] =	vst v0;
	v0 =	vld [tilespmem:s19+$0x186D0]  }
0x345: {  	v1 =	vld.idx.msk [tilespmem:v2+s28+$0x0], $0xffff  }
.Ltmp17:
0x346: {  	(pc) =	sbr.rel @p1 .LBB2_36-.Ltmp17, $2  }
0x347: {  	_ =	sdelay $0x2  }
0x348: {  	s21 =	sshra.s32 s20, $0x2;
	s20 =	sadd.s32 $0x100, s20  }
0x349: {  	_ =	sdelay $0x1  }
0x34a: {  	v2 =	vld [tilespmem:s21+$0x186A0]  }
0x34b: {  	[tilespmem:s19+$0x1A6C0] =	vst v1  }
0x34c: {  	v0 =	vld.idx.msk [tilespmem:v0+s28+$0x0], $0xffff;
	_ =	sdelay $0x3  }
0x34d: {  	v1 =	vld [tilespmem:s21+$0x186B0]  }
0x34e: {  	[tilespmem:s19+$0x1A6D0] =	vst v0  }
0x34f: {  	v0 =	vld.idx.msk [tilespmem:v2+s28+$0x0], $0xffff;
	_ =	sdelay $0x4  }
0x350: {  	[tilespmem:s21+$0x1A6A0] =	vst v0;
	v0 =	vld [tilespmem:s21+$0x186C0]  }
0x351: {  	v1 =	vld.idx.msk [tilespmem:v1+s28+$0x0], $0xffff;
	_ =	sdelay $0x4  }
0x352: {  	[tilespmem:s21+$0x1A6B0] =	vst v1;
	v1 =	vld [tilespmem:s21+$0x186D0];
	_ =	sdelay $0x1  }
0x353: {  	v0 =	vld.idx.msk [tilespmem:v0+s28+$0x0], $0xffff;
	_ =	sdelay $0x4  }
0x354: {  	[tilespmem:s21+$0x1A6C0] =	vst v0  }
0x355: {  	v0 =	vld.idx.msk [tilespmem:v1+s28+$0x0], $0xffff;
	_ =	sdelay $0x2  }
0x356: {  	s20 =	sld [smem:$0x7FB];
	_ =	sdelay $0x1  }
0x357: {  	s22 =	simm.s32 $0x0;
	[tilespmem:s21+$0x1A6D0] =	vst v0  }
0x358: {  	[hbm4b:s20+s22] =	stream.linear.scatter [tilespmem:s16], [sflag:$0x3], $0x2000, $0x38;
	[tilespmem:$0x1C6A0] =	vst v63  }
0x359: {  	_ =	swait.ge [sflag:s17], $0x2000  }
0x35a: {  	[sflag:s17] =	ssyncset.done $0x0  }
0x35b: {  	[sflag:s17] =	ssyncadd.s32 $0xFFFFE000  }
0x35c: {  	[tilespmem:s22], [sflag:$0x1] =	stream.linear.gather [hbm4b:s9+s22], $0x186A0, $0x38;
	[tilespmem:$0x1C6A0] =	vst v63  }
0x35d: {  	_ =	swait.ge [sflag:s13], $0x186A0  }
0x35e: {  	[sflag:s13] =	ssyncset.done $0x0  }
0x35f: {  	s23 =	rddreg [dreg:$0x16];
	[sflag:s13] =	ssyncadd.s32 $0xFFFE7960  }
0x360: {  	[tilespmem:s14], [sflag:$0x2] =	stream.linear.gather [hbm4b:s23+s22], $0x2000, $0x38;
	[tilespmem:$0x1C6A0] =	vst v63  }
0x361: {  	_ =	swait.ge [sflag:s15], $0x2000  }
0x362: {  	[sflag:s15] =	ssyncset.done $0x0  }
0x363: {  	s19 =	simm.s32 $0x0;
	[sflag:s15] =	ssyncadd.s32 $0xFFFFE000  }
0x364: {  	v0 =	vld [tilespmem:s19+$0x186A0];
	_ =	sdelay $0x5  }
0x365: {  	v1 =	vld [tilespmem:s19+$0x186B0];
	_ =	sdelay $0x1  }
0x366: {  	v0 =	vld.idx.msk [tilespmem:v0+s28+$0x0], $0xffff;
	_ =	sdelay $0x4  }
0x367: {  	v2 =	vld [tilespmem:s19+$0x186C0];
	[tilespmem:s19+$0x1A6A0] =	vst v0  }
0x368: {  	v0 =	vld.idx.msk [tilespmem:v1+s28+$0x0], $0xffff;
	_ =	sdelay $0x4  }
0x369: {  	[tilespmem:s19+$0x1A6B0] =	vst v0;
	v0 =	vld [tilespmem:s19+$0x186D0];
	_ =	sdelay $0x1  }
0x36a: {  	v1 =	vld.idx.msk [tilespmem:v2+s28+$0x0], $0xffff;
	_ =	sdelay $0x3  }
0x36b: {  	s21 =	simm.s32 $0x40;
	s20 =	simm.s32 $0x200  }
.LBB2_38:
0x36c: {  	p1 =	sne.s32 s20, $0x7F00;
	v2 =	vld [tilespmem:s21+$0x186A0];
	[tilespmem:s19+$0x1A6C0] =	vst v1  }
0x36d: {  	v0 =	vld.idx.msk [tilespmem:v0+s28+$0x0], $0xffff;
	_ =	sdelay $0x5  }
0x36e: {  	v1 =	vld [tilespmem:s21+$0x186B0];
	[tilespmem:s19+$0x1A6D0] =	vst v0;
	s19 =	smov.u32 s21  }
0x36f: {  	v0 =	vld.idx.msk [tilespmem:v2+s28+$0x0], $0xffff;
	_ =	sdelay $0x5  }
0x370: {  	[tilespmem:s19+$0x1A6A0] =	vst v0;
	v2 =	vld [tilespmem:s19+$0x186C0]  }
0x371: {  	v0 =	vld.idx.msk [tilespmem:v1+s28+$0x0], $0xffff;
	_ =	sdelay $0x5  }
0x372: {  	[tilespmem:s19+$0x1A6B0] =	vst v0;
	v0 =	vld [tilespmem:s19+$0x186D0]  }
0x373: {  	v1 =	vld.idx.msk [tilespmem:v2+s28+$0x0], $0xffff  }
.Ltmp18:
0x374: {  	(pc) =	sbr.rel @p1 .LBB2_38-.Ltmp18, $2  }
0x375: {  	_ =	sdelay $0x2  }
0x376: {  	s21 =	sshra.s32 s20, $0x2;
	s20 =	sadd.s32 $0x100, s20  }
0x377: {  	_ =	sdelay $0x1  }
0x378: {  	v2 =	vld [tilespmem:s21+$0x186A0]  }
0x379: {  	[tilespmem:s19+$0x1A6C0] =	vst v1  }
0x37a: {  	v0 =	vld.idx.msk [tilespmem:v0+s28+$0x0], $0xffff;
	_ =	sdelay $0x3  }
0x37b: {  	v1 =	vld [tilespmem:s21+$0x186B0]  }
0x37c: {  	[tilespmem:s19+$0x1A6D0] =	vst v0  }
0x37d: {  	v0 =	vld.idx.msk [tilespmem:v2+s28+$0x0], $0xffff;
	_ =	sdelay $0x4  }
0x37e: {  	[tilespmem:s21+$0x1A6A0] =	vst v0;
	v0 =	vld [tilespmem:s21+$0x186C0]  }
0x37f: {  	v1 =	vld.idx.msk [tilespmem:v1+s28+$0x0], $0xffff;
	_ =	sdelay $0x4  }
0x380: {  	[tilespmem:s21+$0x1A6B0] =	vst v1;
	v1 =	vld [tilespmem:s21+$0x186D0];
	_ =	sdelay $0x1  }
0x381: {  	v0 =	vld.idx.msk [tilespmem:v0+s28+$0x0], $0xffff;
	_ =	sdelay $0x4  }
0x382: {  	[tilespmem:s21+$0x1A6C0] =	vst v0  }
0x383: {  	v0 =	vld.idx.msk [tilespmem:v1+s28+$0x0], $0xffff;
	_ =	sdelay $0x2  }
0x384: {  	s20 =	sld [smem:$0x7FC];
	_ =	sdelay $0x1  }
0x385: {  	s22 =	simm.s32 $0x0;
	[tilespmem:s21+$0x1A6D0] =	vst v0  }
0x386: {  	[hbm4b:s20+s22] =	stream.linear.scatter [tilespmem:s16], [sflag:$0x3], $0x2000, $0x38;
	[tilespmem:$0x1C6A0] =	vst v63  }
0x387: {  	_ =	swait.ge [sflag:s17], $0x2000  }
0x388: {  	[sflag:s17] =	ssyncset.done $0x0  }
0x389: {  	s23 =	rddreg [dreg:$0x17];
	[sflag:s17] =	ssyncadd.s32 $0xFFFFE000  }
0x38a: {  	[tilespmem:s14], [sflag:$0x2] =	stream.linear.gather [hbm4b:s23+s22], $0x2000, $0x38;
	[tilespmem:$0x1C6A0] =	vst v63  }
0x38b: {  	_ =	swait.ge [sflag:s15], $0x2000  }
0x38c: {  	[sflag:s15] =	ssyncset.done $0x0  }
0x38d: {  	s19 =	simm.s32 $0x0;
	[sflag:s15] =	ssyncadd.s32 $0xFFFFE000  }
0x38e: {  	v0 =	vld [tilespmem:s19+$0x186A0];
	_ =	sdelay $0x5  }
0x38f: {  	v1 =	vld [tilespmem:s19+$0x186B0];
	_ =	sdelay $0x1  }
0x390: {  	v0 =	vld.idx.msk [tilespmem:v0+s28+$0x0], $0xffff;
	_ =	sdelay $0x4  }
0x391: {  	v2 =	vld [tilespmem:s19+$0x186C0];
	[tilespmem:s19+$0x1A6A0] =	vst v0  }
0x392: {  	v0 =	vld.idx.msk [tilespmem:v1+s28+$0x0], $0xffff;
	_ =	sdelay $0x4  }
0x393: {  	[tilespmem:s19+$0x1A6B0] =	vst v0;
	v0 =	vld [tilespmem:s19+$0x186D0];
	_ =	sdelay $0x1  }
0x394: {  	v1 =	vld.idx.msk [tilespmem:v2+s28+$0x0], $0xffff;
	_ =	sdelay $0x3  }
0x395: {  	s21 =	simm.s32 $0x40;
	s20 =	simm.s32 $0x200  }
.LBB2_40:
0x396: {  	p1 =	sne.s32 s20, $0x7F00;
	v2 =	vld [tilespmem:s21+$0x186A0];
	[tilespmem:s19+$0x1A6C0] =	vst v1  }
0x397: {  	v0 =	vld.idx.msk [tilespmem:v0+s28+$0x0], $0xffff;
	_ =	sdelay $0x5  }
0x398: {  	v1 =	vld [tilespmem:s21+$0x186B0];
	[tilespmem:s19+$0x1A6D0] =	vst v0;
	s19 =	smov.u32 s21  }
0x399: {  	v0 =	vld.idx.msk [tilespmem:v2+s28+$0x0], $0xffff;
	_ =	sdelay $0x5  }
0x39a: {  	[tilespmem:s19+$0x1A6A0] =	vst v0;
	v2 =	vld [tilespmem:s19+$0x186C0]  }
0x39b: {  	v0 =	vld.idx.msk [tilespmem:v1+s28+$0x0], $0xffff;
	_ =	sdelay $0x5  }
0x39c: {  	[tilespmem:s19+$0x1A6B0] =	vst v0;
	v0 =	vld [tilespmem:s19+$0x186D0]  }
0x39d: {  	v1 =	vld.idx.msk [tilespmem:v2+s28+$0x0], $0xffff  }
.Ltmp19:
0x39e: {  	(pc) =	sbr.rel @p1 .LBB2_40-.Ltmp19, $2  }
0x39f: {  	_ =	sdelay $0x2  }
0x3a0: {  	s21 =	sshra.s32 s20, $0x2;
	s20 =	sadd.s32 $0x100, s20  }
0x3a1: {  	_ =	sdelay $0x1  }
0x3a2: {  	v2 =	vld [tilespmem:s21+$0x186A0]  }
0x3a3: {  	[tilespmem:s19+$0x1A6C0] =	vst v1  }
0x3a4: {  	v0 =	vld.idx.msk [tilespmem:v0+s28+$0x0], $0xffff;
	_ =	sdelay $0x3  }
0x3a5: {  	v1 =	vld [tilespmem:s21+$0x186B0]  }
0x3a6: {  	[tilespmem:s19+$0x1A6D0] =	vst v0  }
0x3a7: {  	v0 =	vld.idx.msk [tilespmem:v2+s28+$0x0], $0xffff;
	_ =	sdelay $0x4  }
0x3a8: {  	[tilespmem:s21+$0x1A6A0] =	vst v0;
	v0 =	vld [tilespmem:s21+$0x186C0]  }
0x3a9: {  	v1 =	vld.idx.msk [tilespmem:v1+s28+$0x0], $0xffff;
	_ =	sdelay $0x4  }
0x3aa: {  	[tilespmem:s21+$0x1A6B0] =	vst v1;
	v1 =	vld [tilespmem:s21+$0x186D0];
	_ =	sdelay $0x1  }
0x3ab: {  	v0 =	vld.idx.msk [tilespmem:v0+s28+$0x0], $0xffff;
	_ =	sdelay $0x4  }
0x3ac: {  	[tilespmem:s21+$0x1A6C0] =	vst v0  }
0x3ad: {  	v0 =	vld.idx.msk [tilespmem:v1+s28+$0x0], $0xffff;
	_ =	sdelay $0x2  }
0x3ae: {  	s20 =	sld [smem:$0x7FD];
	_ =	sdelay $0x1  }
0x3af: {  	s22 =	simm.s32 $0x0;
	[tilespmem:s21+$0x1A6D0] =	vst v0  }
0x3b0: {  	[hbm4b:s20+s22] =	stream.linear.scatter [tilespmem:s16], [sflag:$0x3], $0x2000, $0x38;
	[tilespmem:$0x1C6A0] =	vst v63  }
0x3b1: {  	_ =	swait.ge [sflag:s17], $0x2000  }
0x3b2: {  	[sflag:s17] =	ssyncset.done $0x0  }
0x3b3: {  	[sflag:s17] =	ssyncadd.s32 $0xFFFFE000  }
0x3b4: {  	[tilespmem:s22], [sflag:$0x1] =	stream.linear.gather [hbm4b:s10+s22], $0x186A0, $0x38;
	[tilespmem:$0x1C6A0] =	vst v63  }
0x3b5: {  	_ =	swait.ge [sflag:s13], $0x186A0  }
0x3b6: {  	[sflag:s13] =	ssyncset.done $0x0  }
0x3b7: {  	s23 =	rddreg [dreg:$0x18];
	[sflag:s13] =	ssyncadd.s32 $0xFFFE7960  }
0x3b8: {  	[tilespmem:s14], [sflag:$0x2] =	stream.linear.gather [hbm4b:s23+s22], $0x2000, $0x38;
	[tilespmem:$0x1C6A0] =	vst v63  }
0x3b9: {  	_ =	swait.ge [sflag:s15], $0x2000  }
0x3ba: {  	[sflag:s15] =	ssyncset.done $0x0  }
0x3bb: {  	s19 =	simm.s32 $0x0;
	[sflag:s15] =	ssyncadd.s32 $0xFFFFE000  }
0x3bc: {  	v0 =	vld [tilespmem:s19+$0x186A0];
	_ =	sdelay $0x5  }
0x3bd: {  	v1 =	vld [tilespmem:s19+$0x186B0];
	_ =	sdelay $0x1  }
0x3be: {  	v0 =	vld.idx.msk [tilespmem:v0+s28+$0x0], $0xffff;
	_ =	sdelay $0x4  }
0x3bf: {  	v2 =	vld [tilespmem:s19+$0x186C0];
	[tilespmem:s19+$0x1A6A0] =	vst v0  }
0x3c0: {  	v0 =	vld.idx.msk [tilespmem:v1+s28+$0x0], $0xffff;
	_ =	sdelay $0x4  }
0x3c1: {  	[tilespmem:s19+$0x1A6B0] =	vst v0;
	v0 =	vld [tilespmem:s19+$0x186D0];
	_ =	sdelay $0x1  }
0x3c2: {  	v1 =	vld.idx.msk [tilespmem:v2+s28+$0x0], $0xffff;
	_ =	sdelay $0x3  }
0x3c3: {  	s21 =	simm.s32 $0x40;
	s20 =	simm.s32 $0x200  }
.LBB2_42:
0x3c4: {  	p1 =	sne.s32 s20, $0x7F00;
	v2 =	vld [tilespmem:s21+$0x186A0];
	[tilespmem:s19+$0x1A6C0] =	vst v1  }
0x3c5: {  	v0 =	vld.idx.msk [tilespmem:v0+s28+$0x0], $0xffff;
	_ =	sdelay $0x5  }
0x3c6: {  	v1 =	vld [tilespmem:s21+$0x186B0];
	[tilespmem:s19+$0x1A6D0] =	vst v0;
	s19 =	smov.u32 s21  }
0x3c7: {  	v0 =	vld.idx.msk [tilespmem:v2+s28+$0x0], $0xffff;
	_ =	sdelay $0x5  }
0x3c8: {  	[tilespmem:s19+$0x1A6A0] =	vst v0;
	v2 =	vld [tilespmem:s19+$0x186C0]  }
0x3c9: {  	v0 =	vld.idx.msk [tilespmem:v1+s28+$0x0], $0xffff;
	_ =	sdelay $0x5  }
0x3ca: {  	[tilespmem:s19+$0x1A6B0] =	vst v0;
	v0 =	vld [tilespmem:s19+$0x186D0]  }
0x3cb: {  	v1 =	vld.idx.msk [tilespmem:v2+s28+$0x0], $0xffff  }
.Ltmp20:
0x3cc: {  	(pc) =	sbr.rel @p1 .LBB2_42-.Ltmp20, $2  }
0x3cd: {  	_ =	sdelay $0x2  }
0x3ce: {  	s21 =	sshra.s32 s20, $0x2;
	s20 =	sadd.s32 $0x100, s20  }
0x3cf: {  	_ =	sdelay $0x1  }
0x3d0: {  	v2 =	vld [tilespmem:s21+$0x186A0]  }
0x3d1: {  	[tilespmem:s19+$0x1A6C0] =	vst v1  }
0x3d2: {  	v0 =	vld.idx.msk [tilespmem:v0+s28+$0x0], $0xffff;
	_ =	sdelay $0x3  }
0x3d3: {  	v1 =	vld [tilespmem:s21+$0x186B0]  }
0x3d4: {  	[tilespmem:s19+$0x1A6D0] =	vst v0  }
0x3d5: {  	v0 =	vld.idx.msk [tilespmem:v2+s28+$0x0], $0xffff;
	_ =	sdelay $0x4  }
0x3d6: {  	[tilespmem:s21+$0x1A6A0] =	vst v0;
	v0 =	vld [tilespmem:s21+$0x186C0]  }
0x3d7: {  	v1 =	vld.idx.msk [tilespmem:v1+s28+$0x0], $0xffff;
	_ =	sdelay $0x4  }
0x3d8: {  	[tilespmem:s21+$0x1A6B0] =	vst v1;
	v1 =	vld [tilespmem:s21+$0x186D0];
	_ =	sdelay $0x1  }
0x3d9: {  	v0 =	vld.idx.msk [tilespmem:v0+s28+$0x0], $0xffff;
	_ =	sdelay $0x4  }
0x3da: {  	[tilespmem:s21+$0x1A6C0] =	vst v0  }
0x3db: {  	v0 =	vld.idx.msk [tilespmem:v1+s28+$0x0], $0xffff;
	_ =	sdelay $0x4  }
0x3dc: {  	s23 =	simm.s32 $0x0;
	[tilespmem:s21+$0x1A6D0] =	vst v0  }
0x3dd: {  	[hbm4b:s24+s23] =	stream.linear.scatter [tilespmem:s16], [sflag:$0x3], $0x2000, $0x38;
	[tilespmem:$0x1C6A0] =	vst v63  }
0x3de: {  	_ =	swait.ge [sflag:s17], $0x2000  }
0x3df: {  	[sflag:s17] =	ssyncset.done $0x0  }
0x3e0: {  	s20 =	rddreg [dreg:$0x19];
	[sflag:s17] =	ssyncadd.s32 $0xFFFFE000  }
0x3e1: {  	[tilespmem:s14], [sflag:$0x2] =	stream.linear.gather [hbm4b:s20+s23], $0x2000, $0x38;
	[tilespmem:$0x1C6A0] =	vst v63  }
0x3e2: {  	_ =	swait.ge [sflag:s15], $0x2000  }
0x3e3: {  	[sflag:s15] =	ssyncset.done $0x0  }
0x3e4: {  	s19 =	simm.s32 $0x0;
	[sflag:s15] =	ssyncadd.s32 $0xFFFFE000  }
0x3e5: {  	v0 =	vld [tilespmem:s19+$0x186A0];
	_ =	sdelay $0x5  }
0x3e6: {  	v1 =	vld [tilespmem:s19+$0x186B0];
	_ =	sdelay $0x1  }
0x3e7: {  	v0 =	vld.idx.msk [tilespmem:v0+s28+$0x0], $0xffff;
	_ =	sdelay $0x4  }
0x3e8: {  	v2 =	vld [tilespmem:s19+$0x186C0];
	[tilespmem:s19+$0x1A6A0] =	vst v0  }
0x3e9: {  	v0 =	vld.idx.msk [tilespmem:v1+s28+$0x0], $0xffff;
	_ =	sdelay $0x4  }
0x3ea: {  	[tilespmem:s19+$0x1A6B0] =	vst v0;
	v0 =	vld [tilespmem:s19+$0x186D0];
	_ =	sdelay $0x1  }
0x3eb: {  	v1 =	vld.idx.msk [tilespmem:v2+s28+$0x0], $0xffff;
	_ =	sdelay $0x3  }
0x3ec: {  	s21 =	simm.s32 $0x40;
	s20 =	simm.s32 $0x200  }
.LBB2_44:
0x3ed: {  	p1 =	sne.s32 s20, $0x7F00;
	v2 =	vld [tilespmem:s21+$0x186A0];
	[tilespmem:s19+$0x1A6C0] =	vst v1  }
0x3ee: {  	v0 =	vld.idx.msk [tilespmem:v0+s28+$0x0], $0xffff;
	_ =	sdelay $0x5  }
0x3ef: {  	v1 =	vld [tilespmem:s21+$0x186B0];
	[tilespmem:s19+$0x1A6D0] =	vst v0;
	s19 =	smov.u32 s21  }
0x3f0: {  	v0 =	vld.idx.msk [tilespmem:v2+s28+$0x0], $0xffff;
	_ =	sdelay $0x5  }
0x3f1: {  	[tilespmem:s19+$0x1A6A0] =	vst v0;
	v2 =	vld [tilespmem:s19+$0x186C0]  }
0x3f2: {  	v0 =	vld.idx.msk [tilespmem:v1+s28+$0x0], $0xffff;
	_ =	sdelay $0x5  }
0x3f3: {  	[tilespmem:s19+$0x1A6B0] =	vst v0;
	v0 =	vld [tilespmem:s19+$0x186D0]  }
0x3f4: {  	v1 =	vld.idx.msk [tilespmem:v2+s28+$0x0], $0xffff  }
.Ltmp21:
0x3f5: {  	(pc) =	sbr.rel @p1 .LBB2_44-.Ltmp21, $2  }
0x3f6: {  	_ =	sdelay $0x2  }
0x3f7: {  	s21 =	sshra.s32 s20, $0x2;
	s20 =	sadd.s32 $0x100, s20  }
0x3f8: {  	_ =	sdelay $0x1  }
0x3f9: {  	v2 =	vld [tilespmem:s21+$0x186A0]  }
0x3fa: {  	[tilespmem:s19+$0x1A6C0] =	vst v1  }
0x3fb: {  	v0 =	vld.idx.msk [tilespmem:v0+s28+$0x0], $0xffff;
	_ =	sdelay $0x3  }
0x3fc: {  	v1 =	vld [tilespmem:s21+$0x186B0]  }
0x3fd: {  	[tilespmem:s19+$0x1A6D0] =	vst v0  }
0x3fe: {  	v0 =	vld.idx.msk [tilespmem:v2+s28+$0x0], $0xffff;
	_ =	sdelay $0x4  }
0x3ff: {  	[tilespmem:s21+$0x1A6A0] =	vst v0;
	v0 =	vld [tilespmem:s21+$0x186C0]  }
0x400: {  	v1 =	vld.idx.msk [tilespmem:v1+s28+$0x0], $0xffff;
	_ =	sdelay $0x4  }
0x401: {  	[tilespmem:s21+$0x1A6B0] =	vst v1;
	v1 =	vld [tilespmem:s21+$0x186D0];
	_ =	sdelay $0x1  }
0x402: {  	v0 =	vld.idx.msk [tilespmem:v0+s28+$0x0], $0xffff;
	_ =	sdelay $0x4  }
0x403: {  	[tilespmem:s21+$0x1A6C0] =	vst v0  }
0x404: {  	v0 =	vld.idx.msk [tilespmem:v1+s28+$0x0], $0xffff;
	_ =	sdelay $0x4  }
0x405: {  	s23 =	simm.s32 $0x0;
	[tilespmem:s21+$0x1A6D0] =	vst v0  }
0x406: {  	[hbm4b:s25+s23] =	stream.linear.scatter [tilespmem:s16], [sflag:$0x3], $0x2000, $0x38;
	[tilespmem:$0x1C6A0] =	vst v63  }
0x407: {  	_ =	swait.ge [sflag:s17], $0x2000  }
0x408: {  	[sflag:s17] =	ssyncset.done $0x0  }
0x409: {  	[sflag:s17] =	ssyncadd.s32 $0xFFFFE000  }
0x40a: {  	[tilespmem:s23], [sflag:$0x1] =	stream.linear.gather [hbm4b:s11+s23], $0x186A0, $0x38;
	[tilespmem:$0x1C6A0] =	vst v63  }
0x40b: {  	_ =	swait.ge [sflag:s13], $0x186A0  }
0x40c: {  	[sflag:s13] =	ssyncset.done $0x0  }
0x40d: {  	s20 =	rddreg [dreg:$0x1a];
	[sflag:s13] =	ssyncadd.s32 $0xFFFE7960  }
0x40e: {  	[tilespmem:s14], [sflag:$0x2] =	stream.linear.gather [hbm4b:s20+s23], $0x2000, $0x38;
	[tilespmem:$0x1C6A0] =	vst v63  }
0x40f: {  	_ =	swait.ge [sflag:s15], $0x2000  }
0x410: {  	[sflag:s15] =	ssyncset.done $0x0  }
0x411: {  	s19 =	simm.s32 $0x0;
	[sflag:s15] =	ssyncadd.s32 $0xFFFFE000  }
0x412: {  	v0 =	vld [tilespmem:s19+$0x186A0];
	_ =	sdelay $0x5  }
0x413: {  	v1 =	vld [tilespmem:s19+$0x186B0];
	_ =	sdelay $0x1  }
0x414: {  	v0 =	vld.idx.msk [tilespmem:v0+s28+$0x0], $0xffff;
	_ =	sdelay $0x4  }
0x415: {  	v2 =	vld [tilespmem:s19+$0x186C0];
	[tilespmem:s19+$0x1A6A0] =	vst v0  }
0x416: {  	v0 =	vld.idx.msk [tilespmem:v1+s28+$0x0], $0xffff;
	_ =	sdelay $0x4  }
0x417: {  	[tilespmem:s19+$0x1A6B0] =	vst v0;
	v0 =	vld [tilespmem:s19+$0x186D0];
	_ =	sdelay $0x1  }
0x418: {  	v1 =	vld.idx.msk [tilespmem:v2+s28+$0x0], $0xffff;
	_ =	sdelay $0x3  }
0x419: {  	s21 =	simm.s32 $0x40;
	s20 =	simm.s32 $0x200  }
.LBB2_46:
0x41a: {  	p1 =	sne.s32 s20, $0x7F00;
	v2 =	vld [tilespmem:s21+$0x186A0];
	[tilespmem:s19+$0x1A6C0] =	vst v1  }
0x41b: {  	v0 =	vld.idx.msk [tilespmem:v0+s28+$0x0], $0xffff;
	_ =	sdelay $0x5  }
0x41c: {  	v1 =	vld [tilespmem:s21+$0x186B0];
	[tilespmem:s19+$0x1A6D0] =	vst v0;
	s19 =	smov.u32 s21  }
0x41d: {  	v0 =	vld.idx.msk [tilespmem:v2+s28+$0x0], $0xffff;
	_ =	sdelay $0x5  }
0x41e: {  	[tilespmem:s19+$0x1A6A0] =	vst v0;
	v2 =	vld [tilespmem:s19+$0x186C0]  }
0x41f: {  	v0 =	vld.idx.msk [tilespmem:v1+s28+$0x0], $0xffff;
	_ =	sdelay $0x5  }
0x420: {  	[tilespmem:s19+$0x1A6B0] =	vst v0;
	v0 =	vld [tilespmem:s19+$0x186D0]  }
0x421: {  	v1 =	vld.idx.msk [tilespmem:v2+s28+$0x0], $0xffff  }
.Ltmp22:
0x422: {  	(pc) =	sbr.rel @p1 .LBB2_46-.Ltmp22, $2  }
0x423: {  	_ =	sdelay $0x2  }
0x424: {  	s21 =	sshra.s32 s20, $0x2;
	s20 =	sadd.s32 $0x100, s20  }
0x425: {  	_ =	sdelay $0x1  }
0x426: {  	v2 =	vld [tilespmem:s21+$0x186A0]  }
0x427: {  	[tilespmem:s19+$0x1A6C0] =	vst v1  }
0x428: {  	v0 =	vld.idx.msk [tilespmem:v0+s28+$0x0], $0xffff;
	_ =	sdelay $0x3  }
0x429: {  	v1 =	vld [tilespmem:s21+$0x186B0]  }
0x42a: {  	[tilespmem:s19+$0x1A6D0] =	vst v0  }
0x42b: {  	v0 =	vld.idx.msk [tilespmem:v2+s28+$0x0], $0xffff;
	_ =	sdelay $0x4  }
0x42c: {  	[tilespmem:s21+$0x1A6A0] =	vst v0;
	v0 =	vld [tilespmem:s21+$0x186C0]  }
0x42d: {  	v1 =	vld.idx.msk [tilespmem:v1+s28+$0x0], $0xffff;
	_ =	sdelay $0x4  }
0x42e: {  	[tilespmem:s21+$0x1A6B0] =	vst v1;
	v1 =	vld [tilespmem:s21+$0x186D0];
	_ =	sdelay $0x1  }
0x42f: {  	v0 =	vld.idx.msk [tilespmem:v0+s28+$0x0], $0xffff;
	_ =	sdelay $0x4  }
0x430: {  	[tilespmem:s21+$0x1A6C0] =	vst v0  }
0x431: {  	v0 =	vld.idx.msk [tilespmem:v1+s28+$0x0], $0xffff;
	_ =	sdelay $0x4  }
0x432: {  	s23 =	simm.s32 $0x0;
	[tilespmem:s21+$0x1A6D0] =	vst v0  }
0x433: {  	[hbm4b:s26+s23] =	stream.linear.scatter [tilespmem:s16], [sflag:$0x3], $0x2000, $0x38;
	[tilespmem:$0x1C6A0] =	vst v63  }
0x434: {  	_ =	swait.ge [sflag:s17], $0x2000  }
0x435: {  	[sflag:s17] =	ssyncset.done $0x0  }
0x436: {  	s20 =	rddreg [dreg:$0x1b];
	[sflag:s17] =	ssyncadd.s32 $0xFFFFE000  }
0x437: {  	[tilespmem:s14], [sflag:$0x2] =	stream.linear.gather [hbm4b:s20+s23], $0x2000, $0x38;
	[tilespmem:$0x1C6A0] =	vst v63  }
0x438: {  	_ =	swait.ge [sflag:s15], $0x2000  }
0x439: {  	[sflag:s15] =	ssyncset.done $0x0  }
0x43a: {  	s19 =	simm.s32 $0x0;
	[sflag:s15] =	ssyncadd.s32 $0xFFFFE000  }
0x43b: {  	v0 =	vld [tilespmem:s19+$0x186A0];
	_ =	sdelay $0x5  }
0x43c: {  	v1 =	vld [tilespmem:s19+$0x186B0];
	_ =	sdelay $0x1  }
0x43d: {  	v0 =	vld.idx.msk [tilespmem:v0+s28+$0x0], $0xffff;
	_ =	sdelay $0x4  }
0x43e: {  	v2 =	vld [tilespmem:s19+$0x186C0];
	[tilespmem:s19+$0x1A6A0] =	vst v0  }
0x43f: {  	v0 =	vld.idx.msk [tilespmem:v1+s28+$0x0], $0xffff;
	_ =	sdelay $0x4  }
0x440: {  	[tilespmem:s19+$0x1A6B0] =	vst v0;
	v0 =	vld [tilespmem:s19+$0x186D0];
	_ =	sdelay $0x1  }
0x441: {  	v1 =	vld.idx.msk [tilespmem:v2+s28+$0x0], $0xffff;
	_ =	sdelay $0x3  }
0x442: {  	s21 =	simm.s32 $0x40;
	s20 =	simm.s32 $0x200  }
.LBB2_48:
0x443: {  	p1 =	sne.s32 s20, $0x7F00;
	v2 =	vld [tilespmem:s21+$0x186A0];
	[tilespmem:s19+$0x1A6C0] =	vst v1  }
0x444: {  	v0 =	vld.idx.msk [tilespmem:v0+s28+$0x0], $0xffff;
	_ =	sdelay $0x5  }
0x445: {  	v1 =	vld [tilespmem:s21+$0x186B0];
	[tilespmem:s19+$0x1A6D0] =	vst v0;
	s19 =	smov.u32 s21  }
0x446: {  	v0 =	vld.idx.msk [tilespmem:v2+s28+$0x0], $0xffff;
	_ =	sdelay $0x5  }
0x447: {  	[tilespmem:s19+$0x1A6A0] =	vst v0;
	v2 =	vld [tilespmem:s19+$0x186C0]  }
0x448: {  	v0 =	vld.idx.msk [tilespmem:v1+s28+$0x0], $0xffff;
	_ =	sdelay $0x5  }
0x449: {  	[tilespmem:s19+$0x1A6B0] =	vst v0;
	v0 =	vld [tilespmem:s19+$0x186D0]  }
0x44a: {  	v1 =	vld.idx.msk [tilespmem:v2+s28+$0x0], $0xffff  }
.Ltmp23:
0x44b: {  	(pc) =	sbr.rel @p1 .LBB2_48-.Ltmp23, $2  }
0x44c: {  	_ =	sdelay $0x2  }
0x44d: {  	s21 =	sshra.s32 s20, $0x2;
	s20 =	sadd.s32 $0x100, s20  }
0x44e: {  	_ =	sdelay $0x1  }
0x44f: {  	v2 =	vld [tilespmem:s21+$0x186A0]  }
0x450: {  	[tilespmem:s19+$0x1A6C0] =	vst v1  }
0x451: {  	v0 =	vld.idx.msk [tilespmem:v0+s28+$0x0], $0xffff;
	_ =	sdelay $0x3  }
0x452: {  	v1 =	vld [tilespmem:s21+$0x186B0]  }
0x453: {  	[tilespmem:s19+$0x1A6D0] =	vst v0  }
0x454: {  	v0 =	vld.idx.msk [tilespmem:v2+s28+$0x0], $0xffff;
	_ =	sdelay $0x4  }
0x455: {  	[tilespmem:s21+$0x1A6A0] =	vst v0;
	v0 =	vld [tilespmem:s21+$0x186C0]  }
0x456: {  	v1 =	vld.idx.msk [tilespmem:v1+s28+$0x0], $0xffff;
	_ =	sdelay $0x4  }
0x457: {  	[tilespmem:s21+$0x1A6B0] =	vst v1;
	v1 =	vld [tilespmem:s21+$0x186D0];
	_ =	sdelay $0x1  }
0x458: {  	v0 =	vld.idx.msk [tilespmem:v0+s28+$0x0], $0xffff;
	_ =	sdelay $0x4  }
0x459: {  	[tilespmem:s21+$0x1A6C0] =	vst v0  }
0x45a: {  	v0 =	vld.idx.msk [tilespmem:v1+s28+$0x0], $0xffff;
	_ =	sdelay $0x4  }
0x45b: {  	s23 =	simm.s32 $0x0;
	[tilespmem:s21+$0x1A6D0] =	vst v0  }
0x45c: {  	[hbm4b:s29+s23] =	stream.linear.scatter [tilespmem:s16], [sflag:$0x3], $0x2000, $0x38;
	[tilespmem:$0x1C6A0] =	vst v63  }
0x45d: {  	_ =	swait.ge [sflag:s17], $0x2000  }
0x45e: {  	[sflag:s17] =	ssyncset.done $0x0  }
0x45f: {  	[sflag:s17] =	ssyncadd.s32 $0xFFFFE000  }
0x460: {  	[tilespmem:s23], [sflag:$0x1] =	stream.linear.gather [hbm4b:s12+s23], $0x186A0, $0x38;
	[tilespmem:$0x1C6A0] =	vst v63  }
0x461: {  	_ =	swait.ge [sflag:s13], $0x186A0  }
0x462: {  	[sflag:s13] =	ssyncset.done $0x0  }
0x463: {  	s20 =	rddreg [dreg:$0x1c];
	[sflag:s13] =	ssyncadd.s32 $0xFFFE7960  }
0x464: {  	[tilespmem:s14], [sflag:$0x2] =	stream.linear.gather [hbm4b:s20+s23], $0x2000, $0x38;
	[tilespmem:$0x1C6A0] =	vst v63  }
0x465: {  	_ =	swait.ge [sflag:s15], $0x2000  }
0x466: {  	[sflag:s15] =	ssyncset.done $0x0  }
0x467: {  	s19 =	simm.s32 $0x0;
	[sflag:s15] =	ssyncadd.s32 $0xFFFFE000  }
0x468: {  	v0 =	vld [tilespmem:s19+$0x186A0];
	_ =	sdelay $0x5  }
0x469: {  	v1 =	vld [tilespmem:s19+$0x186B0];
	_ =	sdelay $0x1  }
0x46a: {  	v0 =	vld.idx.msk [tilespmem:v0+s28+$0x0], $0xffff;
	_ =	sdelay $0x4  }
0x46b: {  	v2 =	vld [tilespmem:s19+$0x186C0];
	[tilespmem:s19+$0x1A6A0] =	vst v0  }
0x46c: {  	v0 =	vld.idx.msk [tilespmem:v1+s28+$0x0], $0xffff;
	_ =	sdelay $0x4  }
0x46d: {  	[tilespmem:s19+$0x1A6B0] =	vst v0;
	v0 =	vld [tilespmem:s19+$0x186D0];
	_ =	sdelay $0x1  }
0x46e: {  	v1 =	vld.idx.msk [tilespmem:v2+s28+$0x0], $0xffff;
	_ =	sdelay $0x3  }
0x46f: {  	s21 =	simm.s32 $0x40;
	s20 =	simm.s32 $0x200  }
.LBB2_50:
0x470: {  	p1 =	sne.s32 s20, $0x7F00;
	v2 =	vld [tilespmem:s21+$0x186A0];
	[tilespmem:s19+$0x1A6C0] =	vst v1  }
0x471: {  	v0 =	vld.idx.msk [tilespmem:v0+s28+$0x0], $0xffff;
	_ =	sdelay $0x5  }
0x472: {  	v1 =	vld [tilespmem:s21+$0x186B0];
	[tilespmem:s19+$0x1A6D0] =	vst v0;
	s19 =	smov.u32 s21  }
0x473: {  	v0 =	vld.idx.msk [tilespmem:v2+s28+$0x0], $0xffff;
	_ =	sdelay $0x5  }
0x474: {  	[tilespmem:s19+$0x1A6A0] =	vst v0;
	v2 =	vld [tilespmem:s19+$0x186C0]  }
0x475: {  	v0 =	vld.idx.msk [tilespmem:v1+s28+$0x0], $0xffff;
	_ =	sdelay $0x5  }
0x476: {  	[tilespmem:s19+$0x1A6B0] =	vst v0;
	v0 =	vld [tilespmem:s19+$0x186D0]  }
0x477: {  	v1 =	vld.idx.msk [tilespmem:v2+s28+$0x0], $0xffff  }
.Ltmp24:
0x478: {  	(pc) =	sbr.rel @p1 .LBB2_50-.Ltmp24, $2  }
0x479: {  	_ =	sdelay $0x2  }
0x47a: {  	s21 =	sshra.s32 s20, $0x2;
	s20 =	sadd.s32 $0x100, s20  }
0x47b: {  	_ =	sdelay $0x1  }
0x47c: {  	v2 =	vld [tilespmem:s21+$0x186A0]  }
0x47d: {  	[tilespmem:s19+$0x1A6C0] =	vst v1  }
0x47e: {  	v0 =	vld.idx.msk [tilespmem:v0+s28+$0x0], $0xffff;
	_ =	sdelay $0x3  }
0x47f: {  	v1 =	vld [tilespmem:s21+$0x186B0]  }
0x480: {  	[tilespmem:s19+$0x1A6D0] =	vst v0  }
0x481: {  	v0 =	vld.idx.msk [tilespmem:v2+s28+$0x0], $0xffff;
	_ =	sdelay $0x4  }
0x482: {  	[tilespmem:s21+$0x1A6A0] =	vst v0;
	v0 =	vld [tilespmem:s21+$0x186C0]  }
0x483: {  	v1 =	vld.idx.msk [tilespmem:v1+s28+$0x0], $0xffff;
	_ =	sdelay $0x4  }
0x484: {  	[tilespmem:s21+$0x1A6B0] =	vst v1;
	v1 =	vld [tilespmem:s21+$0x186D0];
	_ =	sdelay $0x1  }
0x485: {  	v0 =	vld.idx.msk [tilespmem:v0+s28+$0x0], $0xffff;
	_ =	sdelay $0x4  }
0x486: {  	[tilespmem:s21+$0x1A6C0] =	vst v0  }
0x487: {  	v0 =	vld.idx.msk [tilespmem:v1+s28+$0x0], $0xffff;
	_ =	sdelay $0x4  }
0x488: {  	s23 =	simm.s32 $0x0;
	[tilespmem:s21+$0x1A6D0] =	vst v0  }
0x489: {  	[hbm4b:s30+s23] =	stream.linear.scatter [tilespmem:s16], [sflag:$0x3], $0x2000, $0x38;
	[tilespmem:$0x1C6A0] =	vst v63  }
0x48a: {  	_ =	swait.ge [sflag:s17], $0x2000  }
0x48b: {  	[sflag:s17] =	ssyncset.done $0x0  }
0x48c: {  	s20 =	rddreg [dreg:$0x1d];
	[sflag:s17] =	ssyncadd.s32 $0xFFFFE000  }
0x48d: {  	[tilespmem:s14], [sflag:$0x2] =	stream.linear.gather [hbm4b:s20+s23], $0x2000, $0x38;
	[tilespmem:$0x1C6A0] =	vst v63  }
0x48e: {  	_ =	swait.ge [sflag:s15], $0x2000  }
0x48f: {  	[sflag:s15] =	ssyncset.done $0x0  }
0x490: {  	s19 =	simm.s32 $0x0;
	[sflag:s15] =	ssyncadd.s32 $0xFFFFE000  }
0x491: {  	v0 =	vld [tilespmem:s19+$0x186A0];
	_ =	sdelay $0x5  }
0x492: {  	v1 =	vld [tilespmem:s19+$0x186B0];
	_ =	sdelay $0x1  }
0x493: {  	v0 =	vld.idx.msk [tilespmem:v0+s28+$0x0], $0xffff;
	_ =	sdelay $0x4  }
0x494: {  	v2 =	vld [tilespmem:s19+$0x186C0];
	[tilespmem:s19+$0x1A6A0] =	vst v0  }
0x495: {  	v0 =	vld.idx.msk [tilespmem:v1+s28+$0x0], $0xffff;
	_ =	sdelay $0x4  }
0x496: {  	[tilespmem:s19+$0x1A6B0] =	vst v0;
	v0 =	vld [tilespmem:s19+$0x186D0];
	_ =	sdelay $0x1  }
0x497: {  	v1 =	vld.idx.msk [tilespmem:v2+s28+$0x0], $0xffff;
	_ =	sdelay $0x3  }
0x498: {  	s21 =	simm.s32 $0x40;
	s20 =	simm.s32 $0x200  }
.LBB2_52:
0x499: {  	p1 =	sne.s32 s20, $0x7F00;
	v2 =	vld [tilespmem:s21+$0x186A0];
	[tilespmem:s19+$0x1A6C0] =	vst v1  }
0x49a: {  	v0 =	vld.idx.msk [tilespmem:v0+s28+$0x0], $0xffff;
	_ =	sdelay $0x5  }
0x49b: {  	v1 =	vld [tilespmem:s21+$0x186B0];
	[tilespmem:s19+$0x1A6D0] =	vst v0;
	s19 =	smov.u32 s21  }
0x49c: {  	v0 =	vld.idx.msk [tilespmem:v2+s28+$0x0], $0xffff;
	_ =	sdelay $0x5  }
0x49d: {  	[tilespmem:s19+$0x1A6A0] =	vst v0;
	v2 =	vld [tilespmem:s19+$0x186C0]  }
0x49e: {  	v0 =	vld.idx.msk [tilespmem:v1+s28+$0x0], $0xffff;
	_ =	sdelay $0x5  }
0x49f: {  	[tilespmem:s19+$0x1A6B0] =	vst v0;
	v0 =	vld [tilespmem:s19+$0x186D0]  }
0x4a0: {  	v1 =	vld.idx.msk [tilespmem:v2+s28+$0x0], $0xffff  }
.Ltmp25:
0x4a1: {  	(pc) =	sbr.rel @p1 .LBB2_52-.Ltmp25, $2  }
0x4a2: {  	_ =	sdelay $0x2  }
0x4a3: {  	s21 =	sshra.s32 s20, $0x2;
	s20 =	sadd.s32 $0x100, s20  }
0x4a4: {  	_ =	sdelay $0x1  }
0x4a5: {  	v2 =	vld [tilespmem:s21+$0x186A0]  }
0x4a6: {  	[tilespmem:s19+$0x1A6C0] =	vst v1  }
0x4a7: {  	v0 =	vld.idx.msk [tilespmem:v0+s28+$0x0], $0xffff;
	_ =	sdelay $0x3  }
0x4a8: {  	v1 =	vld [tilespmem:s21+$0x186B0]  }
0x4a9: {  	[tilespmem:s19+$0x1A6D0] =	vst v0  }
0x4aa: {  	v0 =	vld.idx.msk [tilespmem:v2+s28+$0x0], $0xffff;
	_ =	sdelay $0x3  }
0x4ab: {  	v62 =	vld [tilespmem:s21+$0x186C0]  }
0x4ac: {  	[tilespmem:s21+$0x1A6A0] =	vst v0  }
0x4ad: {  	v1 =	vld.idx.msk [tilespmem:v1+s28+$0x0], $0xffff;
	_ =	sdelay $0x3  }
0x4ae: {  	v63 =	vld [tilespmem:s21+$0x186D0]  }
0x4af: {  	[tilespmem:s21+$0x1A6B0] =	vst v1  }
0x4b0: {  	v0 =	vld.idx.msk [tilespmem:v62+s28+$0x0], $0xffff;
	_ =	sdelay $0x4  }
0x4b1: {  	[tilespmem:s21+$0x1A6C0] =	vst v0  }
0x4b2: {  	v0 =	vld.idx.msk [tilespmem:v63+s28+$0x0], $0xffff;
	_ =	sdelay $0x4  }
0x4b3: {  	[tilespmem:s21+$0x1A6D0] =	vst v0  }
0x4b4: {  	[hbm4b:s31+s28] =	stream.linear.scatter [tilespmem:s16], [sflag:$0x3], $0x2000, $0x38;
	[tilespmem:$0x1C6A0] =	vst v63  }
0x4b5: {  	_ =	swait.ge [sflag:s17], $0x2000  }
0x4b6: {  	s20 =	simm.s32 @!p0 $0x1A6A0;
	[sflag:s17] =	ssyncset.done $0x0  }
0x4b7: {  	s19 =	simm.s32 @!p0 $0x0;
	s21 =	rddreg [dreg:$0x1e];
	[sflag:s17] =	ssyncadd.s32 $0xFFFFE000  }
0x4b8: {  	[tilespmem:s20], [sflag:$0x2] =	stream.linear.gather @!p0 [hbm4b:s21+s19], $0x2000, $0x38;
	[tilespmem:$0x1C6A0] =	vst v63  }
0x4b9: {  	s21 =	simm.s32 @!p0 $0x2  }
0x4ba: {  	_ =	swait.ge @!p0 [sflag:s21], $0x2000  }
0x4bb: {  	[sflag:s21] =	ssyncset.done @!p0 $0x0  }
0x4bc: {  	s22 =	rddreg [dreg:$0x1f];
	[sflag:s21] =	ssyncadd.s32 @!p0 $0xFFFFE000  }
0x4bd: {  	[hbm4b:s22+s19] =	stream.linear.scatter @!p0 [tilespmem:s20], [sflag:$0x3], $0x2000, $0x38;
	[tilespmem:$0x1C6A0] =	vst v63  }
0x4be: {  	s22 =	simm.s32 @!p0 $0x3  }
0x4bf: {  	_ =	swait.ge @!p0 [sflag:s22], $0x2000  }
0x4c0: {  	s23 =	sld [smem:$0x7E8]  }
0x4c1: {  	[sflag:s22] =	ssyncset.done @!p0 $0x0  }
0x4c2: {  	[sflag:s22] =	ssyncadd.s32 @!p0 $0xFFFFE000  }
0x4c3: {  	[tilespmem:s20], [sflag:$0x2] =	stream.linear.gather @!p0 [hbm4b:s23+s19], $0x2000, $0x38;
	[tilespmem:$0x1C6A0] =	vst v63  }
0x4c4: {  	_ =	swait.ge @!p0 [sflag:s21], $0x2000  }
0x4c5: {  	[sflag:s21] =	ssyncset.done @!p0 $0x0  }
0x4c6: {  	s18 =	sadd.s32 $0x1, s18;
	[sflag:s21] =	ssyncadd.s32 @!p0 $0xFFFFE000;
	s21 =	sld [smem:$0x7E9]  }
0x4c7: {  	p1 =	sne.s32 s18, s0  }
.Ltmp26:
0x4c8: {  	_ = 	snop;
	(pc) =	sbr.rel @p1 .LBB2_1-.Ltmp26, $4  }
0x4c9: {  	[hbm4b:s21+s19] =	stream.linear.scatter @!p0 [tilespmem:s20], [sflag:$0x3], $0x2000, $0x38;
	[tilespmem:$0x1C6A0] =	vst v63  }
0x4ca: {  	_ =	swait.ge @!p0 [sflag:s22], $0x2000  }
0x4cb: {  	[sflag:s22] =	ssyncset.done @!p0 $0x0  }
0x4cc: {  	[sflag:s22] =	ssyncadd.s32 @!p0 $0xFFFFE000  }
0x4cd: {  	_ =	sfence.sel $0x180000  }
0x4ce: {  	[bflag:$0x0] =	sbarrier.arrive $0xFFFF  }
0x4cf: {  	_ =	strace $0x90000047  }
0x4d0: {  	s0 =	stileid.u32;
	[bflag:$0x2] =	sbarrier.arrive $0xFFFF  }
0x4d1: {  	p0 =	sne.s32 s0, $0x0;
	s0 =	rddreg [dreg:$0x2]  }
0x4d2: {  	s0 =	sadd.s32 @!p0 $0x100000, s0  }
0x4d3: {  	[sflag:s0] =	ssyncadd.tile.s32 @!p0 $0x1;
	_ =	shalt  }
.Lfunc_end2:
_tile_overlayer_lowered:
.L_overlay_start_2:
0x4d4: {  	(tag) =	ssettag $0x2  }
0x4d5: {  	s0 =	rddreg [dreg:$0x0];
	s2 =	stileid.u32  }
0x4d6: {  	s1 =	rddreg [dreg:$0x1];
	p0 =	sne.s32 s2, $0x0  }
0x4d7: {  	s3 =	rddreg [dreg:$0x2];
	[bflag:$0x3] =	sbarrier.arrive $0xFFFF;
	s2 =	simm.s32 @!p0 $0x1C04  }
0x4d8: {  	[timem:s3], [sflag:s2] =	dma.local @!p0 [hbm:s0], s1  }
0x4d9: {  	s0 =	simm.s32 @!p0 $0x4  }
0x4da: {  	_ =	swait.ge @!p0 [sflag:s0], s1  }
0x4db: {  	s1 =	ssub.s32 @!p0 $0x0, s1;
	[sflag:s0] =	ssyncset.done @!p0 $0x0  }
0x4dc: {  	[sflag:s0] =	ssyncadd.s32 @!p0 s1  }
0x4dd: {  	[bflag:$0x3] =	sbarrier.arrive $0xFFFF  }
0x4de: {  	_ =	shalt  }

</sc_bundles>
